<compile_context>
chip_gen: v7x
topology: tpu7x:2x2x1
jax: 0.10.2.dev20260603
libtpu: 0.0.44.dev20260713+nightly
codegen_flags: <defaults>
</compile_context>

<pallas_src>
import functools

import jax
import jax.numpy as jnp
from jax import lax
from jax.experimental import pallas as pl
from jax.experimental.pallas import tpu as pltpu
from jax.experimental.pallas import tpu_sc as plsc

N_NODES = 10000
N_EDGES = 320000
D = 128
D_OUT = 64

NC = 2
NS = 16
CH = 128
NCH = 80
E_PAD = NC * NS * NCH * CH

ACC_ROWS = 10112
ROWS_PER_TILE = ACC_ROWS // NS

_MESH = plsc.VectorSubcoreMesh(core_axis_name="c", subcore_axis_name="s",
                               num_cores=NC, num_subcores=NS)


NBUF = 2
NCH0 = 120
NCH1 = 40
STAGE = 40
E_SPLIT = NS * NCH0 * CH

_AGG_KERNEL_ARGS = dict(
    out_type=jax.ShapeDtypeStruct((NC, ACC_ROWS, D), jnp.float32),
    mesh=_MESH,
    scratch_types=[
        pltpu.VMEM((STAGE, CH), jnp.int32),
        pltpu.VMEM((STAGE, CH), jnp.int32),
        [pltpu.VMEM((CH, D), jnp.float32)] * NBUF,
        [pltpu.SemaphoreType.DMA] * NBUF,
        [pltpu.SemaphoreType.DMA] * NBUF,
        pltpu.VMEM_SHARED((ACC_ROWS, D), jnp.float32),
    ],
)


def _agg_body(h_hbm, srca_hbm, dsta_hbm, srcb_hbm, dstb_hbm, zrow_hbm,
              part_hbm, sidx, didx, rows, gsem, ssem, acc):
    c = lax.axis_index("c")
    s = lax.axis_index("s")

    r0 = s * ROWS_PER_TILE
    pltpu.sync_copy(zrow_hbm.at[pl.ds(r0, ROWS_PER_TILE)],
                    acc.at[pl.ds(r0, ROWS_PER_TILE)])
    plsc.subcore_barrier()

    def group(g, carry):
        j0 = g * NBUF
        gathers = [
            pltpu.async_copy(h_hbm.at[sidx.at[j0 + k]], rows[k], gsem[k])
            for k in range(NBUF)
        ]
        scatters = []
        for k in range(NBUF):
            gathers[k].wait()
            scatters.append(
                pltpu.async_copy(rows[k], acc.at[didx.at[j0 + k]], ssem[k],
                                 add=True))
        for sc in scatters:
            sc.wait()
        return carry

    def run(src_hbm, dst_hbm, nch):
        for p0 in range(0, nch, STAGE):
            n = min(STAGE, nch - p0)
            pltpu.sync_copy(src_hbm.at[s, pl.ds(p0, n)],
                            sidx.at[pl.ds(0, n)])
            pltpu.sync_copy(dst_hbm.at[s, pl.ds(p0, n)],
                            didx.at[pl.ds(0, n)])
            lax.fori_loop(0, n // NBUF, group, 0)

    @pl.when(c == 0)
    def _():
        run(srca_hbm, dsta_hbm, NCH0)

    @pl.when(c == 1)
    def _():
        run(srcb_hbm, dstb_hbm, NCH1)

    plsc.subcore_barrier()

    pltpu.sync_copy(acc.at[pl.ds(r0, ROWS_PER_TILE)],
                    part_hbm.at[c, pl.ds(r0, ROWS_PER_TILE)])


_agg = pl.kernel(_agg_body, **_AGG_KERNEL_ARGS)


CBUF = 4

_CNT_KERNEL_ARGS = dict(
    out_type=jax.ShapeDtypeStruct((NC, ACC_ROWS, D), jnp.float32),
    mesh=_MESH,
    scratch_types=[
        pltpu.VMEM((NCH, CH), jnp.int32),
        pltpu.VMEM((CH, D), jnp.float32),
        [pltpu.SemaphoreType.DMA] * CBUF,
        pltpu.VMEM_SHARED((ACC_ROWS, D), jnp.float32),
    ],
)


def _counts_body(ones_hbm, dst_hbm, zrow_hbm, cntp_hbm, didx, ones_v, ssem,
                 cacc):
    c = lax.axis_index("c")
    s = lax.axis_index("s")
    pltpu.sync_copy(dst_hbm.at[c, s], didx)
    r0 = s * ROWS_PER_TILE
    pltpu.sync_copy(zrow_hbm.at[pl.ds(r0, ROWS_PER_TILE)],
                    cacc.at[pl.ds(r0, ROWS_PER_TILE)])
    pltpu.sync_copy(ones_hbm, ones_v)
    plsc.subcore_barrier()

    def group(g, carry):
        j0 = g * CBUF
        scatters = [
            pltpu.async_copy(ones_v, cacc.at[didx.at[j0 + k]], ssem[k],
                             add=True)
            for k in range(CBUF)
        ]
        for sc in scatters:
            sc.wait()
        return carry

    lax.fori_loop(0, NCH // CBUF, group, 0)
    plsc.subcore_barrier()
    pltpu.sync_copy(cacc.at[pl.ds(r0, ROWS_PER_TILE)],
                    cntp_hbm.at[c, pl.ds(r0, ROWS_PER_TILE)])


_counts = pl.kernel(_counts_body, **_CNT_KERNEL_ARGS)



BLK = 2000


def _dense_blockspecs():
    return [
        pl.BlockSpec((BLK, D), lambda i: (i, 0)),
        pl.BlockSpec((1, BLK, D), lambda i: (0, i, 0)),
        pl.BlockSpec((1, BLK, D), lambda i: (1, i, 0)),
        pl.BlockSpec((1, BLK, D), lambda i: (0, i, 0)),
        pl.BlockSpec((1, BLK, D), lambda i: (1, i, 0)),
        pl.BlockSpec((D, D), lambda i: (0, 0)),
        pl.BlockSpec((D, D), lambda i: (0, 0)),
        pl.BlockSpec((1, D), lambda i: (0, 0)),
    ]


def _mean_combine(a0_ref, a1_ref, c0_ref, c1_ref):
    cnt = c0_ref[0, :, :1] + c1_ref[0, :, :1]
    cnt = jnp.maximum(cnt, 1.0)
    return (a0_ref[0] + a1_ref[0]) / cnt


def _dot(a, b):
    return jnp.dot(a, b, preferred_element_type=jnp.float32,
                   precision=lax.Precision.HIGHEST)


def _dense_kernel(h_ref, a0_ref, a1_ref, c0_ref, c1_ref, wl_ref, wr_ref,
                  b_ref, o_ref):
    mean = _mean_combine(a0_ref, a1_ref, c0_ref, c1_ref)
    out = _dot(mean, wl_ref[...]) + _dot(h_ref[...], wr_ref[...]) + b_ref[...]
    o_ref[...] = jnp.maximum(out, 0.0)


def _final_kernel(h_ref, a0_ref, a1_ref, c0_ref, c1_ref, wl_ref, wr_ref,
                  b_ref, w_ref, bo_ref, o_ref):
    mean = _mean_combine(a0_ref, a1_ref, c0_ref, c1_ref)
    h3 = _dot(mean, wl_ref[...]) + _dot(h_ref[...], wr_ref[...]) + b_ref[...]
    h3 = jnp.maximum(h3, 0.0)
    logits = _dot(h3, w_ref[...]) + bo_ref[...]
    m = jnp.max(logits, axis=1, keepdims=True)
    shifted = logits - m
    lse = jnp.log(jnp.sum(jnp.exp(shifted), axis=1, keepdims=True))
    o_ref[...] = shifted - lse


def _dense(h, part, cntp, Wl, Wr, b):
    return pl.pallas_call(
        _dense_kernel,
        grid=(N_NODES // BLK,),
        in_specs=_dense_blockspecs(),
        out_specs=pl.BlockSpec((BLK, D), lambda i: (i, 0)),
        out_shape=jax.ShapeDtypeStruct((N_NODES, D), jnp.float32),
    )(h, part, part, cntp, cntp, Wl, Wr, b.reshape(1, D))


def _final(h, part, cntp, Wl, Wr, b, W, bo):
    specs = _dense_blockspecs() + [
        pl.BlockSpec((D, D_OUT), lambda i: (0, 0)),
        pl.BlockSpec((1, D_OUT), lambda i: (0, 0)),
    ]
    return pl.pallas_call(
        _final_kernel,
        grid=(N_NODES // BLK,),
        in_specs=specs,
        out_specs=pl.BlockSpec((BLK, D_OUT), lambda i: (i, 0)),
        out_shape=jax.ShapeDtypeStruct((N_NODES, D_OUT), jnp.float32),
    )(h, part, part, cntp, cntp, Wl, Wr, b.reshape(1, D), W,
      bo.reshape(1, D_OUT))


def kernel(x, edge_index, Wl0, Wr0, b0, Wl1, Wr1, b1, Wl2, Wr2, b2, W, b):
    src = edge_index[0].astype(jnp.int32)
    dst = edge_index[1].astype(jnp.int32)
    pad = E_PAD - N_EDGES
    src_p = jnp.concatenate([src, jnp.zeros((pad,), jnp.int32)])
    dst_p = jnp.concatenate([dst, jnp.full((pad,), N_NODES, jnp.int32)])
    src4 = src_p.reshape(NC, NS, NCH, CH)
    dst4 = dst_p.reshape(NC, NS, NCH, CH)
    srca = src_p[:E_SPLIT].reshape(NS, NCH0, CH)
    dsta = dst_p[:E_SPLIT].reshape(NS, NCH0, CH)
    srcb = src_p[E_SPLIT:].reshape(NS, NCH1, CH)
    dstb = dst_p[E_SPLIT:].reshape(NS, NCH1, CH)

    zrow = jnp.zeros((ACC_ROWS, D), jnp.float32)
    ones = jnp.ones((CH, D), jnp.float32)
    cntp = _counts(ones, dst4, zrow)
    part0 = _agg(x, srca, dsta, srcb, dstb, zrow)
    h1 = _dense(x, part0, cntp, Wl0, Wr0, b0)
    part1 = _agg(h1, srca, dsta, srcb, dstb, zrow)
    h2 = _dense(h1, part1, cntp, Wl1, Wr1, b1)
    part2 = _agg(h2, srca, dsta, srcb, dstb, zrow)
    return _final(h2, part2, cntp, Wl2, Wr2, b2, W, b)

# --- scband reference (transcript-rebuilt; emitter-appended) ---
"""Pipeline reference for scband-sage-4191888081322 (READ-ONLY COPY).

The authoritative reference and input builder live on the scoring server;
editing this copy changes nothing except your own understanding.
"""

import jax, jax.numpy as jnp
import numpy as np

N_NODES = 10000
N_EDGES = 320000
D_IN = 128
D_HID = 128
D_OUT = 64


def setup_inputs(seed: int = 0) -> dict:
    key = jax.random.key(seed)
    ks = jax.random.split(key, 16)
    x = jax.random.normal(ks[0], (N_NODES, D_IN), dtype=jnp.float32)
    edge_index = jax.random.randint(ks[1], (2, N_EDGES), 0, N_NODES, dtype=jnp.int64)
    def lin(k, fan_in, fan_out):
        bound = 1.0 / np.sqrt(fan_in)
        return jax.random.uniform(k, (fan_in, fan_out), dtype=jnp.float32, minval=-bound, maxval=bound)
    inp = {
        'x': x,
        'edge_index': edge_index,
        'Wl0': lin(ks[2], D_IN, D_HID), 'Wr0': lin(ks[3], D_IN, D_HID), 'b0': jnp.zeros((D_HID,), jnp.float32),
        'Wl1': lin(ks[4], D_HID, D_HID), 'Wr1': lin(ks[5], D_HID, D_HID), 'b1': jnp.zeros((D_HID,), jnp.float32),
        'Wl2': lin(ks[6], D_HID, D_HID), 'Wr2': lin(ks[7], D_HID, D_HID), 'b2': jnp.zeros((D_HID,), jnp.float32),
        'W': lin(ks[8], D_HID, D_OUT), 'b': jnp.zeros((D_OUT,), jnp.float32),
    }
    return inp


def _sage_conv(x, src, dst, Wl, Wr, b):
    msgs = jnp.take(x, src, axis=0)
    agg = jax.ops.segment_sum(msgs, dst, num_segments=N_NODES)
    cnt = jax.ops.segment_sum(jnp.ones((src.shape[0],), jnp.float32), dst, num_segments=N_NODES)
    mean = agg / jnp.clip(cnt, 1.0)[:, None]
    return mean @ Wl + x @ Wr + b


def reference(x, edge_index, Wl0, Wr0, b0, Wl1, Wr1, b1, Wl2, Wr2, b2, W, b):
    src = edge_index[0]
    dst = edge_index[1]
    h = _sage_conv(x, src, dst, Wl0, Wr0, b0)
    h = jax.nn.relu(h)
    h = _sage_conv(h, src, dst, Wl1, Wr1, b1)
    h = jax.nn.relu(h)
    h = _sage_conv(h, src, dst, Wl2, Wr2, b2)
    h = jax.nn.relu(h)
    out = h @ W + b
    return jax.nn.log_softmax(out, axis=1)

if __name__ == "__main__":
    import jax
    _d = setup_inputs()
    print(jax.jit(kernel)(*tuple(_d.values())))

</pallas_src>

<mosaic_0001>
#map = affine_map<(d0, d1) -> (0, 0)>
#map1 = affine_map<(d0, d1) -> (0, 0, 0)>
module attributes {stable_mosaic.version = 14 : i64} {
  func.func @_agg_body(%arg0: i32, %arg1: i32, %arg2: memref<10000x128xf32, #tpu.memory_space<hbm>>, %arg3: memref<16x120x128xi32, #tpu.memory_space<hbm>>, %arg4: memref<16x120x128xi32, #tpu.memory_space<hbm>>, %arg5: memref<16x40x128xi32, #tpu.memory_space<hbm>>, %arg6: memref<16x40x128xi32, #tpu.memory_space<hbm>>, %arg7: memref<10112x128xf32, #tpu.memory_space<hbm>>, %arg8: memref<2x10112x128xf32, #tpu.memory_space<hbm>>, %arg9: memref<40x128xi32, #tpu.memory_space<vmem>>, %arg10: memref<40x128xi32, #tpu.memory_space<vmem>>, %arg11: memref<128x128xf32, #tpu.memory_space<vmem>>, %arg12: memref<128x128xf32, #tpu.memory_space<vmem>>, %arg13: memref<!tpu.dma_semaphore, #tpu.memory_space<semaphore_mem>>, %arg14: memref<!tpu.dma_semaphore, #tpu.memory_space<semaphore_mem>>, %arg15: memref<!tpu.dma_semaphore, #tpu.memory_space<semaphore_mem>>, %arg16: memref<!tpu.dma_semaphore, #tpu.memory_space<semaphore_mem>>, %arg17: memref<10112x128xf32, #tpu.memory_space<vmem_shared>>) attributes {dimension_semantics = [#tpu.dimension_semantics<core_parallel>, #tpu.dimension_semantics<subcore_parallel>], iteration_bounds = array<i64: 2, 16>, scalar_prefetch = 0 : i64, scratch_operands = 9 : i64, tpu.core_type = #tpu.core_type<sc_vector_subcore>, window_params = [{transform_indices = #map}, {transform_indices = #map1}, {transform_indices = #map1}, {transform_indices = #map1}, {transform_indices = #map1}, {transform_indices = #map}, {transform_indices = #map1}]} {
    %mul3A = arith.constant 632 : i32
    %mul3A_0 = arith.muli %arg1, %mul3A : i32
    "tpu.region"() ({
      %run_scoped3A = tpu.sem_alloc : memref<!tpu.dma_semaphore, #tpu.memory_space<semaphore_mem>>
      %dma_start3A = arith.constant 0 : i32
      %dma_start3A_9 = tpu.memref_slice %arg17[%mul3A_0, %dma_start3A] : memref<10112x128xf32, #tpu.memory_space<vmem_shared>> -> memref<632x128xf32, #tpu.memory_space<vmem_shared>>
      %dma_start3A_10 = arith.constant 0 : i32
      %dma_start3A_11 = tpu.memref_slice %arg7[%mul3A_0, %dma_start3A_10] : memref<10112x128xf32, #tpu.memory_space<hbm>> -> memref<632x128xf32, #tpu.memory_space<hbm>>
      tpu.enqueue_dma source(%dma_start3A_11 : memref<632x128xf32, #tpu.memory_space<hbm>>) target(%dma_start3A_9 : memref<632x128xf32, #tpu.memory_space<vmem_shared>>) target_semaphore(%run_scoped3A : memref<!tpu.dma_semaphore, #tpu.memory_space<semaphore_mem>>)
      %dma_wait3A = arith.constant 0 : i32
      %dma_wait3A_12 = tpu.memref_slice %arg17[%mul3A_0, %dma_wait3A] : memref<10112x128xf32, #tpu.memory_space<vmem_shared>> -> memref<632x128xf32, #tpu.memory_space<vmem_shared>>
      %dma_wait3A_13 = arith.constant 0 : i32
      %dma_wait3A_14 = tpu.memref_slice %arg7[%mul3A_0, %dma_wait3A_13] : memref<10112x128xf32, #tpu.memory_space<hbm>> -> memref<632x128xf32, #tpu.memory_space<hbm>>
      tpu.wait_dma2 semaphore(%run_scoped3A : memref<!tpu.dma_semaphore, #tpu.memory_space<semaphore_mem>>) src(%dma_wait3A_14 : memref<632x128xf32, #tpu.memory_space<hbm>>) dst(%dma_wait3A_12 : memref<632x128xf32, #tpu.memory_space<vmem_shared>>)
      tpu.yield
    }) : () -> ()
    %barrier3A = arith.constant 0 : index
    tpu.barrier barrier_id(%barrier3A)
    %eq3A = arith.constant 0 : i32
    %eq3A_1 = arith.cmpi eq, %arg0, %eq3A : i32
    %convert_element_type3A = arith.extui %eq3A_1 : i1 to i32
    %cond3A = arith.constant 0 : i32
    %cond3A_2 = arith.cmpi ne, %convert_element_type3A, %cond3A : i32
    scf.if %cond3A_2 {
      "tpu.region"() ({
        %run_scoped3A = tpu.sem_alloc : memref<!tpu.dma_semaphore, #tpu.memory_space<semaphore_mem>>
        %dma_start3A = arith.constant 0 : i32
        %dma_start3A_26 = arith.constant 0 : i32
        %dma_start3A_27 = tpu.memref_slice %arg9[%dma_start3A, %dma_start3A_26] : memref<40x128xi32, #tpu.memory_space<vmem>> -> memref<40x128xi32, #tpu.memory_space<vmem>>
        %dma_start3A_28 = arith.constant 0 : i32
        %dma_start3A_29 = arith.constant 0 : i32
        %dma_start3A_30 = tpu.memref_slice %arg3[%arg1, %dma_start3A_28, %dma_start3A_29] : memref<16x120x128xi32, #tpu.memory_space<hbm>> -> memref<1x40x128xi32, #tpu.memory_space<hbm>>
        %dma_start3A_31 = tpu.memref_squeeze %dma_start3A_30 : memref<1x40x128xi32, #tpu.memory_space<hbm>> -> memref<40x128xi32, #tpu.memory_space<hbm>>
        %dma_start3A_32 = arith.constant 0 : i32
        %dma_start3A_33 = arith.constant 0 : i32
        %dma_start3A_34 = tpu.memref_slice %arg9[%dma_start3A_32, %dma_start3A_33] : memref<40x128xi32, #tpu.memory_space<vmem>> -> memref<40x128xi32, #tpu.memory_space<vmem>>
        %dma_start3A_35 = arith.constant 0 : i32
        %dma_start3A_36 = arith.constant 0 : i32
        %dma_start3A_37 = tpu.memref_slice %arg3[%arg1, %dma_start3A_35, %dma_start3A_36] : memref<16x120x128xi32, #tpu.memory_space<hbm>> -> memref<1x40x128xi32, #tpu.memory_space<hbm>>
        %dma_start3A_38 = tpu.memref_squeeze %dma_start3A_37 : memref<1x40x128xi32, #tpu.memory_space<hbm>> -> memref<40x128xi32, #tpu.memory_space<hbm>>
        tpu.enqueue_dma source(%dma_start3A_38 : memref<40x128xi32, #tpu.memory_space<hbm>>) target(%dma_start3A_34 : memref<40x128xi32, #tpu.memory_space<vmem>>) target_semaphore(%run_scoped3A : memref<!tpu.dma_semaphore, #tpu.memory_space<semaphore_mem>>)
        %dma_wait3A = arith.constant 0 : i32
        %dma_wait3A_39 = arith.constant 0 : i32
        %dma_wait3A_40 = tpu.memref_slice %arg9[%dma_wait3A, %dma_wait3A_39] : memref<40x128xi32, #tpu.memory_space<vmem>> -> memref<40x128xi32, #tpu.memory_space<vmem>>
        %dma_wait3A_41 = arith.constant 0 : i32
        %dma_wait3A_42 = arith.constant 0 : i32
        %dma_wait3A_43 = tpu.memref_slice %arg3[%arg1, %dma_wait3A_41, %dma_wait3A_42] : memref<16x120x128xi32, #tpu.memory_space<hbm>> -> memref<1x40x128xi32, #tpu.memory_space<hbm>>
        %dma_wait3A_44 = tpu.memref_squeeze %dma_wait3A_43 : memref<1x40x128xi32, #tpu.memory_space<hbm>> -> memref<40x128xi32, #tpu.memory_space<hbm>>
        %dma_wait3A_45 = arith.constant 0 : i32
        %dma_wait3A_46 = arith.constant 0 : i32
        %dma_wait3A_47 = tpu.memref_slice %arg9[%dma_wait3A_45, %dma_wait3A_46] : memref<40x128xi32, #tpu.memory_space<vmem>> -> memref<40x128xi32, #tpu.memory_space<vmem>>
        %dma_wait3A_48 = arith.constant 0 : i32
        %dma_wait3A_49 = arith.constant 0 : i32
        %dma_wait3A_50 = tpu.memref_slice %arg3[%arg1, %dma_wait3A_48, %dma_wait3A_49] : memref<16x120x128xi32, #tpu.memory_space<hbm>> -> memref<1x40x128xi32, #tpu.memory_space<hbm>>
        %dma_wait3A_51 = tpu.memref_squeeze %dma_wait3A_50 : memref<1x40x128xi32, #tpu.memory_space<hbm>> -> memref<40x128xi32, #tpu.memory_space<hbm>>
        tpu.wait_dma2 semaphore(%run_scoped3A : memref<!tpu.dma_semaphore, #tpu.memory_space<semaphore_mem>>) src(%dma_wait3A_51 : memref<40x128xi32, #tpu.memory_space<hbm>>) dst(%dma_wait3A_47 : memref<40x128xi32, #tpu.memory_space<vmem>>)
        tpu.yield
      }) : () -> ()
      "tpu.region"() ({
        %run_scoped3A = tpu.sem_alloc : memref<!tpu.dma_semaphore, #tpu.memory_space<semaphore_mem>>
        %dma_start3A = arith.constant 0 : i32
        %dma_start3A_26 = arith.constant 0 : i32
        %dma_start3A_27 = tpu.memref_slice %arg10[%dma_start3A, %dma_start3A_26] : memref<40x128xi32, #tpu.memory_space<vmem>> -> memref<40x128xi32, #tpu.memory_space<vmem>>
        %dma_start3A_28 = arith.constant 0 : i32
        %dma_start3A_29 = arith.constant 0 : i32
        %dma_start3A_30 = tpu.memref_slice %arg4[%arg1, %dma_start3A_28, %dma_start3A_29] : memref<16x120x128xi32, #tpu.memory_space<hbm>> -> memref<1x40x128xi32, #tpu.memory_space<hbm>>
        %dma_start3A_31 = tpu.memref_squeeze %dma_start3A_30 : memref<1x40x128xi32, #tpu.memory_space<hbm>> -> memref<40x128xi32, #tpu.memory_space<hbm>>
        %dma_start3A_32 = arith.constant 0 : i32
        %dma_start3A_33 = arith.constant 0 : i32
        %dma_start3A_34 = tpu.memref_slice %arg10[%dma_start3A_32, %dma_start3A_33] : memref<40x128xi32, #tpu.memory_space<vmem>> -> memref<40x128xi32, #tpu.memory_space<vmem>>
        %dma_start3A_35 = arith.constant 0 : i32
        %dma_start3A_36 = arith.constant 0 : i32
        %dma_start3A_37 = tpu.memref_slice %arg4[%arg1, %dma_start3A_35, %dma_start3A_36] : memref<16x120x128xi32, #tpu.memory_space<hbm>> -> memref<1x40x128xi32, #tpu.memory_space<hbm>>
        %dma_start3A_38 = tpu.memref_squeeze %dma_start3A_37 : memref<1x40x128xi32, #tpu.memory_space<hbm>> -> memref<40x128xi32, #tpu.memory_space<hbm>>
        tpu.enqueue_dma source(%dma_start3A_38 : memref<40x128xi32, #tpu.memory_space<hbm>>) target(%dma_start3A_34 : memref<40x128xi32, #tpu.memory_space<vmem>>) target_semaphore(%run_scoped3A : memref<!tpu.dma_semaphore, #tpu.memory_space<semaphore_mem>>)
        %dma_wait3A = arith.constant 0 : i32
        %dma_wait3A_39 = arith.constant 0 : i32
        %dma_wait3A_40 = tpu.memref_slice %arg10[%dma_wait3A, %dma_wait3A_39] : memref<40x128xi32, #tpu.memory_space<vmem>> -> memref<40x128xi32, #tpu.memory_space<vmem>>
        %dma_wait3A_41 = arith.constant 0 : i32
        %dma_wait3A_42 = arith.constant 0 : i32
        %dma_wait3A_43 = tpu.memref_slice %arg4[%arg1, %dma_wait3A_41, %dma_wait3A_42] : memref<16x120x128xi32, #tpu.memory_space<hbm>> -> memref<1x40x128xi32, #tpu.memory_space<hbm>>
        %dma_wait3A_44 = tpu.memref_squeeze %dma_wait3A_43 : memref<1x40x128xi32, #tpu.memory_space<hbm>> -> memref<40x128xi32, #tpu.memory_space<hbm>>
        %dma_wait3A_45 = arith.constant 0 : i32
        %dma_wait3A_46 = arith.constant 0 : i32
        %dma_wait3A_47 = tpu.memref_slice %arg10[%dma_wait3A_45, %dma_wait3A_46] : memref<40x128xi32, #tpu.memory_space<vmem>> -> memref<40x128xi32, #tpu.memory_space<vmem>>
        %dma_wait3A_48 = arith.constant 0 : i32
        %dma_wait3A_49 = arith.constant 0 : i32
        %dma_wait3A_50 = tpu.memref_slice %arg4[%arg1, %dma_wait3A_48, %dma_wait3A_49] : memref<16x120x128xi32, #tpu.memory_space<hbm>> -> memref<1x40x128xi32, #tpu.memory_space<hbm>>
        %dma_wait3A_51 = tpu.memref_squeeze %dma_wait3A_50 : memref<1x40x128xi32, #tpu.memory_space<hbm>> -> memref<40x128xi32, #tpu.memory_space<hbm>>
        tpu.wait_dma2 semaphore(%run_scoped3A : memref<!tpu.dma_semaphore, #tpu.memory_space<semaphore_mem>>) src(%dma_wait3A_51 : memref<40x128xi32, #tpu.memory_space<hbm>>) dst(%dma_wait3A_47 : memref<40x128xi32, #tpu.memory_space<vmem>>)
        tpu.yield
      }) : () -> ()
      %scan3A = arith.constant 0 : i32
      %scan3A_9 = arith.constant 0 : i32
      %scan3A_10 = arith.constant 20 : i32
      %scan3A_11 = arith.addi %scan3A_9, %scan3A_10 : i32
      %scan3A_12 = arith.constant 1 : i32
      scf.for %scan3A_26 = %scan3A_9 to %scan3A_11 step %scan3A_12  : i32 {
        %mul3A_27 = arith.constant 2 : i32
        %mul3A_28 = arith.muli %scan3A_26, %mul3A_27 : i32
        %add3A = arith.constant 0 : i32
        %add3A_29 = arith.addi %mul3A_28, %add3A : i32
        %dma_start3A = arith.constant 0 : i32
        %dma_start3A_30 = tpu.memref_slice %arg9[%add3A_29, %dma_start3A] : memref<40x128xi32, #tpu.memory_space<vmem>> -> memref<1x128xi32, #tpu.memory_space<vmem>>
        %dma_start3A_31 = tpu.memref_squeeze %dma_start3A_30 : memref<1x128xi32, #tpu.memory_space<vmem>> -> memref<128xi32, #tpu.memory_space<vmem>>
        %dma_start3A_32 = arith.constant 0 : i32
        %dma_start3A_33 = arith.constant 0 : i32
        %dma_start3A_34 = tpu.memref_slice %arg2[%dma_start3A_32, %dma_start3A_33] : memref<10000x128xf32, #tpu.memory_space<hbm>> -> memref<10000x128xf32, #tpu.memory_space<hbm>>
        tpu.enqueue_indirect_dma source(%dma_start3A_34 : memref<10000x128xf32, #tpu.memory_space<hbm>>) target(%arg11 : memref<128x128xf32, #tpu.memory_space<vmem>>) offsets(%dma_start3A_31 : memref<128xi32, #tpu.memory_space<vmem>>) semaphore(%arg13 : memref<!tpu.dma_semaphore, #tpu.memory_space<semaphore_mem>>)
        %add3A_35 = arith.constant 1 : i32
        %add3A_36 = arith.addi %mul3A_28, %add3A_35 : i32
        %dma_start3A_37 = arith.constant 0 : i32
        %dma_start3A_38 = tpu.memref_slice %arg9[%add3A_36, %dma_start3A_37] : memref<40x128xi32, #tpu.memory_space<vmem>> -> memref<1x128xi32, #tpu.memory_space<vmem>>
        %dma_start3A_39 = tpu.memref_squeeze %dma_start3A_38 : memref<1x128xi32, #tpu.memory_space<vmem>> -> memref<128xi32, #tpu.memory_space<vmem>>
        %dma_start3A_40 = arith.constant 0 : i32
        %dma_start3A_41 = arith.constant 0 : i32
        %dma_start3A_42 = tpu.memref_slice %arg2[%dma_start3A_40, %dma_start3A_41] : memref<10000x128xf32, #tpu.memory_space<hbm>> -> memref<10000x128xf32, #tpu.memory_space<hbm>>
        tpu.enqueue_indirect_dma source(%dma_start3A_42 : memref<10000x128xf32, #tpu.memory_space<hbm>>) target(%arg12 : memref<128x128xf32, #tpu.memory_space<vmem>>) offsets(%dma_start3A_39 : memref<128xi32, #tpu.memory_space<vmem>>) semaphore(%arg14 : memref<!tpu.dma_semaphore, #tpu.memory_space<semaphore_mem>>)
        %dma_wait3A = arith.constant 0 : i32
        %dma_wait3A_43 = tpu.memref_slice %arg9[%add3A_29, %dma_wait3A] : memref<40x128xi32, #tpu.memory_space<vmem>> -> memref<1x128xi32, #tpu.memory_space<vmem>>
        %dma_wait3A_44 = tpu.memref_squeeze %dma_wait3A_43 : memref<1x128xi32, #tpu.memory_space<vmem>> -> memref<128xi32, #tpu.memory_space<vmem>>
        %dma_wait3A_45 = arith.constant 0 : i32
        %dma_wait3A_46 = arith.constant 0 : i32
        %dma_wait3A_47 = tpu.memref_slice %arg2[%dma_wait3A_45, %dma_wait3A_46] : memref<10000x128xf32, #tpu.memory_space<hbm>> -> memref<10000x128xf32, #tpu.memory_space<hbm>>
        tpu.wait_indirect_dma semaphore(%arg13 : memref<!tpu.dma_semaphore, #tpu.memory_space<semaphore_mem>>) src(%dma_wait3A_47 : memref<10000x128xf32, #tpu.memory_space<hbm>>) dst(%arg11 : memref<128x128xf32, #tpu.memory_space<vmem>>)
        %add3A_48 = arith.constant 0 : i32
        %add3A_49 = arith.addi %mul3A_28, %add3A_48 : i32
        %dma_start3A_50 = arith.constant 0 : i32
        %dma_start3A_51 = tpu.memref_slice %arg10[%add3A_49, %dma_start3A_50] : memref<40x128xi32, #tpu.memory_space<vmem>> -> memref<1x128xi32, #tpu.memory_space<vmem>>
        %dma_start3A_52 = tpu.memref_squeeze %dma_start3A_51 : memref<1x128xi32, #tpu.memory_space<vmem>> -> memref<128xi32, #tpu.memory_space<vmem>>
        %dma_start3A_53 = arith.constant 0 : i32
        %dma_start3A_54 = arith.constant 0 : i32
        %dma_start3A_55 = tpu.memref_slice %arg17[%dma_start3A_53, %dma_start3A_54] : memref<10112x128xf32, #tpu.memory_space<vmem_shared>> -> memref<10112x128xf32, #tpu.memory_space<vmem_shared>>
        tpu.enqueue_indirect_dma source(%arg11 : memref<128x128xf32, #tpu.memory_space<vmem>>) target(%dma_start3A_55 : memref<10112x128xf32, #tpu.memory_space<vmem_shared>>) offsets(%dma_start3A_52 : memref<128xi32, #tpu.memory_space<vmem>>) semaphore(%arg15 : memref<!tpu.dma_semaphore, #tpu.memory_space<semaphore_mem>>) {add = true}
        %dma_wait3A_56 = arith.constant 0 : i32
        %dma_wait3A_57 = tpu.memref_slice %arg9[%add3A_36, %dma_wait3A_56] : memref<40x128xi32, #tpu.memory_space<vmem>> -> memref<1x128xi32, #tpu.memory_space<vmem>>
        %dma_wait3A_58 = tpu.memref_squeeze %dma_wait3A_57 : memref<1x128xi32, #tpu.memory_space<vmem>> -> memref<128xi32, #tpu.memory_space<vmem>>
        %dma_wait3A_59 = arith.constant 0 : i32
        %dma_wait3A_60 = arith.constant 0 : i32
        %dma_wait3A_61 = tpu.memref_slice %arg2[%dma_wait3A_59, %dma_wait3A_60] : memref<10000x128xf32, #tpu.memory_space<hbm>> -> memref<10000x128xf32, #tpu.memory_space<hbm>>
        tpu.wait_indirect_dma semaphore(%arg14 : memref<!tpu.dma_semaphore, #tpu.memory_space<semaphore_mem>>) src(%dma_wait3A_61 : memref<10000x128xf32, #tpu.memory_space<hbm>>) dst(%arg12 : memref<128x128xf32, #tpu.memory_space<vmem>>)
        %add3A_62 = arith.constant 1 : i32
        %add3A_63 = arith.addi %mul3A_28, %add3A_62 : i32
        %dma_start3A_64 = arith.constant 0 : i32
        %dma_start3A_65 = tpu.memref_slice %arg10[%add3A_63, %dma_start3A_64] : memref<40x128xi32, #tpu.memory_space<vmem>> -> memref<1x128xi32, #tpu.memory_space<vmem>>
        %dma_start3A_66 = tpu.memref_squeeze %dma_start3A_65 : memref<1x128xi32, #tpu.memory_space<vmem>> -> memref<128xi32, #tpu.memory_space<vmem>>
        %dma_start3A_67 = arith.constant 0 : i32
        %dma_start3A_68 = arith.constant 0 : i32
        %dma_start3A_69 = tpu.memref_slice %arg17[%dma_start3A_67, %dma_start3A_68] : memref<10112x128xf32, #tpu.memory_space<vmem_shared>> -> memref<10112x128xf32, #tpu.memory_space<vmem_shared>>
        tpu.enqueue_indirect_dma source(%arg12 : memref<128x128xf32, #tpu.memory_space<vmem>>) target(%dma_start3A_69 : memref<10112x128xf32, #tpu.memory_space<vmem_shared>>) offsets(%dma_start3A_66 : memref<128xi32, #tpu.memory_space<vmem>>) semaphore(%arg16 : memref<!tpu.dma_semaphore, #tpu.memory_space<semaphore_mem>>) {add = true}
        %dma_wait3A_70 = arith.constant 0 : i32
        %dma_wait3A_71 = tpu.memref_slice %arg10[%add3A_49, %dma_wait3A_70] : memref<40x128xi32, #tpu.memory_space<vmem>> -> memref<1x128xi32, #tpu.memory_space<vmem>>
        %dma_wait3A_72 = tpu.memref_squeeze %dma_wait3A_71 : memref<1x128xi32, #tpu.memory_space<vmem>> -> memref<128xi32, #tpu.memory_space<vmem>>
        %dma_wait3A_73 = arith.constant 0 : i32
        %dma_wait3A_74 = arith.constant 0 : i32
        %dma_wait3A_75 = tpu.memref_slice %arg17[%dma_wait3A_73, %dma_wait3A_74] : memref<10112x128xf32, #tpu.memory_space<vmem_shared>> -> memref<10112x128xf32, #tpu.memory_space<vmem_shared>>
        tpu.wait_indirect_dma semaphore(%arg15 : memref<!tpu.dma_semaphore, #tpu.memory_space<semaphore_mem>>) src(%arg11 : memref<128x128xf32, #tpu.memory_space<vmem>>) dst(%dma_wait3A_75 : memref<10112x128xf32, #tpu.memory_space<vmem_shared>>)
        %dma_wait3A_76 = arith.constant 0 : i32
        %dma_wait3A_77 = tpu.memref_slice %arg10[%add3A_63, %dma_wait3A_76] : memref<40x128xi32, #tpu.memory_space<vmem>> -> memref<1x128xi32, #tpu.memory_space<vmem>>
        %dma_wait3A_78 = tpu.memref_squeeze %dma_wait3A_77 : memref<1x128xi32, #tpu.memory_space<vmem>> -> memref<128xi32, #tpu.memory_space<vmem>>
        %dma_wait3A_79 = arith.constant 0 : i32
        %dma_wait3A_80 = arith.constant 0 : i32
        %dma_wait3A_81 = tpu.memref_slice %arg17[%dma_wait3A_79, %dma_wait3A_80] : memref<10112x128xf32, #tpu.memory_space<vmem_shared>> -> memref<10112x128xf32, #tpu.memory_space<vmem_shared>>
        tpu.wait_indirect_dma semaphore(%arg16 : memref<!tpu.dma_semaphore, #tpu.memory_space<semaphore_mem>>) src(%arg12 : memref<128x128xf32, #tpu.memory_space<vmem>>) dst(%dma_wait3A_81 : memref<10112x128xf32, #tpu.memory_space<vmem_shared>>)
      }
      %scan3A_13 = arith.constant 20 : i32
      "tpu.region"() ({
        %run_scoped3A = tpu.sem_alloc : memref<!tpu.dma_semaphore, #tpu.memory_space<semaphore_mem>>
        %dma_start3A = arith.constant 0 : i32
        %dma_start3A_26 = arith.constant 0 : i32
        %dma_start3A_27 = tpu.memref_slice %arg9[%dma_start3A, %dma_start3A_26] : memref<40x128xi32, #tpu.memory_space<vmem>> -> memref<40x128xi32, #tpu.memory_space<vmem>>
        %dma_start3A_28 = arith.constant 40 : i32
        %dma_start3A_29 = arith.constant 0 : i32
        %dma_start3A_30 = tpu.memref_slice %arg3[%arg1, %dma_start3A_28, %dma_start3A_29] : memref<16x120x128xi32, #tpu.memory_space<hbm>> -> memref<1x40x128xi32, #tpu.memory_space<hbm>>
        %dma_start3A_31 = tpu.memref_squeeze %dma_start3A_30 : memref<1x40x128xi32, #tpu.memory_space<hbm>> -> memref<40x128xi32, #tpu.memory_space<hbm>>
        %dma_start3A_32 = arith.constant 0 : i32
        %dma_start3A_33 = arith.constant 0 : i32
        %dma_start3A_34 = tpu.memref_slice %arg9[%dma_start3A_32, %dma_start3A_33] : memref<40x128xi32, #tpu.memory_space<vmem>> -> memref<40x128xi32, #tpu.memory_space<vmem>>
        %dma_start3A_35 = arith.constant 40 : i32
        %dma_start3A_36 = arith.constant 0 : i32
        %dma_start3A_37 = tpu.memref_slice %arg3[%arg1, %dma_start3A_35, %dma_start3A_36] : memref<16x120x128xi32, #tpu.memory_space<hbm>> -> memref<1x40x128xi32, #tpu.memory_space<hbm>>
        %dma_start3A_38 = tpu.memref_squeeze %dma_start3A_37 : memref<1x40x128xi32, #tpu.memory_space<hbm>> -> memref<40x128xi32, #tpu.memory_space<hbm>>
        tpu.enqueue_dma source(%dma_start3A_38 : memref<40x128xi32, #tpu.memory_space<hbm>>) target(%dma_start3A_34 : memref<40x128xi32, #tpu.memory_space<vmem>>) target_semaphore(%run_scoped3A : memref<!tpu.dma_semaphore, #tpu.memory_space<semaphore_mem>>)
        %dma_wait3A = arith.constant 0 : i32
        %dma_wait3A_39 = arith.constant 0 : i32
        %dma_wait3A_40 = tpu.memref_slice %arg9[%dma_wait3A, %dma_wait3A_39] : memref<40x128xi32, #tpu.memory_space<vmem>> -> memref<40x128xi32, #tpu.memory_space<vmem>>
        %dma_wait3A_41 = arith.constant 40 : i32
        %dma_wait3A_42 = arith.constant 0 : i32
        %dma_wait3A_43 = tpu.memref_slice %arg3[%arg1, %dma_wait3A_41, %dma_wait3A_42] : memref<16x120x128xi32, #tpu.memory_space<hbm>> -> memref<1x40x128xi32, #tpu.memory_space<hbm>>
        %dma_wait3A_44 = tpu.memref_squeeze %dma_wait3A_43 : memref<1x40x128xi32, #tpu.memory_space<hbm>> -> memref<40x128xi32, #tpu.memory_space<hbm>>
        %dma_wait3A_45 = arith.constant 0 : i32
        %dma_wait3A_46 = arith.constant 0 : i32
        %dma_wait3A_47 = tpu.memref_slice %arg9[%dma_wait3A_45, %dma_wait3A_46] : memref<40x128xi32, #tpu.memory_space<vmem>> -> memref<40x128xi32, #tpu.memory_space<vmem>>
        %dma_wait3A_48 = arith.constant 40 : i32
        %dma_wait3A_49 = arith.constant 0 : i32
        %dma_wait3A_50 = tpu.memref_slice %arg3[%arg1, %dma_wait3A_48, %dma_wait3A_49] : memref<16x120x128xi32, #tpu.memory_space<hbm>> -> memref<1x40x128xi32, #tpu.memory_space<hbm>>
        %dma_wait3A_51 = tpu.memref_squeeze %dma_wait3A_50 : memref<1x40x128xi32, #tpu.memory_space<hbm>> -> memref<40x128xi32, #tpu.memory_space<hbm>>
        tpu.wait_dma2 semaphore(%run_scoped3A : memref<!tpu.dma_semaphore, #tpu.memory_space<semaphore_mem>>) src(%dma_wait3A_51 : memref<40x128xi32, #tpu.memory_space<hbm>>) dst(%dma_wait3A_47 : memref<40x128xi32, #tpu.memory_space<vmem>>)
        tpu.yield
      }) : () -> ()
      "tpu.region"() ({
        %run_scoped3A = tpu.sem_alloc : memref<!tpu.dma_semaphore, #tpu.memory_space<semaphore_mem>>
        %dma_start3A = arith.constant 0 : i32
        %dma_start3A_26 = arith.constant 0 : i32
        %dma_start3A_27 = tpu.memref_slice %arg10[%dma_start3A, %dma_start3A_26] : memref<40x128xi32, #tpu.memory_space<vmem>> -> memref<40x128xi32, #tpu.memory_space<vmem>>
        %dma_start3A_28 = arith.constant 40 : i32
        %dma_start3A_29 = arith.constant 0 : i32
        %dma_start3A_30 = tpu.memref_slice %arg4[%arg1, %dma_start3A_28, %dma_start3A_29] : memref<16x120x128xi32, #tpu.memory_space<hbm>> -> memref<1x40x128xi32, #tpu.memory_space<hbm>>
        %dma_start3A_31 = tpu.memref_squeeze %dma_start3A_30 : memref<1x40x128xi32, #tpu.memory_space<hbm>> -> memref<40x128xi32, #tpu.memory_space<hbm>>
        %dma_start3A_32 = arith.constant 0 : i32
        %dma_start3A_33 = arith.constant 0 : i32
        %dma_start3A_34 = tpu.memref_slice %arg10[%dma_start3A_32, %dma_start3A_33] : memref<40x128xi32, #tpu.memory_space<vmem>> -> memref<40x128xi32, #tpu.memory_space<vmem>>
        %dma_start3A_35 = arith.constant 40 : i32
        %dma_start3A_36 = arith.constant 0 : i32
        %dma_start3A_37 = tpu.memref_slice %arg4[%arg1, %dma_start3A_35, %dma_start3A_36] : memref<16x120x128xi32, #tpu.memory_space<hbm>> -> memref<1x40x128xi32, #tpu.memory_space<hbm>>
        %dma_start3A_38 = tpu.memref_squeeze %dma_start3A_37 : memref<1x40x128xi32, #tpu.memory_space<hbm>> -> memref<40x128xi32, #tpu.memory_space<hbm>>
        tpu.enqueue_dma source(%dma_start3A_38 : memref<40x128xi32, #tpu.memory_space<hbm>>) target(%dma_start3A_34 : memref<40x128xi32, #tpu.memory_space<vmem>>) target_semaphore(%run_scoped3A : memref<!tpu.dma_semaphore, #tpu.memory_space<semaphore_mem>>)
        %dma_wait3A = arith.constant 0 : i32
        %dma_wait3A_39 = arith.constant 0 : i32
        %dma_wait3A_40 = tpu.memref_slice %arg10[%dma_wait3A, %dma_wait3A_39] : memref<40x128xi32, #tpu.memory_space<vmem>> -> memref<40x128xi32, #tpu.memory_space<vmem>>
        %dma_wait3A_41 = arith.constant 40 : i32
        %dma_wait3A_42 = arith.constant 0 : i32
        %dma_wait3A_43 = tpu.memref_slice %arg4[%arg1, %dma_wait3A_41, %dma_wait3A_42] : memref<16x120x128xi32, #tpu.memory_space<hbm>> -> memref<1x40x128xi32, #tpu.memory_space<hbm>>
        %dma_wait3A_44 = tpu.memref_squeeze %dma_wait3A_43 : memref<1x40x128xi32, #tpu.memory_space<hbm>> -> memref<40x128xi32, #tpu.memory_space<hbm>>
        %dma_wait3A_45 = arith.constant 0 : i32
        %dma_wait3A_46 = arith.constant 0 : i32
        %dma_wait3A_47 = tpu.memref_slice %arg10[%dma_wait3A_45, %dma_wait3A_46] : memref<40x128xi32, #tpu.memory_space<vmem>> -> memref<40x128xi32, #tpu.memory_space<vmem>>
        %dma_wait3A_48 = arith.constant 40 : i32
        %dma_wait3A_49 = arith.constant 0 : i32
        %dma_wait3A_50 = tpu.memref_slice %arg4[%arg1, %dma_wait3A_48, %dma_wait3A_49] : memref<16x120x128xi32, #tpu.memory_space<hbm>> -> memref<1x40x128xi32, #tpu.memory_space<hbm>>
        %dma_wait3A_51 = tpu.memref_squeeze %dma_wait3A_50 : memref<1x40x128xi32, #tpu.memory_space<hbm>> -> memref<40x128xi32, #tpu.memory_space<hbm>>
        tpu.wait_dma2 semaphore(%run_scoped3A : memref<!tpu.dma_semaphore, #tpu.memory_space<semaphore_mem>>) src(%dma_wait3A_51 : memref<40x128xi32, #tpu.memory_space<hbm>>) dst(%dma_wait3A_47 : memref<40x128xi32, #tpu.memory_space<vmem>>)
        tpu.yield
      }) : () -> ()
      %scan3A_14 = arith.constant 0 : i32
      %scan3A_15 = arith.constant 0 : i32
      %scan3A_16 = arith.constant 20 : i32
      %scan3A_17 = arith.addi %scan3A_15, %scan3A_16 : i32
      %scan3A_18 = arith.constant 1 : i32
      scf.for %scan3A_26 = %scan3A_15 to %scan3A_17 step %scan3A_18  : i32 {
        %mul3A_27 = arith.constant 2 : i32
        %mul3A_28 = arith.muli %scan3A_26, %mul3A_27 : i32
        %add3A = arith.constant 0 : i32
        %add3A_29 = arith.addi %mul3A_28, %add3A : i32
        %dma_start3A = arith.constant 0 : i32
        %dma_start3A_30 = tpu.memref_slice %arg9[%add3A_29, %dma_start3A] : memref<40x128xi32, #tpu.memory_space<vmem>> -> memref<1x128xi32, #tpu.memory_space<vmem>>
        %dma_start3A_31 = tpu.memref_squeeze %dma_start3A_30 : memref<1x128xi32, #tpu.memory_space<vmem>> -> memref<128xi32, #tpu.memory_space<vmem>>
        %dma_start3A_32 = arith.constant 0 : i32
        %dma_start3A_33 = arith.constant 0 : i32
        %dma_start3A_34 = tpu.memref_slice %arg2[%dma_start3A_32, %dma_start3A_33] : memref<10000x128xf32, #tpu.memory_space<hbm>> -> memref<10000x128xf32, #tpu.memory_space<hbm>>
        tpu.enqueue_indirect_dma source(%dma_start3A_34 : memref<10000x128xf32, #tpu.memory_space<hbm>>) target(%arg11 : memref<128x128xf32, #tpu.memory_space<vmem>>) offsets(%dma_start3A_31 : memref<128xi32, #tpu.memory_space<vmem>>) semaphore(%arg13 : memref<!tpu.dma_semaphore, #tpu.memory_space<semaphore_mem>>)
        %add3A_35 = arith.constant 1 : i32
        %add3A_36 = arith.addi %mul3A_28, %add3A_35 : i32
        %dma_start3A_37 = arith.constant 0 : i32
        %dma_start3A_38 = tpu.memref_slice %arg9[%add3A_36, %dma_start3A_37] : memref<40x128xi32, #tpu.memory_space<vmem>> -> memref<1x128xi32, #tpu.memory_space<vmem>>
        %dma_start3A_39 = tpu.memref_squeeze %dma_start3A_38 : memref<1x128xi32, #tpu.memory_space<vmem>> -> memref<128xi32, #tpu.memory_space<vmem>>
        %dma_start3A_40 = arith.constant 0 : i32
        %dma_start3A_41 = arith.constant 0 : i32
        %dma_start3A_42 = tpu.memref_slice %arg2[%dma_start3A_40, %dma_start3A_41] : memref<10000x128xf32, #tpu.memory_space<hbm>> -> memref<10000x128xf32, #tpu.memory_space<hbm>>
        tpu.enqueue_indirect_dma source(%dma_start3A_42 : memref<10000x128xf32, #tpu.memory_space<hbm>>) target(%arg12 : memref<128x128xf32, #tpu.memory_space<vmem>>) offsets(%dma_start3A_39 : memref<128xi32, #tpu.memory_space<vmem>>) semaphore(%arg14 : memref<!tpu.dma_semaphore, #tpu.memory_space<semaphore_mem>>)
        %dma_wait3A = arith.constant 0 : i32
        %dma_wait3A_43 = tpu.memref_slice %arg9[%add3A_29, %dma_wait3A] : memref<40x128xi32, #tpu.memory_space<vmem>> -> memref<1x128xi32, #tpu.memory_space<vmem>>
        %dma_wait3A_44 = tpu.memref_squeeze %dma_wait3A_43 : memref<1x128xi32, #tpu.memory_space<vmem>> -> memref<128xi32, #tpu.memory_space<vmem>>
        %dma_wait3A_45 = arith.constant 0 : i32
        %dma_wait3A_46 = arith.constant 0 : i32
        %dma_wait3A_47 = tpu.memref_slice %arg2[%dma_wait3A_45, %dma_wait3A_46] : memref<10000x128xf32, #tpu.memory_space<hbm>> -> memref<10000x128xf32, #tpu.memory_space<hbm>>
        tpu.wait_indirect_dma semaphore(%arg13 : memref<!tpu.dma_semaphore, #tpu.memory_space<semaphore_mem>>) src(%dma_wait3A_47 : memref<10000x128xf32, #tpu.memory_space<hbm>>) dst(%arg11 : memref<128x128xf32, #tpu.memory_space<vmem>>)
        %add3A_48 = arith.constant 0 : i32
        %add3A_49 = arith.addi %mul3A_28, %add3A_48 : i32
        %dma_start3A_50 = arith.constant 0 : i32
        %dma_start3A_51 = tpu.memref_slice %arg10[%add3A_49, %dma_start3A_50] : memref<40x128xi32, #tpu.memory_space<vmem>> -> memref<1x128xi32, #tpu.memory_space<vmem>>
        %dma_start3A_52 = tpu.memref_squeeze %dma_start3A_51 : memref<1x128xi32, #tpu.memory_space<vmem>> -> memref<128xi32, #tpu.memory_space<vmem>>
        %dma_start3A_53 = arith.constant 0 : i32
        %dma_start3A_54 = arith.constant 0 : i32
        %dma_start3A_55 = tpu.memref_slice %arg17[%dma_start3A_53, %dma_start3A_54] : memref<10112x128xf32, #tpu.memory_space<vmem_shared>> -> memref<10112x128xf32, #tpu.memory_space<vmem_shared>>
        tpu.enqueue_indirect_dma source(%arg11 : memref<128x128xf32, #tpu.memory_space<vmem>>) target(%dma_start3A_55 : memref<10112x128xf32, #tpu.memory_space<vmem_shared>>) offsets(%dma_start3A_52 : memref<128xi32, #tpu.memory_space<vmem>>) semaphore(%arg15 : memref<!tpu.dma_semaphore, #tpu.memory_space<semaphore_mem>>) {add = true}
        %dma_wait3A_56 = arith.constant 0 : i32
        %dma_wait3A_57 = tpu.memref_slice %arg9[%add3A_36, %dma_wait3A_56] : memref<40x128xi32, #tpu.memory_space<vmem>> -> memref<1x128xi32, #tpu.memory_space<vmem>>
        %dma_wait3A_58 = tpu.memref_squeeze %dma_wait3A_57 : memref<1x128xi32, #tpu.memory_space<vmem>> -> memref<128xi32, #tpu.memory_space<vmem>>
        %dma_wait3A_59 = arith.constant 0 : i32
        %dma_wait3A_60 = arith.constant 0 : i32
        %dma_wait3A_61 = tpu.memref_slice %arg2[%dma_wait3A_59, %dma_wait3A_60] : memref<10000x128xf32, #tpu.memory_space<hbm>> -> memref<10000x128xf32, #tpu.memory_space<hbm>>
        tpu.wait_indirect_dma semaphore(%arg14 : memref<!tpu.dma_semaphore, #tpu.memory_space<semaphore_mem>>) src(%dma_wait3A_61 : memref<10000x128xf32, #tpu.memory_space<hbm>>) dst(%arg12 : memref<128x128xf32, #tpu.memory_space<vmem>>)
        %add3A_62 = arith.constant 1 : i32
        %add3A_63 = arith.addi %mul3A_28, %add3A_62 : i32
        %dma_start3A_64 = arith.constant 0 : i32
        %dma_start3A_65 = tpu.memref_slice %arg10[%add3A_63, %dma_start3A_64] : memref<40x128xi32, #tpu.memory_space<vmem>> -> memref<1x128xi32, #tpu.memory_space<vmem>>
        %dma_start3A_66 = tpu.memref_squeeze %dma_start3A_65 : memref<1x128xi32, #tpu.memory_space<vmem>> -> memref<128xi32, #tpu.memory_space<vmem>>
        %dma_start3A_67 = arith.constant 0 : i32
        %dma_start3A_68 = arith.constant 0 : i32
        %dma_start3A_69 = tpu.memref_slice %arg17[%dma_start3A_67, %dma_start3A_68] : memref<10112x128xf32, #tpu.memory_space<vmem_shared>> -> memref<10112x128xf32, #tpu.memory_space<vmem_shared>>
        tpu.enqueue_indirect_dma source(%arg12 : memref<128x128xf32, #tpu.memory_space<vmem>>) target(%dma_start3A_69 : memref<10112x128xf32, #tpu.memory_space<vmem_shared>>) offsets(%dma_start3A_66 : memref<128xi32, #tpu.memory_space<vmem>>) semaphore(%arg16 : memref<!tpu.dma_semaphore, #tpu.memory_space<semaphore_mem>>) {add = true}
        %dma_wait3A_70 = arith.constant 0 : i32
        %dma_wait3A_71 = tpu.memref_slice %arg10[%add3A_49, %dma_wait3A_70] : memref<40x128xi32, #tpu.memory_space<vmem>> -> memref<1x128xi32, #tpu.memory_space<vmem>>
        %dma_wait3A_72 = tpu.memref_squeeze %dma_wait3A_71 : memref<1x128xi32, #tpu.memory_space<vmem>> -> memref<128xi32, #tpu.memory_space<vmem>>
        %dma_wait3A_73 = arith.constant 0 : i32
        %dma_wait3A_74 = arith.constant 0 : i32
        %dma_wait3A_75 = tpu.memref_slice %arg17[%dma_wait3A_73, %dma_wait3A_74] : memref<10112x128xf32, #tpu.memory_space<vmem_shared>> -> memref<10112x128xf32, #tpu.memory_space<vmem_shared>>
        tpu.wait_indirect_dma semaphore(%arg15 : memref<!tpu.dma_semaphore, #tpu.memory_space<semaphore_mem>>) src(%arg11 : memref<128x128xf32, #tpu.memory_space<vmem>>) dst(%dma_wait3A_75 : memref<10112x128xf32, #tpu.memory_space<vmem_shared>>)
        %dma_wait3A_76 = arith.constant 0 : i32
        %dma_wait3A_77 = tpu.memref_slice %arg10[%add3A_63, %dma_wait3A_76] : memref<40x128xi32, #tpu.memory_space<vmem>> -> memref<1x128xi32, #tpu.memory_space<vmem>>
        %dma_wait3A_78 = tpu.memref_squeeze %dma_wait3A_77 : memref<1x128xi32, #tpu.memory_space<vmem>> -> memref<128xi32, #tpu.memory_space<vmem>>
        %dma_wait3A_79 = arith.constant 0 : i32
        %dma_wait3A_80 = arith.constant 0 : i32
        %dma_wait3A_81 = tpu.memref_slice %arg17[%dma_wait3A_79, %dma_wait3A_80] : memref<10112x128xf32, #tpu.memory_space<vmem_shared>> -> memref<10112x128xf32, #tpu.memory_space<vmem_shared>>
        tpu.wait_indirect_dma semaphore(%arg16 : memref<!tpu.dma_semaphore, #tpu.memory_space<semaphore_mem>>) src(%arg12 : memref<128x128xf32, #tpu.memory_space<vmem>>) dst(%dma_wait3A_81 : memref<10112x128xf32, #tpu.memory_space<vmem_shared>>)
      }
      %scan3A_19 = arith.constant 20 : i32
      "tpu.region"() ({
        %run_scoped3A = tpu.sem_alloc : memref<!tpu.dma_semaphore, #tpu.memory_space<semaphore_mem>>
        %dma_start3A = arith.constant 0 : i32
        %dma_start3A_26 = arith.constant 0 : i32
        %dma_start3A_27 = tpu.memref_slice %arg9[%dma_start3A, %dma_start3A_26] : memref<40x128xi32, #tpu.memory_space<vmem>> -> memref<40x128xi32, #tpu.memory_space<vmem>>
        %dma_start3A_28 = arith.constant 80 : i32
        %dma_start3A_29 = arith.constant 0 : i32
        %dma_start3A_30 = tpu.memref_slice %arg3[%arg1, %dma_start3A_28, %dma_start3A_29] : memref<16x120x128xi32, #tpu.memory_space<hbm>> -> memref<1x40x128xi32, #tpu.memory_space<hbm>>
        %dma_start3A_31 = tpu.memref_squeeze %dma_start3A_30 : memref<1x40x128xi32, #tpu.memory_space<hbm>> -> memref<40x128xi32, #tpu.memory_space<hbm>>
        %dma_start3A_32 = arith.constant 0 : i32
        %dma_start3A_33 = arith.constant 0 : i32
        %dma_start3A_34 = tpu.memref_slice %arg9[%dma_start3A_32, %dma_start3A_33] : memref<40x128xi32, #tpu.memory_space<vmem>> -> memref<40x128xi32, #tpu.memory_space<vmem>>
        %dma_start3A_35 = arith.constant 80 : i32
        %dma_start3A_36 = arith.constant 0 : i32
        %dma_start3A_37 = tpu.memref_slice %arg3[%arg1, %dma_start3A_35, %dma_start3A_36] : memref<16x120x128xi32, #tpu.memory_space<hbm>> -> memref<1x40x128xi32, #tpu.memory_space<hbm>>
        %dma_start3A_38 = tpu.memref_squeeze %dma_start3A_37 : memref<1x40x128xi32, #tpu.memory_space<hbm>> -> memref<40x128xi32, #tpu.memory_space<hbm>>
        tpu.enqueue_dma source(%dma_start3A_38 : memref<40x128xi32, #tpu.memory_space<hbm>>) target(%dma_start3A_34 : memref<40x128xi32, #tpu.memory_space<vmem>>) target_semaphore(%run_scoped3A : memref<!tpu.dma_semaphore, #tpu.memory_space<semaphore_mem>>)
        %dma_wait3A = arith.constant 0 : i32
        %dma_wait3A_39 = arith.constant 0 : i32
        %dma_wait3A_40 = tpu.memref_slice %arg9[%dma_wait3A, %dma_wait3A_39] : memref<40x128xi32, #tpu.memory_space<vmem>> -> memref<40x128xi32, #tpu.memory_space<vmem>>
        %dma_wait3A_41 = arith.constant 80 : i32
        %dma_wait3A_42 = arith.constant 0 : i32
        %dma_wait3A_43 = tpu.memref_slice %arg3[%arg1, %dma_wait3A_41, %dma_wait3A_42] : memref<16x120x128xi32, #tpu.memory_space<hbm>> -> memref<1x40x128xi32, #tpu.memory_space<hbm>>
        %dma_wait3A_44 = tpu.memref_squeeze %dma_wait3A_43 : memref<1x40x128xi32, #tpu.memory_space<hbm>> -> memref<40x128xi32, #tpu.memory_space<hbm>>
        %dma_wait3A_45 = arith.constant 0 : i32
        %dma_wait3A_46 = arith.constant 0 : i32
        %dma_wait3A_47 = tpu.memref_slice %arg9[%dma_wait3A_45, %dma_wait3A_46] : memref<40x128xi32, #tpu.memory_space<vmem>> -> memref<40x128xi32, #tpu.memory_space<vmem>>
        %dma_wait3A_48 = arith.constant 80 : i32
        %dma_wait3A_49 = arith.constant 0 : i32
        %dma_wait3A_50 = tpu.memref_slice %arg3[%arg1, %dma_wait3A_48, %dma_wait3A_49] : memref<16x120x128xi32, #tpu.memory_space<hbm>> -> memref<1x40x128xi32, #tpu.memory_space<hbm>>
        %dma_wait3A_51 = tpu.memref_squeeze %dma_wait3A_50 : memref<1x40x128xi32, #tpu.memory_space<hbm>> -> memref<40x128xi32, #tpu.memory_space<hbm>>
        tpu.wait_dma2 semaphore(%run_scoped3A : memref<!tpu.dma_semaphore, #tpu.memory_space<semaphore_mem>>) src(%dma_wait3A_51 : memref<40x128xi32, #tpu.memory_space<hbm>>) dst(%dma_wait3A_47 : memref<40x128xi32, #tpu.memory_space<vmem>>)
        tpu.yield
      }) : () -> ()
      "tpu.region"() ({
        %run_scoped3A = tpu.sem_alloc : memref<!tpu.dma_semaphore, #tpu.memory_space<semaphore_mem>>
        %dma_start3A = arith.constant 0 : i32
        %dma_start3A_26 = arith.constant 0 : i32
        %dma_start3A_27 = tpu.memref_slice %arg10[%dma_start3A, %dma_start3A_26] : memref<40x128xi32, #tpu.memory_space<vmem>> -> memref<40x128xi32, #tpu.memory_space<vmem>>
        %dma_start3A_28 = arith.constant 80 : i32
        %dma_start3A_29 = arith.constant 0 : i32
        %dma_start3A_30 = tpu.memref_slice %arg4[%arg1, %dma_start3A_28, %dma_start3A_29] : memref<16x120x128xi32, #tpu.memory_space<hbm>> -> memref<1x40x128xi32, #tpu.memory_space<hbm>>
        %dma_start3A_31 = tpu.memref_squeeze %dma_start3A_30 : memref<1x40x128xi32, #tpu.memory_space<hbm>> -> memref<40x128xi32, #tpu.memory_space<hbm>>
        %dma_start3A_32 = arith.constant 0 : i32
        %dma_start3A_33 = arith.constant 0 : i32
        %dma_start3A_34 = tpu.memref_slice %arg10[%dma_start3A_32, %dma_start3A_33] : memref<40x128xi32, #tpu.memory_space<vmem>> -> memref<40x128xi32, #tpu.memory_space<vmem>>
        %dma_start3A_35 = arith.constant 80 : i32
        %dma_start3A_36 = arith.constant 0 : i32
        %dma_start3A_37 = tpu.memref_slice %arg4[%arg1, %dma_start3A_35, %dma_start3A_36] : memref<16x120x128xi32, #tpu.memory_space<hbm>> -> memref<1x40x128xi32, #tpu.memory_space<hbm>>
        %dma_start3A_38 = tpu.memref_squeeze %dma_start3A_37 : memref<1x40x128xi32, #tpu.memory_space<hbm>> -> memref<40x128xi32, #tpu.memory_space<hbm>>
        tpu.enqueue_dma source(%dma_start3A_38 : memref<40x128xi32, #tpu.memory_space<hbm>>) target(%dma_start3A_34 : memref<40x128xi32, #tpu.memory_space<vmem>>) target_semaphore(%run_scoped3A : memref<!tpu.dma_semaphore, #tpu.memory_space<semaphore_mem>>)
        %dma_wait3A = arith.constant 0 : i32
        %dma_wait3A_39 = arith.constant 0 : i32
        %dma_wait3A_40 = tpu.memref_slice %arg10[%dma_wait3A, %dma_wait3A_39] : memref<40x128xi32, #tpu.memory_space<vmem>> -> memref<40x128xi32, #tpu.memory_space<vmem>>
        %dma_wait3A_41 = arith.constant 80 : i32
        %dma_wait3A_42 = arith.constant 0 : i32
        %dma_wait3A_43 = tpu.memref_slice %arg4[%arg1, %dma_wait3A_41, %dma_wait3A_42] : memref<16x120x128xi32, #tpu.memory_space<hbm>> -> memref<1x40x128xi32, #tpu.memory_space<hbm>>
        %dma_wait3A_44 = tpu.memref_squeeze %dma_wait3A_43 : memref<1x40x128xi32, #tpu.memory_space<hbm>> -> memref<40x128xi32, #tpu.memory_space<hbm>>
        %dma_wait3A_45 = arith.constant 0 : i32
        %dma_wait3A_46 = arith.constant 0 : i32
        %dma_wait3A_47 = tpu.memref_slice %arg10[%dma_wait3A_45, %dma_wait3A_46] : memref<40x128xi32, #tpu.memory_space<vmem>> -> memref<40x128xi32, #tpu.memory_space<vmem>>
        %dma_wait3A_48 = arith.constant 80 : i32
        %dma_wait3A_49 = arith.constant 0 : i32
        %dma_wait3A_50 = tpu.memref_slice %arg4[%arg1, %dma_wait3A_48, %dma_wait3A_49] : memref<16x120x128xi32, #tpu.memory_space<hbm>> -> memref<1x40x128xi32, #tpu.memory_space<hbm>>
        %dma_wait3A_51 = tpu.memref_squeeze %dma_wait3A_50 : memref<1x40x128xi32, #tpu.memory_space<hbm>> -> memref<40x128xi32, #tpu.memory_space<hbm>>
        tpu.wait_dma2 semaphore(%run_scoped3A : memref<!tpu.dma_semaphore, #tpu.memory_space<semaphore_mem>>) src(%dma_wait3A_51 : memref<40x128xi32, #tpu.memory_space<hbm>>) dst(%dma_wait3A_47 : memref<40x128xi32, #tpu.memory_space<vmem>>)
        tpu.yield
      }) : () -> ()
      %scan3A_20 = arith.constant 0 : i32
      %scan3A_21 = arith.constant 0 : i32
      %scan3A_22 = arith.constant 20 : i32
      %scan3A_23 = arith.addi %scan3A_21, %scan3A_22 : i32
      %scan3A_24 = arith.constant 1 : i32
      scf.for %scan3A_26 = %scan3A_21 to %scan3A_23 step %scan3A_24  : i32 {
        %mul3A_27 = arith.constant 2 : i32
        %mul3A_28 = arith.muli %scan3A_26, %mul3A_27 : i32
        %add3A = arith.constant 0 : i32
        %add3A_29 = arith.addi %mul3A_28, %add3A : i32
        %dma_start3A = arith.constant 0 : i32
        %dma_start3A_30 = tpu.memref_slice %arg9[%add3A_29, %dma_start3A] : memref<40x128xi32, #tpu.memory_space<vmem>> -> memref<1x128xi32, #tpu.memory_space<vmem>>
        %dma_start3A_31 = tpu.memref_squeeze %dma_start3A_30 : memref<1x128xi32, #tpu.memory_space<vmem>> -> memref<128xi32, #tpu.memory_space<vmem>>
        %dma_start3A_32 = arith.constant 0 : i32
        %dma_start3A_33 = arith.constant 0 : i32
        %dma_start3A_34 = tpu.memref_slice %arg2[%dma_start3A_32, %dma_start3A_33] : memref<10000x128xf32, #tpu.memory_space<hbm>> -> memref<10000x128xf32, #tpu.memory_space<hbm>>
        tpu.enqueue_indirect_dma source(%dma_start3A_34 : memref<10000x128xf32, #tpu.memory_space<hbm>>) target(%arg11 : memref<128x128xf32, #tpu.memory_space<vmem>>) offsets(%dma_start3A_31 : memref<128xi32, #tpu.memory_space<vmem>>) semaphore(%arg13 : memref<!tpu.dma_semaphore, #tpu.memory_space<semaphore_mem>>)
        %add3A_35 = arith.constant 1 : i32
        %add3A_36 = arith.addi %mul3A_28, %add3A_35 : i32
        %dma_start3A_37 = arith.constant 0 : i32
        %dma_start3A_38 = tpu.memref_slice %arg9[%add3A_36, %dma_start3A_37] : memref<40x128xi32, #tpu.memory_space<vmem>> -> memref<1x128xi32, #tpu.memory_space<vmem>>
        %dma_start3A_39 = tpu.memref_squeeze %dma_start3A_38 : memref<1x128xi32, #tpu.memory_space<vmem>> -> memref<128xi32, #tpu.memory_space<vmem>>
        %dma_start3A_40 = arith.constant 0 : i32
        %dma_start3A_41 = arith.constant 0 : i32
        %dma_start3A_42 = tpu.memref_slice %arg2[%dma_start3A_40, %dma_start3A_41] : memref<10000x128xf32, #tpu.memory_space<hbm>> -> memref<10000x128xf32, #tpu.memory_space<hbm>>
        tpu.enqueue_indirect_dma source(%dma_start3A_42 : memref<10000x128xf32, #tpu.memory_space<hbm>>) target(%arg12 : memref<128x128xf32, #tpu.memory_space<vmem>>) offsets(%dma_start3A_39 : memref<128xi32, #tpu.memory_space<vmem>>) semaphore(%arg14 : memref<!tpu.dma_semaphore, #tpu.memory_space<semaphore_mem>>)
        %dma_wait3A = arith.constant 0 : i32
        %dma_wait3A_43 = tpu.memref_slice %arg9[%add3A_29, %dma_wait3A] : memref<40x128xi32, #tpu.memory_space<vmem>> -> memref<1x128xi32, #tpu.memory_space<vmem>>
        %dma_wait3A_44 = tpu.memref_squeeze %dma_wait3A_43 : memref<1x128xi32, #tpu.memory_space<vmem>> -> memref<128xi32, #tpu.memory_space<vmem>>
        %dma_wait3A_45 = arith.constant 0 : i32
        %dma_wait3A_46 = arith.constant 0 : i32
        %dma_wait3A_47 = tpu.memref_slice %arg2[%dma_wait3A_45, %dma_wait3A_46] : memref<10000x128xf32, #tpu.memory_space<hbm>> -> memref<10000x128xf32, #tpu.memory_space<hbm>>
        tpu.wait_indirect_dma semaphore(%arg13 : memref<!tpu.dma_semaphore, #tpu.memory_space<semaphore_mem>>) src(%dma_wait3A_47 : memref<10000x128xf32, #tpu.memory_space<hbm>>) dst(%arg11 : memref<128x128xf32, #tpu.memory_space<vmem>>)
        %add3A_48 = arith.constant 0 : i32
        %add3A_49 = arith.addi %mul3A_28, %add3A_48 : i32
        %dma_start3A_50 = arith.constant 0 : i32
        %dma_start3A_51 = tpu.memref_slice %arg10[%add3A_49, %dma_start3A_50] : memref<40x128xi32, #tpu.memory_space<vmem>> -> memref<1x128xi32, #tpu.memory_space<vmem>>
        %dma_start3A_52 = tpu.memref_squeeze %dma_start3A_51 : memref<1x128xi32, #tpu.memory_space<vmem>> -> memref<128xi32, #tpu.memory_space<vmem>>
        %dma_start3A_53 = arith.constant 0 : i32
        %dma_start3A_54 = arith.constant 0 : i32
        %dma_start3A_55 = tpu.memref_slice %arg17[%dma_start3A_53, %dma_start3A_54] : memref<10112x128xf32, #tpu.memory_space<vmem_shared>> -> memref<10112x128xf32, #tpu.memory_space<vmem_shared>>
        tpu.enqueue_indirect_dma source(%arg11 : memref<128x128xf32, #tpu.memory_space<vmem>>) target(%dma_start3A_55 : memref<10112x128xf32, #tpu.memory_space<vmem_shared>>) offsets(%dma_start3A_52 : memref<128xi32, #tpu.memory_space<vmem>>) semaphore(%arg15 : memref<!tpu.dma_semaphore, #tpu.memory_space<semaphore_mem>>) {add = true}
        %dma_wait3A_56 = arith.constant 0 : i32
        %dma_wait3A_57 = tpu.memref_slice %arg9[%add3A_36, %dma_wait3A_56] : memref<40x128xi32, #tpu.memory_space<vmem>> -> memref<1x128xi32, #tpu.memory_space<vmem>>
        %dma_wait3A_58 = tpu.memref_squeeze %dma_wait3A_57 : memref<1x128xi32, #tpu.memory_space<vmem>> -> memref<128xi32, #tpu.memory_space<vmem>>
        %dma_wait3A_59 = arith.constant 0 : i32
        %dma_wait3A_60 = arith.constant 0 : i32
        %dma_wait3A_61 = tpu.memref_slice %arg2[%dma_wait3A_59, %dma_wait3A_60] : memref<10000x128xf32, #tpu.memory_space<hbm>> -> memref<10000x128xf32, #tpu.memory_space<hbm>>
        tpu.wait_indirect_dma semaphore(%arg14 : memref<!tpu.dma_semaphore, #tpu.memory_space<semaphore_mem>>) src(%dma_wait3A_61 : memref<10000x128xf32, #tpu.memory_space<hbm>>) dst(%arg12 : memref<128x128xf32, #tpu.memory_space<vmem>>)
        %add3A_62 = arith.constant 1 : i32
        %add3A_63 = arith.addi %mul3A_28, %add3A_62 : i32
        %dma_start3A_64 = arith.constant 0 : i32
        %dma_start3A_65 = tpu.memref_slice %arg10[%add3A_63, %dma_start3A_64] : memref<40x128xi32, #tpu.memory_space<vmem>> -> memref<1x128xi32, #tpu.memory_space<vmem>>
        %dma_start3A_66 = tpu.memref_squeeze %dma_start3A_65 : memref<1x128xi32, #tpu.memory_space<vmem>> -> memref<128xi32, #tpu.memory_space<vmem>>
        %dma_start3A_67 = arith.constant 0 : i32
        %dma_start3A_68 = arith.constant 0 : i32
        %dma_start3A_69 = tpu.memref_slice %arg17[%dma_start3A_67, %dma_start3A_68] : memref<10112x128xf32, #tpu.memory_space<vmem_shared>> -> memref<10112x128xf32, #tpu.memory_space<vmem_shared>>
        tpu.enqueue_indirect_dma source(%arg12 : memref<128x128xf32, #tpu.memory_space<vmem>>) target(%dma_start3A_69 : memref<10112x128xf32, #tpu.memory_space<vmem_shared>>) offsets(%dma_start3A_66 : memref<128xi32, #tpu.memory_space<vmem>>) semaphore(%arg16 : memref<!tpu.dma_semaphore, #tpu.memory_space<semaphore_mem>>) {add = true}
        %dma_wait3A_70 = arith.constant 0 : i32
        %dma_wait3A_71 = tpu.memref_slice %arg10[%add3A_49, %dma_wait3A_70] : memref<40x128xi32, #tpu.memory_space<vmem>> -> memref<1x128xi32, #tpu.memory_space<vmem>>
        %dma_wait3A_72 = tpu.memref_squeeze %dma_wait3A_71 : memref<1x128xi32, #tpu.memory_space<vmem>> -> memref<128xi32, #tpu.memory_space<vmem>>
        %dma_wait3A_73 = arith.constant 0 : i32
        %dma_wait3A_74 = arith.constant 0 : i32
        %dma_wait3A_75 = tpu.memref_slice %arg17[%dma_wait3A_73, %dma_wait3A_74] : memref<10112x128xf32, #tpu.memory_space<vmem_shared>> -> memref<10112x128xf32, #tpu.memory_space<vmem_shared>>
        tpu.wait_indirect_dma semaphore(%arg15 : memref<!tpu.dma_semaphore, #tpu.memory_space<semaphore_mem>>) src(%arg11 : memref<128x128xf32, #tpu.memory_space<vmem>>) dst(%dma_wait3A_75 : memref<10112x128xf32, #tpu.memory_space<vmem_shared>>)
        %dma_wait3A_76 = arith.constant 0 : i32
        %dma_wait3A_77 = tpu.memref_slice %arg10[%add3A_63, %dma_wait3A_76] : memref<40x128xi32, #tpu.memory_space<vmem>> -> memref<1x128xi32, #tpu.memory_space<vmem>>
        %dma_wait3A_78 = tpu.memref_squeeze %dma_wait3A_77 : memref<1x128xi32, #tpu.memory_space<vmem>> -> memref<128xi32, #tpu.memory_space<vmem>>
        %dma_wait3A_79 = arith.constant 0 : i32
        %dma_wait3A_80 = arith.constant 0 : i32
        %dma_wait3A_81 = tpu.memref_slice %arg17[%dma_wait3A_79, %dma_wait3A_80] : memref<10112x128xf32, #tpu.memory_space<vmem_shared>> -> memref<10112x128xf32, #tpu.memory_space<vmem_shared>>
        tpu.wait_indirect_dma semaphore(%arg16 : memref<!tpu.dma_semaphore, #tpu.memory_space<semaphore_mem>>) src(%arg12 : memref<128x128xf32, #tpu.memory_space<vmem>>) dst(%dma_wait3A_81 : memref<10112x128xf32, #tpu.memory_space<vmem_shared>>)
      }
      %scan3A_25 = arith.constant 20 : i32
    } else {
    }
    %eq3A_3 = arith.constant 1 : i32
    %eq3A_4 = arith.cmpi eq, %arg0, %eq3A_3 : i32
    %convert_element_type3A_5 = arith.extui %eq3A_4 : i1 to i32
    %cond3A_6 = arith.constant 0 : i32
    %cond3A_7 = arith.cmpi ne, %convert_element_type3A_5, %cond3A_6 : i32
    scf.if %cond3A_7 {
      "tpu.region"() ({
        %run_scoped3A = tpu.sem_alloc : memref<!tpu.dma_semaphore, #tpu.memory_space<semaphore_mem>>
        %dma_start3A = arith.constant 0 : i32
        %dma_start3A_14 = arith.constant 0 : i32
        %dma_start3A_15 = tpu.memref_slice %arg9[%dma_start3A, %dma_start3A_14] : memref<40x128xi32, #tpu.memory_space<vmem>> -> memref<40x128xi32, #tpu.memory_space<vmem>>
        %dma_start3A_16 = arith.constant 0 : i32
        %dma_start3A_17 = arith.constant 0 : i32
        %dma_start3A_18 = tpu.memref_slice %arg5[%arg1, %dma_start3A_16, %dma_start3A_17] : memref<16x40x128xi32, #tpu.memory_space<hbm>> -> memref<1x40x128xi32, #tpu.memory_space<hbm>>
        %dma_start3A_19 = tpu.memref_squeeze %dma_start3A_18 : memref<1x40x128xi32, #tpu.memory_space<hbm>> -> memref<40x128xi32, #tpu.memory_space<hbm>>
        %dma_start3A_20 = arith.constant 0 : i32
        %dma_start3A_21 = arith.constant 0 : i32
        %dma_start3A_22 = tpu.memref_slice %arg9[%dma_start3A_20, %dma_start3A_21] : memref<40x128xi32, #tpu.memory_space<vmem>> -> memref<40x128xi32, #tpu.memory_space<vmem>>
        %dma_start3A_23 = arith.constant 0 : i32
        %dma_start3A_24 = arith.constant 0 : i32
        %dma_start3A_25 = tpu.memref_slice %arg5[%arg1, %dma_start3A_23, %dma_start3A_24] : memref<16x40x128xi32, #tpu.memory_space<hbm>> -> memref<1x40x128xi32, #tpu.memory_space<hbm>>
        %dma_start3A_26 = tpu.memref_squeeze %dma_start3A_25 : memref<1x40x128xi32, #tpu.memory_space<hbm>> -> memref<40x128xi32, #tpu.memory_space<hbm>>
        tpu.enqueue_dma source(%dma_start3A_26 : memref<40x128xi32, #tpu.memory_space<hbm>>) target(%dma_start3A_22 : memref<40x128xi32, #tpu.memory_space<vmem>>) target_semaphore(%run_scoped3A : memref<!tpu.dma_semaphore, #tpu.memory_space<semaphore_mem>>)
        %dma_wait3A = arith.constant 0 : i32
        %dma_wait3A_27 = arith.constant 0 : i32
        %dma_wait3A_28 = tpu.memref_slice %arg9[%dma_wait3A, %dma_wait3A_27] : memref<40x128xi32, #tpu.memory_space<vmem>> -> memref<40x128xi32, #tpu.memory_space<vmem>>
        %dma_wait3A_29 = arith.constant 0 : i32
        %dma_wait3A_30 = arith.constant 0 : i32
        %dma_wait3A_31 = tpu.memref_slice %arg5[%arg1, %dma_wait3A_29, %dma_wait3A_30] : memref<16x40x128xi32, #tpu.memory_space<hbm>> -> memref<1x40x128xi32, #tpu.memory_space<hbm>>
        %dma_wait3A_32 = tpu.memref_squeeze %dma_wait3A_31 : memref<1x40x128xi32, #tpu.memory_space<hbm>> -> memref<40x128xi32, #tpu.memory_space<hbm>>
        %dma_wait3A_33 = arith.constant 0 : i32
        %dma_wait3A_34 = arith.constant 0 : i32
        %dma_wait3A_35 = tpu.memref_slice %arg9[%dma_wait3A_33, %dma_wait3A_34] : memref<40x128xi32, #tpu.memory_space<vmem>> -> memref<40x128xi32, #tpu.memory_space<vmem>>
        %dma_wait3A_36 = arith.constant 0 : i32
        %dma_wait3A_37 = arith.constant 0 : i32
        %dma_wait3A_38 = tpu.memref_slice %arg5[%arg1, %dma_wait3A_36, %dma_wait3A_37] : memref<16x40x128xi32, #tpu.memory_space<hbm>> -> memref<1x40x128xi32, #tpu.memory_space<hbm>>
        %dma_wait3A_39 = tpu.memref_squeeze %dma_wait3A_38 : memref<1x40x128xi32, #tpu.memory_space<hbm>> -> memref<40x128xi32, #tpu.memory_space<hbm>>
        tpu.wait_dma2 semaphore(%run_scoped3A : memref<!tpu.dma_semaphore, #tpu.memory_space<semaphore_mem>>) src(%dma_wait3A_39 : memref<40x128xi32, #tpu.memory_space<hbm>>) dst(%dma_wait3A_35 : memref<40x128xi32, #tpu.memory_space<vmem>>)
        tpu.yield
      }) : () -> ()
      "tpu.region"() ({
        %run_scoped3A = tpu.sem_alloc : memref<!tpu.dma_semaphore, #tpu.memory_space<semaphore_mem>>
        %dma_start3A = arith.constant 0 : i32
        %dma_start3A_14 = arith.constant 0 : i32
        %dma_start3A_15 = tpu.memref_slice %arg10[%dma_start3A, %dma_start3A_14] : memref<40x128xi32, #tpu.memory_space<vmem>> -> memref<40x128xi32, #tpu.memory_space<vmem>>
        %dma_start3A_16 = arith.constant 0 : i32
        %dma_start3A_17 = arith.constant 0 : i32
        %dma_start3A_18 = tpu.memref_slice %arg6[%arg1, %dma_start3A_16, %dma_start3A_17] : memref<16x40x128xi32, #tpu.memory_space<hbm>> -> memref<1x40x128xi32, #tpu.memory_space<hbm>>
        %dma_start3A_19 = tpu.memref_squeeze %dma_start3A_18 : memref<1x40x128xi32, #tpu.memory_space<hbm>> -> memref<40x128xi32, #tpu.memory_space<hbm>>
        %dma_start3A_20 = arith.constant 0 : i32
        %dma_start3A_21 = arith.constant 0 : i32
        %dma_start3A_22 = tpu.memref_slice %arg10[%dma_start3A_20, %dma_start3A_21] : memref<40x128xi32, #tpu.memory_space<vmem>> -> memref<40x128xi32, #tpu.memory_space<vmem>>
        %dma_start3A_23 = arith.constant 0 : i32
        %dma_start3A_24 = arith.constant 0 : i32
        %dma_start3A_25 = tpu.memref_slice %arg6[%arg1, %dma_start3A_23, %dma_start3A_24] : memref<16x40x128xi32, #tpu.memory_space<hbm>> -> memref<1x40x128xi32, #tpu.memory_space<hbm>>
        %dma_start3A_26 = tpu.memref_squeeze %dma_start3A_25 : memref<1x40x128xi32, #tpu.memory_space<hbm>> -> memref<40x128xi32, #tpu.memory_space<hbm>>
        tpu.enqueue_dma source(%dma_start3A_26 : memref<40x128xi32, #tpu.memory_space<hbm>>) target(%dma_start3A_22 : memref<40x128xi32, #tpu.memory_space<vmem>>) target_semaphore(%run_scoped3A : memref<!tpu.dma_semaphore, #tpu.memory_space<semaphore_mem>>)
        %dma_wait3A = arith.constant 0 : i32
        %dma_wait3A_27 = arith.constant 0 : i32
        %dma_wait3A_28 = tpu.memref_slice %arg10[%dma_wait3A, %dma_wait3A_27] : memref<40x128xi32, #tpu.memory_space<vmem>> -> memref<40x128xi32, #tpu.memory_space<vmem>>
        %dma_wait3A_29 = arith.constant 0 : i32
        %dma_wait3A_30 = arith.constant 0 : i32
        %dma_wait3A_31 = tpu.memref_slice %arg6[%arg1, %dma_wait3A_29, %dma_wait3A_30] : memref<16x40x128xi32, #tpu.memory_space<hbm>> -> memref<1x40x128xi32, #tpu.memory_space<hbm>>
        %dma_wait3A_32 = tpu.memref_squeeze %dma_wait3A_31 : memref<1x40x128xi32, #tpu.memory_space<hbm>> -> memref<40x128xi32, #tpu.memory_space<hbm>>
        %dma_wait3A_33 = arith.constant 0 : i32
        %dma_wait3A_34 = arith.constant 0 : i32
        %dma_wait3A_35 = tpu.memref_slice %arg10[%dma_wait3A_33, %dma_wait3A_34] : memref<40x128xi32, #tpu.memory_space<vmem>> -> memref<40x128xi32, #tpu.memory_space<vmem>>
        %dma_wait3A_36 = arith.constant 0 : i32
        %dma_wait3A_37 = arith.constant 0 : i32
        %dma_wait3A_38 = tpu.memref_slice %arg6[%arg1, %dma_wait3A_36, %dma_wait3A_37] : memref<16x40x128xi32, #tpu.memory_space<hbm>> -> memref<1x40x128xi32, #tpu.memory_space<hbm>>
        %dma_wait3A_39 = tpu.memref_squeeze %dma_wait3A_38 : memref<1x40x128xi32, #tpu.memory_space<hbm>> -> memref<40x128xi32, #tpu.memory_space<hbm>>
        tpu.wait_dma2 semaphore(%run_scoped3A : memref<!tpu.dma_semaphore, #tpu.memory_space<semaphore_mem>>) src(%dma_wait3A_39 : memref<40x128xi32, #tpu.memory_space<hbm>>) dst(%dma_wait3A_35 : memref<40x128xi32, #tpu.memory_space<vmem>>)
        tpu.yield
      }) : () -> ()
      %scan3A = arith.constant 0 : i32
      %scan3A_9 = arith.constant 0 : i32
      %scan3A_10 = arith.constant 20 : i32
      %scan3A_11 = arith.addi %scan3A_9, %scan3A_10 : i32
      %scan3A_12 = arith.constant 1 : i32
      scf.for %scan3A_14 = %scan3A_9 to %scan3A_11 step %scan3A_12  : i32 {
        %mul3A_15 = arith.constant 2 : i32
        %mul3A_16 = arith.muli %scan3A_14, %mul3A_15 : i32
        %add3A = arith.constant 0 : i32
        %add3A_17 = arith.addi %mul3A_16, %add3A : i32
        %dma_start3A = arith.constant 0 : i32
        %dma_start3A_18 = tpu.memref_slice %arg9[%add3A_17, %dma_start3A] : memref<40x128xi32, #tpu.memory_space<vmem>> -> memref<1x128xi32, #tpu.memory_space<vmem>>
        %dma_start3A_19 = tpu.memref_squeeze %dma_start3A_18 : memref<1x128xi32, #tpu.memory_space<vmem>> -> memref<128xi32, #tpu.memory_space<vmem>>
        %dma_start3A_20 = arith.constant 0 : i32
        %dma_start3A_21 = arith.constant 0 : i32
        %dma_start3A_22 = tpu.memref_slice %arg2[%dma_start3A_20, %dma_start3A_21] : memref<10000x128xf32, #tpu.memory_space<hbm>> -> memref<10000x128xf32, #tpu.memory_space<hbm>>
        tpu.enqueue_indirect_dma source(%dma_start3A_22 : memref<10000x128xf32, #tpu.memory_space<hbm>>) target(%arg11 : memref<128x128xf32, #tpu.memory_space<vmem>>) offsets(%dma_start3A_19 : memref<128xi32, #tpu.memory_space<vmem>>) semaphore(%arg13 : memref<!tpu.dma_semaphore, #tpu.memory_space<semaphore_mem>>)
        %add3A_23 = arith.constant 1 : i32
        %add3A_24 = arith.addi %mul3A_16, %add3A_23 : i32
        %dma_start3A_25 = arith.constant 0 : i32
        %dma_start3A_26 = tpu.memref_slice %arg9[%add3A_24, %dma_start3A_25] : memref<40x128xi32, #tpu.memory_space<vmem>> -> memref<1x128xi32, #tpu.memory_space<vmem>>
        %dma_start3A_27 = tpu.memref_squeeze %dma_start3A_26 : memref<1x128xi32, #tpu.memory_space<vmem>> -> memref<128xi32, #tpu.memory_space<vmem>>
        %dma_start3A_28 = arith.constant 0 : i32
        %dma_start3A_29 = arith.constant 0 : i32
        %dma_start3A_30 = tpu.memref_slice %arg2[%dma_start3A_28, %dma_start3A_29] : memref<10000x128xf32, #tpu.memory_space<hbm>> -> memref<10000x128xf32, #tpu.memory_space<hbm>>
        tpu.enqueue_indirect_dma source(%dma_start3A_30 : memref<10000x128xf32, #tpu.memory_space<hbm>>) target(%arg12 : memref<128x128xf32, #tpu.memory_space<vmem>>) offsets(%dma_start3A_27 : memref<128xi32, #tpu.memory_space<vmem>>) semaphore(%arg14 : memref<!tpu.dma_semaphore, #tpu.memory_space<semaphore_mem>>)
        %dma_wait3A = arith.constant 0 : i32
        %dma_wait3A_31 = tpu.memref_slice %arg9[%add3A_17, %dma_wait3A] : memref<40x128xi32, #tpu.memory_space<vmem>> -> memref<1x128xi32, #tpu.memory_space<vmem>>
        %dma_wait3A_32 = tpu.memref_squeeze %dma_wait3A_31 : memref<1x128xi32, #tpu.memory_space<vmem>> -> memref<128xi32, #tpu.memory_space<vmem>>
        %dma_wait3A_33 = arith.constant 0 : i32
        %dma_wait3A_34 = arith.constant 0 : i32
        %dma_wait3A_35 = tpu.memref_slice %arg2[%dma_wait3A_33, %dma_wait3A_34] : memref<10000x128xf32, #tpu.memory_space<hbm>> -> memref<10000x128xf32, #tpu.memory_space<hbm>>
        tpu.wait_indirect_dma semaphore(%arg13 : memref<!tpu.dma_semaphore, #tpu.memory_space<semaphore_mem>>) src(%dma_wait3A_35 : memref<10000x128xf32, #tpu.memory_space<hbm>>) dst(%arg11 : memref<128x128xf32, #tpu.memory_space<vmem>>)
        %add3A_36 = arith.constant 0 : i32
        %add3A_37 = arith.addi %mul3A_16, %add3A_36 : i32
        %dma_start3A_38 = arith.constant 0 : i32
        %dma_start3A_39 = tpu.memref_slice %arg10[%add3A_37, %dma_start3A_38] : memref<40x128xi32, #tpu.memory_space<vmem>> -> memref<1x128xi32, #tpu.memory_space<vmem>>
        %dma_start3A_40 = tpu.memref_squeeze %dma_start3A_39 : memref<1x128xi32, #tpu.memory_space<vmem>> -> memref<128xi32, #tpu.memory_space<vmem>>
        %dma_start3A_41 = arith.constant 0 : i32
        %dma_start3A_42 = arith.constant 0 : i32
        %dma_start3A_43 = tpu.memref_slice %arg17[%dma_start3A_41, %dma_start3A_42] : memref<10112x128xf32, #tpu.memory_space<vmem_shared>> -> memref<10112x128xf32, #tpu.memory_space<vmem_shared>>
        tpu.enqueue_indirect_dma source(%arg11 : memref<128x128xf32, #tpu.memory_space<vmem>>) target(%dma_start3A_43 : memref<10112x128xf32, #tpu.memory_space<vmem_shared>>) offsets(%dma_start3A_40 : memref<128xi32, #tpu.memory_space<vmem>>) semaphore(%arg15 : memref<!tpu.dma_semaphore, #tpu.memory_space<semaphore_mem>>) {add = true}
        %dma_wait3A_44 = arith.constant 0 : i32
        %dma_wait3A_45 = tpu.memref_slice %arg9[%add3A_24, %dma_wait3A_44] : memref<40x128xi32, #tpu.memory_space<vmem>> -> memref<1x128xi32, #tpu.memory_space<vmem>>
        %dma_wait3A_46 = tpu.memref_squeeze %dma_wait3A_45 : memref<1x128xi32, #tpu.memory_space<vmem>> -> memref<128xi32, #tpu.memory_space<vmem>>
        %dma_wait3A_47 = arith.constant 0 : i32
        %dma_wait3A_48 = arith.constant 0 : i32
        %dma_wait3A_49 = tpu.memref_slice %arg2[%dma_wait3A_47, %dma_wait3A_48] : memref<10000x128xf32, #tpu.memory_space<hbm>> -> memref<10000x128xf32, #tpu.memory_space<hbm>>
        tpu.wait_indirect_dma semaphore(%arg14 : memref<!tpu.dma_semaphore, #tpu.memory_space<semaphore_mem>>) src(%dma_wait3A_49 : memref<10000x128xf32, #tpu.memory_space<hbm>>) dst(%arg12 : memref<128x128xf32, #tpu.memory_space<vmem>>)
        %add3A_50 = arith.constant 1 : i32
        %add3A_51 = arith.addi %mul3A_16, %add3A_50 : i32
        %dma_start3A_52 = arith.constant 0 : i32
        %dma_start3A_53 = tpu.memref_slice %arg10[%add3A_51, %dma_start3A_52] : memref<40x128xi32, #tpu.memory_space<vmem>> -> memref<1x128xi32, #tpu.memory_space<vmem>>
        %dma_start3A_54 = tpu.memref_squeeze %dma_start3A_53 : memref<1x128xi32, #tpu.memory_space<vmem>> -> memref<128xi32, #tpu.memory_space<vmem>>
        %dma_start3A_55 = arith.constant 0 : i32
        %dma_start3A_56 = arith.constant 0 : i32
        %dma_start3A_57 = tpu.memref_slice %arg17[%dma_start3A_55, %dma_start3A_56] : memref<10112x128xf32, #tpu.memory_space<vmem_shared>> -> memref<10112x128xf32, #tpu.memory_space<vmem_shared>>
        tpu.enqueue_indirect_dma source(%arg12 : memref<128x128xf32, #tpu.memory_space<vmem>>) target(%dma_start3A_57 : memref<10112x128xf32, #tpu.memory_space<vmem_shared>>) offsets(%dma_start3A_54 : memref<128xi32, #tpu.memory_space<vmem>>) semaphore(%arg16 : memref<!tpu.dma_semaphore, #tpu.memory_space<semaphore_mem>>) {add = true}
        %dma_wait3A_58 = arith.constant 0 : i32
        %dma_wait3A_59 = tpu.memref_slice %arg10[%add3A_37, %dma_wait3A_58] : memref<40x128xi32, #tpu.memory_space<vmem>> -> memref<1x128xi32, #tpu.memory_space<vmem>>
        %dma_wait3A_60 = tpu.memref_squeeze %dma_wait3A_59 : memref<1x128xi32, #tpu.memory_space<vmem>> -> memref<128xi32, #tpu.memory_space<vmem>>
        %dma_wait3A_61 = arith.constant 0 : i32
        %dma_wait3A_62 = arith.constant 0 : i32
        %dma_wait3A_63 = tpu.memref_slice %arg17[%dma_wait3A_61, %dma_wait3A_62] : memref<10112x128xf32, #tpu.memory_space<vmem_shared>> -> memref<10112x128xf32, #tpu.memory_space<vmem_shared>>
        tpu.wait_indirect_dma semaphore(%arg15 : memref<!tpu.dma_semaphore, #tpu.memory_space<semaphore_mem>>) src(%arg11 : memref<128x128xf32, #tpu.memory_space<vmem>>) dst(%dma_wait3A_63 : memref<10112x128xf32, #tpu.memory_space<vmem_shared>>)
        %dma_wait3A_64 = arith.constant 0 : i32
        %dma_wait3A_65 = tpu.memref_slice %arg10[%add3A_51, %dma_wait3A_64] : memref<40x128xi32, #tpu.memory_space<vmem>> -> memref<1x128xi32, #tpu.memory_space<vmem>>
        %dma_wait3A_66 = tpu.memref_squeeze %dma_wait3A_65 : memref<1x128xi32, #tpu.memory_space<vmem>> -> memref<128xi32, #tpu.memory_space<vmem>>
        %dma_wait3A_67 = arith.constant 0 : i32
        %dma_wait3A_68 = arith.constant 0 : i32
        %dma_wait3A_69 = tpu.memref_slice %arg17[%dma_wait3A_67, %dma_wait3A_68] : memref<10112x128xf32, #tpu.memory_space<vmem_shared>> -> memref<10112x128xf32, #tpu.memory_space<vmem_shared>>
        tpu.wait_indirect_dma semaphore(%arg16 : memref<!tpu.dma_semaphore, #tpu.memory_space<semaphore_mem>>) src(%arg12 : memref<128x128xf32, #tpu.memory_space<vmem>>) dst(%dma_wait3A_69 : memref<10112x128xf32, #tpu.memory_space<vmem_shared>>)
      }
      %scan3A_13 = arith.constant 20 : i32
    } else {
    }
    %barrier3A_8 = arith.constant 0 : index
    tpu.barrier barrier_id(%barrier3A_8)
    "tpu.region"() ({
      %run_scoped3A = tpu.sem_alloc : memref<!tpu.dma_semaphore, #tpu.memory_space<semaphore_mem>>
      %dma_start3A = arith.constant 0 : i32
      %dma_start3A_9 = tpu.memref_slice %arg8[%arg0, %mul3A_0, %dma_start3A] : memref<2x10112x128xf32, #tpu.memory_space<hbm>> -> memref<1x632x128xf32, #tpu.memory_space<hbm>>
      %dma_start3A_10 = tpu.memref_squeeze %dma_start3A_9 : memref<1x632x128xf32, #tpu.memory_space<hbm>> -> memref<632x128xf32, #tpu.memory_space<hbm>>
      %dma_start3A_11 = arith.constant 0 : i32
      %dma_start3A_12 = tpu.memref_slice %arg17[%mul3A_0, %dma_start3A_11] : memref<10112x128xf32, #tpu.memory_space<vmem_shared>> -> memref<632x128xf32, #tpu.memory_space<vmem_shared>>
      tpu.enqueue_dma source(%dma_start3A_12 : memref<632x128xf32, #tpu.memory_space<vmem_shared>>) target(%dma_start3A_10 : memref<632x128xf32, #tpu.memory_space<hbm>>) target_semaphore(%run_scoped3A : memref<!tpu.dma_semaphore, #tpu.memory_space<semaphore_mem>>)
      %dma_wait3A = arith.constant 0 : i32
      %dma_wait3A_13 = tpu.memref_slice %arg8[%arg0, %mul3A_0, %dma_wait3A] : memref<2x10112x128xf32, #tpu.memory_space<hbm>> -> memref<1x632x128xf32, #tpu.memory_space<hbm>>
      %dma_wait3A_14 = tpu.memref_squeeze %dma_wait3A_13 : memref<1x632x128xf32, #tpu.memory_space<hbm>> -> memref<632x128xf32, #tpu.memory_space<hbm>>
      %dma_wait3A_15 = arith.constant 0 : i32
      %dma_wait3A_16 = tpu.memref_slice %arg17[%mul3A_0, %dma_wait3A_15] : memref<10112x128xf32, #tpu.memory_space<vmem_shared>> -> memref<632x128xf32, #tpu.memory_space<vmem_shared>>
      tpu.wait_dma2 semaphore(%run_scoped3A : memref<!tpu.dma_semaphore, #tpu.memory_space<semaphore_mem>>) src(%dma_wait3A_16 : memref<632x128xf32, #tpu.memory_space<vmem_shared>>) dst(%dma_wait3A_14 : memref<632x128xf32, #tpu.memory_space<hbm>>)
      tpu.yield
    }) : () -> ()
    return
  }
}

#map = affine_map<(d0, d1) -> (0, 0)>
#map1 = affine_map<(d0, d1) -> (0, 0, 0)>
module attributes {stable_mosaic.version = 14 : i64} {
  func.func @_agg_body(%arg0: i32, %arg1: i32, %arg2: memref<10000x128xf32, #tpu.memory_space<hbm>>, %arg3: memref<16x120x128xi32, #tpu.memory_space<hbm>>, %arg4: memref<16x120x128xi32, #tpu.memory_space<hbm>>, %arg5: memref<16x40x128xi32, #tpu.memory_space<hbm>>, %arg6: memref<16x40x128xi32, #tpu.memory_space<hbm>>, %arg7: memref<10112x128xf32, #tpu.memory_space<hbm>>, %arg8: memref<2x10112x128xf32, #tpu.memory_space<hbm>>, %arg9: memref<40x128xi32, #tpu.memory_space<vmem>>, %arg10: memref<40x128xi32, #tpu.memory_space<vmem>>, %arg11: memref<128x128xf32, #tpu.memory_space<vmem>>, %arg12: memref<128x128xf32, #tpu.memory_space<vmem>>, %arg13: memref<!tpu.dma_semaphore, #tpu.memory_space<semaphore_mem>>, %arg14: memref<!tpu.dma_semaphore, #tpu.memory_space<semaphore_mem>>, %arg15: memref<!tpu.dma_semaphore, #tpu.memory_space<semaphore_mem>>, %arg16: memref<!tpu.dma_semaphore, #tpu.memory_space<semaphore_mem>>, %arg17: memref<10112x128xf32, #tpu.memory_space<vmem_shared>>) attributes {dimension_semantics = [#tpu.dimension_semantics<core_parallel>, #tpu.dimension_semantics<subcore_parallel>], iteration_bounds = array<i64: 2, 16>, scalar_prefetch = 0 : i64, scratch_operands = 9 : i64, tpu.core_type = #tpu.core_type<sc_vector_subcore>, window_params = [{transform_indices = #map}, {transform_indices = #map1}, {transform_indices = #map1}, {transform_indices = #map1}, {transform_indices = #map1}, {transform_indices = #map}, {transform_indices = #map1}]} {
    %mul3A = arith.constant 632 : i32
    %mul3A_0 = arith.muli %arg1, %mul3A : i32
    "tpu.region"() ({
      %run_scoped3A = tpu.sem_alloc : memref<!tpu.dma_semaphore, #tpu.memory_space<semaphore_mem>>
      %dma_start3A = arith.constant 0 : i32
      %dma_start3A_9 = tpu.memref_slice %arg17[%mul3A_0, %dma_start3A] : memref<10112x128xf32, #tpu.memory_space<vmem_shared>> -> memref<632x128xf32, #tpu.memory_space<vmem_shared>>
      %dma_start3A_10 = arith.constant 0 : i32
      %dma_start3A_11 = tpu.memref_slice %arg7[%mul3A_0, %dma_start3A_10] : memref<10112x128xf32, #tpu.memory_space<hbm>> -> memref<632x128xf32, #tpu.memory_space<hbm>>
      tpu.enqueue_dma source(%dma_start3A_11 : memref<632x128xf32, #tpu.memory_space<hbm>>) target(%dma_start3A_9 : memref<632x128xf32, #tpu.memory_space<vmem_shared>>) target_semaphore(%run_scoped3A : memref<!tpu.dma_semaphore, #tpu.memory_space<semaphore_mem>>)
      %dma_wait3A = arith.constant 0 : i32
      %dma_wait3A_12 = tpu.memref_slice %arg17[%mul3A_0, %dma_wait3A] : memref<10112x128xf32, #tpu.memory_space<vmem_shared>> -> memref<632x128xf32, #tpu.memory_space<vmem_shared>>
      %dma_wait3A_13 = arith.constant 0 : i32
      %dma_wait3A_14 = tpu.memref_slice %arg7[%mul3A_0, %dma_wait3A_13] : memref<10112x128xf32, #tpu.memory_space<hbm>> -> memref<632x128xf32, #tpu.memory_space<hbm>>
      tpu.wait_dma2 semaphore(%run_scoped3A : memref<!tpu.dma_semaphore, #tpu.memory_space<semaphore_mem>>) src(%dma_wait3A_14 : memref<632x128xf32, #tpu.memory_space<hbm>>) dst(%dma_wait3A_12 : memref<632x128xf32, #tpu.memory_space<vmem_shared>>)
      tpu.yield
    }) : () -> ()
    %barrier3A = arith.constant 0 : index
    tpu.barrier barrier_id(%barrier3A)
    %eq3A = arith.constant 0 : i32
    %eq3A_1 = arith.cmpi eq, %arg0, %eq3A : i32
    %convert_element_type3A = arith.extui %eq3A_1 : i1 to i32
    %cond3A = arith.constant 0 : i32
    %cond3A_2 = arith.cmpi ne, %convert_element_type3A, %cond3A : i32
    scf.if %cond3A_2 {
      "tpu.region"() ({
        %run_scoped3A = tpu.sem_alloc : memref<!tpu.dma_semaphore, #tpu.memory_space<semaphore_mem>>
        %dma_start3A = arith.constant 0 : i32
        %dma_start3A_26 = arith.constant 0 : i32
        %dma_start3A_27 = tpu.memref_slice %arg9[%dma_start3A, %dma_start3A_26] : memref<40x128xi32, #tpu.memory_space<vmem>> -> memref<40x128xi32, #tpu.memory_space<vmem>>
        %dma_start3A_28 = arith.constant 0 : i32
        %dma_start3A_29 = arith.constant 0 : i32
        %dma_start3A_30 = tpu.memref_slice %arg3[%arg1, %dma_start3A_28, %dma_start3A_29] : memref<16x120x128xi32, #tpu.memory_space<hbm>> -> memref<1x40x128xi32, #tpu.memory_space<hbm>>
        %dma_start3A_31 = tpu.memref_squeeze %dma_start3A_30 : memref<1x40x128xi32, #tpu.memory_space<hbm>> -> memref<40x128xi32, #tpu.memory_space<hbm>>
        %dma_start3A_32 = arith.constant 0 : i32
        %dma_start3A_33 = arith.constant 0 : i32
        %dma_start3A_34 = tpu.memref_slice %arg9[%dma_start3A_32, %dma_start3A_33] : memref<40x128xi32, #tpu.memory_space<vmem>> -> memref<40x128xi32, #tpu.memory_space<vmem>>
        %dma_start3A_35 = arith.constant 0 : i32
        %dma_start3A_36 = arith.constant 0 : i32
        %dma_start3A_37 = tpu.memref_slice %arg3[%arg1, %dma_start3A_35, %dma_start3A_36] : memref<16x120x128xi32, #tpu.memory_space<hbm>> -> memref<1x40x128xi32, #tpu.memory_space<hbm>>
        %dma_start3A_38 = tpu.memref_squeeze %dma_start3A_37 : memref<1x40x128xi32, #tpu.memory_space<hbm>> -> memref<40x128xi32, #tpu.memory_space<hbm>>
        tpu.enqueue_dma source(%dma_start3A_38 : memref<40x128xi32, #tpu.memory_space<hbm>>) target(%dma_start3A_34 : memref<40x128xi32, #tpu.memory_space<vmem>>) target_semaphore(%run_scoped3A : memref<!tpu.dma_semaphore, #tpu.memory_space<semaphore_mem>>)
        %dma_wait3A = arith.constant 0 : i32
        %dma_wait3A_39 = arith.constant 0 : i32
        %dma_wait3A_40 = tpu.memref_slice %arg9[%dma_wait3A, %dma_wait3A_39] : memref<40x128xi32, #tpu.memory_space<vmem>> -> memref<40x128xi32, #tpu.memory_space<vmem>>
        %dma_wait3A_41 = arith.constant 0 : i32
        %dma_wait3A_42 = arith.constant 0 : i32
        %dma_wait3A_43 = tpu.memref_slice %arg3[%arg1, %dma_wait3A_41, %dma_wait3A_42] : memref<16x120x128xi32, #tpu.memory_space<hbm>> -> memref<1x40x128xi32, #tpu.memory_space<hbm>>
        %dma_wait3A_44 = tpu.memref_squeeze %dma_wait3A_43 : memref<1x40x128xi32, #tpu.memory_space<hbm>> -> memref<40x128xi32, #tpu.memory_space<hbm>>
        %dma_wait3A_45 = arith.constant 0 : i32
        %dma_wait3A_46 = arith.constant 0 : i32
        %dma_wait3A_47 = tpu.memref_slice %arg9[%dma_wait3A_45, %dma_wait3A_46] : memref<40x128xi32, #tpu.memory_space<vmem>> -> memref<40x128xi32, #tpu.memory_space<vmem>>
        %dma_wait3A_48 = arith.constant 0 : i32
        %dma_wait3A_49 = arith.constant 0 : i32
        %dma_wait3A_50 = tpu.memref_slice %arg3[%arg1, %dma_wait3A_48, %dma_wait3A_49] : memref<16x120x128xi32, #tpu.memory_space<hbm>> -> memref<1x40x128xi32, #tpu.memory_space<hbm>>
        %dma_wait3A_51 = tpu.memref_squeeze %dma_wait3A_50 : memref<1x40x128xi32, #tpu.memory_space<hbm>> -> memref<40x128xi32, #tpu.memory_space<hbm>>
        tpu.wait_dma2 semaphore(%run_scoped3A : memref<!tpu.dma_semaphore, #tpu.memory_space<semaphore_mem>>) src(%dma_wait3A_51 : memref<40x128xi32, #tpu.memory_space<hbm>>) dst(%dma_wait3A_47 : memref<40x128xi32, #tpu.memory_space<vmem>>)
        tpu.yield
      }) : () -> ()
      "tpu.region"() ({
        %run_scoped3A = tpu.sem_alloc : memref<!tpu.dma_semaphore, #tpu.memory_space<semaphore_mem>>
        %dma_start3A = arith.constant 0 : i32
        %dma_start3A_26 = arith.constant 0 : i32
        %dma_start3A_27 = tpu.memref_slice %arg10[%dma_start3A, %dma_start3A_26] : memref<40x128xi32, #tpu.memory_space<vmem>> -> memref<40x128xi32, #tpu.memory_space<vmem>>
        %dma_start3A_28 = arith.constant 0 : i32
        %dma_start3A_29 = arith.constant 0 : i32
        %dma_start3A_30 = tpu.memref_slice %arg4[%arg1, %dma_start3A_28, %dma_start3A_29] : memref<16x120x128xi32, #tpu.memory_space<hbm>> -> memref<1x40x128xi32, #tpu.memory_space<hbm>>
        %dma_start3A_31 = tpu.memref_squeeze %dma_start3A_30 : memref<1x40x128xi32, #tpu.memory_space<hbm>> -> memref<40x128xi32, #tpu.memory_space<hbm>>
        %dma_start3A_32 = arith.constant 0 : i32
        %dma_start3A_33 = arith.constant 0 : i32
        %dma_start3A_34 = tpu.memref_slice %arg10[%dma_start3A_32, %dma_start3A_33] : memref<40x128xi32, #tpu.memory_space<vmem>> -> memref<40x128xi32, #tpu.memory_space<vmem>>
        %dma_start3A_35 = arith.constant 0 : i32
        %dma_start3A_36 = arith.constant 0 : i32
        %dma_start3A_37 = tpu.memref_slice %arg4[%arg1, %dma_start3A_35, %dma_start3A_36] : memref<16x120x128xi32, #tpu.memory_space<hbm>> -> memref<1x40x128xi32, #tpu.memory_space<hbm>>
        %dma_start3A_38 = tpu.memref_squeeze %dma_start3A_37 : memref<1x40x128xi32, #tpu.memory_space<hbm>> -> memref<40x128xi32, #tpu.memory_space<hbm>>
        tpu.enqueue_dma source(%dma_start3A_38 : memref<40x128xi32, #tpu.memory_space<hbm>>) target(%dma_start3A_34 : memref<40x128xi32, #tpu.memory_space<vmem>>) target_semaphore(%run_scoped3A : memref<!tpu.dma_semaphore, #tpu.memory_space<semaphore_mem>>)
        %dma_wait3A = arith.constant 0 : i32
        %dma_wait3A_39 = arith.constant 0 : i32
        %dma_wait3A_40 = tpu.memref_slice %arg10[%dma_wait3A, %dma_wait3A_39] : memref<40x128xi32, #tpu.memory_space<vmem>> -> memref<40x128xi32, #tpu.memory_space<vmem>>
        %dma_wait3A_41 = arith.constant 0 : i32
        %dma_wait3A_42 = arith.constant 0 : i32
        %dma_wait3A_43 = tpu.memref_slice %arg4[%arg1, %dma_wait3A_41, %dma_wait3A_42] : memref<16x120x128xi32, #tpu.memory_space<hbm>> -> memref<1x40x128xi32, #tpu.memory_space<hbm>>
        %dma_wait3A_44 = tpu.memref_squeeze %dma_wait3A_43 : memref<1x40x128xi32, #tpu.memory_space<hbm>> -> memref<40x128xi32, #tpu.memory_space<hbm>>
        %dma_wait3A_45 = arith.constant 0 : i32
        %dma_wait3A_46 = arith.constant 0 : i32
        %dma_wait3A_47 = tpu.memref_slice %arg10[%dma_wait3A_45, %dma_wait3A_46] : memref<40x128xi32, #tpu.memory_space<vmem>> -> memref<40x128xi32, #tpu.memory_space<vmem>>
        %dma_wait3A_48 = arith.constant 0 : i32
        %dma_wait3A_49 = arith.constant 0 : i32
        %dma_wait3A_50 = tpu.memref_slice %arg4[%arg1, %dma_wait3A_48, %dma_wait3A_49] : memref<16x120x128xi32, #tpu.memory_space<hbm>> -> memref<1x40x128xi32, #tpu.memory_space<hbm>>
        %dma_wait3A_51 = tpu.memref_squeeze %dma_wait3A_50 : memref<1x40x128xi32, #tpu.memory_space<hbm>> -> memref<40x128xi32, #tpu.memory_space<hbm>>
        tpu.wait_dma2 semaphore(%run_scoped3A : memref<!tpu.dma_semaphore, #tpu.memory_space<semaphore_mem>>) src(%dma_wait3A_51 : memref<40x128xi32, #tpu.memory_space<hbm>>) dst(%dma_wait3A_47 : memref<40x128xi32, #tpu.memory_space<vmem>>)
        tpu.yield
      }) : () -> ()
      %scan3A = arith.constant 0 : i32
      %scan3A_9 = arith.constant 0 : i32
      %scan3A_10 = arith.constant 20 : i32
      %scan3A_11 = arith.addi %scan3A_9, %scan3A_10 : i32
      %scan3A_12 = arith.constant 1 : i32
      scf.for %scan3A_26 = %scan3A_9 to %scan3A_11 step %scan3A_12  : i32 {
        %mul3A_27 = arith.constant 2 : i32
        %mul3A_28 = arith.muli %scan3A_26, %mul3A_27 : i32
        %add3A = arith.constant 0 : i32
        %add3A_29 = arith.addi %mul3A_28, %add3A : i32
        %dma_start3A = arith.constant 0 : i32
        %dma_start3A_30 = tpu.memref_slice %arg9[%add3A_29, %dma_start3A] : memref<40x128xi32, #tpu.memory_space<vmem>> -> memref<1x128xi32, #tpu.memory_space<vmem>>
        %dma_start3A_31 = tpu.memref_squeeze %dma_start3A_30 : memref<1x128xi32, #tpu.memory_space<vmem>> -> memref<128xi32, #tpu.memory_space<vmem>>
        %dma_start3A_32 = arith.constant 0 : i32
        %dma_start3A_33 = arith.constant 0 : i32
        %dma_start3A_34 = tpu.memref_slice %arg2[%dma_start3A_32, %dma_start3A_33] : memref<10000x128xf32, #tpu.memory_space<hbm>> -> memref<10000x128xf32, #tpu.memory_space<hbm>>
        tpu.enqueue_indirect_dma source(%dma_start3A_34 : memref<10000x128xf32, #tpu.memory_space<hbm>>) target(%arg11 : memref<128x128xf32, #tpu.memory_space<vmem>>) offsets(%dma_start3A_31 : memref<128xi32, #tpu.memory_space<vmem>>) semaphore(%arg13 : memref<!tpu.dma_semaphore, #tpu.memory_space<semaphore_mem>>)
        %add3A_35 = arith.constant 1 : i32
        %add3A_36 = arith.addi %mul3A_28, %add3A_35 : i32
        %dma_start3A_37 = arith.constant 0 : i32
        %dma_start3A_38 = tpu.memref_slice %arg9[%add3A_36, %dma_start3A_37] : memref<40x128xi32, #tpu.memory_space<vmem>> -> memref<1x128xi32, #tpu.memory_space<vmem>>
        %dma_start3A_39 = tpu.memref_squeeze %dma_start3A_38 : memref<1x128xi32, #tpu.memory_space<vmem>> -> memref<128xi32, #tpu.memory_space<vmem>>
        %dma_start3A_40 = arith.constant 0 : i32
        %dma_start3A_41 = arith.constant 0 : i32
        %dma_start3A_42 = tpu.memref_slice %arg2[%dma_start3A_40, %dma_start3A_41] : memref<10000x128xf32, #tpu.memory_space<hbm>> -> memref<10000x128xf32, #tpu.memory_space<hbm>>
        tpu.enqueue_indirect_dma source(%dma_start3A_42 : memref<10000x128xf32, #tpu.memory_space<hbm>>) target(%arg12 : memref<128x128xf32, #tpu.memory_space<vmem>>) offsets(%dma_start3A_39 : memref<128xi32, #tpu.memory_space<vmem>>) semaphore(%arg14 : memref<!tpu.dma_semaphore, #tpu.memory_space<semaphore_mem>>)
        %dma_wait3A = arith.constant 0 : i32
        %dma_wait3A_43 = tpu.memref_slice %arg9[%add3A_29, %dma_wait3A] : memref<40x128xi32, #tpu.memory_space<vmem>> -> memref<1x128xi32, #tpu.memory_space<vmem>>
        %dma_wait3A_44 = tpu.memref_squeeze %dma_wait3A_43 : memref<1x128xi32, #tpu.memory_space<vmem>> -> memref<128xi32, #tpu.memory_space<vmem>>
        %dma_wait3A_45 = arith.constant 0 : i32
        %dma_wait3A_46 = arith.constant 0 : i32
        %dma_wait3A_47 = tpu.memref_slice %arg2[%dma_wait3A_45, %dma_wait3A_46] : memref<10000x128xf32, #tpu.memory_space<hbm>> -> memref<10000x128xf32, #tpu.memory_space<hbm>>
        tpu.wait_indirect_dma semaphore(%arg13 : memref<!tpu.dma_semaphore, #tpu.memory_space<semaphore_mem>>) src(%dma_wait3A_47 : memref<10000x128xf32, #tpu.memory_space<hbm>>) dst(%arg11 : memref<128x128xf32, #tpu.memory_space<vmem>>)
        %add3A_48 = arith.constant 0 : i32
        %add3A_49 = arith.addi %mul3A_28, %add3A_48 : i32
        %dma_start3A_50 = arith.constant 0 : i32
        %dma_start3A_51 = tpu.memref_slice %arg10[%add3A_49, %dma_start3A_50] : memref<40x128xi32, #tpu.memory_space<vmem>> -> memref<1x128xi32, #tpu.memory_space<vmem>>
        %dma_start3A_52 = tpu.memref_squeeze %dma_start3A_51 : memref<1x128xi32, #tpu.memory_space<vmem>> -> memref<128xi32, #tpu.memory_space<vmem>>
        %dma_start3A_53 = arith.constant 0 : i32
        %dma_start3A_54 = arith.constant 0 : i32
        %dma_start3A_55 = tpu.memref_slice %arg17[%dma_start3A_53, %dma_start3A_54] : memref<10112x128xf32, #tpu.memory_space<vmem_shared>> -> memref<10112x128xf32, #tpu.memory_space<vmem_shared>>
        tpu.enqueue_indirect_dma source(%arg11 : memref<128x128xf32, #tpu.memory_space<vmem>>) target(%dma_start3A_55 : memref<10112x128xf32, #tpu.memory_space<vmem_shared>>) offsets(%dma_start3A_52 : memref<128xi32, #tpu.memory_space<vmem>>) semaphore(%arg15 : memref<!tpu.dma_semaphore, #tpu.memory_space<semaphore_mem>>) {add = true}
        %dma_wait3A_56 = arith.constant 0 : i32
        %dma_wait3A_57 = tpu.memref_slice %arg9[%add3A_36, %dma_wait3A_56] : memref<40x128xi32, #tpu.memory_space<vmem>> -> memref<1x128xi32, #tpu.memory_space<vmem>>
        %dma_wait3A_58 = tpu.memref_squeeze %dma_wait3A_57 : memref<1x128xi32, #tpu.memory_space<vmem>> -> memref<128xi32, #tpu.memory_space<vmem>>
        %dma_wait3A_59 = arith.constant 0 : i32
        %dma_wait3A_60 = arith.constant 0 : i32
        %dma_wait3A_61 = tpu.memref_slice %arg2[%dma_wait3A_59, %dma_wait3A_60] : memref<10000x128xf32, #tpu.memory_space<hbm>> -> memref<10000x128xf32, #tpu.memory_space<hbm>>
        tpu.wait_indirect_dma semaphore(%arg14 : memref<!tpu.dma_semaphore, #tpu.memory_space<semaphore_mem>>) src(%dma_wait3A_61 : memref<10000x128xf32, #tpu.memory_space<hbm>>) dst(%arg12 : memref<128x128xf32, #tpu.memory_space<vmem>>)
        %add3A_62 = arith.constant 1 : i32
        %add3A_63 = arith.addi %mul3A_28, %add3A_62 : i32
        %dma_start3A_64 = arith.constant 0 : i32
        %dma_start3A_65 = tpu.memref_slice %arg10[%add3A_63, %dma_start3A_64] : memref<40x128xi32, #tpu.memory_space<vmem>> -> memref<1x128xi32, #tpu.memory_space<vmem>>
        %dma_start3A_66 = tpu.memref_squeeze %dma_start3A_65 : memref<1x128xi32, #tpu.memory_space<vmem>> -> memref<128xi32, #tpu.memory_space<vmem>>
        %dma_start3A_67 = arith.constant 0 : i32
        %dma_start3A_68 = arith.constant 0 : i32
        %dma_start3A_69 = tpu.memref_slice %arg17[%dma_start3A_67, %dma_start3A_68] : memref<10112x128xf32, #tpu.memory_space<vmem_shared>> -> memref<10112x128xf32, #tpu.memory_space<vmem_shared>>
        tpu.enqueue_indirect_dma source(%arg12 : memref<128x128xf32, #tpu.memory_space<vmem>>) target(%dma_start3A_69 : memref<10112x128xf32, #tpu.memory_space<vmem_shared>>) offsets(%dma_start3A_66 : memref<128xi32, #tpu.memory_space<vmem>>) semaphore(%arg16 : memref<!tpu.dma_semaphore, #tpu.memory_space<semaphore_mem>>) {add = true}
        %dma_wait3A_70 = arith.constant 0 : i32
        %dma_wait3A_71 = tpu.memref_slice %arg10[%add3A_49, %dma_wait3A_70] : memref<40x128xi32, #tpu.memory_space<vmem>> -> memref<1x128xi32, #tpu.memory_space<vmem>>
        %dma_wait3A_72 = tpu.memref_squeeze %dma_wait3A_71 : memref<1x128xi32, #tpu.memory_space<vmem>> -> memref<128xi32, #tpu.memory_space<vmem>>
        %dma_wait3A_73 = arith.constant 0 : i32
        %dma_wait3A_74 = arith.constant 0 : i32
        %dma_wait3A_75 = tpu.memref_slice %arg17[%dma_wait3A_73, %dma_wait3A_74] : memref<10112x128xf32, #tpu.memory_space<vmem_shared>> -> memref<10112x128xf32, #tpu.memory_space<vmem_shared>>
        tpu.wait_indirect_dma semaphore(%arg15 : memref<!tpu.dma_semaphore, #tpu.memory_space<semaphore_mem>>) src(%arg11 : memref<128x128xf32, #tpu.memory_space<vmem>>) dst(%dma_wait3A_75 : memref<10112x128xf32, #tpu.memory_space<vmem_shared>>)
        %dma_wait3A_76 = arith.constant 0 : i32
        %dma_wait3A_77 = tpu.memref_slice %arg10[%add3A_63, %dma_wait3A_76] : memref<40x128xi32, #tpu.memory_space<vmem>> -> memref<1x128xi32, #tpu.memory_space<vmem>>
        %dma_wait3A_78 = tpu.memref_squeeze %dma_wait3A_77 : memref<1x128xi32, #tpu.memory_space<vmem>> -> memref<128xi32, #tpu.memory_space<vmem>>
        %dma_wait3A_79 = arith.constant 0 : i32
        %dma_wait3A_80 = arith.constant 0 : i32
        %dma_wait3A_81 = tpu.memref_slice %arg17[%dma_wait3A_79, %dma_wait3A_80] : memref<10112x128xf32, #tpu.memory_space<vmem_shared>> -> memref<10112x128xf32, #tpu.memory_space<vmem_shared>>
        tpu.wait_indirect_dma semaphore(%arg16 : memref<!tpu.dma_semaphore, #tpu.memory_space<semaphore_mem>>) src(%arg12 : memref<128x128xf32, #tpu.memory_space<vmem>>) dst(%dma_wait3A_81 : memref<10112x128xf32, #tpu.memory_space<vmem_shared>>)
      }
      %scan3A_13 = arith.constant 20 : i32
      "tpu.region"() ({
        %run_scoped3A = tpu.sem_alloc : memref<!tpu.dma_semaphore, #tpu.memory_space<semaphore_mem>>
        %dma_start3A = arith.constant 0 : i32
        %dma_start3A_26 = arith.constant 0 : i32
        %dma_start3A_27 = tpu.memref_slice %arg9[%dma_start3A, %dma_start3A_26] : memref<40x128xi32, #tpu.memory_space<vmem>> -> memref<40x128xi32, #tpu.memory_space<vmem>>
        %dma_start3A_28 = arith.constant 40 : i32
        %dma_start3A_29 = arith.constant 0 : i32
        %dma_start3A_30 = tpu.memref_slice %arg3[%arg1, %dma_start3A_28, %dma_start3A_29] : memref<16x120x128xi32, #tpu.memory_space<hbm>> -> memref<1x40x128xi32, #tpu.memory_space<hbm>>
        %dma_start3A_31 = tpu.memref_squeeze %dma_start3A_30 : memref<1x40x128xi32, #tpu.memory_space<hbm>> -> memref<40x128xi32, #tpu.memory_space<hbm>>
        %dma_start3A_32 = arith.constant 0 : i32
        %dma_start3A_33 = arith.constant 0 : i32
        %dma_start3A_34 = tpu.memref_slice %arg9[%dma_start3A_32, %dma_start3A_33] : memref<40x128xi32, #tpu.memory_space<vmem>> -> memref<40x128xi32, #tpu.memory_space<vmem>>
        %dma_start3A_35 = arith.constant 40 : i32
        %dma_start3A_36 = arith.constant 0 : i32
        %dma_start3A_37 = tpu.memref_slice %arg3[%arg1, %dma_start3A_35, %dma_start3A_36] : memref<16x120x128xi32, #tpu.memory_space<hbm>> -> memref<1x40x128xi32, #tpu.memory_space<hbm>>
        %dma_start3A_38 = tpu.memref_squeeze %dma_start3A_37 : memref<1x40x128xi32, #tpu.memory_space<hbm>> -> memref<40x128xi32, #tpu.memory_space<hbm>>
        tpu.enqueue_dma source(%dma_start3A_38 : memref<40x128xi32, #tpu.memory_space<hbm>>) target(%dma_start3A_34 : memref<40x128xi32, #tpu.memory_space<vmem>>) target_semaphore(%run_scoped3A : memref<!tpu.dma_semaphore, #tpu.memory_space<semaphore_mem>>)
        %dma_wait3A = arith.constant 0 : i32
        %dma_wait3A_39 = arith.constant 0 : i32
        %dma_wait3A_40 = tpu.memref_slice %arg9[%dma_wait3A, %dma_wait3A_39] : memref<40x128xi32, #tpu.memory_space<vmem>> -> memref<40x128xi32, #tpu.memory_space<vmem>>
        %dma_wait3A_41 = arith.constant 40 : i32
        %dma_wait3A_42 = arith.constant 0 : i32
        %dma_wait3A_43 = tpu.memref_slice %arg3[%arg1, %dma_wait3A_41, %dma_wait3A_42] : memref<16x120x128xi32, #tpu.memory_space<hbm>> -> memref<1x40x128xi32, #tpu.memory_space<hbm>>
        %dma_wait3A_44 = tpu.memref_squeeze %dma_wait3A_43 : memref<1x40x128xi32, #tpu.memory_space<hbm>> -> memref<40x128xi32, #tpu.memory_space<hbm>>
        %dma_wait3A_45 = arith.constant 0 : i32
        %dma_wait3A_46 = arith.constant 0 : i32
        %dma_wait3A_47 = tpu.memref_slice %arg9[%dma_wait3A_45, %dma_wait3A_46] : memref<40x128xi32, #tpu.memory_space<vmem>> -> memref<40x128xi32, #tpu.memory_space<vmem>>
        %dma_wait3A_48 = arith.constant 40 : i32
        %dma_wait3A_49 = arith.constant 0 : i32
        %dma_wait3A_50 = tpu.memref_slice %arg3[%arg1, %dma_wait3A_48, %dma_wait3A_49] : memref<16x120x128xi32, #tpu.memory_space<hbm>> -> memref<1x40x128xi32, #tpu.memory_space<hbm>>
        %dma_wait3A_51 = tpu.memref_squeeze %dma_wait3A_50 : memref<1x40x128xi32, #tpu.memory_space<hbm>> -> memref<40x128xi32, #tpu.memory_space<hbm>>
        tpu.wait_dma2 semaphore(%run_scoped3A : memref<!tpu.dma_semaphore, #tpu.memory_space<semaphore_mem>>) src(%dma_wait3A_51 : memref<40x128xi32, #tpu.memory_space<hbm>>) dst(%dma_wait3A_47 : memref<40x128xi32, #tpu.memory_space<vmem>>)
        tpu.yield
      }) : () -> ()
      "tpu.region"() ({
        %run_scoped3A = tpu.sem_alloc : memref<!tpu.dma_semaphore, #tpu.memory_space<semaphore_mem>>
        %dma_start3A = arith.constant 0 : i32
        %dma_start3A_26 = arith.constant 0 : i32
        %dma_start3A_27 = tpu.memref_slice %arg10[%dma_start3A, %dma_start3A_26] : memref<40x128xi32, #tpu.memory_space<vmem>> -> memref<40x128xi32, #tpu.memory_space<vmem>>
        %dma_start3A_28 = arith.constant 40 : i32
        %dma_start3A_29 = arith.constant 0 : i32
        %dma_start3A_30 = tpu.memref_slice %arg4[%arg1, %dma_start3A_28, %dma_start3A_29] : memref<16x120x128xi32, #tpu.memory_space<hbm>> -> memref<1x40x128xi32, #tpu.memory_space<hbm>>
        %dma_start3A_31 = tpu.memref_squeeze %dma_start3A_30 : memref<1x40x128xi32, #tpu.memory_space<hbm>> -> memref<40x128xi32, #tpu.memory_space<hbm>>
        %dma_start3A_32 = arith.constant 0 : i32
        %dma_start3A_33 = arith.constant 0 : i32
        %dma_start3A_34 = tpu.memref_slice %arg10[%dma_start3A_32, %dma_start3A_33] : memref<40x128xi32, #tpu.memory_space<vmem>> -> memref<40x128xi32, #tpu.memory_space<vmem>>
        %dma_start3A_35 = arith.constant 40 : i32
        %dma_start3A_36 = arith.constant 0 : i32
        %dma_start3A_37 = tpu.memref_slice %arg4[%arg1, %dma_start3A_35, %dma_start3A_36] : memref<16x120x128xi32, #tpu.memory_space<hbm>> -> memref<1x40x128xi32, #tpu.memory_space<hbm>>
        %dma_start3A_38 = tpu.memref_squeeze %dma_start3A_37 : memref<1x40x128xi32, #tpu.memory_space<hbm>> -> memref<40x128xi32, #tpu.memory_space<hbm>>
        tpu.enqueue_dma source(%dma_start3A_38 : memref<40x128xi32, #tpu.memory_space<hbm>>) target(%dma_start3A_34 : memref<40x128xi32, #tpu.memory_space<vmem>>) target_semaphore(%run_scoped3A : memref<!tpu.dma_semaphore, #tpu.memory_space<semaphore_mem>>)
        %dma_wait3A = arith.constant 0 : i32
        %dma_wait3A_39 = arith.constant 0 : i32
        %dma_wait3A_40 = tpu.memref_slice %arg10[%dma_wait3A, %dma_wait3A_39] : memref<40x128xi32, #tpu.memory_space<vmem>> -> memref<40x128xi32, #tpu.memory_space<vmem>>
        %dma_wait3A_41 = arith.constant 40 : i32
        %dma_wait3A_42 = arith.constant 0 : i32
        %dma_wait3A_43 = tpu.memref_slice %arg4[%arg1, %dma_wait3A_41, %dma_wait3A_42] : memref<16x120x128xi32, #tpu.memory_space<hbm>> -> memref<1x40x128xi32, #tpu.memory_space<hbm>>
        %dma_wait3A_44 = tpu.memref_squeeze %dma_wait3A_43 : memref<1x40x128xi32, #tpu.memory_space<hbm>> -> memref<40x128xi32, #tpu.memory_space<hbm>>
        %dma_wait3A_45 = arith.constant 0 : i32
        %dma_wait3A_46 = arith.constant 0 : i32
        %dma_wait3A_47 = tpu.memref_slice %arg10[%dma_wait3A_45, %dma_wait3A_46] : memref<40x128xi32, #tpu.memory_space<vmem>> -> memref<40x128xi32, #tpu.memory_space<vmem>>
        %dma_wait3A_48 = arith.constant 40 : i32
        %dma_wait3A_49 = arith.constant 0 : i32
        %dma_wait3A_50 = tpu.memref_slice %arg4[%arg1, %dma_wait3A_48, %dma_wait3A_49] : memref<16x120x128xi32, #tpu.memory_space<hbm>> -> memref<1x40x128xi32, #tpu.memory_space<hbm>>
        %dma_wait3A_51 = tpu.memref_squeeze %dma_wait3A_50 : memref<1x40x128xi32, #tpu.memory_space<hbm>> -> memref<40x128xi32, #tpu.memory_space<hbm>>
        tpu.wait_dma2 semaphore(%run_scoped3A : memref<!tpu.dma_semaphore, #tpu.memory_space<semaphore_mem>>) src(%dma_wait3A_51 : memref<40x128xi32, #tpu.memory_space<hbm>>) dst(%dma_wait3A_47 : memref<40x128xi32, #tpu.memory_space<vmem>>)
        tpu.yield
      }) : () -> ()
      %scan3A_14 = arith.constant 0 : i32
      %scan3A_15 = arith.constant 0 : i32
      %scan3A_16 = arith.constant 20 : i32
      %scan3A_17 = arith.addi %scan3A_15, %scan3A_16 : i32
      %scan3A_18 = arith.constant 1 : i32
      scf.for %scan3A_26 = %scan3A_15 to %scan3A_17 step %scan3A_18  : i32 {
        %mul3A_27 = arith.constant 2 : i32
        %mul3A_28 = arith.muli %scan3A_26, %mul3A_27 : i32
        %add3A = arith.constant 0 : i32
        %add3A_29 = arith.addi %mul3A_28, %add3A : i32
        %dma_start3A = arith.constant 0 : i32
        %dma_start3A_30 = tpu.memref_slice %arg9[%add3A_29, %dma_start3A] : memref<40x128xi32, #tpu.memory_space<vmem>> -> memref<1x128xi32, #tpu.memory_space<vmem>>
        %dma_start3A_31 = tpu.memref_squeeze %dma_start3A_30 : memref<1x128xi32, #tpu.memory_space<vmem>> -> memref<128xi32, #tpu.memory_space<vmem>>
        %dma_start3A_32 = arith.constant 0 : i32
        %dma_start3A_33 = arith.constant 0 : i32
        %dma_start3A_34 = tpu.memref_slice %arg2[%dma_start3A_32, %dma_start3A_33] : memref<10000x128xf32, #tpu.memory_space<hbm>> -> memref<10000x128xf32, #tpu.memory_space<hbm>>
        tpu.enqueue_indirect_dma source(%dma_start3A_34 : memref<10000x128xf32, #tpu.memory_space<hbm>>) target(%arg11 : memref<128x128xf32, #tpu.memory_space<vmem>>) offsets(%dma_start3A_31 : memref<128xi32, #tpu.memory_space<vmem>>) semaphore(%arg13 : memref<!tpu.dma_semaphore, #tpu.memory_space<semaphore_mem>>)
        %add3A_35 = arith.constant 1 : i32
        %add3A_36 = arith.addi %mul3A_28, %add3A_35 : i32
        %dma_start3A_37 = arith.constant 0 : i32
        %dma_start3A_38 = tpu.memref_slice %arg9[%add3A_36, %dma_start3A_37] : memref<40x128xi32, #tpu.memory_space<vmem>> -> memref<1x128xi32, #tpu.memory_space<vmem>>
        %dma_start3A_39 = tpu.memref_squeeze %dma_start3A_38 : memref<1x128xi32, #tpu.memory_space<vmem>> -> memref<128xi32, #tpu.memory_space<vmem>>
        %dma_start3A_40 = arith.constant 0 : i32
        %dma_start3A_41 = arith.constant 0 : i32
        %dma_start3A_42 = tpu.memref_slice %arg2[%dma_start3A_40, %dma_start3A_41] : memref<10000x128xf32, #tpu.memory_space<hbm>> -> memref<10000x128xf32, #tpu.memory_space<hbm>>
        tpu.enqueue_indirect_dma source(%dma_start3A_42 : memref<10000x128xf32, #tpu.memory_space<hbm>>) target(%arg12 : memref<128x128xf32, #tpu.memory_space<vmem>>) offsets(%dma_start3A_39 : memref<128xi32, #tpu.memory_space<vmem>>) semaphore(%arg14 : memref<!tpu.dma_semaphore, #tpu.memory_space<semaphore_mem>>)
        %dma_wait3A = arith.constant 0 : i32
        %dma_wait3A_43 = tpu.memref_slice %arg9[%add3A_29, %dma_wait3A] : memref<40x128xi32, #tpu.memory_space<vmem>> -> memref<1x128xi32, #tpu.memory_space<vmem>>
        %dma_wait3A_44 = tpu.memref_squeeze %dma_wait3A_43 : memref<1x128xi32, #tpu.memory_space<vmem>> -> memref<128xi32, #tpu.memory_space<vmem>>
        %dma_wait3A_45 = arith.constant 0 : i32
        %dma_wait3A_46 = arith.constant 0 : i32
        %dma_wait3A_47 = tpu.memref_slice %arg2[%dma_wait3A_45, %dma_wait3A_46] : memref<10000x128xf32, #tpu.memory_space<hbm>> -> memref<10000x128xf32, #tpu.memory_space<hbm>>
        tpu.wait_indirect_dma semaphore(%arg13 : memref<!tpu.dma_semaphore, #tpu.memory_space<semaphore_mem>>) src(%dma_wait3A_47 : memref<10000x128xf32, #tpu.memory_space<hbm>>) dst(%arg11 : memref<128x128xf32, #tpu.memory_space<vmem>>)
        %add3A_48 = arith.constant 0 : i32
        %add3A_49 = arith.addi %mul3A_28, %add3A_48 : i32
        %dma_start3A_50 = arith.constant 0 : i32
        %dma_start3A_51 = tpu.memref_slice %arg10[%add3A_49, %dma_start3A_50] : memref<40x128xi32, #tpu.memory_space<vmem>> -> memref<1x128xi32, #tpu.memory_space<vmem>>
        %dma_start3A_52 = tpu.memref_squeeze %dma_start3A_51 : memref<1x128xi32, #tpu.memory_space<vmem>> -> memref<128xi32, #tpu.memory_space<vmem>>
        %dma_start3A_53 = arith.constant 0 : i32
        %dma_start3A_54 = arith.constant 0 : i32
        %dma_start3A_55 = tpu.memref_slice %arg17[%dma_start3A_53, %dma_start3A_54] : memref<10112x128xf32, #tpu.memory_space<vmem_shared>> -> memref<10112x128xf32, #tpu.memory_space<vmem_shared>>
        tpu.enqueue_indirect_dma source(%arg11 : memref<128x128xf32, #tpu.memory_space<vmem>>) target(%dma_start3A_55 : memref<10112x128xf32, #tpu.memory_space<vmem_shared>>) offsets(%dma_start3A_52 : memref<128xi32, #tpu.memory_space<vmem>>) semaphore(%arg15 : memref<!tpu.dma_semaphore, #tpu.memory_space<semaphore_mem>>) {add = true}
        %dma_wait3A_56 = arith.constant 0 : i32
        %dma_wait3A_57 = tpu.memref_slice %arg9[%add3A_36, %dma_wait3A_56] : memref<40x128xi32, #tpu.memory_space<vmem>> -> memref<1x128xi32, #tpu.memory_space<vmem>>
        %dma_wait3A_58 = tpu.memref_squeeze %dma_wait3A_57 : memref<1x128xi32, #tpu.memory_space<vmem>> -> memref<128xi32, #tpu.memory_space<vmem>>
        %dma_wait3A_59 = arith.constant 0 : i32
        %dma_wait3A_60 = arith.constant 0 : i32
        %dma_wait3A_61 = tpu.memref_slice %arg2[%dma_wait3A_59, %dma_wait3A_60] : memref<10000x128xf32, #tpu.memory_space<hbm>> -> memref<10000x128xf32, #tpu.memory_space<hbm>>
        tpu.wait_indirect_dma semaphore(%arg14 : memref<!tpu.dma_semaphore, #tpu.memory_space<semaphore_mem>>) src(%dma_wait3A_61 : memref<10000x128xf32, #tpu.memory_space<hbm>>) dst(%arg12 : memref<128x128xf32, #tpu.memory_space<vmem>>)
        %add3A_62 = arith.constant 1 : i32
        %add3A_63 = arith.addi %mul3A_28, %add3A_62 : i32
        %dma_start3A_64 = arith.constant 0 : i32
        %dma_start3A_65 = tpu.memref_slice %arg10[%add3A_63, %dma_start3A_64] : memref<40x128xi32, #tpu.memory_space<vmem>> -> memref<1x128xi32, #tpu.memory_space<vmem>>
        %dma_start3A_66 = tpu.memref_squeeze %dma_start3A_65 : memref<1x128xi32, #tpu.memory_space<vmem>> -> memref<128xi32, #tpu.memory_space<vmem>>
        %dma_start3A_67 = arith.constant 0 : i32
        %dma_start3A_68 = arith.constant 0 : i32
        %dma_start3A_69 = tpu.memref_slice %arg17[%dma_start3A_67, %dma_start3A_68] : memref<10112x128xf32, #tpu.memory_space<vmem_shared>> -> memref<10112x128xf32, #tpu.memory_space<vmem_shared>>
        tpu.enqueue_indirect_dma source(%arg12 : memref<128x128xf32, #tpu.memory_space<vmem>>) target(%dma_start3A_69 : memref<10112x128xf32, #tpu.memory_space<vmem_shared>>) offsets(%dma_start3A_66 : memref<128xi32, #tpu.memory_space<vmem>>) semaphore(%arg16 : memref<!tpu.dma_semaphore, #tpu.memory_space<semaphore_mem>>) {add = true}
        %dma_wait3A_70 = arith.constant 0 : i32
        %dma_wait3A_71 = tpu.memref_slice %arg10[%add3A_49, %dma_wait3A_70] : memref<40x128xi32, #tpu.memory_space<vmem>> -> memref<1x128xi32, #tpu.memory_space<vmem>>
        %dma_wait3A_72 = tpu.memref_squeeze %dma_wait3A_71 : memref<1x128xi32, #tpu.memory_space<vmem>> -> memref<128xi32, #tpu.memory_space<vmem>>
        %dma_wait3A_73 = arith.constant 0 : i32
        %dma_wait3A_74 = arith.constant 0 : i32
        %dma_wait3A_75 = tpu.memref_slice %arg17[%dma_wait3A_73, %dma_wait3A_74] : memref<10112x128xf32, #tpu.memory_space<vmem_shared>> -> memref<10112x128xf32, #tpu.memory_space<vmem_shared>>
        tpu.wait_indirect_dma semaphore(%arg15 : memref<!tpu.dma_semaphore, #tpu.memory_space<semaphore_mem>>) src(%arg11 : memref<128x128xf32, #tpu.memory_space<vmem>>) dst(%dma_wait3A_75 : memref<10112x128xf32, #tpu.memory_space<vmem_shared>>)
        %dma_wait3A_76 = arith.constant 0 : i32
        %dma_wait3A_77 = tpu.memref_slice %arg10[%add3A_63, %dma_wait3A_76] : memref<40x128xi32, #tpu.memory_space<vmem>> -> memref<1x128xi32, #tpu.memory_space<vmem>>
        %dma_wait3A_78 = tpu.memref_squeeze %dma_wait3A_77 : memref<1x128xi32, #tpu.memory_space<vmem>> -> memref<128xi32, #tpu.memory_space<vmem>>
        %dma_wait3A_79 = arith.constant 0 : i32
        %dma_wait3A_80 = arith.constant 0 : i32
        %dma_wait3A_81 = tpu.memref_slice %arg17[%dma_wait3A_79, %dma_wait3A_80] : memref<10112x128xf32, #tpu.memory_space<vmem_shared>> -> memref<10112x128xf32, #tpu.memory_space<vmem_shared>>
        tpu.wait_indirect_dma semaphore(%arg16 : memref<!tpu.dma_semaphore, #tpu.memory_space<semaphore_mem>>) src(%arg12 : memref<128x128xf32, #tpu.memory_space<vmem>>) dst(%dma_wait3A_81 : memref<10112x128xf32, #tpu.memory_space<vmem_shared>>)
      }
      %scan3A_19 = arith.constant 20 : i32
      "tpu.region"() ({
        %run_scoped3A = tpu.sem_alloc : memref<!tpu.dma_semaphore, #tpu.memory_space<semaphore_mem>>
        %dma_start3A = arith.constant 0 : i32
        %dma_start3A_26 = arith.constant 0 : i32
        %dma_start3A_27 = tpu.memref_slice %arg9[%dma_start3A, %dma_start3A_26] : memref<40x128xi32, #tpu.memory_space<vmem>> -> memref<40x128xi32, #tpu.memory_space<vmem>>
        %dma_start3A_28 = arith.constant 80 : i32
        %dma_start3A_29 = arith.constant 0 : i32
        %dma_start3A_30 = tpu.memref_slice %arg3[%arg1, %dma_start3A_28, %dma_start3A_29] : memref<16x120x128xi32, #tpu.memory_space<hbm>> -> memref<1x40x128xi32, #tpu.memory_space<hbm>>
        %dma_start3A_31 = tpu.memref_squeeze %dma_start3A_30 : memref<1x40x128xi32, #tpu.memory_space<hbm>> -> memref<40x128xi32, #tpu.memory_space<hbm>>
        %dma_start3A_32 = arith.constant 0 : i32
        %dma_start3A_33 = arith.constant 0 : i32
        %dma_start3A_34 = tpu.memref_slice %arg9[%dma_start3A_32, %dma_start3A_33] : memref<40x128xi32, #tpu.memory_space<vmem>> -> memref<40x128xi32, #tpu.memory_space<vmem>>
        %dma_start3A_35 = arith.constant 80 : i32
        %dma_start3A_36 = arith.constant 0 : i32
        %dma_start3A_37 = tpu.memref_slice %arg3[%arg1, %dma_start3A_35, %dma_start3A_36] : memref<16x120x128xi32, #tpu.memory_space<hbm>> -> memref<1x40x128xi32, #tpu.memory_space<hbm>>
        %dma_start3A_38 = tpu.memref_squeeze %dma_start3A_37 : memref<1x40x128xi32, #tpu.memory_space<hbm>> -> memref<40x128xi32, #tpu.memory_space<hbm>>
        tpu.enqueue_dma source(%dma_start3A_38 : memref<40x128xi32, #tpu.memory_space<hbm>>) target(%dma_start3A_34 : memref<40x128xi32, #tpu.memory_space<vmem>>) target_semaphore(%run_scoped3A : memref<!tpu.dma_semaphore, #tpu.memory_space<semaphore_mem>>)
        %dma_wait3A = arith.constant 0 : i32
        %dma_wait3A_39 = arith.constant 0 : i32
        %dma_wait3A_40 = tpu.memref_slice %arg9[%dma_wait3A, %dma_wait3A_39] : memref<40x128xi32, #tpu.memory_space<vmem>> -> memref<40x128xi32, #tpu.memory_space<vmem>>
        %dma_wait3A_41 = arith.constant 80 : i32
        %dma_wait3A_42 = arith.constant 0 : i32
        %dma_wait3A_43 = tpu.memref_slice %arg3[%arg1, %dma_wait3A_41, %dma_wait3A_42] : memref<16x120x128xi32, #tpu.memory_space<hbm>> -> memref<1x40x128xi32, #tpu.memory_space<hbm>>
        %dma_wait3A_44 = tpu.memref_squeeze %dma_wait3A_43 : memref<1x40x128xi32, #tpu.memory_space<hbm>> -> memref<40x128xi32, #tpu.memory_space<hbm>>
        %dma_wait3A_45 = arith.constant 0 : i32
        %dma_wait3A_46 = arith.constant 0 : i32
        %dma_wait3A_47 = tpu.memref_slice %arg9[%dma_wait3A_45, %dma_wait3A_46] : memref<40x128xi32, #tpu.memory_space<vmem>> -> memref<40x128xi32, #tpu.memory_space<vmem>>
        %dma_wait3A_48 = arith.constant 80 : i32
        %dma_wait3A_49 = arith.constant 0 : i32
        %dma_wait3A_50 = tpu.memref_slice %arg3[%arg1, %dma_wait3A_48, %dma_wait3A_49] : memref<16x120x128xi32, #tpu.memory_space<hbm>> -> memref<1x40x128xi32, #tpu.memory_space<hbm>>
        %dma_wait3A_51 = tpu.memref_squeeze %dma_wait3A_50 : memref<1x40x128xi32, #tpu.memory_space<hbm>> -> memref<40x128xi32, #tpu.memory_space<hbm>>
        tpu.wait_dma2 semaphore(%run_scoped3A : memref<!tpu.dma_semaphore, #tpu.memory_space<semaphore_mem>>) src(%dma_wait3A_51 : memref<40x128xi32, #tpu.memory_space<hbm>>) dst(%dma_wait3A_47 : memref<40x128xi32, #tpu.memory_space<vmem>>)
        tpu.yield
      }) : () -> ()
      "tpu.region"() ({
        %run_scoped3A = tpu.sem_alloc : memref<!tpu.dma_semaphore, #tpu.memory_space<semaphore_mem>>
        %dma_start3A = arith.constant 0 : i32
        %dma_start3A_26 = arith.constant 0 : i32
        %dma_start3A_27 = tpu.memref_slice %arg10[%dma_start3A, %dma_start3A_26] : memref<40x128xi32, #tpu.memory_space<vmem>> -> memref<40x128xi32, #tpu.memory_space<vmem>>
        %dma_start3A_28 = arith.constant 80 : i32
        %dma_start3A_29 = arith.constant 0 : i32
        %dma_start3A_30 = tpu.memref_slice %arg4[%arg1, %dma_start3A_28, %dma_start3A_29] : memref<16x120x128xi32, #tpu.memory_space<hbm>> -> memref<1x40x128xi32, #tpu.memory_space<hbm>>
        %dma_start3A_31 = tpu.memref_squeeze %dma_start3A_30 : memref<1x40x128xi32, #tpu.memory_space<hbm>> -> memref<40x128xi32, #tpu.memory_space<hbm>>
        %dma_start3A_32 = arith.constant 0 : i32
        %dma_start3A_33 = arith.constant 0 : i32
        %dma_start3A_34 = tpu.memref_slice %arg10[%dma_start3A_32, %dma_start3A_33] : memref<40x128xi32, #tpu.memory_space<vmem>> -> memref<40x128xi32, #tpu.memory_space<vmem>>
        %dma_start3A_35 = arith.constant 80 : i32
        %dma_start3A_36 = arith.constant 0 : i32
        %dma_start3A_37 = tpu.memref_slice %arg4[%arg1, %dma_start3A_35, %dma_start3A_36] : memref<16x120x128xi32, #tpu.memory_space<hbm>> -> memref<1x40x128xi32, #tpu.memory_space<hbm>>
        %dma_start3A_38 = tpu.memref_squeeze %dma_start3A_37 : memref<1x40x128xi32, #tpu.memory_space<hbm>> -> memref<40x128xi32, #tpu.memory_space<hbm>>
        tpu.enqueue_dma source(%dma_start3A_38 : memref<40x128xi32, #tpu.memory_space<hbm>>) target(%dma_start3A_34 : memref<40x128xi32, #tpu.memory_space<vmem>>) target_semaphore(%run_scoped3A : memref<!tpu.dma_semaphore, #tpu.memory_space<semaphore_mem>>)
        %dma_wait3A = arith.constant 0 : i32
        %dma_wait3A_39 = arith.constant 0 : i32
        %dma_wait3A_40 = tpu.memref_slice %arg10[%dma_wait3A, %dma_wait3A_39] : memref<40x128xi32, #tpu.memory_space<vmem>> -> memref<40x128xi32, #tpu.memory_space<vmem>>
        %dma_wait3A_41 = arith.constant 80 : i32
        %dma_wait3A_42 = arith.constant 0 : i32
        %dma_wait3A_43 = tpu.memref_slice %arg4[%arg1, %dma_wait3A_41, %dma_wait3A_42] : memref<16x120x128xi32, #tpu.memory_space<hbm>> -> memref<1x40x128xi32, #tpu.memory_space<hbm>>
        %dma_wait3A_44 = tpu.memref_squeeze %dma_wait3A_43 : memref<1x40x128xi32, #tpu.memory_space<hbm>> -> memref<40x128xi32, #tpu.memory_space<hbm>>
        %dma_wait3A_45 = arith.constant 0 : i32
        %dma_wait3A_46 = arith.constant 0 : i32
        %dma_wait3A_47 = tpu.memref_slice %arg10[%dma_wait3A_45, %dma_wait3A_46] : memref<40x128xi32, #tpu.memory_space<vmem>> -> memref<40x128xi32, #tpu.memory_space<vmem>>
        %dma_wait3A_48 = arith.constant 80 : i32
        %dma_wait3A_49 = arith.constant 0 : i32
        %dma_wait3A_50 = tpu.memref_slice %arg4[%arg1, %dma_wait3A_48, %dma_wait3A_49] : memref<16x120x128xi32, #tpu.memory_space<hbm>> -> memref<1x40x128xi32, #tpu.memory_space<hbm>>
        %dma_wait3A_51 = tpu.memref_squeeze %dma_wait3A_50 : memref<1x40x128xi32, #tpu.memory_space<hbm>> -> memref<40x128xi32, #tpu.memory_space<hbm>>
        tpu.wait_dma2 semaphore(%run_scoped3A : memref<!tpu.dma_semaphore, #tpu.memory_space<semaphore_mem>>) src(%dma_wait3A_51 : memref<40x128xi32, #tpu.memory_space<hbm>>) dst(%dma_wait3A_47 : memref<40x128xi32, #tpu.memory_space<vmem>>)
        tpu.yield
      }) : () -> ()
      %scan3A_20 = arith.constant 0 : i32
      %scan3A_21 = arith.constant 0 : i32
      %scan3A_22 = arith.constant 20 : i32
      %scan3A_23 = arith.addi %scan3A_21, %scan3A_22 : i32
      %scan3A_24 = arith.constant 1 : i32
      scf.for %scan3A_26 = %scan3A_21 to %scan3A_23 step %scan3A_24  : i32 {
        %mul3A_27 = arith.constant 2 : i32
        %mul3A_28 = arith.muli %scan3A_26, %mul3A_27 : i32
        %add3A = arith.constant 0 : i32
        %add3A_29 = arith.addi %mul3A_28, %add3A : i32
        %dma_start3A = arith.constant 0 : i32
        %dma_start3A_30 = tpu.memref_slice %arg9[%add3A_29, %dma_start3A] : memref<40x128xi32, #tpu.memory_space<vmem>> -> memref<1x128xi32, #tpu.memory_space<vmem>>
        %dma_start3A_31 = tpu.memref_squeeze %dma_start3A_30 : memref<1x128xi32, #tpu.memory_space<vmem>> -> memref<128xi32, #tpu.memory_space<vmem>>
        %dma_start3A_32 = arith.constant 0 : i32
        %dma_start3A_33 = arith.constant 0 : i32
        %dma_start3A_34 = tpu.memref_slice %arg2[%dma_start3A_32, %dma_start3A_33] : memref<10000x128xf32, #tpu.memory_space<hbm>> -> memref<10000x128xf32, #tpu.memory_space<hbm>>
        tpu.enqueue_indirect_dma source(%dma_start3A_34 : memref<10000x128xf32, #tpu.memory_space<hbm>>) target(%arg11 : memref<128x128xf32, #tpu.memory_space<vmem>>) offsets(%dma_start3A_31 : memref<128xi32, #tpu.memory_space<vmem>>) semaphore(%arg13 : memref<!tpu.dma_semaphore, #tpu.memory_space<semaphore_mem>>)
        %add3A_35 = arith.constant 1 : i32
        %add3A_36 = arith.addi %mul3A_28, %add3A_35 : i32
        %dma_start3A_37 = arith.constant 0 : i32
        %dma_start3A_38 = tpu.memref_slice %arg9[%add3A_36, %dma_start3A_37] : memref<40x128xi32, #tpu.memory_space<vmem>> -> memref<1x128xi32, #tpu.memory_space<vmem>>
        %dma_start3A_39 = tpu.memref_squeeze %dma_start3A_38 : memref<1x128xi32, #tpu.memory_space<vmem>> -> memref<128xi32, #tpu.memory_space<vmem>>
        %dma_start3A_40 = arith.constant 0 : i32
        %dma_start3A_41 = arith.constant 0 : i32
        %dma_start3A_42 = tpu.memref_slice %arg2[%dma_start3A_40, %dma_start3A_41] : memref<10000x128xf32, #tpu.memory_space<hbm>> -> memref<10000x128xf32, #tpu.memory_space<hbm>>
        tpu.enqueue_indirect_dma source(%dma_start3A_42 : memref<10000x128xf32, #tpu.memory_space<hbm>>) target(%arg12 : memref<128x128xf32, #tpu.memory_space<vmem>>) offsets(%dma_start3A_39 : memref<128xi32, #tpu.memory_space<vmem>>) semaphore(%arg14 : memref<!tpu.dma_semaphore, #tpu.memory_space<semaphore_mem>>)
        %dma_wait3A = arith.constant 0 : i32
        %dma_wait3A_43 = tpu.memref_slice %arg9[%add3A_29, %dma_wait3A] : memref<40x128xi32, #tpu.memory_space<vmem>> -> memref<1x128xi32, #tpu.memory_space<vmem>>
        %dma_wait3A_44 = tpu.memref_squeeze %dma_wait3A_43 : memref<1x128xi32, #tpu.memory_space<vmem>> -> memref<128xi32, #tpu.memory_space<vmem>>
        %dma_wait3A_45 = arith.constant 0 : i32
        %dma_wait3A_46 = arith.constant 0 : i32
        %dma_wait3A_47 = tpu.memref_slice %arg2[%dma_wait3A_45, %dma_wait3A_46] : memref<10000x128xf32, #tpu.memory_space<hbm>> -> memref<10000x128xf32, #tpu.memory_space<hbm>>
        tpu.wait_indirect_dma semaphore(%arg13 : memref<!tpu.dma_semaphore, #tpu.memory_space<semaphore_mem>>) src(%dma_wait3A_47 : memref<10000x128xf32, #tpu.memory_space<hbm>>) dst(%arg11 : memref<128x128xf32, #tpu.memory_space<vmem>>)
        %add3A_48 = arith.constant 0 : i32
        %add3A_49 = arith.addi %mul3A_28, %add3A_48 : i32
        %dma_start3A_50 = arith.constant 0 : i32
        %dma_start3A_51 = tpu.memref_slice %arg10[%add3A_49, %dma_start3A_50] : memref<40x128xi32, #tpu.memory_space<vmem>> -> memref<1x128xi32, #tpu.memory_space<vmem>>
        %dma_start3A_52 = tpu.memref_squeeze %dma_start3A_51 : memref<1x128xi32, #tpu.memory_space<vmem>> -> memref<128xi32, #tpu.memory_space<vmem>>
        %dma_start3A_53 = arith.constant 0 : i32
        %dma_start3A_54 = arith.constant 0 : i32
        %dma_start3A_55 = tpu.memref_slice %arg17[%dma_start3A_53, %dma_start3A_54] : memref<10112x128xf32, #tpu.memory_space<vmem_shared>> -> memref<10112x128xf32, #tpu.memory_space<vmem_shared>>
        tpu.enqueue_indirect_dma source(%arg11 : memref<128x128xf32, #tpu.memory_space<vmem>>) target(%dma_start3A_55 : memref<10112x128xf32, #tpu.memory_space<vmem_shared>>) offsets(%dma_start3A_52 : memref<128xi32, #tpu.memory_space<vmem>>) semaphore(%arg15 : memref<!tpu.dma_semaphore, #tpu.memory_space<semaphore_mem>>) {add = true}
        %dma_wait3A_56 = arith.constant 0 : i32
        %dma_wait3A_57 = tpu.memref_slice %arg9[%add3A_36, %dma_wait3A_56] : memref<40x128xi32, #tpu.memory_space<vmem>> -> memref<1x128xi32, #tpu.memory_space<vmem>>
        %dma_wait3A_58 = tpu.memref_squeeze %dma_wait3A_57 : memref<1x128xi32, #tpu.memory_space<vmem>> -> memref<128xi32, #tpu.memory_space<vmem>>
        %dma_wait3A_59 = arith.constant 0 : i32
        %dma_wait3A_60 = arith.constant 0 : i32
        %dma_wait3A_61 = tpu.memref_slice %arg2[%dma_wait3A_59, %dma_wait3A_60] : memref<10000x128xf32, #tpu.memory_space<hbm>> -> memref<10000x128xf32, #tpu.memory_space<hbm>>
        tpu.wait_indirect_dma semaphore(%arg14 : memref<!tpu.dma_semaphore, #tpu.memory_space<semaphore_mem>>) src(%dma_wait3A_61 : memref<10000x128xf32, #tpu.memory_space<hbm>>) dst(%arg12 : memref<128x128xf32, #tpu.memory_space<vmem>>)
        %add3A_62 = arith.constant 1 : i32
        %add3A_63 = arith.addi %mul3A_28, %add3A_62 : i32
        %dma_start3A_64 = arith.constant 0 : i32
        %dma_start3A_65 = tpu.memref_slice %arg10[%add3A_63, %dma_start3A_64] : memref<40x128xi32, #tpu.memory_space<vmem>> -> memref<1x128xi32, #tpu.memory_space<vmem>>
        %dma_start3A_66 = tpu.memref_squeeze %dma_start3A_65 : memref<1x128xi32, #tpu.memory_space<vmem>> -> memref<128xi32, #tpu.memory_space<vmem>>
        %dma_start3A_67 = arith.constant 0 : i32
        %dma_start3A_68 = arith.constant 0 : i32
        %dma_start3A_69 = tpu.memref_slice %arg17[%dma_start3A_67, %dma_start3A_68] : memref<10112x128xf32, #tpu.memory_space<vmem_shared>> -> memref<10112x128xf32, #tpu.memory_space<vmem_shared>>
        tpu.enqueue_indirect_dma source(%arg12 : memref<128x128xf32, #tpu.memory_space<vmem>>) target(%dma_start3A_69 : memref<10112x128xf32, #tpu.memory_space<vmem_shared>>) offsets(%dma_start3A_66 : memref<128xi32, #tpu.memory_space<vmem>>) semaphore(%arg16 : memref<!tpu.dma_semaphore, #tpu.memory_space<semaphore_mem>>) {add = true}
        %dma_wait3A_70 = arith.constant 0 : i32
        %dma_wait3A_71 = tpu.memref_slice %arg10[%add3A_49, %dma_wait3A_70] : memref<40x128xi32, #tpu.memory_space<vmem>> -> memref<1x128xi32, #tpu.memory_space<vmem>>
        %dma_wait3A_72 = tpu.memref_squeeze %dma_wait3A_71 : memref<1x128xi32, #tpu.memory_space<vmem>> -> memref<128xi32, #tpu.memory_space<vmem>>
        %dma_wait3A_73 = arith.constant 0 : i32
        %dma_wait3A_74 = arith.constant 0 : i32
        %dma_wait3A_75 = tpu.memref_slice %arg17[%dma_wait3A_73, %dma_wait3A_74] : memref<10112x128xf32, #tpu.memory_space<vmem_shared>> -> memref<10112x128xf32, #tpu.memory_space<vmem_shared>>
        tpu.wait_indirect_dma semaphore(%arg15 : memref<!tpu.dma_semaphore, #tpu.memory_space<semaphore_mem>>) src(%arg11 : memref<128x128xf32, #tpu.memory_space<vmem>>) dst(%dma_wait3A_75 : memref<10112x128xf32, #tpu.memory_space<vmem_shared>>)
        %dma_wait3A_76 = arith.constant 0 : i32
        %dma_wait3A_77 = tpu.memref_slice %arg10[%add3A_63, %dma_wait3A_76] : memref<40x128xi32, #tpu.memory_space<vmem>> -> memref<1x128xi32, #tpu.memory_space<vmem>>
        %dma_wait3A_78 = tpu.memref_squeeze %dma_wait3A_77 : memref<1x128xi32, #tpu.memory_space<vmem>> -> memref<128xi32, #tpu.memory_space<vmem>>
        %dma_wait3A_79 = arith.constant 0 : i32
        %dma_wait3A_80 = arith.constant 0 : i32
        %dma_wait3A_81 = tpu.memref_slice %arg17[%dma_wait3A_79, %dma_wait3A_80] : memref<10112x128xf32, #tpu.memory_space<vmem_shared>> -> memref<10112x128xf32, #tpu.memory_space<vmem_shared>>
        tpu.wait_indirect_dma semaphore(%arg16 : memref<!tpu.dma_semaphore, #tpu.memory_space<semaphore_mem>>) src(%arg12 : memref<128x128xf32, #tpu.memory_space<vmem>>) dst(%dma_wait3A_81 : memref<10112x128xf32, #tpu.memory_space<vmem_shared>>)
      }
      %scan3A_25 = arith.constant 20 : i32
    } else {
    }
    %eq3A_3 = arith.constant 1 : i32
    %eq3A_4 = arith.cmpi eq, %arg0, %eq3A_3 : i32
    %convert_element_type3A_5 = arith.extui %eq3A_4 : i1 to i32
    %cond3A_6 = arith.constant 0 : i32
    %cond3A_7 = arith.cmpi ne, %convert_element_type3A_5, %cond3A_6 : i32
    scf.if %cond3A_7 {
      "tpu.region"() ({
        %run_scoped3A = tpu.sem_alloc : memref<!tpu.dma_semaphore, #tpu.memory_space<semaphore_mem>>
        %dma_start3A = arith.constant 0 : i32
        %dma_start3A_14 = arith.constant 0 : i32
        %dma_start3A_15 = tpu.memref_slice %arg9[%dma_start3A, %dma_start3A_14] : memref<40x128xi32, #tpu.memory_space<vmem>> -> memref<40x128xi32, #tpu.memory_space<vmem>>
        %dma_start3A_16 = arith.constant 0 : i32
        %dma_start3A_17 = arith.constant 0 : i32
        %dma_start3A_18 = tpu.memref_slice %arg5[%arg1, %dma_start3A_16, %dma_start3A_17] : memref<16x40x128xi32, #tpu.memory_space<hbm>> -> memref<1x40x128xi32, #tpu.memory_space<hbm>>
        %dma_start3A_19 = tpu.memref_squeeze %dma_start3A_18 : memref<1x40x128xi32, #tpu.memory_space<hbm>> -> memref<40x128xi32, #tpu.memory_space<hbm>>
        %dma_start3A_20 = arith.constant 0 : i32
        %dma_start3A_21 = arith.constant 0 : i32
        %dma_start3A_22 = tpu.memref_slice %arg9[%dma_start3A_20, %dma_start3A_21] : memref<40x128xi32, #tpu.memory_space<vmem>> -> memref<40x128xi32, #tpu.memory_space<vmem>>
        %dma_start3A_23 = arith.constant 0 : i32
        %dma_start3A_24 = arith.constant 0 : i32
        %dma_start3A_25 = tpu.memref_slice %arg5[%arg1, %dma_start3A_23, %dma_start3A_24] : memref<16x40x128xi32, #tpu.memory_space<hbm>> -> memref<1x40x128xi32, #tpu.memory_space<hbm>>
        %dma_start3A_26 = tpu.memref_squeeze %dma_start3A_25 : memref<1x40x128xi32, #tpu.memory_space<hbm>> -> memref<40x128xi32, #tpu.memory_space<hbm>>
        tpu.enqueue_dma source(%dma_start3A_26 : memref<40x128xi32, #tpu.memory_space<hbm>>) target(%dma_start3A_22 : memref<40x128xi32, #tpu.memory_space<vmem>>) target_semaphore(%run_scoped3A : memref<!tpu.dma_semaphore, #tpu.memory_space<semaphore_mem>>)
        %dma_wait3A = arith.constant 0 : i32
        %dma_wait3A_27 = arith.constant 0 : i32
        %dma_wait3A_28 = tpu.memref_slice %arg9[%dma_wait3A, %dma_wait3A_27] : memref<40x128xi32, #tpu.memory_space<vmem>> -> memref<40x128xi32, #tpu.memory_space<vmem>>
        %dma_wait3A_29 = arith.constant 0 : i32
        %dma_wait3A_30 = arith.constant 0 : i32
        %dma_wait3A_31 = tpu.memref_slice %arg5[%arg1, %dma_wait3A_29, %dma_wait3A_30] : memref<16x40x128xi32, #tpu.memory_space<hbm>> -> memref<1x40x128xi32, #tpu.memory_space<hbm>>
        %dma_wait3A_32 = tpu.memref_squeeze %dma_wait3A_31 : memref<1x40x128xi32, #tpu.memory_space<hbm>> -> memref<40x128xi32, #tpu.memory_space<hbm>>
        %dma_wait3A_33 = arith.constant 0 : i32
        %dma_wait3A_34 = arith.constant 0 : i32
        %dma_wait3A_35 = tpu.memref_slice %arg9[%dma_wait3A_33, %dma_wait3A_34] : memref<40x128xi32, #tpu.memory_space<vmem>> -> memref<40x128xi32, #tpu.memory_space<vmem>>
        %dma_wait3A_36 = arith.constant 0 : i32
        %dma_wait3A_37 = arith.constant 0 : i32
        %dma_wait3A_38 = tpu.memref_slice %arg5[%arg1, %dma_wait3A_36, %dma_wait3A_37] : memref<16x40x128xi32, #tpu.memory_space<hbm>> -> memref<1x40x128xi32, #tpu.memory_space<hbm>>
        %dma_wait3A_39 = tpu.memref_squeeze %dma_wait3A_38 : memref<1x40x128xi32, #tpu.memory_space<hbm>> -> memref<40x128xi32, #tpu.memory_space<hbm>>
        tpu.wait_dma2 semaphore(%run_scoped3A : memref<!tpu.dma_semaphore, #tpu.memory_space<semaphore_mem>>) src(%dma_wait3A_39 : memref<40x128xi32, #tpu.memory_space<hbm>>) dst(%dma_wait3A_35 : memref<40x128xi32, #tpu.memory_space<vmem>>)
        tpu.yield
      }) : () -> ()
      "tpu.region"() ({
        %run_scoped3A = tpu.sem_alloc : memref<!tpu.dma_semaphore, #tpu.memory_space<semaphore_mem>>
        %dma_start3A = arith.constant 0 : i32
        %dma_start3A_14 = arith.constant 0 : i32
        %dma_start3A_15 = tpu.memref_slice %arg10[%dma_start3A, %dma_start3A_14] : memref<40x128xi32, #tpu.memory_space<vmem>> -> memref<40x128xi32, #tpu.memory_space<vmem>>
        %dma_start3A_16 = arith.constant 0 : i32
        %dma_start3A_17 = arith.constant 0 : i32
        %dma_start3A_18 = tpu.memref_slice %arg6[%arg1, %dma_start3A_16, %dma_start3A_17] : memref<16x40x128xi32, #tpu.memory_space<hbm>> -> memref<1x40x128xi32, #tpu.memory_space<hbm>>
        %dma_start3A_19 = tpu.memref_squeeze %dma_start3A_18 : memref<1x40x128xi32, #tpu.memory_space<hbm>> -> memref<40x128xi32, #tpu.memory_space<hbm>>
        %dma_start3A_20 = arith.constant 0 : i32
        %dma_start3A_21 = arith.constant 0 : i32
        %dma_start3A_22 = tpu.memref_slice %arg10[%dma_start3A_20, %dma_start3A_21] : memref<40x128xi32, #tpu.memory_space<vmem>> -> memref<40x128xi32, #tpu.memory_space<vmem>>
        %dma_start3A_23 = arith.constant 0 : i32
        %dma_start3A_24 = arith.constant 0 : i32
        %dma_start3A_25 = tpu.memref_slice %arg6[%arg1, %dma_start3A_23, %dma_start3A_24] : memref<16x40x128xi32, #tpu.memory_space<hbm>> -> memref<1x40x128xi32, #tpu.memory_space<hbm>>
        %dma_start3A_26 = tpu.memref_squeeze %dma_start3A_25 : memref<1x40x128xi32, #tpu.memory_space<hbm>> -> memref<40x128xi32, #tpu.memory_space<hbm>>
        tpu.enqueue_dma source(%dma_start3A_26 : memref<40x128xi32, #tpu.memory_space<hbm>>) target(%dma_start3A_22 : memref<40x128xi32, #tpu.memory_space<vmem>>) target_semaphore(%run_scoped3A : memref<!tpu.dma_semaphore, #tpu.memory_space<semaphore_mem>>)
        %dma_wait3A = arith.constant 0 : i32
        %dma_wait3A_27 = arith.constant 0 : i32
        %dma_wait3A_28 = tpu.memref_slice %arg10[%dma_wait3A, %dma_wait3A_27] : memref<40x128xi32, #tpu.memory_space<vmem>> -> memref<40x128xi32, #tpu.memory_space<vmem>>
        %dma_wait3A_29 = arith.constant 0 : i32
        %dma_wait3A_30 = arith.constant 0 : i32
        %dma_wait3A_31 = tpu.memref_slice %arg6[%arg1, %dma_wait3A_29, %dma_wait3A_30] : memref<16x40x128xi32, #tpu.memory_space<hbm>> -> memref<1x40x128xi32, #tpu.memory_space<hbm>>
        %dma_wait3A_32 = tpu.memref_squeeze %dma_wait3A_31 : memref<1x40x128xi32, #tpu.memory_space<hbm>> -> memref<40x128xi32, #tpu.memory_space<hbm>>
        %dma_wait3A_33 = arith.constant 0 : i32
        %dma_wait3A_34 = arith.constant 0 : i32
        %dma_wait3A_35 = tpu.memref_slice %arg10[%dma_wait3A_33, %dma_wait3A_34] : memref<40x128xi32, #tpu.memory_space<vmem>> -> memref<40x128xi32, #tpu.memory_space<vmem>>
        %dma_wait3A_36 = arith.constant 0 : i32
        %dma_wait3A_37 = arith.constant 0 : i32
        %dma_wait3A_38 = tpu.memref_slice %arg6[%arg1, %dma_wait3A_36, %dma_wait3A_37] : memref<16x40x128xi32, #tpu.memory_space<hbm>> -> memref<1x40x128xi32, #tpu.memory_space<hbm>>
        %dma_wait3A_39 = tpu.memref_squeeze %dma_wait3A_38 : memref<1x40x128xi32, #tpu.memory_space<hbm>> -> memref<40x128xi32, #tpu.memory_space<hbm>>
        tpu.wait_dma2 semaphore(%run_scoped3A : memref<!tpu.dma_semaphore, #tpu.memory_space<semaphore_mem>>) src(%dma_wait3A_39 : memref<40x128xi32, #tpu.memory_space<hbm>>) dst(%dma_wait3A_35 : memref<40x128xi32, #tpu.memory_space<vmem>>)
        tpu.yield
      }) : () -> ()
      %scan3A = arith.constant 0 : i32
      %scan3A_9 = arith.constant 0 : i32
      %scan3A_10 = arith.constant 20 : i32
      %scan3A_11 = arith.addi %scan3A_9, %scan3A_10 : i32
      %scan3A_12 = arith.constant 1 : i32
      scf.for %scan3A_14 = %scan3A_9 to %scan3A_11 step %scan3A_12  : i32 {
        %mul3A_15 = arith.constant 2 : i32
        %mul3A_16 = arith.muli %scan3A_14, %mul3A_15 : i32
        %add3A = arith.constant 0 : i32
        %add3A_17 = arith.addi %mul3A_16, %add3A : i32
        %dma_start3A = arith.constant 0 : i32
        %dma_start3A_18 = tpu.memref_slice %arg9[%add3A_17, %dma_start3A] : memref<40x128xi32, #tpu.memory_space<vmem>> -> memref<1x128xi32, #tpu.memory_space<vmem>>
        %dma_start3A_19 = tpu.memref_squeeze %dma_start3A_18 : memref<1x128xi32, #tpu.memory_space<vmem>> -> memref<128xi32, #tpu.memory_space<vmem>>
        %dma_start3A_20 = arith.constant 0 : i32
        %dma_start3A_21 = arith.constant 0 : i32
        %dma_start3A_22 = tpu.memref_slice %arg2[%dma_start3A_20, %dma_start3A_21] : memref<10000x128xf32, #tpu.memory_space<hbm>> -> memref<10000x128xf32, #tpu.memory_space<hbm>>
        tpu.enqueue_indirect_dma source(%dma_start3A_22 : memref<10000x128xf32, #tpu.memory_space<hbm>>) target(%arg11 : memref<128x128xf32, #tpu.memory_space<vmem>>) offsets(%dma_start3A_19 : memref<128xi32, #tpu.memory_space<vmem>>) semaphore(%arg13 : memref<!tpu.dma_semaphore, #tpu.memory_space<semaphore_mem>>)
        %add3A_23 = arith.constant 1 : i32
        %add3A_24 = arith.addi %mul3A_16, %add3A_23 : i32
        %dma_start3A_25 = arith.constant 0 : i32
        %dma_start3A_26 = tpu.memref_slice %arg9[%add3A_24, %dma_start3A_25] : memref<40x128xi32, #tpu.memory_space<vmem>> -> memref<1x128xi32, #tpu.memory_space<vmem>>
        %dma_start3A_27 = tpu.memref_squeeze %dma_start3A_26 : memref<1x128xi32, #tpu.memory_space<vmem>> -> memref<128xi32, #tpu.memory_space<vmem>>
        %dma_start3A_28 = arith.constant 0 : i32
        %dma_start3A_29 = arith.constant 0 : i32
        %dma_start3A_30 = tpu.memref_slice %arg2[%dma_start3A_28, %dma_start3A_29] : memref<10000x128xf32, #tpu.memory_space<hbm>> -> memref<10000x128xf32, #tpu.memory_space<hbm>>
        tpu.enqueue_indirect_dma source(%dma_start3A_30 : memref<10000x128xf32, #tpu.memory_space<hbm>>) target(%arg12 : memref<128x128xf32, #tpu.memory_space<vmem>>) offsets(%dma_start3A_27 : memref<128xi32, #tpu.memory_space<vmem>>) semaphore(%arg14 : memref<!tpu.dma_semaphore, #tpu.memory_space<semaphore_mem>>)
        %dma_wait3A = arith.constant 0 : i32
        %dma_wait3A_31 = tpu.memref_slice %arg9[%add3A_17, %dma_wait3A] : memref<40x128xi32, #tpu.memory_space<vmem>> -> memref<1x128xi32, #tpu.memory_space<vmem>>
        %dma_wait3A_32 = tpu.memref_squeeze %dma_wait3A_31 : memref<1x128xi32, #tpu.memory_space<vmem>> -> memref<128xi32, #tpu.memory_space<vmem>>
        %dma_wait3A_33 = arith.constant 0 : i32
        %dma_wait3A_34 = arith.constant 0 : i32
        %dma_wait3A_35 = tpu.memref_slice %arg2[%dma_wait3A_33, %dma_wait3A_34] : memref<10000x128xf32, #tpu.memory_space<hbm>> -> memref<10000x128xf32, #tpu.memory_space<hbm>>
        tpu.wait_indirect_dma semaphore(%arg13 : memref<!tpu.dma_semaphore, #tpu.memory_space<semaphore_mem>>) src(%dma_wait3A_35 : memref<10000x128xf32, #tpu.memory_space<hbm>>) dst(%arg11 : memref<128x128xf32, #tpu.memory_space<vmem>>)
        %add3A_36 = arith.constant 0 : i32
        %add3A_37 = arith.addi %mul3A_16, %add3A_36 : i32
        %dma_start3A_38 = arith.constant 0 : i32
        %dma_start3A_39 = tpu.memref_slice %arg10[%add3A_37, %dma_start3A_38] : memref<40x128xi32, #tpu.memory_space<vmem>> -> memref<1x128xi32, #tpu.memory_space<vmem>>
        %dma_start3A_40 = tpu.memref_squeeze %dma_start3A_39 : memref<1x128xi32, #tpu.memory_space<vmem>> -> memref<128xi32, #tpu.memory_space<vmem>>
        %dma_start3A_41 = arith.constant 0 : i32
        %dma_start3A_42 = arith.constant 0 : i32
        %dma_start3A_43 = tpu.memref_slice %arg17[%dma_start3A_41, %dma_start3A_42] : memref<10112x128xf32, #tpu.memory_space<vmem_shared>> -> memref<10112x128xf32, #tpu.memory_space<vmem_shared>>
        tpu.enqueue_indirect_dma source(%arg11 : memref<128x128xf32, #tpu.memory_space<vmem>>) target(%dma_start3A_43 : memref<10112x128xf32, #tpu.memory_space<vmem_shared>>) offsets(%dma_start3A_40 : memref<128xi32, #tpu.memory_space<vmem>>) semaphore(%arg15 : memref<!tpu.dma_semaphore, #tpu.memory_space<semaphore_mem>>) {add = true}
        %dma_wait3A_44 = arith.constant 0 : i32
        %dma_wait3A_45 = tpu.memref_slice %arg9[%add3A_24, %dma_wait3A_44] : memref<40x128xi32, #tpu.memory_space<vmem>> -> memref<1x128xi32, #tpu.memory_space<vmem>>
        %dma_wait3A_46 = tpu.memref_squeeze %dma_wait3A_45 : memref<1x128xi32, #tpu.memory_space<vmem>> -> memref<128xi32, #tpu.memory_space<vmem>>
        %dma_wait3A_47 = arith.constant 0 : i32
        %dma_wait3A_48 = arith.constant 0 : i32
        %dma_wait3A_49 = tpu.memref_slice %arg2[%dma_wait3A_47, %dma_wait3A_48] : memref<10000x128xf32, #tpu.memory_space<hbm>> -> memref<10000x128xf32, #tpu.memory_space<hbm>>
        tpu.wait_indirect_dma semaphore(%arg14 : memref<!tpu.dma_semaphore, #tpu.memory_space<semaphore_mem>>) src(%dma_wait3A_49 : memref<10000x128xf32, #tpu.memory_space<hbm>>) dst(%arg12 : memref<128x128xf32, #tpu.memory_space<vmem>>)
        %add3A_50 = arith.constant 1 : i32
        %add3A_51 = arith.addi %mul3A_16, %add3A_50 : i32
        %dma_start3A_52 = arith.constant 0 : i32
        %dma_start3A_53 = tpu.memref_slice %arg10[%add3A_51, %dma_start3A_52] : memref<40x128xi32, #tpu.memory_space<vmem>> -> memref<1x128xi32, #tpu.memory_space<vmem>>
        %dma_start3A_54 = tpu.memref_squeeze %dma_start3A_53 : memref<1x128xi32, #tpu.memory_space<vmem>> -> memref<128xi32, #tpu.memory_space<vmem>>
        %dma_start3A_55 = arith.constant 0 : i32
        %dma_start3A_56 = arith.constant 0 : i32
        %dma_start3A_57 = tpu.memref_slice %arg17[%dma_start3A_55, %dma_start3A_56] : memref<10112x128xf32, #tpu.memory_space<vmem_shared>> -> memref<10112x128xf32, #tpu.memory_space<vmem_shared>>
        tpu.enqueue_indirect_dma source(%arg12 : memref<128x128xf32, #tpu.memory_space<vmem>>) target(%dma_start3A_57 : memref<10112x128xf32, #tpu.memory_space<vmem_shared>>) offsets(%dma_start3A_54 : memref<128xi32, #tpu.memory_space<vmem>>) semaphore(%arg16 : memref<!tpu.dma_semaphore, #tpu.memory_space<semaphore_mem>>) {add = true}
        %dma_wait3A_58 = arith.constant 0 : i32
        %dma_wait3A_59 = tpu.memref_slice %arg10[%add3A_37, %dma_wait3A_58] : memref<40x128xi32, #tpu.memory_space<vmem>> -> memref<1x128xi32, #tpu.memory_space<vmem>>
        %dma_wait3A_60 = tpu.memref_squeeze %dma_wait3A_59 : memref<1x128xi32, #tpu.memory_space<vmem>> -> memref<128xi32, #tpu.memory_space<vmem>>
        %dma_wait3A_61 = arith.constant 0 : i32
        %dma_wait3A_62 = arith.constant 0 : i32
        %dma_wait3A_63 = tpu.memref_slice %arg17[%dma_wait3A_61, %dma_wait3A_62] : memref<10112x128xf32, #tpu.memory_space<vmem_shared>> -> memref<10112x128xf32, #tpu.memory_space<vmem_shared>>
        tpu.wait_indirect_dma semaphore(%arg15 : memref<!tpu.dma_semaphore, #tpu.memory_space<semaphore_mem>>) src(%arg11 : memref<128x128xf32, #tpu.memory_space<vmem>>) dst(%dma_wait3A_63 : memref<10112x128xf32, #tpu.memory_space<vmem_shared>>)
        %dma_wait3A_64 = arith.constant 0 : i32
        %dma_wait3A_65 = tpu.memref_slice %arg10[%add3A_51, %dma_wait3A_64] : memref<40x128xi32, #tpu.memory_space<vmem>> -> memref<1x128xi32, #tpu.memory_space<vmem>>
        %dma_wait3A_66 = tpu.memref_squeeze %dma_wait3A_65 : memref<1x128xi32, #tpu.memory_space<vmem>> -> memref<128xi32, #tpu.memory_space<vmem>>
        %dma_wait3A_67 = arith.constant 0 : i32
        %dma_wait3A_68 = arith.constant 0 : i32
        %dma_wait3A_69 = tpu.memref_slice %arg17[%dma_wait3A_67, %dma_wait3A_68] : memref<10112x128xf32, #tpu.memory_space<vmem_shared>> -> memref<10112x128xf32, #tpu.memory_space<vmem_shared>>
        tpu.wait_indirect_dma semaphore(%arg16 : memref<!tpu.dma_semaphore, #tpu.memory_space<semaphore_mem>>) src(%arg12 : memref<128x128xf32, #tpu.memory_space<vmem>>) dst(%dma_wait3A_69 : memref<10112x128xf32, #tpu.memory_space<vmem_shared>>)
      }
      %scan3A_13 = arith.constant 20 : i32
    } else {
    }
    %barrier3A_8 = arith.constant 0 : index
    tpu.barrier barrier_id(%barrier3A_8)
    "tpu.region"() ({
      %run_scoped3A = tpu.sem_alloc : memref<!tpu.dma_semaphore, #tpu.memory_space<semaphore_mem>>
      %dma_start3A = arith.constant 0 : i32
      %dma_start3A_9 = tpu.memref_slice %arg8[%arg0, %mul3A_0, %dma_start3A] : memref<2x10112x128xf32, #tpu.memory_space<hbm>> -> memref<1x632x128xf32, #tpu.memory_space<hbm>>
      %dma_start3A_10 = tpu.memref_squeeze %dma_start3A_9 : memref<1x632x128xf32, #tpu.memory_space<hbm>> -> memref<632x128xf32, #tpu.memory_space<hbm>>
      %dma_start3A_11 = arith.constant 0 : i32
      %dma_start3A_12 = tpu.memref_slice %arg17[%mul3A_0, %dma_start3A_11] : memref<10112x128xf32, #tpu.memory_space<vmem_shared>> -> memref<632x128xf32, #tpu.memory_space<vmem_shared>>
      tpu.enqueue_dma source(%dma_start3A_12 : memref<632x128xf32, #tpu.memory_space<vmem_shared>>) target(%dma_start3A_10 : memref<632x128xf32, #tpu.memory_space<hbm>>) target_semaphore(%run_scoped3A : memref<!tpu.dma_semaphore, #tpu.memory_space<semaphore_mem>>)
      %dma_wait3A = arith.constant 0 : i32
      %dma_wait3A_13 = tpu.memref_slice %arg8[%arg0, %mul3A_0, %dma_wait3A] : memref<2x10112x128xf32, #tpu.memory_space<hbm>> -> memref<1x632x128xf32, #tpu.memory_space<hbm>>
      %dma_wait3A_14 = tpu.memref_squeeze %dma_wait3A_13 : memref<1x632x128xf32, #tpu.memory_space<hbm>> -> memref<632x128xf32, #tpu.memory_space<hbm>>
      %dma_wait3A_15 = arith.constant 0 : i32
      %dma_wait3A_16 = tpu.memref_slice %arg17[%mul3A_0, %dma_wait3A_15] : memref<10112x128xf32, #tpu.memory_space<vmem_shared>> -> memref<632x128xf32, #tpu.memory_space<vmem_shared>>
      tpu.wait_dma2 semaphore(%run_scoped3A : memref<!tpu.dma_semaphore, #tpu.memory_space<semaphore_mem>>) src(%dma_wait3A_16 : memref<632x128xf32, #tpu.memory_space<vmem_shared>>) dst(%dma_wait3A_14 : memref<632x128xf32, #tpu.memory_space<hbm>>)
      tpu.yield
    }) : () -> ()
    return
  }
}

#map = affine_map<(d0, d1) -> (0, 0)>
#map1 = affine_map<(d0, d1) -> (0, 0, 0)>
module attributes {stable_mosaic.version = 14 : i64} {
  func.func @_agg_body(%arg0: i32, %arg1: i32, %arg2: memref<10000x128xf32, #tpu.memory_space<hbm>>, %arg3: memref<16x120x128xi32, #tpu.memory_space<hbm>>, %arg4: memref<16x120x128xi32, #tpu.memory_space<hbm>>, %arg5: memref<16x40x128xi32, #tpu.memory_space<hbm>>, %arg6: memref<16x40x128xi32, #tpu.memory_space<hbm>>, %arg7: memref<10112x128xf32, #tpu.memory_space<hbm>>, %arg8: memref<2x10112x128xf32, #tpu.memory_space<hbm>>, %arg9: memref<40x128xi32, #tpu.memory_space<vmem>>, %arg10: memref<40x128xi32, #tpu.memory_space<vmem>>, %arg11: memref<128x128xf32, #tpu.memory_space<vmem>>, %arg12: memref<128x128xf32, #tpu.memory_space<vmem>>, %arg13: memref<!tpu.dma_semaphore, #tpu.memory_space<semaphore_mem>>, %arg14: memref<!tpu.dma_semaphore, #tpu.memory_space<semaphore_mem>>, %arg15: memref<!tpu.dma_semaphore, #tpu.memory_space<semaphore_mem>>, %arg16: memref<!tpu.dma_semaphore, #tpu.memory_space<semaphore_mem>>, %arg17: memref<10112x128xf32, #tpu.memory_space<vmem_shared>>) attributes {dimension_semantics = [#tpu.dimension_semantics<core_parallel>, #tpu.dimension_semantics<subcore_parallel>], iteration_bounds = array<i64: 2, 16>, scalar_prefetch = 0 : i64, scratch_operands = 9 : i64, tpu.core_type = #tpu.core_type<sc_vector_subcore>, window_params = [{transform_indices = #map}, {transform_indices = #map1}, {transform_indices = #map1}, {transform_indices = #map1}, {transform_indices = #map1}, {transform_indices = #map}, {transform_indices = #map1}]} {
    %mul3A = arith.constant 632 : i32
    %mul3A_0 = arith.muli %arg1, %mul3A : i32
    "tpu.region"() ({
      %run_scoped3A = tpu.sem_alloc : memref<!tpu.dma_semaphore, #tpu.memory_space<semaphore_mem>>
      %dma_start3A = arith.constant 0 : i32
      %dma_start3A_9 = tpu.memref_slice %arg17[%mul3A_0, %dma_start3A] : memref<10112x128xf32, #tpu.memory_space<vmem_shared>> -> memref<632x128xf32, #tpu.memory_space<vmem_shared>>
      %dma_start3A_10 = arith.constant 0 : i32
      %dma_start3A_11 = tpu.memref_slice %arg7[%mul3A_0, %dma_start3A_10] : memref<10112x128xf32, #tpu.memory_space<hbm>> -> memref<632x128xf32, #tpu.memory_space<hbm>>
      tpu.enqueue_dma source(%dma_start3A_11 : memref<632x128xf32, #tpu.memory_space<hbm>>) target(%dma_start3A_9 : memref<632x128xf32, #tpu.memory_space<vmem_shared>>) target_semaphore(%run_scoped3A : memref<!tpu.dma_semaphore, #tpu.memory_space<semaphore_mem>>)
      %dma_wait3A = arith.constant 0 : i32
      %dma_wait3A_12 = tpu.memref_slice %arg17[%mul3A_0, %dma_wait3A] : memref<10112x128xf32, #tpu.memory_space<vmem_shared>> -> memref<632x128xf32, #tpu.memory_space<vmem_shared>>
      %dma_wait3A_13 = arith.constant 0 : i32
      %dma_wait3A_14 = tpu.memref_slice %arg7[%mul3A_0, %dma_wait3A_13] : memref<10112x128xf32, #tpu.memory_space<hbm>> -> memref<632x128xf32, #tpu.memory_space<hbm>>
      tpu.wait_dma2 semaphore(%run_scoped3A : memref<!tpu.dma_semaphore, #tpu.memory_space<semaphore_mem>>) src(%dma_wait3A_14 : memref<632x128xf32, #tpu.memory_space<hbm>>) dst(%dma_wait3A_12 : memref<632x128xf32, #tpu.memory_space<vmem_shared>>)
      tpu.yield
    }) : () -> ()
    %barrier3A = arith.constant 0 : index
    tpu.barrier barrier_id(%barrier3A)
    %eq3A = arith.constant 0 : i32
    %eq3A_1 = arith.cmpi eq, %arg0, %eq3A : i32
    %convert_element_type3A = arith.extui %eq3A_1 : i1 to i32
    %cond3A = arith.constant 0 : i32
    %cond3A_2 = arith.cmpi ne, %convert_element_type3A, %cond3A : i32
    scf.if %cond3A_2 {
      "tpu.region"() ({
        %run_scoped3A = tpu.sem_alloc : memref<!tpu.dma_semaphore, #tpu.memory_space<semaphore_mem>>
        %dma_start3A = arith.constant 0 : i32
        %dma_start3A_26 = arith.constant 0 : i32
        %dma_start3A_27 = tpu.memref_slice %arg9[%dma_start3A, %dma_start3A_26] : memref<40x128xi32, #tpu.memory_space<vmem>> -> memref<40x128xi32, #tpu.memory_space<vmem>>
        %dma_start3A_28 = arith.constant 0 : i32
        %dma_start3A_29 = arith.constant 0 : i32
        %dma_start3A_30 = tpu.memref_slice %arg3[%arg1, %dma_start3A_28, %dma_start3A_29] : memref<16x120x128xi32, #tpu.memory_space<hbm>> -> memref<1x40x128xi32, #tpu.memory_space<hbm>>
        %dma_start3A_31 = tpu.memref_squeeze %dma_start3A_30 : memref<1x40x128xi32, #tpu.memory_space<hbm>> -> memref<40x128xi32, #tpu.memory_space<hbm>>
        %dma_start3A_32 = arith.constant 0 : i32
        %dma_start3A_33 = arith.constant 0 : i32
        %dma_start3A_34 = tpu.memref_slice %arg9[%dma_start3A_32, %dma_start3A_33] : memref<40x128xi32, #tpu.memory_space<vmem>> -> memref<40x128xi32, #tpu.memory_space<vmem>>
        %dma_start3A_35 = arith.constant 0 : i32
        %dma_start3A_36 = arith.constant 0 : i32
        %dma_start3A_37 = tpu.memref_slice %arg3[%arg1, %dma_start3A_35, %dma_start3A_36] : memref<16x120x128xi32, #tpu.memory_space<hbm>> -> memref<1x40x128xi32, #tpu.memory_space<hbm>>
        %dma_start3A_38 = tpu.memref_squeeze %dma_start3A_37 : memref<1x40x128xi32, #tpu.memory_space<hbm>> -> memref<40x128xi32, #tpu.memory_space<hbm>>
        tpu.enqueue_dma source(%dma_start3A_38 : memref<40x128xi32, #tpu.memory_space<hbm>>) target(%dma_start3A_34 : memref<40x128xi32, #tpu.memory_space<vmem>>) target_semaphore(%run_scoped3A : memref<!tpu.dma_semaphore, #tpu.memory_space<semaphore_mem>>)
        %dma_wait3A = arith.constant 0 : i32
        %dma_wait3A_39 = arith.constant 0 : i32
        %dma_wait3A_40 = tpu.memref_slice %arg9[%dma_wait3A, %dma_wait3A_39] : memref<40x128xi32, #tpu.memory_space<vmem>> -> memref<40x128xi32, #tpu.memory_space<vmem>>
        %dma_wait3A_41 = arith.constant 0 : i32
        %dma_wait3A_42 = arith.constant 0 : i32
        %dma_wait3A_43 = tpu.memref_slice %arg3[%arg1, %dma_wait3A_41, %dma_wait3A_42] : memref<16x120x128xi32, #tpu.memory_space<hbm>> -> memref<1x40x128xi32, #tpu.memory_space<hbm>>
        %dma_wait3A_44 = tpu.memref_squeeze %dma_wait3A_43 : memref<1x40x128xi32, #tpu.memory_space<hbm>> -> memref<40x128xi32, #tpu.memory_space<hbm>>
        %dma_wait3A_45 = arith.constant 0 : i32
        %dma_wait3A_46 = arith.constant 0 : i32
        %dma_wait3A_47 = tpu.memref_slice %arg9[%dma_wait3A_45, %dma_wait3A_46] : memref<40x128xi32, #tpu.memory_space<vmem>> -> memref<40x128xi32, #tpu.memory_space<vmem>>
        %dma_wait3A_48 = arith.constant 0 : i32
        %dma_wait3A_49 = arith.constant 0 : i32
        %dma_wait3A_50 = tpu.memref_slice %arg3[%arg1, %dma_wait3A_48, %dma_wait3A_49] : memref<16x120x128xi32, #tpu.memory_space<hbm>> -> memref<1x40x128xi32, #tpu.memory_space<hbm>>
        %dma_wait3A_51 = tpu.memref_squeeze %dma_wait3A_50 : memref<1x40x128xi32, #tpu.memory_space<hbm>> -> memref<40x128xi32, #tpu.memory_space<hbm>>
        tpu.wait_dma2 semaphore(%run_scoped3A : memref<!tpu.dma_semaphore, #tpu.memory_space<semaphore_mem>>) src(%dma_wait3A_51 : memref<40x128xi32, #tpu.memory_space<hbm>>) dst(%dma_wait3A_47 : memref<40x128xi32, #tpu.memory_space<vmem>>)
        tpu.yield
      }) : () -> ()
      "tpu.region"() ({
        %run_scoped3A = tpu.sem_alloc : memref<!tpu.dma_semaphore, #tpu.memory_space<semaphore_mem>>
        %dma_start3A = arith.constant 0 : i32
        %dma_start3A_26 = arith.constant 0 : i32
        %dma_start3A_27 = tpu.memref_slice %arg10[%dma_start3A, %dma_start3A_26] : memref<40x128xi32, #tpu.memory_space<vmem>> -> memref<40x128xi32, #tpu.memory_space<vmem>>
        %dma_start3A_28 = arith.constant 0 : i32
        %dma_start3A_29 = arith.constant 0 : i32
        %dma_start3A_30 = tpu.memref_slice %arg4[%arg1, %dma_start3A_28, %dma_start3A_29] : memref<16x120x128xi32, #tpu.memory_space<hbm>> -> memref<1x40x128xi32, #tpu.memory_space<hbm>>
        %dma_start3A_31 = tpu.memref_squeeze %dma_start3A_30 : memref<1x40x128xi32, #tpu.memory_space<hbm>> -> memref<40x128xi32, #tpu.memory_space<hbm>>
        %dma_start3A_32 = arith.constant 0 : i32
        %dma_start3A_33 = arith.constant 0 : i32
        %dma_start3A_34 = tpu.memref_slice %arg10[%dma_start3A_32, %dma_start3A_33] : memref<40x128xi32, #tpu.memory_space<vmem>> -> memref<40x128xi32, #tpu.memory_space<vmem>>
        %dma_start3A_35 = arith.constant 0 : i32
        %dma_start3A_36 = arith.constant 0 : i32
        %dma_start3A_37 = tpu.memref_slice %arg4[%arg1, %dma_start3A_35, %dma_start3A_36] : memref<16x120x128xi32, #tpu.memory_space<hbm>> -> memref<1x40x128xi32, #tpu.memory_space<hbm>>
        %dma_start3A_38 = tpu.memref_squeeze %dma_start3A_37 : memref<1x40x128xi32, #tpu.memory_space<hbm>> -> memref<40x128xi32, #tpu.memory_space<hbm>>
        tpu.enqueue_dma source(%dma_start3A_38 : memref<40x128xi32, #tpu.memory_space<hbm>>) target(%dma_start3A_34 : memref<40x128xi32, #tpu.memory_space<vmem>>) target_semaphore(%run_scoped3A : memref<!tpu.dma_semaphore, #tpu.memory_space<semaphore_mem>>)
        %dma_wait3A = arith.constant 0 : i32
        %dma_wait3A_39 = arith.constant 0 : i32
        %dma_wait3A_40 = tpu.memref_slice %arg10[%dma_wait3A, %dma_wait3A_39] : memref<40x128xi32, #tpu.memory_space<vmem>> -> memref<40x128xi32, #tpu.memory_space<vmem>>
        %dma_wait3A_41 = arith.constant 0 : i32
        %dma_wait3A_42 = arith.constant 0 : i32
        %dma_wait3A_43 = tpu.memref_slice %arg4[%arg1, %dma_wait3A_41, %dma_wait3A_42] : memref<16x120x128xi32, #tpu.memory_space<hbm>> -> memref<1x40x128xi32, #tpu.memory_space<hbm>>
        %dma_wait3A_44 = tpu.memref_squeeze %dma_wait3A_43 : memref<1x40x128xi32, #tpu.memory_space<hbm>> -> memref<40x128xi32, #tpu.memory_space<hbm>>
        %dma_wait3A_45 = arith.constant 0 : i32
        %dma_wait3A_46 = arith.constant 0 : i32
        %dma_wait3A_47 = tpu.memref_slice %arg10[%dma_wait3A_45, %dma_wait3A_46] : memref<40x128xi32, #tpu.memory_space<vmem>> -> memref<40x128xi32, #tpu.memory_space<vmem>>
        %dma_wait3A_48 = arith.constant 0 : i32
        %dma_wait3A_49 = arith.constant 0 : i32
        %dma_wait3A_50 = tpu.memref_slice %arg4[%arg1, %dma_wait3A_48, %dma_wait3A_49] : memref<16x120x128xi32, #tpu.memory_space<hbm>> -> memref<1x40x128xi32, #tpu.memory_space<hbm>>
        %dma_wait3A_51 = tpu.memref_squeeze %dma_wait3A_50 : memref<1x40x128xi32, #tpu.memory_space<hbm>> -> memref<40x128xi32, #tpu.memory_space<hbm>>
        tpu.wait_dma2 semaphore(%run_scoped3A : memref<!tpu.dma_semaphore, #tpu.memory_space<semaphore_mem>>) src(%dma_wait3A_51 : memref<40x128xi32, #tpu.memory_space<hbm>>) dst(%dma_wait3A_47 : memref<40x128xi32, #tpu.memory_space<vmem>>)
        tpu.yield
      }) : () -> ()
      %scan3A = arith.constant 0 : i32
      %scan3A_9 = arith.constant 0 : i32
      %scan3A_10 = arith.constant 20 : i32
      %scan3A_11 = arith.addi %scan3A_9, %scan3A_10 : i32
      %scan3A_12 = arith.constant 1 : i32
      scf.for %scan3A_26 = %scan3A_9 to %scan3A_11 step %scan3A_12  : i32 {
        %mul3A_27 = arith.constant 2 : i32
        %mul3A_28 = arith.muli %scan3A_26, %mul3A_27 : i32
        %add3A = arith.constant 0 : i32
        %add3A_29 = arith.addi %mul3A_28, %add3A : i32
        %dma_start3A = arith.constant 0 : i32
        %dma_start3A_30 = tpu.memref_slice %arg9[%add3A_29, %dma_start3A] : memref<40x128xi32, #tpu.memory_space<vmem>> -> memref<1x128xi32, #tpu.memory_space<vmem>>
        %dma_start3A_31 = tpu.memref_squeeze %dma_start3A_30 : memref<1x128xi32, #tpu.memory_space<vmem>> -> memref<128xi32, #tpu.memory_space<vmem>>
        %dma_start3A_32 = arith.constant 0 : i32
        %dma_start3A_33 = arith.constant 0 : i32
        %dma_start3A_34 = tpu.memref_slice %arg2[%dma_start3A_32, %dma_start3A_33] : memref<10000x128xf32, #tpu.memory_space<hbm>> -> memref<10000x128xf32, #tpu.memory_space<hbm>>
        tpu.enqueue_indirect_dma source(%dma_start3A_34 : memref<10000x128xf32, #tpu.memory_space<hbm>>) target(%arg11 : memref<128x128xf32, #tpu.memory_space<vmem>>) offsets(%dma_start3A_31 : memref<128xi32, #tpu.memory_space<vmem>>) semaphore(%arg13 : memref<!tpu.dma_semaphore, #tpu.memory_space<semaphore_mem>>)
        %add3A_35 = arith.constant 1 : i32
        %add3A_36 = arith.addi %mul3A_28, %add3A_35 : i32
        %dma_start3A_37 = arith.constant 0 : i32
        %dma_start3A_38 = tpu.memref_slice %arg9[%add3A_36, %dma_start3A_37] : memref<40x128xi32, #tpu.memory_space<vmem>> -> memref<1x128xi32, #tpu.memory_space<vmem>>
        %dma_start3A_39 = tpu.memref_squeeze %dma_start3A_38 : memref<1x128xi32, #tpu.memory_space<vmem>> -> memref<128xi32, #tpu.memory_space<vmem>>
        %dma_start3A_40 = arith.constant 0 : i32
        %dma_start3A_41 = arith.constant 0 : i32
        %dma_start3A_42 = tpu.memref_slice %arg2[%dma_start3A_40, %dma_start3A_41] : memref<10000x128xf32, #tpu.memory_space<hbm>> -> memref<10000x128xf32, #tpu.memory_space<hbm>>
        tpu.enqueue_indirect_dma source(%dma_start3A_42 : memref<10000x128xf32, #tpu.memory_space<hbm>>) target(%arg12 : memref<128x128xf32, #tpu.memory_space<vmem>>) offsets(%dma_start3A_39 : memref<128xi32, #tpu.memory_space<vmem>>) semaphore(%arg14 : memref<!tpu.dma_semaphore, #tpu.memory_space<semaphore_mem>>)
        %dma_wait3A = arith.constant 0 : i32
        %dma_wait3A_43 = tpu.memref_slice %arg9[%add3A_29, %dma_wait3A] : memref<40x128xi32, #tpu.memory_space<vmem>> -> memref<1x128xi32, #tpu.memory_space<vmem>>
        %dma_wait3A_44 = tpu.memref_squeeze %dma_wait3A_43 : memref<1x128xi32, #tpu.memory_space<vmem>> -> memref<128xi32, #tpu.memory_space<vmem>>
        %dma_wait3A_45 = arith.constant 0 : i32
        %dma_wait3A_46 = arith.constant 0 : i32
        %dma_wait3A_47 = tpu.memref_slice %arg2[%dma_wait3A_45, %dma_wait3A_46] : memref<10000x128xf32, #tpu.memory_space<hbm>> -> memref<10000x128xf32, #tpu.memory_space<hbm>>
        tpu.wait_indirect_dma semaphore(%arg13 : memref<!tpu.dma_semaphore, #tpu.memory_space<semaphore_mem>>) src(%dma_wait3A_47 : memref<10000x128xf32, #tpu.memory_space<hbm>>) dst(%arg11 : memref<128x128xf32, #tpu.memory_space<vmem>>)
        %add3A_48 = arith.constant 0 : i32
        %add3A_49 = arith.addi %mul3A_28, %add3A_48 : i32
        %dma_start3A_50 = arith.constant 0 : i32
        %dma_start3A_51 = tpu.memref_slice %arg10[%add3A_49, %dma_start3A_50] : memref<40x128xi32, #tpu.memory_space<vmem>> -> memref<1x128xi32, #tpu.memory_space<vmem>>
        %dma_start3A_52 = tpu.memref_squeeze %dma_start3A_51 : memref<1x128xi32, #tpu.memory_space<vmem>> -> memref<128xi32, #tpu.memory_space<vmem>>
        %dma_start3A_53 = arith.constant 0 : i32
        %dma_start3A_54 = arith.constant 0 : i32
        %dma_start3A_55 = tpu.memref_slice %arg17[%dma_start3A_53, %dma_start3A_54] : memref<10112x128xf32, #tpu.memory_space<vmem_shared>> -> memref<10112x128xf32, #tpu.memory_space<vmem_shared>>
        tpu.enqueue_indirect_dma source(%arg11 : memref<128x128xf32, #tpu.memory_space<vmem>>) target(%dma_start3A_55 : memref<10112x128xf32, #tpu.memory_space<vmem_shared>>) offsets(%dma_start3A_52 : memref<128xi32, #tpu.memory_space<vmem>>) semaphore(%arg15 : memref<!tpu.dma_semaphore, #tpu.memory_space<semaphore_mem>>) {add = true}
        %dma_wait3A_56 = arith.constant 0 : i32
        %dma_wait3A_57 = tpu.memref_slice %arg9[%add3A_36, %dma_wait3A_56] : memref<40x128xi32, #tpu.memory_space<vmem>> -> memref<1x128xi32, #tpu.memory_space<vmem>>
        %dma_wait3A_58 = tpu.memref_squeeze %dma_wait3A_57 : memref<1x128xi32, #tpu.memory_space<vmem>> -> memref<128xi32, #tpu.memory_space<vmem>>
        %dma_wait3A_59 = arith.constant 0 : i32
        %dma_wait3A_60 = arith.constant 0 : i32
        %dma_wait3A_61 = tpu.memref_slice %arg2[%dma_wait3A_59, %dma_wait3A_60] : memref<10000x128xf32, #tpu.memory_space<hbm>> -> memref<10000x128xf32, #tpu.memory_space<hbm>>
        tpu.wait_indirect_dma semaphore(%arg14 : memref<!tpu.dma_semaphore, #tpu.memory_space<semaphore_mem>>) src(%dma_wait3A_61 : memref<10000x128xf32, #tpu.memory_space<hbm>>) dst(%arg12 : memref<128x128xf32, #tpu.memory_space<vmem>>)
        %add3A_62 = arith.constant 1 : i32
        %add3A_63 = arith.addi %mul3A_28, %add3A_62 : i32
        %dma_start3A_64 = arith.constant 0 : i32
        %dma_start3A_65 = tpu.memref_slice %arg10[%add3A_63, %dma_start3A_64] : memref<40x128xi32, #tpu.memory_space<vmem>> -> memref<1x128xi32, #tpu.memory_space<vmem>>
        %dma_start3A_66 = tpu.memref_squeeze %dma_start3A_65 : memref<1x128xi32, #tpu.memory_space<vmem>> -> memref<128xi32, #tpu.memory_space<vmem>>
        %dma_start3A_67 = arith.constant 0 : i32
        %dma_start3A_68 = arith.constant 0 : i32
        %dma_start3A_69 = tpu.memref_slice %arg17[%dma_start3A_67, %dma_start3A_68] : memref<10112x128xf32, #tpu.memory_space<vmem_shared>> -> memref<10112x128xf32, #tpu.memory_space<vmem_shared>>
        tpu.enqueue_indirect_dma source(%arg12 : memref<128x128xf32, #tpu.memory_space<vmem>>) target(%dma_start3A_69 : memref<10112x128xf32, #tpu.memory_space<vmem_shared>>) offsets(%dma_start3A_66 : memref<128xi32, #tpu.memory_space<vmem>>) semaphore(%arg16 : memref<!tpu.dma_semaphore, #tpu.memory_space<semaphore_mem>>) {add = true}
        %dma_wait3A_70 = arith.constant 0 : i32
        %dma_wait3A_71 = tpu.memref_slice %arg10[%add3A_49, %dma_wait3A_70] : memref<40x128xi32, #tpu.memory_space<vmem>> -> memref<1x128xi32, #tpu.memory_space<vmem>>
        %dma_wait3A_72 = tpu.memref_squeeze %dma_wait3A_71 : memref<1x128xi32, #tpu.memory_space<vmem>> -> memref<128xi32, #tpu.memory_space<vmem>>
        %dma_wait3A_73 = arith.constant 0 : i32
        %dma_wait3A_74 = arith.constant 0 : i32
        %dma_wait3A_75 = tpu.memref_slice %arg17[%dma_wait3A_73, %dma_wait3A_74] : memref<10112x128xf32, #tpu.memory_space<vmem_shared>> -> memref<10112x128xf32, #tpu.memory_space<vmem_shared>>
        tpu.wait_indirect_dma semaphore(%arg15 : memref<!tpu.dma_semaphore, #tpu.memory_space<semaphore_mem>>) src(%arg11 : memref<128x128xf32, #tpu.memory_space<vmem>>) dst(%dma_wait3A_75 : memref<10112x128xf32, #tpu.memory_space<vmem_shared>>)
        %dma_wait3A_76 = arith.constant 0 : i32
        %dma_wait3A_77 = tpu.memref_slice %arg10[%add3A_63, %dma_wait3A_76] : memref<40x128xi32, #tpu.memory_space<vmem>> -> memref<1x128xi32, #tpu.memory_space<vmem>>
        %dma_wait3A_78 = tpu.memref_squeeze %dma_wait3A_77 : memref<1x128xi32, #tpu.memory_space<vmem>> -> memref<128xi32, #tpu.memory_space<vmem>>
        %dma_wait3A_79 = arith.constant 0 : i32
        %dma_wait3A_80 = arith.constant 0 : i32
        %dma_wait3A_81 = tpu.memref_slice %arg17[%dma_wait3A_79, %dma_wait3A_80] : memref<10112x128xf32, #tpu.memory_space<vmem_shared>> -> memref<10112x128xf32, #tpu.memory_space<vmem_shared>>
        tpu.wait_indirect_dma semaphore(%arg16 : memref<!tpu.dma_semaphore, #tpu.memory_space<semaphore_mem>>) src(%arg12 : memref<128x128xf32, #tpu.memory_space<vmem>>) dst(%dma_wait3A_81 : memref<10112x128xf32, #tpu.memory_space<vmem_shared>>)
      }
      %scan3A_13 = arith.constant 20 : i32
      "tpu.region"() ({
        %run_scoped3A = tpu.sem_alloc : memref<!tpu.dma_semaphore, #tpu.memory_space<semaphore_mem>>
        %dma_start3A = arith.constant 0 : i32
        %dma_start3A_26 = arith.constant 0 : i32
        %dma_start3A_27 = tpu.memref_slice %arg9[%dma_start3A, %dma_start3A_26] : memref<40x128xi32, #tpu.memory_space<vmem>> -> memref<40x128xi32, #tpu.memory_space<vmem>>
        %dma_start3A_28 = arith.constant 40 : i32
        %dma_start3A_29 = arith.constant 0 : i32
        %dma_start3A_30 = tpu.memref_slice %arg3[%arg1, %dma_start3A_28, %dma_start3A_29] : memref<16x120x128xi32, #tpu.memory_space<hbm>> -> memref<1x40x128xi32, #tpu.memory_space<hbm>>
        %dma_start3A_31 = tpu.memref_squeeze %dma_start3A_30 : memref<1x40x128xi32, #tpu.memory_space<hbm>> -> memref<40x128xi32, #tpu.memory_space<hbm>>
        %dma_start3A_32 = arith.constant 0 : i32
        %dma_start3A_33 = arith.constant 0 : i32
        %dma_start3A_34 = tpu.memref_slice %arg9[%dma_start3A_32, %dma_start3A_33] : memref<40x128xi32, #tpu.memory_space<vmem>> -> memref<40x128xi32, #tpu.memory_space<vmem>>
        %dma_start3A_35 = arith.constant 40 : i32
        %dma_start3A_36 = arith.constant 0 : i32
        %dma_start3A_37 = tpu.memref_slice %arg3[%arg1, %dma_start3A_35, %dma_start3A_36] : memref<16x120x128xi32, #tpu.memory_space<hbm>> -> memref<1x40x128xi32, #tpu.memory_space<hbm>>
        %dma_start3A_38 = tpu.memref_squeeze %dma_start3A_37 : memref<1x40x128xi32, #tpu.memory_space<hbm>> -> memref<40x128xi32, #tpu.memory_space<hbm>>
        tpu.enqueue_dma source(%dma_start3A_38 : memref<40x128xi32, #tpu.memory_space<hbm>>) target(%dma_start3A_34 : memref<40x128xi32, #tpu.memory_space<vmem>>) target_semaphore(%run_scoped3A : memref<!tpu.dma_semaphore, #tpu.memory_space<semaphore_mem>>)
        %dma_wait3A = arith.constant 0 : i32
        %dma_wait3A_39 = arith.constant 0 : i32
        %dma_wait3A_40 = tpu.memref_slice %arg9[%dma_wait3A, %dma_wait3A_39] : memref<40x128xi32, #tpu.memory_space<vmem>> -> memref<40x128xi32, #tpu.memory_space<vmem>>
        %dma_wait3A_41 = arith.constant 40 : i32
        %dma_wait3A_42 = arith.constant 0 : i32
        %dma_wait3A_43 = tpu.memref_slice %arg3[%arg1, %dma_wait3A_41, %dma_wait3A_42] : memref<16x120x128xi32, #tpu.memory_space<hbm>> -> memref<1x40x128xi32, #tpu.memory_space<hbm>>
        %dma_wait3A_44 = tpu.memref_squeeze %dma_wait3A_43 : memref<1x40x128xi32, #tpu.memory_space<hbm>> -> memref<40x128xi32, #tpu.memory_space<hbm>>
        %dma_wait3A_45 = arith.constant 0 : i32
        %dma_wait3A_46 = arith.constant 0 : i32
        %dma_wait3A_47 = tpu.memref_slice %arg9[%dma_wait3A_45, %dma_wait3A_46] : memref<40x128xi32, #tpu.memory_space<vmem>> -> memref<40x128xi32, #tpu.memory_space<vmem>>
        %dma_wait3A_48 = arith.constant 40 : i32
        %dma_wait3A_49 = arith.constant 0 : i32
        %dma_wait3A_50 = tpu.memref_slice %arg3[%arg1, %dma_wait3A_48, %dma_wait3A_49] : memref<16x120x128xi32, #tpu.memory_space<hbm>> -> memref<1x40x128xi32, #tpu.memory_space<hbm>>
        %dma_wait3A_51 = tpu.memref_squeeze %dma_wait3A_50 : memref<1x40x128xi32, #tpu.memory_space<hbm>> -> memref<40x128xi32, #tpu.memory_space<hbm>>
        tpu.wait_dma2 semaphore(%run_scoped3A : memref<!tpu.dma_semaphore, #tpu.memory_space<semaphore_mem>>) src(%dma_wait3A_51 : memref<40x128xi32, #tpu.memory_space<hbm>>) dst(%dma_wait3A_47 : memref<40x128xi32, #tpu.memory_space<vmem>>)
        tpu.yield
      }) : () -> ()
      "tpu.region"() ({
        %run_scoped3A = tpu.sem_alloc : memref<!tpu.dma_semaphore, #tpu.memory_space<semaphore_mem>>
        %dma_start3A = arith.constant 0 : i32
        %dma_start3A_26 = arith.constant 0 : i32
        %dma_start3A_27 = tpu.memref_slice %arg10[%dma_start3A, %dma_start3A_26] : memref<40x128xi32, #tpu.memory_space<vmem>> -> memref<40x128xi32, #tpu.memory_space<vmem>>
        %dma_start3A_28 = arith.constant 40 : i32
        %dma_start3A_29 = arith.constant 0 : i32
        %dma_start3A_30 = tpu.memref_slice %arg4[%arg1, %dma_start3A_28, %dma_start3A_29] : memref<16x120x128xi32, #tpu.memory_space<hbm>> -> memref<1x40x128xi32, #tpu.memory_space<hbm>>
        %dma_start3A_31 = tpu.memref_squeeze %dma_start3A_30 : memref<1x40x128xi32, #tpu.memory_space<hbm>> -> memref<40x128xi32, #tpu.memory_space<hbm>>
        %dma_start3A_32 = arith.constant 0 : i32
        %dma_start3A_33 = arith.constant 0 : i32
        %dma_start3A_34 = tpu.memref_slice %arg10[%dma_start3A_32, %dma_start3A_33] : memref<40x128xi32, #tpu.memory_space<vmem>> -> memref<40x128xi32, #tpu.memory_space<vmem>>
        %dma_start3A_35 = arith.constant 40 : i32
        %dma_start3A_36 = arith.constant 0 : i32
        %dma_start3A_37 = tpu.memref_slice %arg4[%arg1, %dma_start3A_35, %dma_start3A_36] : memref<16x120x128xi32, #tpu.memory_space<hbm>> -> memref<1x40x128xi32, #tpu.memory_space<hbm>>
        %dma_start3A_38 = tpu.memref_squeeze %dma_start3A_37 : memref<1x40x128xi32, #tpu.memory_space<hbm>> -> memref<40x128xi32, #tpu.memory_space<hbm>>
        tpu.enqueue_dma source(%dma_start3A_38 : memref<40x128xi32, #tpu.memory_space<hbm>>) target(%dma_start3A_34 : memref<40x128xi32, #tpu.memory_space<vmem>>) target_semaphore(%run_scoped3A : memref<!tpu.dma_semaphore, #tpu.memory_space<semaphore_mem>>)
        %dma_wait3A = arith.constant 0 : i32
        %dma_wait3A_39 = arith.constant 0 : i32
        %dma_wait3A_40 = tpu.memref_slice %arg10[%dma_wait3A, %dma_wait3A_39] : memref<40x128xi32, #tpu.memory_space<vmem>> -> memref<40x128xi32, #tpu.memory_space<vmem>>
        %dma_wait3A_41 = arith.constant 40 : i32
        %dma_wait3A_42 = arith.constant 0 : i32
        %dma_wait3A_43 = tpu.memref_slice %arg4[%arg1, %dma_wait3A_41, %dma_wait3A_42] : memref<16x120x128xi32, #tpu.memory_space<hbm>> -> memref<1x40x128xi32, #tpu.memory_space<hbm>>
        %dma_wait3A_44 = tpu.memref_squeeze %dma_wait3A_43 : memref<1x40x128xi32, #tpu.memory_space<hbm>> -> memref<40x128xi32, #tpu.memory_space<hbm>>
        %dma_wait3A_45 = arith.constant 0 : i32
        %dma_wait3A_46 = arith.constant 0 : i32
        %dma_wait3A_47 = tpu.memref_slice %arg10[%dma_wait3A_45, %dma_wait3A_46] : memref<40x128xi32, #tpu.memory_space<vmem>> -> memref<40x128xi32, #tpu.memory_space<vmem>>
        %dma_wait3A_48 = arith.constant 40 : i32
        %dma_wait3A_49 = arith.constant 0 : i32
        %dma_wait3A_50 = tpu.memref_slice %arg4[%arg1, %dma_wait3A_48, %dma_wait3A_49] : memref<16x120x128xi32, #tpu.memory_space<hbm>> -> memref<1x40x128xi32, #tpu.memory_space<hbm>>
        %dma_wait3A_51 = tpu.memref_squeeze %dma_wait3A_50 : memref<1x40x128xi32, #tpu.memory_space<hbm>> -> memref<40x128xi32, #tpu.memory_space<hbm>>
        tpu.wait_dma2 semaphore(%run_scoped3A : memref<!tpu.dma_semaphore, #tpu.memory_space<semaphore_mem>>) src(%dma_wait3A_51 : memref<40x128xi32, #tpu.memory_space<hbm>>) dst(%dma_wait3A_47 : memref<40x128xi32, #tpu.memory_space<vmem>>)
        tpu.yield
      }) : () -> ()
      %scan3A_14 = arith.constant 0 : i32
      %scan3A_15 = arith.constant 0 : i32
      %scan3A_16 = arith.constant 20 : i32
      %scan3A_17 = arith.addi %scan3A_15, %scan3A_16 : i32
      %scan3A_18 = arith.constant 1 : i32
      scf.for %scan3A_26 = %scan3A_15 to %scan3A_17 step %scan3A_18  : i32 {
        %mul3A_27 = arith.constant 2 : i32
        %mul3A_28 = arith.muli %scan3A_26, %mul3A_27 : i32
        %add3A = arith.constant 0 : i32
        %add3A_29 = arith.addi %mul3A_28, %add3A : i32
        %dma_start3A = arith.constant 0 : i32
        %dma_start3A_30 = tpu.memref_slice %arg9[%add3A_29, %dma_start3A] : memref<40x128xi32, #tpu.memory_space<vmem>> -> memref<1x128xi32, #tpu.memory_space<vmem>>
        %dma_start3A_31 = tpu.memref_squeeze %dma_start3A_30 : memref<1x128xi32, #tpu.memory_space<vmem>> -> memref<128xi32, #tpu.memory_space<vmem>>
        %dma_start3A_32 = arith.constant 0 : i32
        %dma_start3A_33 = arith.constant 0 : i32
        %dma_start3A_34 = tpu.memref_slice %arg2[%dma_start3A_32, %dma_start3A_33] : memref<10000x128xf32, #tpu.memory_space<hbm>> -> memref<10000x128xf32, #tpu.memory_space<hbm>>
        tpu.enqueue_indirect_dma source(%dma_start3A_34 : memref<10000x128xf32, #tpu.memory_space<hbm>>) target(%arg11 : memref<128x128xf32, #tpu.memory_space<vmem>>) offsets(%dma_start3A_31 : memref<128xi32, #tpu.memory_space<vmem>>) semaphore(%arg13 : memref<!tpu.dma_semaphore, #tpu.memory_space<semaphore_mem>>)
        %add3A_35 = arith.constant 1 : i32
        %add3A_36 = arith.addi %mul3A_28, %add3A_35 : i32
        %dma_start3A_37 = arith.constant 0 : i32
        %dma_start3A_38 = tpu.memref_slice %arg9[%add3A_36, %dma_start3A_37] : memref<40x128xi32, #tpu.memory_space<vmem>> -> memref<1x128xi32, #tpu.memory_space<vmem>>
        %dma_start3A_39 = tpu.memref_squeeze %dma_start3A_38 : memref<1x128xi32, #tpu.memory_space<vmem>> -> memref<128xi32, #tpu.memory_space<vmem>>
        %dma_start3A_40 = arith.constant 0 : i32
        %dma_start3A_41 = arith.constant 0 : i32
        %dma_start3A_42 = tpu.memref_slice %arg2[%dma_start3A_40, %dma_start3A_41] : memref<10000x128xf32, #tpu.memory_space<hbm>> -> memref<10000x128xf32, #tpu.memory_space<hbm>>
        tpu.enqueue_indirect_dma source(%dma_start3A_42 : memref<10000x128xf32, #tpu.memory_space<hbm>>) target(%arg12 : memref<128x128xf32, #tpu.memory_space<vmem>>) offsets(%dma_start3A_39 : memref<128xi32, #tpu.memory_space<vmem>>) semaphore(%arg14 : memref<!tpu.dma_semaphore, #tpu.memory_space<semaphore_mem>>)
        %dma_wait3A = arith.constant 0 : i32
        %dma_wait3A_43 = tpu.memref_slice %arg9[%add3A_29, %dma_wait3A] : memref<40x128xi32, #tpu.memory_space<vmem>> -> memref<1x128xi32, #tpu.memory_space<vmem>>
        %dma_wait3A_44 = tpu.memref_squeeze %dma_wait3A_43 : memref<1x128xi32, #tpu.memory_space<vmem>> -> memref<128xi32, #tpu.memory_space<vmem>>
        %dma_wait3A_45 = arith.constant 0 : i32
        %dma_wait3A_46 = arith.constant 0 : i32
        %dma_wait3A_47 = tpu.memref_slice %arg2[%dma_wait3A_45, %dma_wait3A_46] : memref<10000x128xf32, #tpu.memory_space<hbm>> -> memref<10000x128xf32, #tpu.memory_space<hbm>>
        tpu.wait_indirect_dma semaphore(%arg13 : memref<!tpu.dma_semaphore, #tpu.memory_space<semaphore_mem>>) src(%dma_wait3A_47 : memref<10000x128xf32, #tpu.memory_space<hbm>>) dst(%arg11 : memref<128x128xf32, #tpu.memory_space<vmem>>)
        %add3A_48 = arith.constant 0 : i32
        %add3A_49 = arith.addi %mul3A_28, %add3A_48 : i32
        %dma_start3A_50 = arith.constant 0 : i32
        %dma_start3A_51 = tpu.memref_slice %arg10[%add3A_49, %dma_start3A_50] : memref<40x128xi32, #tpu.memory_space<vmem>> -> memref<1x128xi32, #tpu.memory_space<vmem>>
        %dma_start3A_52 = tpu.memref_squeeze %dma_start3A_51 : memref<1x128xi32, #tpu.memory_space<vmem>> -> memref<128xi32, #tpu.memory_space<vmem>>
        %dma_start3A_53 = arith.constant 0 : i32
        %dma_start3A_54 = arith.constant 0 : i32
        %dma_start3A_55 = tpu.memref_slice %arg17[%dma_start3A_53, %dma_start3A_54] : memref<10112x128xf32, #tpu.memory_space<vmem_shared>> -> memref<10112x128xf32, #tpu.memory_space<vmem_shared>>
        tpu.enqueue_indirect_dma source(%arg11 : memref<128x128xf32, #tpu.memory_space<vmem>>) target(%dma_start3A_55 : memref<10112x128xf32, #tpu.memory_space<vmem_shared>>) offsets(%dma_start3A_52 : memref<128xi32, #tpu.memory_space<vmem>>) semaphore(%arg15 : memref<!tpu.dma_semaphore, #tpu.memory_space<semaphore_mem>>) {add = true}
        %dma_wait3A_56 = arith.constant 0 : i32
        %dma_wait3A_57 = tpu.memref_slice %arg9[%add3A_36, %dma_wait3A_56] : memref<40x128xi32, #tpu.memory_space<vmem>> -> memref<1x128xi32, #tpu.memory_space<vmem>>
        %dma_wait3A_58 = tpu.memref_squeeze %dma_wait3A_57 : memref<1x128xi32, #tpu.memory_space<vmem>> -> memref<128xi32, #tpu.memory_space<vmem>>
        %dma_wait3A_59 = arith.constant 0 : i32
        %dma_wait3A_60 = arith.constant 0 : i32
        %dma_wait3A_61 = tpu.memref_slice %arg2[%dma_wait3A_59, %dma_wait3A_60] : memref<10000x128xf32, #tpu.memory_space<hbm>> -> memref<10000x128xf32, #tpu.memory_space<hbm>>
        tpu.wait_indirect_dma semaphore(%arg14 : memref<!tpu.dma_semaphore, #tpu.memory_space<semaphore_mem>>) src(%dma_wait3A_61 : memref<10000x128xf32, #tpu.memory_space<hbm>>) dst(%arg12 : memref<128x128xf32, #tpu.memory_space<vmem>>)
        %add3A_62 = arith.constant 1 : i32
        %add3A_63 = arith.addi %mul3A_28, %add3A_62 : i32
        %dma_start3A_64 = arith.constant 0 : i32
        %dma_start3A_65 = tpu.memref_slice %arg10[%add3A_63, %dma_start3A_64] : memref<40x128xi32, #tpu.memory_space<vmem>> -> memref<1x128xi32, #tpu.memory_space<vmem>>
        %dma_start3A_66 = tpu.memref_squeeze %dma_start3A_65 : memref<1x128xi32, #tpu.memory_space<vmem>> -> memref<128xi32, #tpu.memory_space<vmem>>
        %dma_start3A_67 = arith.constant 0 : i32
        %dma_start3A_68 = arith.constant 0 : i32
        %dma_start3A_69 = tpu.memref_slice %arg17[%dma_start3A_67, %dma_start3A_68] : memref<10112x128xf32, #tpu.memory_space<vmem_shared>> -> memref<10112x128xf32, #tpu.memory_space<vmem_shared>>
        tpu.enqueue_indirect_dma source(%arg12 : memref<128x128xf32, #tpu.memory_space<vmem>>) target(%dma_start3A_69 : memref<10112x128xf32, #tpu.memory_space<vmem_shared>>) offsets(%dma_start3A_66 : memref<128xi32, #tpu.memory_space<vmem>>) semaphore(%arg16 : memref<!tpu.dma_semaphore, #tpu.memory_space<semaphore_mem>>) {add = true}
        %dma_wait3A_70 = arith.constant 0 : i32
        %dma_wait3A_71 = tpu.memref_slice %arg10[%add3A_49, %dma_wait3A_70] : memref<40x128xi32, #tpu.memory_space<vmem>> -> memref<1x128xi32, #tpu.memory_space<vmem>>
        %dma_wait3A_72 = tpu.memref_squeeze %dma_wait3A_71 : memref<1x128xi32, #tpu.memory_space<vmem>> -> memref<128xi32, #tpu.memory_space<vmem>>
        %dma_wait3A_73 = arith.constant 0 : i32
        %dma_wait3A_74 = arith.constant 0 : i32
        %dma_wait3A_75 = tpu.memref_slice %arg17[%dma_wait3A_73, %dma_wait3A_74] : memref<10112x128xf32, #tpu.memory_space<vmem_shared>> -> memref<10112x128xf32, #tpu.memory_space<vmem_shared>>
        tpu.wait_indirect_dma semaphore(%arg15 : memref<!tpu.dma_semaphore, #tpu.memory_space<semaphore_mem>>) src(%arg11 : memref<128x128xf32, #tpu.memory_space<vmem>>) dst(%dma_wait3A_75 : memref<10112x128xf32, #tpu.memory_space<vmem_shared>>)
        %dma_wait3A_76 = arith.constant 0 : i32
        %dma_wait3A_77 = tpu.memref_slice %arg10[%add3A_63, %dma_wait3A_76] : memref<40x128xi32, #tpu.memory_space<vmem>> -> memref<1x128xi32, #tpu.memory_space<vmem>>
        %dma_wait3A_78 = tpu.memref_squeeze %dma_wait3A_77 : memref<1x128xi32, #tpu.memory_space<vmem>> -> memref<128xi32, #tpu.memory_space<vmem>>
        %dma_wait3A_79 = arith.constant 0 : i32
        %dma_wait3A_80 = arith.constant 0 : i32
        %dma_wait3A_81 = tpu.memref_slice %arg17[%dma_wait3A_79, %dma_wait3A_80] : memref<10112x128xf32, #tpu.memory_space<vmem_shared>> -> memref<10112x128xf32, #tpu.memory_space<vmem_shared>>
        tpu.wait_indirect_dma semaphore(%arg16 : memref<!tpu.dma_semaphore, #tpu.memory_space<semaphore_mem>>) src(%arg12 : memref<128x128xf32, #tpu.memory_space<vmem>>) dst(%dma_wait3A_81 : memref<10112x128xf32, #tpu.memory_space<vmem_shared>>)
      }
      %scan3A_19 = arith.constant 20 : i32
      "tpu.region"() ({
        %run_scoped3A = tpu.sem_alloc : memref<!tpu.dma_semaphore, #tpu.memory_space<semaphore_mem>>
        %dma_start3A = arith.constant 0 : i32
        %dma_start3A_26 = arith.constant 0 : i32
        %dma_start3A_27 = tpu.memref_slice %arg9[%dma_start3A, %dma_start3A_26] : memref<40x128xi32, #tpu.memory_space<vmem>> -> memref<40x128xi32, #tpu.memory_space<vmem>>
        %dma_start3A_28 = arith.constant 80 : i32
        %dma_start3A_29 = arith.constant 0 : i32
        %dma_start3A_30 = tpu.memref_slice %arg3[%arg1, %dma_start3A_28, %dma_start3A_29] : memref<16x120x128xi32, #tpu.memory_space<hbm>> -> memref<1x40x128xi32, #tpu.memory_space<hbm>>
        %dma_start3A_31 = tpu.memref_squeeze %dma_start3A_30 : memref<1x40x128xi32, #tpu.memory_space<hbm>> -> memref<40x128xi32, #tpu.memory_space<hbm>>
        %dma_start3A_32 = arith.constant 0 : i32
        %dma_start3A_33 = arith.constant 0 : i32
        %dma_start3A_34 = tpu.memref_slice %arg9[%dma_start3A_32, %dma_start3A_33] : memref<40x128xi32, #tpu.memory_space<vmem>> -> memref<40x128xi32, #tpu.memory_space<vmem>>
        %dma_start3A_35 = arith.constant 80 : i32
        %dma_start3A_36 = arith.constant 0 : i32
        %dma_start3A_37 = tpu.memref_slice %arg3[%arg1, %dma_start3A_35, %dma_start3A_36] : memref<16x120x128xi32, #tpu.memory_space<hbm>> -> memref<1x40x128xi32, #tpu.memory_space<hbm>>
        %dma_start3A_38 = tpu.memref_squeeze %dma_start3A_37 : memref<1x40x128xi32, #tpu.memory_space<hbm>> -> memref<40x128xi32, #tpu.memory_space<hbm>>
        tpu.enqueue_dma source(%dma_start3A_38 : memref<40x128xi32, #tpu.memory_space<hbm>>) target(%dma_start3A_34 : memref<40x128xi32, #tpu.memory_space<vmem>>) target_semaphore(%run_scoped3A : memref<!tpu.dma_semaphore, #tpu.memory_space<semaphore_mem>>)
        %dma_wait3A = arith.constant 0 : i32
        %dma_wait3A_39 = arith.constant 0 : i32
        %dma_wait3A_40 = tpu.memref_slice %arg9[%dma_wait3A, %dma_wait3A_39] : memref<40x128xi32, #tpu.memory_space<vmem>> -> memref<40x128xi32, #tpu.memory_space<vmem>>
        %dma_wait3A_41 = arith.constant 80 : i32
        %dma_wait3A_42 = arith.constant 0 : i32
        %dma_wait3A_43 = tpu.memref_slice %arg3[%arg1, %dma_wait3A_41, %dma_wait3A_42] : memref<16x120x128xi32, #tpu.memory_space<hbm>> -> memref<1x40x128xi32, #tpu.memory_space<hbm>>
        %dma_wait3A_44 = tpu.memref_squeeze %dma_wait3A_43 : memref<1x40x128xi32, #tpu.memory_space<hbm>> -> memref<40x128xi32, #tpu.memory_space<hbm>>
        %dma_wait3A_45 = arith.constant 0 : i32
        %dma_wait3A_46 = arith.constant 0 : i32
        %dma_wait3A_47 = tpu.memref_slice %arg9[%dma_wait3A_45, %dma_wait3A_46] : memref<40x128xi32, #tpu.memory_space<vmem>> -> memref<40x128xi32, #tpu.memory_space<vmem>>
        %dma_wait3A_48 = arith.constant 80 : i32
        %dma_wait3A_49 = arith.constant 0 : i32
        %dma_wait3A_50 = tpu.memref_slice %arg3[%arg1, %dma_wait3A_48, %dma_wait3A_49] : memref<16x120x128xi32, #tpu.memory_space<hbm>> -> memref<1x40x128xi32, #tpu.memory_space<hbm>>
        %dma_wait3A_51 = tpu.memref_squeeze %dma_wait3A_50 : memref<1x40x128xi32, #tpu.memory_space<hbm>> -> memref<40x128xi32, #tpu.memory_space<hbm>>
        tpu.wait_dma2 semaphore(%run_scoped3A : memref<!tpu.dma_semaphore, #tpu.memory_space<semaphore_mem>>) src(%dma_wait3A_51 : memref<40x128xi32, #tpu.memory_space<hbm>>) dst(%dma_wait3A_47 : memref<40x128xi32, #tpu.memory_space<vmem>>)
        tpu.yield
      }) : () -> ()
      "tpu.region"() ({
        %run_scoped3A = tpu.sem_alloc : memref<!tpu.dma_semaphore, #tpu.memory_space<semaphore_mem>>
        %dma_start3A = arith.constant 0 : i32
        %dma_start3A_26 = arith.constant 0 : i32
        %dma_start3A_27 = tpu.memref_slice %arg10[%dma_start3A, %dma_start3A_26] : memref<40x128xi32, #tpu.memory_space<vmem>> -> memref<40x128xi32, #tpu.memory_space<vmem>>
        %dma_start3A_28 = arith.constant 80 : i32
        %dma_start3A_29 = arith.constant 0 : i32
        %dma_start3A_30 = tpu.memref_slice %arg4[%arg1, %dma_start3A_28, %dma_start3A_29] : memref<16x120x128xi32, #tpu.memory_space<hbm>> -> memref<1x40x128xi32, #tpu.memory_space<hbm>>
        %dma_start3A_31 = tpu.memref_squeeze %dma_start3A_30 : memref<1x40x128xi32, #tpu.memory_space<hbm>> -> memref<40x128xi32, #tpu.memory_space<hbm>>
        %dma_start3A_32 = arith.constant 0 : i32
        %dma_start3A_33 = arith.constant 0 : i32
        %dma_start3A_34 = tpu.memref_slice %arg10[%dma_start3A_32, %dma_start3A_33] : memref<40x128xi32, #tpu.memory_space<vmem>> -> memref<40x128xi32, #tpu.memory_space<vmem>>
        %dma_start3A_35 = arith.constant 80 : i32
        %dma_start3A_36 = arith.constant 0 : i32
        %dma_start3A_37 = tpu.memref_slice %arg4[%arg1, %dma_start3A_35, %dma_start3A_36] : memref<16x120x128xi32, #tpu.memory_space<hbm>> -> memref<1x40x128xi32, #tpu.memory_space<hbm>>
        %dma_start3A_38 = tpu.memref_squeeze %dma_start3A_37 : memref<1x40x128xi32, #tpu.memory_space<hbm>> -> memref<40x128xi32, #tpu.memory_space<hbm>>
        tpu.enqueue_dma source(%dma_start3A_38 : memref<40x128xi32, #tpu.memory_space<hbm>>) target(%dma_start3A_34 : memref<40x128xi32, #tpu.memory_space<vmem>>) target_semaphore(%run_scoped3A : memref<!tpu.dma_semaphore, #tpu.memory_space<semaphore_mem>>)
        %dma_wait3A = arith.constant 0 : i32
        %dma_wait3A_39 = arith.constant 0 : i32
        %dma_wait3A_40 = tpu.memref_slice %arg10[%dma_wait3A, %dma_wait3A_39] : memref<40x128xi32, #tpu.memory_space<vmem>> -> memref<40x128xi32, #tpu.memory_space<vmem>>
        %dma_wait3A_41 = arith.constant 80 : i32
        %dma_wait3A_42 = arith.constant 0 : i32
        %dma_wait3A_43 = tpu.memref_slice %arg4[%arg1, %dma_wait3A_41, %dma_wait3A_42] : memref<16x120x128xi32, #tpu.memory_space<hbm>> -> memref<1x40x128xi32, #tpu.memory_space<hbm>>
        %dma_wait3A_44 = tpu.memref_squeeze %dma_wait3A_43 : memref<1x40x128xi32, #tpu.memory_space<hbm>> -> memref<40x128xi32, #tpu.memory_space<hbm>>
        %dma_wait3A_45 = arith.constant 0 : i32
        %dma_wait3A_46 = arith.constant 0 : i32
        %dma_wait3A_47 = tpu.memref_slice %arg10[%dma_wait3A_45, %dma_wait3A_46] : memref<40x128xi32, #tpu.memory_space<vmem>> -> memref<40x128xi32, #tpu.memory_space<vmem>>
        %dma_wait3A_48 = arith.constant 80 : i32
        %dma_wait3A_49 = arith.constant 0 : i32
        %dma_wait3A_50 = tpu.memref_slice %arg4[%arg1, %dma_wait3A_48, %dma_wait3A_49] : memref<16x120x128xi32, #tpu.memory_space<hbm>> -> memref<1x40x128xi32, #tpu.memory_space<hbm>>
        %dma_wait3A_51 = tpu.memref_squeeze %dma_wait3A_50 : memref<1x40x128xi32, #tpu.memory_space<hbm>> -> memref<40x128xi32, #tpu.memory_space<hbm>>
        tpu.wait_dma2 semaphore(%run_scoped3A : memref<!tpu.dma_semaphore, #tpu.memory_space<semaphore_mem>>) src(%dma_wait3A_51 : memref<40x128xi32, #tpu.memory_space<hbm>>) dst(%dma_wait3A_47 : memref<40x128xi32, #tpu.memory_space<vmem>>)
        tpu.yield
      }) : () -> ()
      %scan3A_20 = arith.constant 0 : i32
      %scan3A_21 = arith.constant 0 : i32
      %scan3A_22 = arith.constant 20 : i32
      %scan3A_23 = arith.addi %scan3A_21, %scan3A_22 : i32
      %scan3A_24 = arith.constant 1 : i32
      scf.for %scan3A_26 = %scan3A_21 to %scan3A_23 step %scan3A_24  : i32 {
        %mul3A_27 = arith.constant 2 : i32
        %mul3A_28 = arith.muli %scan3A_26, %mul3A_27 : i32
        %add3A = arith.constant 0 : i32
        %add3A_29 = arith.addi %mul3A_28, %add3A : i32
        %dma_start3A = arith.constant 0 : i32
        %dma_start3A_30 = tpu.memref_slice %arg9[%add3A_29, %dma_start3A] : memref<40x128xi32, #tpu.memory_space<vmem>> -> memref<1x128xi32, #tpu.memory_space<vmem>>
        %dma_start3A_31 = tpu.memref_squeeze %dma_start3A_30 : memref<1x128xi32, #tpu.memory_space<vmem>> -> memref<128xi32, #tpu.memory_space<vmem>>
        %dma_start3A_32 = arith.constant 0 : i32
        %dma_start3A_33 = arith.constant 0 : i32
        %dma_start3A_34 = tpu.memref_slice %arg2[%dma_start3A_32, %dma_start3A_33] : memref<10000x128xf32, #tpu.memory_space<hbm>> -> memref<10000x128xf32, #tpu.memory_space<hbm>>
        tpu.enqueue_indirect_dma source(%dma_start3A_34 : memref<10000x128xf32, #tpu.memory_space<hbm>>) target(%arg11 : memref<128x128xf32, #tpu.memory_space<vmem>>) offsets(%dma_start3A_31 : memref<128xi32, #tpu.memory_space<vmem>>) semaphore(%arg13 : memref<!tpu.dma_semaphore, #tpu.memory_space<semaphore_mem>>)
        %add3A_35 = arith.constant 1 : i32
        %add3A_36 = arith.addi %mul3A_28, %add3A_35 : i32
        %dma_start3A_37 = arith.constant 0 : i32
        %dma_start3A_38 = tpu.memref_slice %arg9[%add3A_36, %dma_start3A_37] : memref<40x128xi32, #tpu.memory_space<vmem>> -> memref<1x128xi32, #tpu.memory_space<vmem>>
        %dma_start3A_39 = tpu.memref_squeeze %dma_start3A_38 : memref<1x128xi32, #tpu.memory_space<vmem>> -> memref<128xi32, #tpu.memory_space<vmem>>
        %dma_start3A_40 = arith.constant 0 : i32
        %dma_start3A_41 = arith.constant 0 : i32
        %dma_start3A_42 = tpu.memref_slice %arg2[%dma_start3A_40, %dma_start3A_41] : memref<10000x128xf32, #tpu.memory_space<hbm>> -> memref<10000x128xf32, #tpu.memory_space<hbm>>
        tpu.enqueue_indirect_dma source(%dma_start3A_42 : memref<10000x128xf32, #tpu.memory_space<hbm>>) target(%arg12 : memref<128x128xf32, #tpu.memory_space<vmem>>) offsets(%dma_start3A_39 : memref<128xi32, #tpu.memory_space<vmem>>) semaphore(%arg14 : memref<!tpu.dma_semaphore, #tpu.memory_space<semaphore_mem>>)
        %dma_wait3A = arith.constant 0 : i32
        %dma_wait3A_43 = tpu.memref_slice %arg9[%add3A_29, %dma_wait3A] : memref<40x128xi32, #tpu.memory_space<vmem>> -> memref<1x128xi32, #tpu.memory_space<vmem>>
        %dma_wait3A_44 = tpu.memref_squeeze %dma_wait3A_43 : memref<1x128xi32, #tpu.memory_space<vmem>> -> memref<128xi32, #tpu.memory_space<vmem>>
        %dma_wait3A_45 = arith.constant 0 : i32
        %dma_wait3A_46 = arith.constant 0 : i32
        %dma_wait3A_47 = tpu.memref_slice %arg2[%dma_wait3A_45, %dma_wait3A_46] : memref<10000x128xf32, #tpu.memory_space<hbm>> -> memref<10000x128xf32, #tpu.memory_space<hbm>>
        tpu.wait_indirect_dma semaphore(%arg13 : memref<!tpu.dma_semaphore, #tpu.memory_space<semaphore_mem>>) src(%dma_wait3A_47 : memref<10000x128xf32, #tpu.memory_space<hbm>>) dst(%arg11 : memref<128x128xf32, #tpu.memory_space<vmem>>)
        %add3A_48 = arith.constant 0 : i32
        %add3A_49 = arith.addi %mul3A_28, %add3A_48 : i32
        %dma_start3A_50 = arith.constant 0 : i32
        %dma_start3A_51 = tpu.memref_slice %arg10[%add3A_49, %dma_start3A_50] : memref<40x128xi32, #tpu.memory_space<vmem>> -> memref<1x128xi32, #tpu.memory_space<vmem>>
        %dma_start3A_52 = tpu.memref_squeeze %dma_start3A_51 : memref<1x128xi32, #tpu.memory_space<vmem>> -> memref<128xi32, #tpu.memory_space<vmem>>
        %dma_start3A_53 = arith.constant 0 : i32
        %dma_start3A_54 = arith.constant 0 : i32
        %dma_start3A_55 = tpu.memref_slice %arg17[%dma_start3A_53, %dma_start3A_54] : memref<10112x128xf32, #tpu.memory_space<vmem_shared>> -> memref<10112x128xf32, #tpu.memory_space<vmem_shared>>
        tpu.enqueue_indirect_dma source(%arg11 : memref<128x128xf32, #tpu.memory_space<vmem>>) target(%dma_start3A_55 : memref<10112x128xf32, #tpu.memory_space<vmem_shared>>) offsets(%dma_start3A_52 : memref<128xi32, #tpu.memory_space<vmem>>) semaphore(%arg15 : memref<!tpu.dma_semaphore, #tpu.memory_space<semaphore_mem>>) {add = true}
        %dma_wait3A_56 = arith.constant 0 : i32
        %dma_wait3A_57 = tpu.memref_slice %arg9[%add3A_36, %dma_wait3A_56] : memref<40x128xi32, #tpu.memory_space<vmem>> -> memref<1x128xi32, #tpu.memory_space<vmem>>
        %dma_wait3A_58 = tpu.memref_squeeze %dma_wait3A_57 : memref<1x128xi32, #tpu.memory_space<vmem>> -> memref<128xi32, #tpu.memory_space<vmem>>
        %dma_wait3A_59 = arith.constant 0 : i32
        %dma_wait3A_60 = arith.constant 0 : i32
        %dma_wait3A_61 = tpu.memref_slice %arg2[%dma_wait3A_59, %dma_wait3A_60] : memref<10000x128xf32, #tpu.memory_space<hbm>> -> memref<10000x128xf32, #tpu.memory_space<hbm>>
        tpu.wait_indirect_dma semaphore(%arg14 : memref<!tpu.dma_semaphore, #tpu.memory_space<semaphore_mem>>) src(%dma_wait3A_61 : memref<10000x128xf32, #tpu.memory_space<hbm>>) dst(%arg12 : memref<128x128xf32, #tpu.memory_space<vmem>>)
        %add3A_62 = arith.constant 1 : i32
        %add3A_63 = arith.addi %mul3A_28, %add3A_62 : i32
        %dma_start3A_64 = arith.constant 0 : i32
        %dma_start3A_65 = tpu.memref_slice %arg10[%add3A_63, %dma_start3A_64] : memref<40x128xi32, #tpu.memory_space<vmem>> -> memref<1x128xi32, #tpu.memory_space<vmem>>
        %dma_start3A_66 = tpu.memref_squeeze %dma_start3A_65 : memref<1x128xi32, #tpu.memory_space<vmem>> -> memref<128xi32, #tpu.memory_space<vmem>>
        %dma_start3A_67 = arith.constant 0 : i32
        %dma_start3A_68 = arith.constant 0 : i32
        %dma_start3A_69 = tpu.memref_slice %arg17[%dma_start3A_67, %dma_start3A_68] : memref<10112x128xf32, #tpu.memory_space<vmem_shared>> -> memref<10112x128xf32, #tpu.memory_space<vmem_shared>>
        tpu.enqueue_indirect_dma source(%arg12 : memref<128x128xf32, #tpu.memory_space<vmem>>) target(%dma_start3A_69 : memref<10112x128xf32, #tpu.memory_space<vmem_shared>>) offsets(%dma_start3A_66 : memref<128xi32, #tpu.memory_space<vmem>>) semaphore(%arg16 : memref<!tpu.dma_semaphore, #tpu.memory_space<semaphore_mem>>) {add = true}
        %dma_wait3A_70 = arith.constant 0 : i32
        %dma_wait3A_71 = tpu.memref_slice %arg10[%add3A_49, %dma_wait3A_70] : memref<40x128xi32, #tpu.memory_space<vmem>> -> memref<1x128xi32, #tpu.memory_space<vmem>>
        %dma_wait3A_72 = tpu.memref_squeeze %dma_wait3A_71 : memref<1x128xi32, #tpu.memory_space<vmem>> -> memref<128xi32, #tpu.memory_space<vmem>>
        %dma_wait3A_73 = arith.constant 0 : i32
        %dma_wait3A_74 = arith.constant 0 : i32
        %dma_wait3A_75 = tpu.memref_slice %arg17[%dma_wait3A_73, %dma_wait3A_74] : memref<10112x128xf32, #tpu.memory_space<vmem_shared>> -> memref<10112x128xf32, #tpu.memory_space<vmem_shared>>
        tpu.wait_indirect_dma semaphore(%arg15 : memref<!tpu.dma_semaphore, #tpu.memory_space<semaphore_mem>>) src(%arg11 : memref<128x128xf32, #tpu.memory_space<vmem>>) dst(%dma_wait3A_75 : memref<10112x128xf32, #tpu.memory_space<vmem_shared>>)
        %dma_wait3A_76 = arith.constant 0 : i32
        %dma_wait3A_77 = tpu.memref_slice %arg10[%add3A_63, %dma_wait3A_76] : memref<40x128xi32, #tpu.memory_space<vmem>> -> memref<1x128xi32, #tpu.memory_space<vmem>>
        %dma_wait3A_78 = tpu.memref_squeeze %dma_wait3A_77 : memref<1x128xi32, #tpu.memory_space<vmem>> -> memref<128xi32, #tpu.memory_space<vmem>>
        %dma_wait3A_79 = arith.constant 0 : i32
        %dma_wait3A_80 = arith.constant 0 : i32
        %dma_wait3A_81 = tpu.memref_slice %arg17[%dma_wait3A_79, %dma_wait3A_80] : memref<10112x128xf32, #tpu.memory_space<vmem_shared>> -> memref<10112x128xf32, #tpu.memory_space<vmem_shared>>
        tpu.wait_indirect_dma semaphore(%arg16 : memref<!tpu.dma_semaphore, #tpu.memory_space<semaphore_mem>>) src(%arg12 : memref<128x128xf32, #tpu.memory_space<vmem>>) dst(%dma_wait3A_81 : memref<10112x128xf32, #tpu.memory_space<vmem_shared>>)
      }
      %scan3A_25 = arith.constant 20 : i32
    } else {
    }
    %eq3A_3 = arith.constant 1 : i32
    %eq3A_4 = arith.cmpi eq, %arg0, %eq3A_3 : i32
    %convert_element_type3A_5 = arith.extui %eq3A_4 : i1 to i32
    %cond3A_6 = arith.constant 0 : i32
    %cond3A_7 = arith.cmpi ne, %convert_element_type3A_5, %cond3A_6 : i32
    scf.if %cond3A_7 {
      "tpu.region"() ({
        %run_scoped3A = tpu.sem_alloc : memref<!tpu.dma_semaphore, #tpu.memory_space<semaphore_mem>>
        %dma_start3A = arith.constant 0 : i32
        %dma_start3A_14 = arith.constant 0 : i32
        %dma_start3A_15 = tpu.memref_slice %arg9[%dma_start3A, %dma_start3A_14] : memref<40x128xi32, #tpu.memory_space<vmem>> -> memref<40x128xi32, #tpu.memory_space<vmem>>
        %dma_start3A_16 = arith.constant 0 : i32
        %dma_start3A_17 = arith.constant 0 : i32
        %dma_start3A_18 = tpu.memref_slice %arg5[%arg1, %dma_start3A_16, %dma_start3A_17] : memref<16x40x128xi32, #tpu.memory_space<hbm>> -> memref<1x40x128xi32, #tpu.memory_space<hbm>>
        %dma_start3A_19 = tpu.memref_squeeze %dma_start3A_18 : memref<1x40x128xi32, #tpu.memory_space<hbm>> -> memref<40x128xi32, #tpu.memory_space<hbm>>
        %dma_start3A_20 = arith.constant 0 : i32
        %dma_start3A_21 = arith.constant 0 : i32
        %dma_start3A_22 = tpu.memref_slice %arg9[%dma_start3A_20, %dma_start3A_21] : memref<40x128xi32, #tpu.memory_space<vmem>> -> memref<40x128xi32, #tpu.memory_space<vmem>>
        %dma_start3A_23 = arith.constant 0 : i32
        %dma_start3A_24 = arith.constant 0 : i32
        %dma_start3A_25 = tpu.memref_slice %arg5[%arg1, %dma_start3A_23, %dma_start3A_24] : memref<16x40x128xi32, #tpu.memory_space<hbm>> -> memref<1x40x128xi32, #tpu.memory_space<hbm>>
        %dma_start3A_26 = tpu.memref_squeeze %dma_start3A_25 : memref<1x40x128xi32, #tpu.memory_space<hbm>> -> memref<40x128xi32, #tpu.memory_space<hbm>>
        tpu.enqueue_dma source(%dma_start3A_26 : memref<40x128xi32, #tpu.memory_space<hbm>>) target(%dma_start3A_22 : memref<40x128xi32, #tpu.memory_space<vmem>>) target_semaphore(%run_scoped3A : memref<!tpu.dma_semaphore, #tpu.memory_space<semaphore_mem>>)
        %dma_wait3A = arith.constant 0 : i32
        %dma_wait3A_27 = arith.constant 0 : i32
        %dma_wait3A_28 = tpu.memref_slice %arg9[%dma_wait3A, %dma_wait3A_27] : memref<40x128xi32, #tpu.memory_space<vmem>> -> memref<40x128xi32, #tpu.memory_space<vmem>>
        %dma_wait3A_29 = arith.constant 0 : i32
        %dma_wait3A_30 = arith.constant 0 : i32
        %dma_wait3A_31 = tpu.memref_slice %arg5[%arg1, %dma_wait3A_29, %dma_wait3A_30] : memref<16x40x128xi32, #tpu.memory_space<hbm>> -> memref<1x40x128xi32, #tpu.memory_space<hbm>>
        %dma_wait3A_32 = tpu.memref_squeeze %dma_wait3A_31 : memref<1x40x128xi32, #tpu.memory_space<hbm>> -> memref<40x128xi32, #tpu.memory_space<hbm>>
        %dma_wait3A_33 = arith.constant 0 : i32
        %dma_wait3A_34 = arith.constant 0 : i32
        %dma_wait3A_35 = tpu.memref_slice %arg9[%dma_wait3A_33, %dma_wait3A_34] : memref<40x128xi32, #tpu.memory_space<vmem>> -> memref<40x128xi32, #tpu.memory_space<vmem>>
        %dma_wait3A_36 = arith.constant 0 : i32
        %dma_wait3A_37 = arith.constant 0 : i32
        %dma_wait3A_38 = tpu.memref_slice %arg5[%arg1, %dma_wait3A_36, %dma_wait3A_37] : memref<16x40x128xi32, #tpu.memory_space<hbm>> -> memref<1x40x128xi32, #tpu.memory_space<hbm>>
        %dma_wait3A_39 = tpu.memref_squeeze %dma_wait3A_38 : memref<1x40x128xi32, #tpu.memory_space<hbm>> -> memref<40x128xi32, #tpu.memory_space<hbm>>
        tpu.wait_dma2 semaphore(%run_scoped3A : memref<!tpu.dma_semaphore, #tpu.memory_space<semaphore_mem>>) src(%dma_wait3A_39 : memref<40x128xi32, #tpu.memory_space<hbm>>) dst(%dma_wait3A_35 : memref<40x128xi32, #tpu.memory_space<vmem>>)
        tpu.yield
      }) : () -> ()
      "tpu.region"() ({
        %run_scoped3A = tpu.sem_alloc : memref<!tpu.dma_semaphore, #tpu.memory_space<semaphore_mem>>
        %dma_start3A = arith.constant 0 : i32
        %dma_start3A_14 = arith.constant 0 : i32
        %dma_start3A_15 = tpu.memref_slice %arg10[%dma_start3A, %dma_start3A_14] : memref<40x128xi32, #tpu.memory_space<vmem>> -> memref<40x128xi32, #tpu.memory_space<vmem>>
        %dma_start3A_16 = arith.constant 0 : i32
        %dma_start3A_17 = arith.constant 0 : i32
        %dma_start3A_18 = tpu.memref_slice %arg6[%arg1, %dma_start3A_16, %dma_start3A_17] : memref<16x40x128xi32, #tpu.memory_space<hbm>> -> memref<1x40x128xi32, #tpu.memory_space<hbm>>
        %dma_start3A_19 = tpu.memref_squeeze %dma_start3A_18 : memref<1x40x128xi32, #tpu.memory_space<hbm>> -> memref<40x128xi32, #tpu.memory_space<hbm>>
        %dma_start3A_20 = arith.constant 0 : i32
        %dma_start3A_21 = arith.constant 0 : i32
        %dma_start3A_22 = tpu.memref_slice %arg10[%dma_start3A_20, %dma_start3A_21] : memref<40x128xi32, #tpu.memory_space<vmem>> -> memref<40x128xi32, #tpu.memory_space<vmem>>
        %dma_start3A_23 = arith.constant 0 : i32
        %dma_start3A_24 = arith.constant 0 : i32
        %dma_start3A_25 = tpu.memref_slice %arg6[%arg1, %dma_start3A_23, %dma_start3A_24] : memref<16x40x128xi32, #tpu.memory_space<hbm>> -> memref<1x40x128xi32, #tpu.memory_space<hbm>>
        %dma_start3A_26 = tpu.memref_squeeze %dma_start3A_25 : memref<1x40x128xi32, #tpu.memory_space<hbm>> -> memref<40x128xi32, #tpu.memory_space<hbm>>
        tpu.enqueue_dma source(%dma_start3A_26 : memref<40x128xi32, #tpu.memory_space<hbm>>) target(%dma_start3A_22 : memref<40x128xi32, #tpu.memory_space<vmem>>) target_semaphore(%run_scoped3A : memref<!tpu.dma_semaphore, #tpu.memory_space<semaphore_mem>>)
        %dma_wait3A = arith.constant 0 : i32
        %dma_wait3A_27 = arith.constant 0 : i32
        %dma_wait3A_28 = tpu.memref_slice %arg10[%dma_wait3A, %dma_wait3A_27] : memref<40x128xi32, #tpu.memory_space<vmem>> -> memref<40x128xi32, #tpu.memory_space<vmem>>
        %dma_wait3A_29 = arith.constant 0 : i32
        %dma_wait3A_30 = arith.constant 0 : i32
        %dma_wait3A_31 = tpu.memref_slice %arg6[%arg1, %dma_wait3A_29, %dma_wait3A_30] : memref<16x40x128xi32, #tpu.memory_space<hbm>> -> memref<1x40x128xi32, #tpu.memory_space<hbm>>
        %dma_wait3A_32 = tpu.memref_squeeze %dma_wait3A_31 : memref<1x40x128xi32, #tpu.memory_space<hbm>> -> memref<40x128xi32, #tpu.memory_space<hbm>>
        %dma_wait3A_33 = arith.constant 0 : i32
        %dma_wait3A_34 = arith.constant 0 : i32
        %dma_wait3A_35 = tpu.memref_slice %arg10[%dma_wait3A_33, %dma_wait3A_34] : memref<40x128xi32, #tpu.memory_space<vmem>> -> memref<40x128xi32, #tpu.memory_space<vmem>>
        %dma_wait3A_36 = arith.constant 0 : i32
        %dma_wait3A_37 = arith.constant 0 : i32
        %dma_wait3A_38 = tpu.memref_slice %arg6[%arg1, %dma_wait3A_36, %dma_wait3A_37] : memref<16x40x128xi32, #tpu.memory_space<hbm>> -> memref<1x40x128xi32, #tpu.memory_space<hbm>>
        %dma_wait3A_39 = tpu.memref_squeeze %dma_wait3A_38 : memref<1x40x128xi32, #tpu.memory_space<hbm>> -> memref<40x128xi32, #tpu.memory_space<hbm>>
        tpu.wait_dma2 semaphore(%run_scoped3A : memref<!tpu.dma_semaphore, #tpu.memory_space<semaphore_mem>>) src(%dma_wait3A_39 : memref<40x128xi32, #tpu.memory_space<hbm>>) dst(%dma_wait3A_35 : memref<40x128xi32, #tpu.memory_space<vmem>>)
        tpu.yield
      }) : () -> ()
      %scan3A = arith.constant 0 : i32
      %scan3A_9 = arith.constant 0 : i32
      %scan3A_10 = arith.constant 20 : i32
      %scan3A_11 = arith.addi %scan3A_9, %scan3A_10 : i32
      %scan3A_12 = arith.constant 1 : i32
      scf.for %scan3A_14 = %scan3A_9 to %scan3A_11 step %scan3A_12  : i32 {
        %mul3A_15 = arith.constant 2 : i32
        %mul3A_16 = arith.muli %scan3A_14, %mul3A_15 : i32
        %add3A = arith.constant 0 : i32
        %add3A_17 = arith.addi %mul3A_16, %add3A : i32
        %dma_start3A = arith.constant 0 : i32
        %dma_start3A_18 = tpu.memref_slice %arg9[%add3A_17, %dma_start3A] : memref<40x128xi32, #tpu.memory_space<vmem>> -> memref<1x128xi32, #tpu.memory_space<vmem>>
        %dma_start3A_19 = tpu.memref_squeeze %dma_start3A_18 : memref<1x128xi32, #tpu.memory_space<vmem>> -> memref<128xi32, #tpu.memory_space<vmem>>
        %dma_start3A_20 = arith.constant 0 : i32
        %dma_start3A_21 = arith.constant 0 : i32
        %dma_start3A_22 = tpu.memref_slice %arg2[%dma_start3A_20, %dma_start3A_21] : memref<10000x128xf32, #tpu.memory_space<hbm>> -> memref<10000x128xf32, #tpu.memory_space<hbm>>
        tpu.enqueue_indirect_dma source(%dma_start3A_22 : memref<10000x128xf32, #tpu.memory_space<hbm>>) target(%arg11 : memref<128x128xf32, #tpu.memory_space<vmem>>) offsets(%dma_start3A_19 : memref<128xi32, #tpu.memory_space<vmem>>) semaphore(%arg13 : memref<!tpu.dma_semaphore, #tpu.memory_space<semaphore_mem>>)
        %add3A_23 = arith.constant 1 : i32
        %add3A_24 = arith.addi %mul3A_16, %add3A_23 : i32
        %dma_start3A_25 = arith.constant 0 : i32
        %dma_start3A_26 = tpu.memref_slice %arg9[%add3A_24, %dma_start3A_25] : memref<40x128xi32, #tpu.memory_space<vmem>> -> memref<1x128xi32, #tpu.memory_space<vmem>>
        %dma_start3A_27 = tpu.memref_squeeze %dma_start3A_26 : memref<1x128xi32, #tpu.memory_space<vmem>> -> memref<128xi32, #tpu.memory_space<vmem>>
        %dma_start3A_28 = arith.constant 0 : i32
        %dma_start3A_29 = arith.constant 0 : i32
        %dma_start3A_30 = tpu.memref_slice %arg2[%dma_start3A_28, %dma_start3A_29] : memref<10000x128xf32, #tpu.memory_space<hbm>> -> memref<10000x128xf32, #tpu.memory_space<hbm>>
        tpu.enqueue_indirect_dma source(%dma_start3A_30 : memref<10000x128xf32, #tpu.memory_space<hbm>>) target(%arg12 : memref<128x128xf32, #tpu.memory_space<vmem>>) offsets(%dma_start3A_27 : memref<128xi32, #tpu.memory_space<vmem>>) semaphore(%arg14 : memref<!tpu.dma_semaphore, #tpu.memory_space<semaphore_mem>>)
        %dma_wait3A = arith.constant 0 : i32
        %dma_wait3A_31 = tpu.memref_slice %arg9[%add3A_17, %dma_wait3A] : memref<40x128xi32, #tpu.memory_space<vmem>> -> memref<1x128xi32, #tpu.memory_space<vmem>>
        %dma_wait3A_32 = tpu.memref_squeeze %dma_wait3A_31 : memref<1x128xi32, #tpu.memory_space<vmem>> -> memref<128xi32, #tpu.memory_space<vmem>>
        %dma_wait3A_33 = arith.constant 0 : i32
        %dma_wait3A_34 = arith.constant 0 : i32
        %dma_wait3A_35 = tpu.memref_slice %arg2[%dma_wait3A_33, %dma_wait3A_34] : memref<10000x128xf32, #tpu.memory_space<hbm>> -> memref<10000x128xf32, #tpu.memory_space<hbm>>
        tpu.wait_indirect_dma semaphore(%arg13 : memref<!tpu.dma_semaphore, #tpu.memory_space<semaphore_mem>>) src(%dma_wait3A_35 : memref<10000x128xf32, #tpu.memory_space<hbm>>) dst(%arg11 : memref<128x128xf32, #tpu.memory_space<vmem>>)
        %add3A_36 = arith.constant 0 : i32
        %add3A_37 = arith.addi %mul3A_16, %add3A_36 : i32
        %dma_start3A_38 = arith.constant 0 : i32
        %dma_start3A_39 = tpu.memref_slice %arg10[%add3A_37, %dma_start3A_38] : memref<40x128xi32, #tpu.memory_space<vmem>> -> memref<1x128xi32, #tpu.memory_space<vmem>>
        %dma_start3A_40 = tpu.memref_squeeze %dma_start3A_39 : memref<1x128xi32, #tpu.memory_space<vmem>> -> memref<128xi32, #tpu.memory_space<vmem>>
        %dma_start3A_41 = arith.constant 0 : i32
        %dma_start3A_42 = arith.constant 0 : i32
        %dma_start3A_43 = tpu.memref_slice %arg17[%dma_start3A_41, %dma_start3A_42] : memref<10112x128xf32, #tpu.memory_space<vmem_shared>> -> memref<10112x128xf32, #tpu.memory_space<vmem_shared>>
        tpu.enqueue_indirect_dma source(%arg11 : memref<128x128xf32, #tpu.memory_space<vmem>>) target(%dma_start3A_43 : memref<10112x128xf32, #tpu.memory_space<vmem_shared>>) offsets(%dma_start3A_40 : memref<128xi32, #tpu.memory_space<vmem>>) semaphore(%arg15 : memref<!tpu.dma_semaphore, #tpu.memory_space<semaphore_mem>>) {add = true}
        %dma_wait3A_44 = arith.constant 0 : i32
        %dma_wait3A_45 = tpu.memref_slice %arg9[%add3A_24, %dma_wait3A_44] : memref<40x128xi32, #tpu.memory_space<vmem>> -> memref<1x128xi32, #tpu.memory_space<vmem>>
        %dma_wait3A_46 = tpu.memref_squeeze %dma_wait3A_45 : memref<1x128xi32, #tpu.memory_space<vmem>> -> memref<128xi32, #tpu.memory_space<vmem>>
        %dma_wait3A_47 = arith.constant 0 : i32
        %dma_wait3A_48 = arith.constant 0 : i32
        %dma_wait3A_49 = tpu.memref_slice %arg2[%dma_wait3A_47, %dma_wait3A_48] : memref<10000x128xf32, #tpu.memory_space<hbm>> -> memref<10000x128xf32, #tpu.memory_space<hbm>>
        tpu.wait_indirect_dma semaphore(%arg14 : memref<!tpu.dma_semaphore, #tpu.memory_space<semaphore_mem>>) src(%dma_wait3A_49 : memref<10000x128xf32, #tpu.memory_space<hbm>>) dst(%arg12 : memref<128x128xf32, #tpu.memory_space<vmem>>)
        %add3A_50 = arith.constant 1 : i32
        %add3A_51 = arith.addi %mul3A_16, %add3A_50 : i32
        %dma_start3A_52 = arith.constant 0 : i32
        %dma_start3A_53 = tpu.memref_slice %arg10[%add3A_51, %dma_start3A_52] : memref<40x128xi32, #tpu.memory_space<vmem>> -> memref<1x128xi32, #tpu.memory_space<vmem>>
        %dma_start3A_54 = tpu.memref_squeeze %dma_start3A_53 : memref<1x128xi32, #tpu.memory_space<vmem>> -> memref<128xi32, #tpu.memory_space<vmem>>
        %dma_start3A_55 = arith.constant 0 : i32
        %dma_start3A_56 = arith.constant 0 : i32
        %dma_start3A_57 = tpu.memref_slice %arg17[%dma_start3A_55, %dma_start3A_56] : memref<10112x128xf32, #tpu.memory_space<vmem_shared>> -> memref<10112x128xf32, #tpu.memory_space<vmem_shared>>
        tpu.enqueue_indirect_dma source(%arg12 : memref<128x128xf32, #tpu.memory_space<vmem>>) target(%dma_start3A_57 : memref<10112x128xf32, #tpu.memory_space<vmem_shared>>) offsets(%dma_start3A_54 : memref<128xi32, #tpu.memory_space<vmem>>) semaphore(%arg16 : memref<!tpu.dma_semaphore, #tpu.memory_space<semaphore_mem>>) {add = true}
        %dma_wait3A_58 = arith.constant 0 : i32
        %dma_wait3A_59 = tpu.memref_slice %arg10[%add3A_37, %dma_wait3A_58] : memref<40x128xi32, #tpu.memory_space<vmem>> -> memref<1x128xi32, #tpu.memory_space<vmem>>
        %dma_wait3A_60 = tpu.memref_squeeze %dma_wait3A_59 : memref<1x128xi32, #tpu.memory_space<vmem>> -> memref<128xi32, #tpu.memory_space<vmem>>
        %dma_wait3A_61 = arith.constant 0 : i32
        %dma_wait3A_62 = arith.constant 0 : i32
        %dma_wait3A_63 = tpu.memref_slice %arg17[%dma_wait3A_61, %dma_wait3A_62] : memref<10112x128xf32, #tpu.memory_space<vmem_shared>> -> memref<10112x128xf32, #tpu.memory_space<vmem_shared>>
        tpu.wait_indirect_dma semaphore(%arg15 : memref<!tpu.dma_semaphore, #tpu.memory_space<semaphore_mem>>) src(%arg11 : memref<128x128xf32, #tpu.memory_space<vmem>>) dst(%dma_wait3A_63 : memref<10112x128xf32, #tpu.memory_space<vmem_shared>>)
        %dma_wait3A_64 = arith.constant 0 : i32
        %dma_wait3A_65 = tpu.memref_slice %arg10[%add3A_51, %dma_wait3A_64] : memref<40x128xi32, #tpu.memory_space<vmem>> -> memref<1x128xi32, #tpu.memory_space<vmem>>
        %dma_wait3A_66 = tpu.memref_squeeze %dma_wait3A_65 : memref<1x128xi32, #tpu.memory_space<vmem>> -> memref<128xi32, #tpu.memory_space<vmem>>
        %dma_wait3A_67 = arith.constant 0 : i32
        %dma_wait3A_68 = arith.constant 0 : i32
        %dma_wait3A_69 = tpu.memref_slice %arg17[%dma_wait3A_67, %dma_wait3A_68] : memref<10112x128xf32, #tpu.memory_space<vmem_shared>> -> memref<10112x128xf32, #tpu.memory_space<vmem_shared>>
        tpu.wait_indirect_dma semaphore(%arg16 : memref<!tpu.dma_semaphore, #tpu.memory_space<semaphore_mem>>) src(%arg12 : memref<128x128xf32, #tpu.memory_space<vmem>>) dst(%dma_wait3A_69 : memref<10112x128xf32, #tpu.memory_space<vmem_shared>>)
      }
      %scan3A_13 = arith.constant 20 : i32
    } else {
    }
    %barrier3A_8 = arith.constant 0 : index
    tpu.barrier barrier_id(%barrier3A_8)
    "tpu.region"() ({
      %run_scoped3A = tpu.sem_alloc : memref<!tpu.dma_semaphore, #tpu.memory_space<semaphore_mem>>
      %dma_start3A = arith.constant 0 : i32
      %dma_start3A_9 = tpu.memref_slice %arg8[%arg0, %mul3A_0, %dma_start3A] : memref<2x10112x128xf32, #tpu.memory_space<hbm>> -> memref<1x632x128xf32, #tpu.memory_space<hbm>>
      %dma_start3A_10 = tpu.memref_squeeze %dma_start3A_9 : memref<1x632x128xf32, #tpu.memory_space<hbm>> -> memref<632x128xf32, #tpu.memory_space<hbm>>
      %dma_start3A_11 = arith.constant 0 : i32
      %dma_start3A_12 = tpu.memref_slice %arg17[%mul3A_0, %dma_start3A_11] : memref<10112x128xf32, #tpu.memory_space<vmem_shared>> -> memref<632x128xf32, #tpu.memory_space<vmem_shared>>
      tpu.enqueue_dma source(%dma_start3A_12 : memref<632x128xf32, #tpu.memory_space<vmem_shared>>) target(%dma_start3A_10 : memref<632x128xf32, #tpu.memory_space<hbm>>) target_semaphore(%run_scoped3A : memref<!tpu.dma_semaphore, #tpu.memory_space<semaphore_mem>>)
      %dma_wait3A = arith.constant 0 : i32
      %dma_wait3A_13 = tpu.memref_slice %arg8[%arg0, %mul3A_0, %dma_wait3A] : memref<2x10112x128xf32, #tpu.memory_space<hbm>> -> memref<1x632x128xf32, #tpu.memory_space<hbm>>
      %dma_wait3A_14 = tpu.memref_squeeze %dma_wait3A_13 : memref<1x632x128xf32, #tpu.memory_space<hbm>> -> memref<632x128xf32, #tpu.memory_space<hbm>>
      %dma_wait3A_15 = arith.constant 0 : i32
      %dma_wait3A_16 = tpu.memref_slice %arg17[%mul3A_0, %dma_wait3A_15] : memref<10112x128xf32, #tpu.memory_space<vmem_shared>> -> memref<632x128xf32, #tpu.memory_space<vmem_shared>>
      tpu.wait_dma2 semaphore(%run_scoped3A : memref<!tpu.dma_semaphore, #tpu.memory_space<semaphore_mem>>) src(%dma_wait3A_16 : memref<632x128xf32, #tpu.memory_space<vmem_shared>>) dst(%dma_wait3A_14 : memref<632x128xf32, #tpu.memory_space<hbm>>)
      tpu.yield
    }) : () -> ()
    return
  }
}

#map = affine_map<(d0, d1) -> (0, 0)>
#map1 = affine_map<(d0, d1) -> (0, 0, 0, 0)>
#map2 = affine_map<(d0, d1) -> (0, 0, 0)>
module attributes {stable_mosaic.version = 14 : i64} {
  func.func @_counts_body(%arg0: i32, %arg1: i32, %arg2: memref<128x128xf32, #tpu.memory_space<hbm>>, %arg3: memref<2x16x80x128xi32, #tpu.memory_space<hbm>>, %arg4: memref<10112x128xf32, #tpu.memory_space<hbm>>, %arg5: memref<2x10112x128xf32, #tpu.memory_space<hbm>>, %arg6: memref<80x128xi32, #tpu.memory_space<vmem>>, %arg7: memref<128x128xf32, #tpu.memory_space<vmem>>, %arg8: memref<!tpu.dma_semaphore, #tpu.memory_space<semaphore_mem>>, %arg9: memref<!tpu.dma_semaphore, #tpu.memory_space<semaphore_mem>>, %arg10: memref<!tpu.dma_semaphore, #tpu.memory_space<semaphore_mem>>, %arg11: memref<!tpu.dma_semaphore, #tpu.memory_space<semaphore_mem>>, %arg12: memref<10112x128xf32, #tpu.memory_space<vmem_shared>>) attributes {dimension_semantics = [#tpu.dimension_semantics<core_parallel>, #tpu.dimension_semantics<subcore_parallel>], iteration_bounds = array<i64: 2, 16>, scalar_prefetch = 0 : i64, scratch_operands = 7 : i64, tpu.core_type = #tpu.core_type<sc_vector_subcore>, window_params = [{transform_indices = #map}, {transform_indices = #map1}, {transform_indices = #map}, {transform_indices = #map2}]} {
    "tpu.region"() ({
      %run_scoped3A = tpu.sem_alloc : memref<!tpu.dma_semaphore, #tpu.memory_space<semaphore_mem>>
      %dma_start3A = arith.constant 0 : i32
      %dma_start3A_7 = arith.constant 0 : i32
      %dma_start3A_8 = tpu.memref_slice %arg3[%arg0, %arg1, %dma_start3A, %dma_start3A_7] : memref<2x16x80x128xi32, #tpu.memory_space<hbm>> -> memref<1x1x80x128xi32, #tpu.memory_space<hbm>>
      %dma_start3A_9 = tpu.memref_squeeze %dma_start3A_8 : memref<1x1x80x128xi32, #tpu.memory_space<hbm>> -> memref<80x128xi32, #tpu.memory_space<hbm>>
      %dma_start3A_10 = arith.constant 0 : i32
      %dma_start3A_11 = arith.constant 0 : i32
      %dma_start3A_12 = tpu.memref_slice %arg3[%arg0, %arg1, %dma_start3A_10, %dma_start3A_11] : memref<2x16x80x128xi32, #tpu.memory_space<hbm>> -> memref<1x1x80x128xi32, #tpu.memory_space<hbm>>
      %dma_start3A_13 = tpu.memref_squeeze %dma_start3A_12 : memref<1x1x80x128xi32, #tpu.memory_space<hbm>> -> memref<80x128xi32, #tpu.memory_space<hbm>>
      tpu.enqueue_dma source(%dma_start3A_13 : memref<80x128xi32, #tpu.memory_space<hbm>>) target(%arg6 : memref<80x128xi32, #tpu.memory_space<vmem>>) target_semaphore(%run_scoped3A : memref<!tpu.dma_semaphore, #tpu.memory_space<semaphore_mem>>)
      %dma_wait3A = arith.constant 0 : i32
      %dma_wait3A_14 = arith.constant 0 : i32
      %dma_wait3A_15 = tpu.memref_slice %arg3[%arg0, %arg1, %dma_wait3A, %dma_wait3A_14] : memref<2x16x80x128xi32, #tpu.memory_space<hbm>> -> memref<1x1x80x128xi32, #tpu.memory_space<hbm>>
      %dma_wait3A_16 = tpu.memref_squeeze %dma_wait3A_15 : memref<1x1x80x128xi32, #tpu.memory_space<hbm>> -> memref<80x128xi32, #tpu.memory_space<hbm>>
      %dma_wait3A_17 = arith.constant 0 : i32
      %dma_wait3A_18 = arith.constant 0 : i32
      %dma_wait3A_19 = tpu.memref_slice %arg3[%arg0, %arg1, %dma_wait3A_17, %dma_wait3A_18] : memref<2x16x80x128xi32, #tpu.memory_space<hbm>> -> memref<1x1x80x128xi32, #tpu.memory_space<hbm>>
      %dma_wait3A_20 = tpu.memref_squeeze %dma_wait3A_19 : memref<1x1x80x128xi32, #tpu.memory_space<hbm>> -> memref<80x128xi32, #tpu.memory_space<hbm>>
      tpu.wait_dma2 semaphore(%run_scoped3A : memref<!tpu.dma_semaphore, #tpu.memory_space<semaphore_mem>>) src(%dma_wait3A_20 : memref<80x128xi32, #tpu.memory_space<hbm>>) dst(%arg6 : memref<80x128xi32, #tpu.memory_space<vmem>>)
      tpu.yield
    }) : () -> ()
    %mul3A = arith.constant 632 : i32
    %mul3A_0 = arith.muli %arg1, %mul3A : i32
    "tpu.region"() ({
      %run_scoped3A = tpu.sem_alloc : memref<!tpu.dma_semaphore, #tpu.memory_space<semaphore_mem>>
      %dma_start3A = arith.constant 0 : i32
      %dma_start3A_7 = tpu.memref_slice %arg12[%mul3A_0, %dma_start3A] : memref<10112x128xf32, #tpu.memory_space<vmem_shared>> -> memref<632x128xf32, #tpu.memory_space<vmem_shared>>
      %dma_start3A_8 = arith.constant 0 : i32
      %dma_start3A_9 = tpu.memref_slice %arg4[%mul3A_0, %dma_start3A_8] : memref<10112x128xf32, #tpu.memory_space<hbm>> -> memref<632x128xf32, #tpu.memory_space<hbm>>
      tpu.enqueue_dma source(%dma_start3A_9 : memref<632x128xf32, #tpu.memory_space<hbm>>) target(%dma_start3A_7 : memref<632x128xf32, #tpu.memory_space<vmem_shared>>) target_semaphore(%run_scoped3A : memref<!tpu.dma_semaphore, #tpu.memory_space<semaphore_mem>>)
      %dma_wait3A = arith.constant 0 : i32
      %dma_wait3A_10 = tpu.memref_slice %arg12[%mul3A_0, %dma_wait3A] : memref<10112x128xf32, #tpu.memory_space<vmem_shared>> -> memref<632x128xf32, #tpu.memory_space<vmem_shared>>
      %dma_wait3A_11 = arith.constant 0 : i32
      %dma_wait3A_12 = tpu.memref_slice %arg4[%mul3A_0, %dma_wait3A_11] : memref<10112x128xf32, #tpu.memory_space<hbm>> -> memref<632x128xf32, #tpu.memory_space<hbm>>
      tpu.wait_dma2 semaphore(%run_scoped3A : memref<!tpu.dma_semaphore, #tpu.memory_space<semaphore_mem>>) src(%dma_wait3A_12 : memref<632x128xf32, #tpu.memory_space<hbm>>) dst(%dma_wait3A_10 : memref<632x128xf32, #tpu.memory_space<vmem_shared>>)
      tpu.yield
    }) : () -> ()
    "tpu.region"() ({
      %run_scoped3A = tpu.sem_alloc : memref<!tpu.dma_semaphore, #tpu.memory_space<semaphore_mem>>
      tpu.enqueue_dma source(%arg2 : memref<128x128xf32, #tpu.memory_space<hbm>>) target(%arg7 : memref<128x128xf32, #tpu.memory_space<vmem>>) target_semaphore(%run_scoped3A : memref<!tpu.dma_semaphore, #tpu.memory_space<semaphore_mem>>)
      tpu.wait_dma2 semaphore(%run_scoped3A : memref<!tpu.dma_semaphore, #tpu.memory_space<semaphore_mem>>) src(%arg2 : memref<128x128xf32, #tpu.memory_space<hbm>>) dst(%arg7 : memref<128x128xf32, #tpu.memory_space<vmem>>)
      tpu.yield
    }) : () -> ()
    %barrier3A = arith.constant 0 : index
    tpu.barrier barrier_id(%barrier3A)
    %scan3A = arith.constant 0 : i32
    %scan3A_1 = arith.constant 0 : i32
    %scan3A_2 = arith.constant 20 : i32
    %scan3A_3 = arith.addi %scan3A_1, %scan3A_2 : i32
    %scan3A_4 = arith.constant 1 : i32
    scf.for %scan3A_7 = %scan3A_1 to %scan3A_3 step %scan3A_4  : i32 {
      %mul3A_8 = arith.constant 4 : i32
      %mul3A_9 = arith.muli %scan3A_7, %mul3A_8 : i32
      %add3A = arith.constant 0 : i32
      %add3A_10 = arith.addi %mul3A_9, %add3A : i32
      %dma_start3A = arith.constant 0 : i32
      %dma_start3A_11 = tpu.memref_slice %arg6[%add3A_10, %dma_start3A] : memref<80x128xi32, #tpu.memory_space<vmem>> -> memref<1x128xi32, #tpu.memory_space<vmem>>
      %dma_start3A_12 = tpu.memref_squeeze %dma_start3A_11 : memref<1x128xi32, #tpu.memory_space<vmem>> -> memref<128xi32, #tpu.memory_space<vmem>>
      %dma_start3A_13 = arith.constant 0 : i32
      %dma_start3A_14 = arith.constant 0 : i32
      %dma_start3A_15 = tpu.memref_slice %arg12[%dma_start3A_13, %dma_start3A_14] : memref<10112x128xf32, #tpu.memory_space<vmem_shared>> -> memref<10112x128xf32, #tpu.memory_space<vmem_shared>>
      tpu.enqueue_indirect_dma source(%arg7 : memref<128x128xf32, #tpu.memory_space<vmem>>) target(%dma_start3A_15 : memref<10112x128xf32, #tpu.memory_space<vmem_shared>>) offsets(%dma_start3A_12 : memref<128xi32, #tpu.memory_space<vmem>>) semaphore(%arg8 : memref<!tpu.dma_semaphore, #tpu.memory_space<semaphore_mem>>) {add = true}
      %add3A_16 = arith.constant 1 : i32
      %add3A_17 = arith.addi %mul3A_9, %add3A_16 : i32
      %dma_start3A_18 = arith.constant 0 : i32
      %dma_start3A_19 = tpu.memref_slice %arg6[%add3A_17, %dma_start3A_18] : memref<80x128xi32, #tpu.memory_space<vmem>> -> memref<1x128xi32, #tpu.memory_space<vmem>>
      %dma_start3A_20 = tpu.memref_squeeze %dma_start3A_19 : memref<1x128xi32, #tpu.memory_space<vmem>> -> memref<128xi32, #tpu.memory_space<vmem>>
      %dma_start3A_21 = arith.constant 0 : i32
      %dma_start3A_22 = arith.constant 0 : i32
      %dma_start3A_23 = tpu.memref_slice %arg12[%dma_start3A_21, %dma_start3A_22] : memref<10112x128xf32, #tpu.memory_space<vmem_shared>> -> memref<10112x128xf32, #tpu.memory_space<vmem_shared>>
      tpu.enqueue_indirect_dma source(%arg7 : memref<128x128xf32, #tpu.memory_space<vmem>>) target(%dma_start3A_23 : memref<10112x128xf32, #tpu.memory_space<vmem_shared>>) offsets(%dma_start3A_20 : memref<128xi32, #tpu.memory_space<vmem>>) semaphore(%arg9 : memref<!tpu.dma_semaphore, #tpu.memory_space<semaphore_mem>>) {add = true}
      %add3A_24 = arith.constant 2 : i32
      %add3A_25 = arith.addi %mul3A_9, %add3A_24 : i32
      %dma_start3A_26 = arith.constant 0 : i32
      %dma_start3A_27 = tpu.memref_slice %arg6[%add3A_25, %dma_start3A_26] : memref<80x128xi32, #tpu.memory_space<vmem>> -> memref<1x128xi32, #tpu.memory_space<vmem>>
      %dma_start3A_28 = tpu.memref_squeeze %dma_start3A_27 : memref<1x128xi32, #tpu.memory_space<vmem>> -> memref<128xi32, #tpu.memory_space<vmem>>
      %dma_start3A_29 = arith.constant 0 : i32
      %dma_start3A_30 = arith.constant 0 : i32
      %dma_start3A_31 = tpu.memref_slice %arg12[%dma_start3A_29, %dma_start3A_30] : memref<10112x128xf32, #tpu.memory_space<vmem_shared>> -> memref<10112x128xf32, #tpu.memory_space<vmem_shared>>
      tpu.enqueue_indirect_dma source(%arg7 : memref<128x128xf32, #tpu.memory_space<vmem>>) target(%dma_start3A_31 : memref<10112x128xf32, #tpu.memory_space<vmem_shared>>) offsets(%dma_start3A_28 : memref<128xi32, #tpu.memory_space<vmem>>) semaphore(%arg10 : memref<!tpu.dma_semaphore, #tpu.memory_space<semaphore_mem>>) {add = true}
      %add3A_32 = arith.constant 3 : i32
      %add3A_33 = arith.addi %mul3A_9, %add3A_32 : i32
      %dma_start3A_34 = arith.constant 0 : i32
      %dma_start3A_35 = tpu.memref_slice %arg6[%add3A_33, %dma_start3A_34] : memref<80x128xi32, #tpu.memory_space<vmem>> -> memref<1x128xi32, #tpu.memory_space<vmem>>
      %dma_start3A_36 = tpu.memref_squeeze %dma_start3A_35 : memref<1x128xi32, #tpu.memory_space<vmem>> -> memref<128xi32, #tpu.memory_space<vmem>>
      %dma_start3A_37 = arith.constant 0 : i32
      %dma_start3A_38 = arith.constant 0 : i32
      %dma_start3A_39 = tpu.memref_slice %arg12[%dma_start3A_37, %dma_start3A_38] : memref<10112x128xf32, #tpu.memory_space<vmem_shared>> -> memref<10112x128xf32, #tpu.memory_space<vmem_shared>>
      tpu.enqueue_indirect_dma source(%arg7 : memref<128x128xf32, #tpu.memory_space<vmem>>) target(%dma_start3A_39 : memref<10112x128xf32, #tpu.memory_space<vmem_shared>>) offsets(%dma_start3A_36 : memref<128xi32, #tpu.memory_space<vmem>>) semaphore(%arg11 : memref<!tpu.dma_semaphore, #tpu.memory_space<semaphore_mem>>) {add = true}
      %dma_wait3A = arith.constant 0 : i32
      %dma_wait3A_40 = tpu.memref_slice %arg6[%add3A_10, %dma_wait3A] : memref<80x128xi32, #tpu.memory_space<vmem>> -> memref<1x128xi32, #tpu.memory_space<vmem>>
      %dma_wait3A_41 = tpu.memref_squeeze %dma_wait3A_40 : memref<1x128xi32, #tpu.memory_space<vmem>> -> memref<128xi32, #tpu.memory_space<vmem>>
      %dma_wait3A_42 = arith.constant 0 : i32
      %dma_wait3A_43 = arith.constant 0 : i32
      %dma_wait3A_44 = tpu.memref_slice %arg12[%dma_wait3A_42, %dma_wait3A_43] : memref<10112x128xf32, #tpu.memory_space<vmem_shared>> -> memref<10112x128xf32, #tpu.memory_space<vmem_shared>>
      tpu.wait_indirect_dma semaphore(%arg8 : memref<!tpu.dma_semaphore, #tpu.memory_space<semaphore_mem>>) src(%arg7 : memref<128x128xf32, #tpu.memory_space<vmem>>) dst(%dma_wait3A_44 : memref<10112x128xf32, #tpu.memory_space<vmem_shared>>)
      %dma_wait3A_45 = arith.constant 0 : i32
      %dma_wait3A_46 = tpu.memref_slice %arg6[%add3A_17, %dma_wait3A_45] : memref<80x128xi32, #tpu.memory_space<vmem>> -> memref<1x128xi32, #tpu.memory_space<vmem>>
      %dma_wait3A_47 = tpu.memref_squeeze %dma_wait3A_46 : memref<1x128xi32, #tpu.memory_space<vmem>> -> memref<128xi32, #tpu.memory_space<vmem>>
      %dma_wait3A_48 = arith.constant 0 : i32
      %dma_wait3A_49 = arith.constant 0 : i32
      %dma_wait3A_50 = tpu.memref_slice %arg12[%dma_wait3A_48, %dma_wait3A_49] : memref<10112x128xf32, #tpu.memory_space<vmem_shared>> -> memref<10112x128xf32, #tpu.memory_space<vmem_shared>>
      tpu.wait_indirect_dma semaphore(%arg9 : memref<!tpu.dma_semaphore, #tpu.memory_space<semaphore_mem>>) src(%arg7 : memref<128x128xf32, #tpu.memory_space<vmem>>) dst(%dma_wait3A_50 : memref<10112x128xf32, #tpu.memory_space<vmem_shared>>)
      %dma_wait3A_51 = arith.constant 0 : i32
      %dma_wait3A_52 = tpu.memref_slice %arg6[%add3A_25, %dma_wait3A_51] : memref<80x128xi32, #tpu.memory_space<vmem>> -> memref<1x128xi32, #tpu.memory_space<vmem>>
      %dma_wait3A_53 = tpu.memref_squeeze %dma_wait3A_52 : memref<1x128xi32, #tpu.memory_space<vmem>> -> memref<128xi32, #tpu.memory_space<vmem>>
      %dma_wait3A_54 = arith.constant 0 : i32
      %dma_wait3A_55 = arith.constant 0 : i32
      %dma_wait3A_56 = tpu.memref_slice %arg12[%dma_wait3A_54, %dma_wait3A_55] : memref<10112x128xf32, #tpu.memory_space<vmem_shared>> -> memref<10112x128xf32, #tpu.memory_space<vmem_shared>>
      tpu.wait_indirect_dma semaphore(%arg10 : memref<!tpu.dma_semaphore, #tpu.memory_space<semaphore_mem>>) src(%arg7 : memref<128x128xf32, #tpu.memory_space<vmem>>) dst(%dma_wait3A_56 : memref<10112x128xf32, #tpu.memory_space<vmem_shared>>)
      %dma_wait3A_57 = arith.constant 0 : i32
      %dma_wait3A_58 = tpu.memref_slice %arg6[%add3A_33, %dma_wait3A_57] : memref<80x128xi32, #tpu.memory_space<vmem>> -> memref<1x128xi32, #tpu.memory_space<vmem>>
      %dma_wait3A_59 = tpu.memref_squeeze %dma_wait3A_58 : memref<1x128xi32, #tpu.memory_space<vmem>> -> memref<128xi32, #tpu.memory_space<vmem>>
      %dma_wait3A_60 = arith.constant 0 : i32
      %dma_wait3A_61 = arith.constant 0 : i32
      %dma_wait3A_62 = tpu.memref_slice %arg12[%dma_wait3A_60, %dma_wait3A_61] : memref<10112x128xf32, #tpu.memory_space<vmem_shared>> -> memref<10112x128xf32, #tpu.memory_space<vmem_shared>>
      tpu.wait_indirect_dma semaphore(%arg11 : memref<!tpu.dma_semaphore, #tpu.memory_space<semaphore_mem>>) src(%arg7 : memref<128x128xf32, #tpu.memory_space<vmem>>) dst(%dma_wait3A_62 : memref<10112x128xf32, #tpu.memory_space<vmem_shared>>)
    }
    %scan3A_5 = arith.constant 20 : i32
    %barrier3A_6 = arith.constant 0 : index
    tpu.barrier barrier_id(%barrier3A_6)
    "tpu.region"() ({
      %run_scoped3A = tpu.sem_alloc : memref<!tpu.dma_semaphore, #tpu.memory_space<semaphore_mem>>
      %dma_start3A = arith.constant 0 : i32
      %dma_start3A_7 = tpu.memref_slice %arg5[%arg0, %mul3A_0, %dma_start3A] : memref<2x10112x128xf32, #tpu.memory_space<hbm>> -> memref<1x632x128xf32, #tpu.memory_space<hbm>>
      %dma_start3A_8 = tpu.memref_squeeze %dma_start3A_7 : memref<1x632x128xf32, #tpu.memory_space<hbm>> -> memref<632x128xf32, #tpu.memory_space<hbm>>
      %dma_start3A_9 = arith.constant 0 : i32
      %dma_start3A_10 = tpu.memref_slice %arg12[%mul3A_0, %dma_start3A_9] : memref<10112x128xf32, #tpu.memory_space<vmem_shared>> -> memref<632x128xf32, #tpu.memory_space<vmem_shared>>
      tpu.enqueue_dma source(%dma_start3A_10 : memref<632x128xf32, #tpu.memory_space<vmem_shared>>) target(%dma_start3A_8 : memref<632x128xf32, #tpu.memory_space<hbm>>) target_semaphore(%run_scoped3A : memref<!tpu.dma_semaphore, #tpu.memory_space<semaphore_mem>>)
      %dma_wait3A = arith.constant 0 : i32
      %dma_wait3A_11 = tpu.memref_slice %arg5[%arg0, %mul3A_0, %dma_wait3A] : memref<2x10112x128xf32, #tpu.memory_space<hbm>> -> memref<1x632x128xf32, #tpu.memory_space<hbm>>
      %dma_wait3A_12 = tpu.memref_squeeze %dma_wait3A_11 : memref<1x632x128xf32, #tpu.memory_space<hbm>> -> memref<632x128xf32, #tpu.memory_space<hbm>>
      %dma_wait3A_13 = arith.constant 0 : i32
      %dma_wait3A_14 = tpu.memref_slice %arg12[%mul3A_0, %dma_wait3A_13] : memref<10112x128xf32, #tpu.memory_space<vmem_shared>> -> memref<632x128xf32, #tpu.memory_space<vmem_shared>>
      tpu.wait_dma2 semaphore(%run_scoped3A : memref<!tpu.dma_semaphore, #tpu.memory_space<semaphore_mem>>) src(%dma_wait3A_14 : memref<632x128xf32, #tpu.memory_space<vmem_shared>>) dst(%dma_wait3A_12 : memref<632x128xf32, #tpu.memory_space<hbm>>)
      tpu.yield
    }) : () -> ()
    return
  }
}

module attributes {stable_mosaic.version = 14 : i64} {
  func.func @_dense_kernel(%arg0: i32, %arg1: memref<2000x128xf32, #tpu.memory_space<vmem>>, %arg2: memref<1x2000x128xf32, #tpu.memory_space<vmem>>, %arg3: memref<1x2000x128xf32, #tpu.memory_space<vmem>>, %arg4: memref<1x2000x128xf32, #tpu.memory_space<vmem>>, %arg5: memref<1x2000x128xf32, #tpu.memory_space<vmem>>, %arg6: memref<128x128xf32, #tpu.memory_space<vmem>>, %arg7: memref<128x128xf32, #tpu.memory_space<vmem>>, %arg8: memref<1x128xf32, #tpu.memory_space<vmem>>, %arg9: memref<2000x128xf32, #tpu.memory_space<vmem>>) attributes {dimension_semantics = [#tpu.dimension_semantics<arbitrary>], iteration_bounds = array<i64: 5>, scalar_prefetch = 0 : i64, scratch_operands = 0 : i64, tpu.core_type = #tpu.core_type<tc>, window_params = [{transform_indices = @transform_0, window_bounds = array<i64: 2000, 128>}, {transform_indices = @transform_1, window_bounds = array<i64: 1, 2000, 128>}, {transform_indices = @transform_2, window_bounds = array<i64: 1, 2000, 128>}, {transform_indices = @transform_3, window_bounds = array<i64: 1, 2000, 128>}, {transform_indices = @transform_4, window_bounds = array<i64: 1, 2000, 128>}, {pipeline_mode = #tpu.pipeline_mode<synchronous>, transform_indices = @transform_5, window_bounds = array<i64: 128, 128>}, {pipeline_mode = #tpu.pipeline_mode<synchronous>, transform_indices = @transform_6, window_bounds = array<i64: 128, 128>}, {pipeline_mode = #tpu.pipeline_mode<synchronous>, transform_indices = @transform_7, window_bounds = array<i64: 1, 128>}, {transform_indices = @transform_8, window_bounds = array<i64: 2000, 128>}]} {
    %get3A = arith.constant 0 : index
    %get3A_0 = arith.constant 0 : index
    %get3A_1 = arith.constant 0 : index
    %get3A_2 = vector.load %arg4[%get3A, %get3A_0, %get3A_1] : memref<1x2000x128xf32, #tpu.memory_space<vmem>>, vector<1x2000x1xf32>
    %get3A_3 = vector.shape_cast %get3A_2 : vector<1x2000x1xf32> to vector<2000x1xf32>
    %get3A_4 = arith.constant 0 : index
    %get3A_5 = arith.constant 0 : index
    %get3A_6 = arith.constant 0 : index
    %get3A_7 = vector.load %arg5[%get3A_4, %get3A_5, %get3A_6] : memref<1x2000x128xf32, #tpu.memory_space<vmem>>, vector<1x2000x1xf32>
    %get3A_8 = vector.shape_cast %get3A_7 : vector<1x2000x1xf32> to vector<2000x1xf32>
    %add3A = arith.addf %get3A_3, %get3A_8 : vector<2000x1xf32>
    %max3A = arith.constant 1.000000e+00 : f32
    %max3A_9 = vector.broadcast %max3A : f32 to vector<2000x1xf32>
    %max3A_10 = arith.maximumf %add3A, %max3A_9 : vector<2000x1xf32>
    %get3A_11 = arith.constant 0 : index
    %get3A_12 = arith.constant 0 : index
    %get3A_13 = arith.constant 0 : index
    %get3A_14 = vector.load %arg2[%get3A_11, %get3A_12, %get3A_13] : memref<1x2000x128xf32, #tpu.memory_space<vmem>>, vector<1x2000x128xf32>
    %get3A_15 = vector.shape_cast %get3A_14 : vector<1x2000x128xf32> to vector<2000x128xf32>
    %get3A_16 = arith.constant 0 : index
    %get3A_17 = arith.constant 0 : index
    %get3A_18 = arith.constant 0 : index
    %get3A_19 = vector.load %arg3[%get3A_16, %get3A_17, %get3A_18] : memref<1x2000x128xf32, #tpu.memory_space<vmem>>, vector<1x2000x128xf32>
    %get3A_20 = vector.shape_cast %get3A_19 : vector<1x2000x128xf32> to vector<2000x128xf32>
    %add3A_21 = arith.addf %get3A_15, %get3A_20 : vector<2000x128xf32>
    %div3A = vector.broadcast %max3A_10 : vector<2000x1xf32> to vector<2000x128xf32>
    %div3A_22 = arith.divf %add3A_21, %div3A : vector<2000x128xf32>
    %get3A_23 = arith.constant 0 : index
    %get3A_24 = arith.constant 0 : index
    %get3A_25 = vector.load %arg6[%get3A_23, %get3A_24] : memref<128x128xf32, #tpu.memory_space<vmem>>, vector<128x128xf32>
    %dot_general3A = arith.constant dense<0.000000e+00> : vector<2000x128xf32>
    %dot_general3A_26 = tpu.matmul %div3A_22, %get3A_25, %dot_general3A {dimension_numbers = #tpu.dot_dimension_numbers<[1], [0], [0], [1], [0, 0, 1, 1], [], []>, precision = #tpu.contract_precision<fp32>, transpose_lhs_hint = false} : vector<2000x128xf32>, vector<128x128xf32>, vector<2000x128xf32> -> vector<2000x128xf32>
    %get3A_27 = arith.constant 0 : index
    %get3A_28 = arith.constant 0 : index
    %get3A_29 = vector.load %arg1[%get3A_27, %get3A_28] : memref<2000x128xf32, #tpu.memory_space<vmem>>, vector<2000x128xf32>
    %get3A_30 = arith.constant 0 : index
    %get3A_31 = arith.constant 0 : index
    %get3A_32 = vector.load %arg7[%get3A_30, %get3A_31] : memref<128x128xf32, #tpu.memory_space<vmem>>, vector<128x128xf32>
    %dot_general3A_33 = arith.constant dense<0.000000e+00> : vector<2000x128xf32>
    %dot_general3A_34 = tpu.matmul %get3A_29, %get3A_32, %dot_general3A_33 {dimension_numbers = #tpu.dot_dimension_numbers<[1], [0], [0], [1], [0, 0, 1, 1], [], []>, precision = #tpu.contract_precision<fp32>, transpose_lhs_hint = false} : vector<2000x128xf32>, vector<128x128xf32>, vector<2000x128xf32> -> vector<2000x128xf32>
    %add3A_35 = arith.addf %dot_general3A_26, %dot_general3A_34 : vector<2000x128xf32>
    %get3A_36 = arith.constant 0 : index
    %get3A_37 = arith.constant 0 : index
    %get3A_38 = vector.load %arg8[%get3A_36, %get3A_37] : memref<1x128xf32, #tpu.memory_space<vmem>>, vector<1x128xf32>
    %add3A_39 = vector.broadcast %get3A_38 : vector<1x128xf32> to vector<2000x128xf32>
    %add3A_40 = arith.addf %add3A_35, %add3A_39 : vector<2000x128xf32>
    %max3A_41 = arith.constant 0.000000e+00 : f32
    %max3A_42 = vector.broadcast %max3A_41 : f32 to vector<2000x128xf32>
    %max3A_43 = arith.maximumf %add3A_40, %max3A_42 : vector<2000x128xf32>
    %swap3A = arith.constant 0 : index
    %swap3A_44 = arith.constant 0 : index
    %swap3A_45 = vector.load %arg9[%swap3A, %swap3A_44] : memref<2000x128xf32, #tpu.memory_space<vmem>>, vector<2000x128xf32>
    tpu.vector_store %arg9[%swap3A, %swap3A_44], %max3A_43 {strides = array<i32>} : memref<2000x128xf32, #tpu.memory_space<vmem>>, vector<2000x128xf32>,
    return
  }
  func.func @transform_0(%arg0: i32) -> (i32, i32) {
    %c0_i32 = arith.constant 0 : i32
    %c0_i32_0 = arith.constant 0 : i32
    return %arg0, %c0_i32 : i32, i32
  }
  func.func @transform_1(%arg0: i32) -> (i32, i32, i32) {
    %c0_i32 = arith.constant 0 : i32
    %c0_i32_0 = arith.constant 0 : i32
    %c0_i32_1 = arith.constant 0 : i32
    return %c0_i32, %arg0, %c0_i32_0 : i32, i32, i32
  }
  func.func @transform_2(%arg0: i32) -> (i32, i32, i32) {
    %c1_i32 = arith.constant 1 : i32
    %c0_i32 = arith.constant 0 : i32
    %c0_i32_0 = arith.constant 0 : i32
    return %c1_i32, %arg0, %c0_i32 : i32, i32, i32
  }
  func.func @transform_3(%arg0: i32) -> (i32, i32, i32) {
    %c0_i32 = arith.constant 0 : i32
    %c0_i32_0 = arith.constant 0 : i32
    %c0_i32_1 = arith.constant 0 : i32
    return %c0_i32, %arg0, %c0_i32_0 : i32, i32, i32
  }
  func.func @transform_4(%arg0: i32) -> (i32, i32, i32) {
    %c1_i32 = arith.constant 1 : i32
    %c0_i32 = arith.constant 0 : i32
    %c0_i32_0 = arith.constant 0 : i32
    return %c1_i32, %arg0, %c0_i32 : i32, i32, i32
  }
  func.func @transform_5(%arg0: i32) -> (i32, i32) {
    %c0_i32 = arith.constant 0 : i32
    %c0_i32_0 = arith.constant 0 : i32
    %c0_i32_1 = arith.constant 0 : i32
    return %c0_i32, %c0_i32_0 : i32, i32
  }
  func.func @transform_6(%arg0: i32) -> (i32, i32) {
    %c0_i32 = arith.constant 0 : i32
    %c0_i32_0 = arith.constant 0 : i32
    %c0_i32_1 = arith.constant 0 : i32
    return %c0_i32, %c0_i32_0 : i32, i32
  }
  func.func @transform_7(%arg0: i32) -> (i32, i32) {
    %c0_i32 = arith.constant 0 : i32
    %c0_i32_0 = arith.constant 0 : i32
    %c0_i32_1 = arith.constant 0 : i32
    return %c0_i32, %c0_i32_0 : i32, i32
  }
  func.func @transform_8(%arg0: i32) -> (i32, i32) {
    %c0_i32 = arith.constant 0 : i32
    %c0_i32_0 = arith.constant 0 : i32
    return %arg0, %c0_i32 : i32, i32
  }
}

module attributes {stable_mosaic.version = 14 : i64} {
  func.func @_final_kernel(%arg0: i32, %arg1: memref<2000x128xf32, #tpu.memory_space<vmem>>, %arg2: memref<1x2000x128xf32, #tpu.memory_space<vmem>>, %arg3: memref<1x2000x128xf32, #tpu.memory_space<vmem>>, %arg4: memref<1x2000x128xf32, #tpu.memory_space<vmem>>, %arg5: memref<1x2000x128xf32, #tpu.memory_space<vmem>>, %arg6: memref<128x128xf32, #tpu.memory_space<vmem>>, %arg7: memref<128x128xf32, #tpu.memory_space<vmem>>, %arg8: memref<1x128xf32, #tpu.memory_space<vmem>>, %arg9: memref<128x64xf32, #tpu.memory_space<vmem>>, %arg10: memref<1x64xf32, #tpu.memory_space<vmem>>, %arg11: memref<2000x64xf32, #tpu.memory_space<vmem>>) attributes {dimension_semantics = [#tpu.dimension_semantics<arbitrary>], iteration_bounds = array<i64: 5>, scalar_prefetch = 0 : i64, scratch_operands = 0 : i64, tpu.core_type = #tpu.core_type<tc>, window_params = [{transform_indices = @transform_0, window_bounds = array<i64: 2000, 128>}, {transform_indices = @transform_1, window_bounds = array<i64: 1, 2000, 128>}, {transform_indices = @transform_2, window_bounds = array<i64: 1, 2000, 128>}, {transform_indices = @transform_3, window_bounds = array<i64: 1, 2000, 128>}, {transform_indices = @transform_4, window_bounds = array<i64: 1, 2000, 128>}, {pipeline_mode = #tpu.pipeline_mode<synchronous>, transform_indices = @transform_5, window_bounds = array<i64: 128, 128>}, {pipeline_mode = #tpu.pipeline_mode<synchronous>, transform_indices = @transform_6, window_bounds = array<i64: 128, 128>}, {pipeline_mode = #tpu.pipeline_mode<synchronous>, transform_indices = @transform_7, window_bounds = array<i64: 1, 128>}, {pipeline_mode = #tpu.pipeline_mode<synchronous>, transform_indices = @transform_8, window_bounds = array<i64: 128, 64>}, {pipeline_mode = #tpu.pipeline_mode<synchronous>, transform_indices = @transform_9, window_bounds = array<i64: 1, 64>}, {transform_indices = @transform_10, window_bounds = array<i64: 2000, 64>}]} {
    %get3A = arith.constant 0 : index
    %get3A_0 = arith.constant 0 : index
    %get3A_1 = arith.constant 0 : index
    %get3A_2 = vector.load %arg4[%get3A, %get3A_0, %get3A_1] : memref<1x2000x128xf32, #tpu.memory_space<vmem>>, vector<1x2000x1xf32>
    %get3A_3 = vector.shape_cast %get3A_2 : vector<1x2000x1xf32> to vector<2000x1xf32>
    %get3A_4 = arith.constant 0 : index
    %get3A_5 = arith.constant 0 : index
    %get3A_6 = arith.constant 0 : index
    %get3A_7 = vector.load %arg5[%get3A_4, %get3A_5, %get3A_6] : memref<1x2000x128xf32, #tpu.memory_space<vmem>>, vector<1x2000x1xf32>
    %get3A_8 = vector.shape_cast %get3A_7 : vector<1x2000x1xf32> to vector<2000x1xf32>
    %add3A = arith.addf %get3A_3, %get3A_8 : vector<2000x1xf32>
    %max3A = arith.constant 1.000000e+00 : f32
    %max3A_9 = vector.broadcast %max3A : f32 to vector<2000x1xf32>
    %max3A_10 = arith.maximumf %add3A, %max3A_9 : vector<2000x1xf32>
    %get3A_11 = arith.constant 0 : index
    %get3A_12 = arith.constant 0 : index
    %get3A_13 = arith.constant 0 : index
    %get3A_14 = vector.load %arg2[%get3A_11, %get3A_12, %get3A_13] : memref<1x2000x128xf32, #tpu.memory_space<vmem>>, vector<1x2000x128xf32>
    %get3A_15 = vector.shape_cast %get3A_14 : vector<1x2000x128xf32> to vector<2000x128xf32>
    %get3A_16 = arith.constant 0 : index
    %get3A_17 = arith.constant 0 : index
    %get3A_18 = arith.constant 0 : index
    %get3A_19 = vector.load %arg3[%get3A_16, %get3A_17, %get3A_18] : memref<1x2000x128xf32, #tpu.memory_space<vmem>>, vector<1x2000x128xf32>
    %get3A_20 = vector.shape_cast %get3A_19 : vector<1x2000x128xf32> to vector<2000x128xf32>
    %add3A_21 = arith.addf %get3A_15, %get3A_20 : vector<2000x128xf32>
    %div3A = vector.broadcast %max3A_10 : vector<2000x1xf32> to vector<2000x128xf32>
    %div3A_22 = arith.divf %add3A_21, %div3A : vector<2000x128xf32>
    %get3A_23 = arith.constant 0 : index
    %get3A_24 = arith.constant 0 : index
    %get3A_25 = vector.load %arg6[%get3A_23, %get3A_24] : memref<128x128xf32, #tpu.memory_space<vmem>>, vector<128x128xf32>
    %dot_general3A = arith.constant dense<0.000000e+00> : vector<2000x128xf32>
    %dot_general3A_26 = tpu.matmul %div3A_22, %get3A_25, %dot_general3A {dimension_numbers = #tpu.dot_dimension_numbers<[1], [0], [0], [1], [0, 0, 1, 1], [], []>, precision = #tpu.contract_precision<fp32>, transpose_lhs_hint = false} : vector<2000x128xf32>, vector<128x128xf32>, vector<2000x128xf32> -> vector<2000x128xf32>
    %get3A_27 = arith.constant 0 : index
    %get3A_28 = arith.constant 0 : index
    %get3A_29 = vector.load %arg1[%get3A_27, %get3A_28] : memref<2000x128xf32, #tpu.memory_space<vmem>>, vector<2000x128xf32>
    %get3A_30 = arith.constant 0 : index
    %get3A_31 = arith.constant 0 : index
    %get3A_32 = vector.load %arg7[%get3A_30, %get3A_31] : memref<128x128xf32, #tpu.memory_space<vmem>>, vector<128x128xf32>
    %dot_general3A_33 = arith.constant dense<0.000000e+00> : vector<2000x128xf32>
    %dot_general3A_34 = tpu.matmul %get3A_29, %get3A_32, %dot_general3A_33 {dimension_numbers = #tpu.dot_dimension_numbers<[1], [0], [0], [1], [0, 0, 1, 1], [], []>, precision = #tpu.contract_precision<fp32>, transpose_lhs_hint = false} : vector<2000x128xf32>, vector<128x128xf32>, vector<2000x128xf32> -> vector<2000x128xf32>
    %add3A_35 = arith.addf %dot_general3A_26, %dot_general3A_34 : vector<2000x128xf32>
    %get3A_36 = arith.constant 0 : index
    %get3A_37 = arith.constant 0 : index
    %get3A_38 = vector.load %arg8[%get3A_36, %get3A_37] : memref<1x128xf32, #tpu.memory_space<vmem>>, vector<1x128xf32>
    %add3A_39 = vector.broadcast %get3A_38 : vector<1x128xf32> to vector<2000x128xf32>
    %add3A_40 = arith.addf %add3A_35, %add3A_39 : vector<2000x128xf32>
    %max3A_41 = arith.constant 0.000000e+00 : f32
    %max3A_42 = vector.broadcast %max3A_41 : f32 to vector<2000x128xf32>
    %max3A_43 = arith.maximumf %add3A_40, %max3A_42 : vector<2000x128xf32>
    %get3A_44 = arith.constant 0 : index
    %get3A_45 = arith.constant 0 : index
    %get3A_46 = vector.load %arg9[%get3A_44, %get3A_45] : memref<128x64xf32, #tpu.memory_space<vmem>>, vector<128x64xf32>
    %dot_general3A_47 = arith.constant dense<0.000000e+00> : vector<2000x64xf32>
    %dot_general3A_48 = tpu.matmul %max3A_43, %get3A_46, %dot_general3A_47 {dimension_numbers = #tpu.dot_dimension_numbers<[1], [0], [0], [1], [0, 0, 1, 1], [], []>, precision = #tpu.contract_precision<fp32>, transpose_lhs_hint = false} : vector<2000x128xf32>, vector<128x64xf32>, vector<2000x64xf32> -> vector<2000x64xf32>
    %get3A_49 = arith.constant 0 : index
    %get3A_50 = arith.constant 0 : index
    %get3A_51 = vector.load %arg10[%get3A_49, %get3A_50] : memref<1x64xf32, #tpu.memory_space<vmem>>, vector<1x64xf32>
    %add3A_52 = vector.broadcast %get3A_51 : vector<1x64xf32> to vector<2000x64xf32>
    %add3A_53 = arith.addf %dot_general3A_48, %add3A_52 : vector<2000x64xf32>
    %reduce_max3A = arith.constant dense<0xFF800000> : vector<2000xf32>
    %reduce_max3A_54 = vector.multi_reduction <maximumf>, %add3A_53, %reduce_max3A [1] : vector<2000x64xf32> to vector<2000xf32>
    %broadcast_in_dim3A = vector.shape_cast %reduce_max3A_54 : vector<2000xf32> to vector<2000x1xf32>
    %sub3A = vector.broadcast %broadcast_in_dim3A : vector<2000x1xf32> to vector<2000x64xf32>
    %sub3A_55 = arith.subf %add3A_53, %sub3A : vector<2000x64xf32>
    %exp3A = math.exp %sub3A_55 : vector<2000x64xf32>
    %reduce_sum3A = arith.constant dense<0.000000e+00> : vector<2000xf32>
    %reduce_sum3A_56 = vector.multi_reduction <add>, %exp3A, %reduce_sum3A [1] : vector<2000x64xf32> to vector<2000xf32>
    %broadcast_in_dim3A_57 = vector.shape_cast %reduce_sum3A_56 : vector<2000xf32> to vector<2000x1xf32>
    %log3A = math.log %broadcast_in_dim3A_57 : vector<2000x1xf32>
    %sub3A_58 = vector.broadcast %log3A : vector<2000x1xf32> to vector<2000x64xf32>
    %sub3A_59 = arith.subf %sub3A_55, %sub3A_58 : vector<2000x64xf32>
    %swap3A = arith.constant 0 : index
    %swap3A_60 = arith.constant 0 : index
    %swap3A_61 = vector.load %arg11[%swap3A, %swap3A_60] : memref<2000x64xf32, #tpu.memory_space<vmem>>, vector<2000x64xf32>
    tpu.vector_store %arg11[%swap3A, %swap3A_60], %sub3A_59 {strides = array<i32>} : memref<2000x64xf32, #tpu.memory_space<vmem>>, vector<2000x64xf32>,
    return
  }
  func.func @transform_0(%arg0: i32) -> (i32, i32) {
    %c0_i32 = arith.constant 0 : i32
    %c0_i32_0 = arith.constant 0 : i32
    return %arg0, %c0_i32 : i32, i32
  }
  func.func @transform_1(%arg0: i32) -> (i32, i32, i32) {
    %c0_i32 = arith.constant 0 : i32
    %c0_i32_0 = arith.constant 0 : i32
    %c0_i32_1 = arith.constant 0 : i32
    return %c0_i32, %arg0, %c0_i32_0 : i32, i32, i32
  }
  func.func @transform_2(%arg0: i32) -> (i32, i32, i32) {
    %c1_i32 = arith.constant 1 : i32
    %c0_i32 = arith.constant 0 : i32
    %c0_i32_0 = arith.constant 0 : i32
    return %c1_i32, %arg0, %c0_i32 : i32, i32, i32
  }
  func.func @transform_3(%arg0: i32) -> (i32, i32, i32) {
    %c0_i32 = arith.constant 0 : i32
    %c0_i32_0 = arith.constant 0 : i32
    %c0_i32_1 = arith.constant 0 : i32
    return %c0_i32, %arg0, %c0_i32_0 : i32, i32, i32
  }
  func.func @transform_4(%arg0: i32) -> (i32, i32, i32) {
    %c1_i32 = arith.constant 1 : i32
    %c0_i32 = arith.constant 0 : i32
    %c0_i32_0 = arith.constant 0 : i32
    return %c1_i32, %arg0, %c0_i32 : i32, i32, i32
  }
  func.func @transform_5(%arg0: i32) -> (i32, i32) {
    %c0_i32 = arith.constant 0 : i32
    %c0_i32_0 = arith.constant 0 : i32
    %c0_i32_1 = arith.constant 0 : i32
    return %c0_i32, %c0_i32_0 : i32, i32
  }
  func.func @transform_6(%arg0: i32) -> (i32, i32) {
    %c0_i32 = arith.constant 0 : i32
    %c0_i32_0 = arith.constant 0 : i32
    %c0_i32_1 = arith.constant 0 : i32
    return %c0_i32, %c0_i32_0 : i32, i32
  }
  func.func @transform_7(%arg0: i32) -> (i32, i32) {
    %c0_i32 = arith.constant 0 : i32
    %c0_i32_0 = arith.constant 0 : i32
    %c0_i32_1 = arith.constant 0 : i32
    return %c0_i32, %c0_i32_0 : i32, i32
  }
  func.func @transform_8(%arg0: i32) -> (i32, i32) {
    %c0_i32 = arith.constant 0 : i32
    %c0_i32_0 = arith.constant 0 : i32
    %c0_i32_1 = arith.constant 0 : i32
    return %c0_i32, %c0_i32_0 : i32, i32
  }
  func.func @transform_9(%arg0: i32) -> (i32, i32) {
    %c0_i32 = arith.constant 0 : i32
    %c0_i32_0 = arith.constant 0 : i32
    %c0_i32_1 = arith.constant 0 : i32
    return %c0_i32, %c0_i32_0 : i32, i32
  }
  func.func @transform_10(%arg0: i32) -> (i32, i32) {
    %c0_i32 = arith.constant 0 : i32
    %c0_i32_0 = arith.constant 0 : i32
    return %arg0, %c0_i32 : i32, i32
  }
}

</mosaic_0001>

<sc_bundles>
// kernel: kernel.12.cloned.1.call-start
scs
__scs_entry_jumppad:
0x0: {  	(pc) =	sbr.rel $0x88, $3  }
0x1: {  	(tag) =	ssettag $0x0;
	lr =	simm.s32 $0x1  }
0x2: {  	[smem:$0x3F94] =	sst lr;
	_ =	strace $0xD0000000  }
0x3: {  	_ = 	snop  }
0x4: {  	_ = 	snop  }
0x5: {  	_ = 	snop  }
0x6: {  	_ = 	snop  }
0x7: {  	_ = 	snop  }
__scs_overlays_trampoline_lowered:
0x8: {  	[smem:$0x3FA3] =	sst s0  }
0x9: {  	[smem:$0x3FA4] =	sst s1  }
0xa: {  	[smem:$0x3FA5] =	sst s2  }
0xb: {  	[smem:$0x3FA6] =	sst s3  }
0xc: {  	[smem:$0x3FA7] =	sst s4  }
0xd: {  	[smem:$0x3FA8] =	sst s5  }
0xe: {  	[smem:$0x3FA9] =	sst s6  }
0xf: {  	[smem:$0x3FAA] =	sst s7  }
0x10: {  	[smem:$0x3FAB] =	sst s8  }
0x11: {  	[smem:$0x3FAC] =	sst s9;
	s0 =	simm.s32 @!p0 $0x0  }
0x12: {  	s1 =	sld [smem:$0x3F92];
	s0 =	simm.s32 @p0 $0x1  }
0x13: {  	[smem:$0x3FAD] =	sst s0;
	s0 =	simm.s32 @!p1 $0x0  }
0x14: {  	s2 =	sld [smem:$0x3F91];
	s0 =	simm.s32 @p1 $0x1  }
0x15: {  	[smem:$0x3FAE] =	sst s0;
	s0 =	simm.s32 @!p2 $0x0  }
0x16: {  	s3 =	sld [smem:$0x3FDB];
	s0 =	simm.s32 @p2 $0x1  }
0x17: {  	s4 =	simm.s32 $0x1BF5;
	[smem:$0x3FB0] =	sst s0  }
0x18: {  	s0 =	sld [smem:$0x3F93];
	_ =	swait.ge [sflag:s4], $0x0  }
0x19: {  	s7 =	sld [smem:$0x3F94]  }
0x1a: {  	s8 =	sadd.s32 $0xFFFFE003, lr  }
0x1b: {  	s9 =	sadd.s32 $0xFFFFFEF7, lr;
	s5 =	simm.s32 $0xFFFFFFFF;
	p2 =	slt.u32 s8, $0xFFFFF086  }
0x1c: {  	p1 =	slt.u32 s9, $0xF7A;
	s5 =	simm.s32 @!p2 $0x0  }
0x1d: {  	s5 =	simm.s32 @p1 $0x1;
	p0 =	seq.s32 s7, s2  }
0x1e: {  	s7 =	smul.u32 @!p0 $0xF7A, s2;
	p2 =	seq.s32 @!p0 s5, $0x0  }
0x1f: {  	s9 =	smul.u32 $0xF7A, s1;
	s8 =	simm.s32 @!p0 $0x1BF5;
	p2 =	por !p2, p0  }
0x20: {  	[sflag:s8] =	ssyncset.s32 @!p0 $0xFFFFF086;
	s6 =	sadd.s32 @!p0 s3, s7;
	s7 =	simm.s32 @!p0 $0x108  }
0x21: {  	s3 =	sadd.s32 s3, s9;
	s6 =	sadd.s32 @!p0 $0x88, s6;
	s7 =	simm.s32 @p2 $0x1082  }
0x22: {  	[simem:s7], [sflag:s8] =	dma.local @!p0 [hbm:s6], $0xF7A  }
0x23: {  	s9 =	sor.u32 $0xD0000000, s2;
	s6 =	simm.s32 $0x108;
	_ =	swait.ge @!p0 [sflag:s8], $0x0  }
0x24: {  	s3 =	sadd.s32 $0x88, s3;
	s6 =	simm.s32 @!p1 $0x1082;
	[sflag:s4] =	ssyncset.s32 $0xFFFFF086  }
0x25: {  	[simem:s6], [sflag:s4] =	dma.local [hbm:s3], $0xF7A  }
0x26: {  	[smem:$0x3F94] =	sst s1;
	(tag) =	ssettag s2;
	_ =	strace s9  }
0x27: {  	s1 =	sld [smem:$0x3FA4]  }
0x28: {  	s2 =	sld [smem:$0x3FA5]  }
0x29: {  	s4 =	sld [smem:$0x3FA7]  }
0x2a: {  	p0 =	seq.s32 s5, $0x0;
	s5 =	sld [smem:$0x3FA8]  }
0x2b: {  	s6 =	sld [smem:$0x3FA9]  }
0x2c: {  	s7 =	sld [smem:$0x3FAA]  }
0x2d: {  	s3 =	simm.s32 $0x108;
	s8 =	sld [smem:$0x3FAB]  }
0x2e: {  	s3 =	simm.s32 @!p0 $0x1082;
	s9 =	sld [smem:$0x3FAC]  }
0x2f: {  	lr =	sadd.s32 s0, s3;
	s0 =	sld [smem:$0x3FA3]  }
0x30: {  	s3 =	sld [smem:$0x3FA6]  }
0x31: {  	[smem:$0x3FAF] =	sst s10  }
0x32: {  	s10 =	sld [smem:$0x3FAD];
	_ =	sdelay $0x3  }
0x33: {  	p0 =	seq.s32 s10, $0x1;
	s10 =	sld [smem:$0x3FAF];
	_ =	sdelay $0x3  }
0x34: {  	[smem:$0x3FAF] =	sst s10  }
0x35: {  	s10 =	sld [smem:$0x3FAE];
	_ =	sdelay $0x3  }
0x36: {  	p1 =	seq.s32 s10, $0x1;
	s10 =	sld [smem:$0x3FAF];
	_ =	sdelay $0x3  }
0x37: {  	[smem:$0x3FAF] =	sst s10  }
0x38: {  	s10 =	sld [smem:$0x3FB0]  }
0x39: {  	_ = 	snop;
	(pc) =	sbr.ind lr, $3  }
0x3a: {  	_ = 	snop  }
0x3b: {  	_ = 	snop  }
0x3c: {  	p2 =	seq.s32 s10, $0x1;
	s10 =	sld [smem:$0x3FAF]  }
0x3d: {  	_ =	shalt  }
0x3e: {  	_ =	shalt  }
0x3f: {  	_ =	shalt  }
0x40: {  	_ =	shalt  }
0x41: {  	_ =	shalt  }
0x42: {  	_ =	shalt  }
0x43: {  	_ =	shalt  }
0x44: {  	_ =	shalt  }
0x45: {  	_ =	shalt  }
0x46: {  	_ =	shalt  }
0x47: {  	_ =	shalt  }
0x48: {  	_ =	shalt  }
0x49: {  	_ =	shalt  }
0x4a: {  	_ =	shalt  }
0x4b: {  	_ =	shalt  }
0x4c: {  	_ =	shalt  }
0x4d: {  	_ =	shalt  }
0x4e: {  	_ =	shalt  }
0x4f: {  	_ =	shalt  }
0x50: {  	_ =	shalt  }
0x51: {  	_ =	shalt  }
0x52: {  	_ =	shalt  }
0x53: {  	_ =	shalt  }
0x54: {  	_ =	shalt  }
0x55: {  	_ =	shalt  }
0x56: {  	_ =	shalt  }
0x57: {  	_ =	shalt  }
0x58: {  	_ =	shalt  }
0x59: {  	_ =	shalt  }
0x5a: {  	_ =	shalt  }
0x5b: {  	_ =	shalt  }
0x5c: {  	_ =	shalt  }
0x5d: {  	_ =	shalt  }
0x5e: {  	_ =	shalt  }
0x5f: {  	_ =	shalt  }
0x60: {  	_ =	shalt  }
0x61: {  	_ =	shalt  }
0x62: {  	_ =	shalt  }
0x63: {  	_ =	shalt  }
0x64: {  	_ =	shalt  }
0x65: {  	_ =	shalt  }
0x66: {  	_ =	shalt  }
0x67: {  	_ =	shalt  }
0x68: {  	_ =	shalt  }
0x69: {  	_ =	shalt  }
0x6a: {  	_ =	shalt  }
0x6b: {  	_ =	shalt  }
0x6c: {  	_ =	shalt  }
0x6d: {  	_ =	shalt  }
0x6e: {  	_ =	shalt  }
0x6f: {  	_ =	shalt  }
0x70: {  	_ =	shalt  }
0x71: {  	_ =	shalt  }
0x72: {  	_ =	shalt  }
0x73: {  	_ =	shalt  }
0x74: {  	_ =	shalt  }
0x75: {  	_ =	shalt  }
0x76: {  	_ =	shalt  }
0x77: {  	_ =	shalt  }
0x78: {  	_ =	shalt  }
0x79: {  	_ =	shalt  }
0x7a: {  	_ =	shalt  }
0x7b: {  	_ =	shalt  }
0x7c: {  	_ =	shalt  }
0x7d: {  	_ =	shalt  }
0x7e: {  	_ =	shalt  }
0x7f: {  	_ =	shalt  }
0x80: {  	_ =	shalt  }
0x81: {  	_ =	shalt  }
0x82: {  	_ =	shalt  }
0x83: {  	_ =	shalt  }
0x84: {  	_ =	shalt  }
0x85: {  	_ =	shalt  }
0x86: {  	_ =	shalt  }
0x87: {  	_ =	shalt  }
.Lfunc_end0:
.L_simem_size_0:
called_computation.1_lowered:
.L_overlay_start_0:
0x88: {  	s2 =	sld [smem:$0x3FD9]  }
0x89: {  	s3 =	sld [smem:$0x3FFE];
	_ =	sdelay $0x1  }
0x8a: {  	s1 =	srdreg.scid  }
0x8b: {  	s0 =	sand.u32 $0x1, s1  }
0x8c: {  	s17 =	sshll.u32 s0, $0xA;
	s2 =	sadd.s32 s3, s2  }
0x8d: {  	s2 =	sadd.s32 s2, s17  }
0x8e: {  	[smem:$0x3FBB] =	sst s2  }
0x8f: {  	_ = 	snop  }
0x90: {  	s2 =	sld [smem:$0x3FC9];
	(tm) =	ssettm $0x1  }
0x91: {  	s18 =	sld [smem:$0x3FFB];
	_ =	sdelay $0x3  }
0x92: {  	_ =	strace s18  }
0x93: {  	s3 =	sld [smem:$0x3FFC];
	_ =	sdelay $0x3  }
0x94: {  	_ =	strace s3  }
0x95: {  	s3 =	sld [smem:$0x3FFD];
	_ =	sdelay $0x3  }
0x96: {  	_ =	strace s3  }
0x97: {  	_ =	strace $0x8FFFFFFF  }
0x98: {  	s19 =	sld [smem:$0x3FDB];
	_ =	sdelay $0x1  }
0x99: {  	s4 =	simm.s32 $_scs_section_size  }
0x9a: {  	s5 =	simm.s32 $_size__tile_overlayer_lowered;
	s6 =	simm.s32 $_tile_overlayer_lowered  }
0x9b: {  	s22 =	simm.s32 $0x1BFF;
	s21 =	sshll.u32 s6, $0x1;
	s3 =	sadd.s32 s4, s19  }
0x9c: {  	s7 =	simm.s32 $0x0;
	s20 =	sshll.u32 s5, $0x1;
	s5 =	sadd.s32 s21, s3  }
0x9d: {  	[timem:s7], [sflag:s22] =	dma.local [hbm:s5], s20  }
0x9e: {  	_ =	swait.ge [sflag:s22], s20  }
0x9f: {  	s4 =	ssub.s32 $0x0, s20;
	[sflag:s22] =	ssyncset.done $0x0  }
0xa0: {  	[sflag:s22] =	ssyncadd.s32 s4;
	_ =	sdelay $0x1  }
0xa1: {  	s23 =	simm.s32 $0x1B8B  }
0xa2: {  	_ =	swait.ge [sflag:s23], $0x1  }
0xa3: {  	[sflag:s23] =	ssyncset.done $0x0  }
0xa4: {  	s25 =	simm.s32 $0x1B8E;
	s24 =	sld [smem:$0x3FFE];
	[sflag:s23] =	ssyncadd.s32 $0xFFFFFFFF  }
0xa5: {  	s26 =	simm.s32 $execute0_lowered;
	[smem:$0x3FD2] =	sst s25  }
0xa6: {  	s5 =	sshll.u32 s26, $0x1;
	_ =	strace $0x80000046;
	[dreg:$0x1] =	wrdreg $0xFFFFFFFF  }
0xa7: {  	s28 =	simm.s32 $_size_execute0_lowered;
	s3 =	sadd.s32 s3, s5;
	[dreg:$0x0] =	wrdreg $0x0  }
0xa8: {  	s5 =	sshll.u32 s28, $0x1;
	[dreg:$0x2] =	wrdreg s3  }
0xa9: {  	[dreg:$0x3] =	wrdreg s5  }
0xaa: {  	[dreg:$0x4] =	wrdreg $0xC0  }
0xab: {  	_ =	task [dreg:s7], $0x5FFFF  }
0xac: {  	[dreg:$0x1] =	wrdreg $0xFFFFFFFF  }
0xad: {  	[dreg:$0x0] =	wrdreg $0x60  }
0xae: {  	[dreg:$0x2] =	wrdreg s2  }
0xaf: {  	[dreg:$0x3] =	wrdreg s24  }
0xb0: {  	[dreg:$0x4] =	wrdreg $0xA8000  }
0xb1: {  	[dreg:$0x5] =	wrdreg $0xA  }
0xb2: {  	_ =	task.clear_ibuf [dreg:s7], $0x6FFFF;
	_ =	strace $0x90000046  }
0xb3: {  	s29 =	simm.s32 $0xA;
	_ =	strace $0x80000048  }
0xb4: {  	_ =	swait.ge [sflag:s29], $0x1  }
0xb5: {  	[sflag:s29] =	ssyncadd.s32 $0xFFFFFFFF  }
0xb6: {  	_ =	strace $0x90000048  }
0xb7: {  	_ =	sfence  }
0xb8: {  	s30 =	sld [smem:$0x0];
	_ =	sdelay $0x2  }
0xb9: {  	s31 =	sshll.u32 s1, $0xD;
	s1 =	sshrl.u32 s1, $0x2  }
0xba: {  	s3 =	sand.u32 $0x4000, s31;
	s1 =	sadd.s32 s1, s30  }
0xbb: {  	s0 =	sor.u32 s3, s0;
	s1 =	sshll.u32 s1, $0x11  }
0xbc: {  	s0 =	sor.u32 s1, s0  }
0xbd: {  	s0 =	sadd.s32 $0x8F2B, s0  }
0xbe: {  	[sflag:s0] =	ssyncadd.remote.s32 $0x1  }
0xbf: {  	_ =	sfence.sel $0xFFFF  }
0xc0: {  	[dreg:$0x0] =	wrdreg $0xFFFFFFFF;
	(pc) =	sbr.abs _section_cstart, $3  }
0xc1: {  	[dreg:$0x1] =	wrdreg $0xFFFFFFFF  }
0xc2: {  	_ =	task.clear_ibuf [dreg:s7], $0x2FFFF;
	_ =	strace $0x9FFFFFFF  }
0xc3: {  	(tm) =	ssettm $0x7FFFFFFF  }
tec
execute0_lowered:
.L_overlay_start_1:
0x0: {  	(tag) =	ssettag $0x1  }
0x1: {  	s2 =	rddreg [dreg:$0x0]  }
0x2: {  	s5 =	rddreg [dreg:$0x1]  }
0x3: {  	s3 =	rddreg [dreg:$0x2]  }
0x4: {  	s0 =	rddreg [dreg:$0x3];
	s1 =	stileid.u32  }
0x5: {  	s4 =	simm.s32 $0x0;
	s7 =	srdreg.scid;
	s19 =	simm.s32 $0x1400  }
0x6: {  	s20 =	simm.s32 $0x80;
	s21 =	simm.s32 $0x2800;
	s22 =	simm.s32 $0x6800  }
0x7: {  	s23 =	simm.s32 $0x1;
	s24 =	simm.s32 $0x2;
	s6 =	smul.u32 $0x280, s1  }
0x8: {  	[smem:$0x7FF] =	sst s4;
	s8 =	smul.u32 $0x13C00, s1;
	s7 =	sand.u32 $0x1, s7  }
0x9: {  	s11 =	sadd.s32 $0xB200, s5;
	s12 =	sadd.s32 $0x3A00, s5;
	s26 =	smul.u32 $0x4F000, s1  }
0xa: {  	s15 =	smul.u32 $0x3C00, s1;
	s28 =	sshll.u32 s1, $0x6;
	_ =	strace $0x80000047  }
0xb: {  	s9 =	smul.u32 $0x13C000, s7;
	s10 =	ssub.s32 $0x2, s7;
	p0 =	seq.s32 s7, $0x1  }
0xc: {  	s14 =	sadd.s32 s6, s5;
	s25 =	sshrl.u32 s8, $0x3;
	s13 =	sshrl.u32 s10, $0x1  }
0xd: {  	s29 =	sshrl.u32 s15, $0x3;
	s8 =	sadd.s32 s8, s9;
	s6 =	sadd.s32 s25, s5  }
0xe: {  	s9 =	sshrl.u32 s26, $0x2;
	s17 =	ssub.s32 s10, s13;
	s7 =	sadd.s32 s11, s29  }
0xf: {  	s30 =	sadd.s32 $0x280, s29;
	s31 =	sadd.s32 $0x500, s29;
	s13 =	sadd.s32 $0x15200, s14  }
0x10: {  	s14 =	sadd.s32 $0x12A00, s14;
	s25 =	simm.s32 $0x3;
	s26 =	simm.s32 $0x4  }
.Ltmp0:
0x11: {  	s8 =	sshrl.u32 s8, $0x3;
	s18 =	sadd.s32 s9, s3;
	(pc) =	sbr.rel .LBB2_1-.Ltmp0, $4  }
0x12: {  	s9 =	sadd.s32 s11, s30;
	s10 =	sadd.s32 s12, s30;
	s11 =	sadd.s32 s11, s31  }
0x13: {  	s16 =	sadd.s32 s8, s5;
	s5 =	sadd.s32 $0x17A00, s6;
	s6 =	sor.u32 $0x1C05, s28  }
0x14: {  	s8 =	sadd.s32 s12, s29;
	s12 =	sadd.s32 s12, s31;
	s15 =	sadd.s32 $0x3F200, s16  }
0x15: {  	s16 =	smax.u32 s17, $0x1;
	s17 =	sshrl.u32 s18, $0x3;
	s18 =	simm.s32 $0x5  }
.LBB2_11:
0x16: {  	s28 =	sshra.s32 s28, $0x2;
	[sflag:s26] =	ssyncadd.s32 $0xFFFFC000  }
0x17: {  	[tilespmem:s21], [sflag:$0x1] =	stream.indirect.gather [hbm4b:s2+s20], $0x80, s28, s20, $0xb8;
	[tilespmem:$0x1E400] =	vst v63  }
0x18: {  	s29 =	sadd.s32 $0x80, s28  }
0x19: {  	[tilespmem:s22], [sflag:$0x2] =	stream.indirect.gather [hbm4b:s2+s20], $0x80, s29, s20, $0xb8;
	[tilespmem:$0x1E400] =	vst v63  }
0x1a: {  	_ =	swait.ge [sflag:s23], $0x4000  }
0x1b: {  	[sflag:s23] =	ssyncset.done $0x0  }
0x1c: {  	s31 =	sadd.s32 $0x1400, s28;
	[sflag:s23] =	ssyncadd.s32 $0xFFFFC000  }
0x1d: {  	[spmem:s3] =	stream.indirect.scatter.add.f32 [tilespmem:s21], [sflag:$0x3], $0x80, s31, s20, $0xb8;
	[tilespmem:$0x1E400] =	vst v63  }
0x1e: {  	_ =	swait.ge [sflag:s24], $0x4000  }
0x1f: {  	[sflag:s24] =	ssyncset.done $0x0  }
0x20: {  	s28 =	sadd.s32 $0x1480, s28;
	[sflag:s24] =	ssyncadd.s32 $0xFFFFC000  }
0x21: {  	[spmem:s3] =	stream.indirect.scatter.add.f32 [tilespmem:s22], [sflag:$0x4], $0x80, s28, s20, $0xb8;
	[tilespmem:$0x1E400] =	vst v63  }
0x22: {  	_ =	swait.ge [sflag:s25], $0x4000  }
0x23: {  	[sflag:s25] =	ssyncset.done $0x0  }
0x24: {  	[sflag:s25] =	ssyncadd.s32 $0xFFFFC000  }
0x25: {  	_ =	swait.ge [sflag:s26], $0x4000  }
0x26: {  	[sflag:s26] =	ssyncset.done $0x0  }
0x27: {  	[sflag:s26] =	ssyncadd.s32 $0xFFFFC000  }
.LBB2_12:
0x28: {  	s4 =	sadd.s32 $0x1, s4  }
0x29: {  	p1 =	sne.s32 s4, s16  }
.Ltmp1:
0x2a: {  	[bflag:$0x0] =	sbarrier.arrive $0xFFFF;
	(pc) =	sbr.rel @!p1 .LBB2_13-.Ltmp1, $4  }
0x2b: {  	[hbm:s15], [sflag:s6] =	dma.local [spmem:s17], $0x2780  }
0x2c: {  	_ =	swait.ge [sflag:s18], $0x2780  }
0x2d: {  	[sflag:s18] =	ssyncset.done $0x0  }
0x2e: {  	[sflag:s18] =	ssyncadd.s32 $0xFFFFD880  }
.LBB2_1:
0x2f: {  	[spmem:s17], [sflag:s6] =	dma.local [hbm:s5], $0x2780  }
.Ltmp2:
0x30: {  	_ =	swait.ge [sflag:s18], $0x2780;
	(pc) =	sbr.rel @!p0 .LBB2_2-.Ltmp2, $4  }
0x31: {  	[sflag:s18] =	ssyncset.done $0x0  }
0x32: {  	[sflag:s18] =	ssyncadd.s32 $0xFFFFD880  }
0x33: {  	[bflag:$0x0] =	sbarrier.arrive $0xFFFF  }
0x34: {  	s28 =	simm.s32 $0x0  }
0x35: {  	[tilespmem:s28], [sflag:$0x5] =	stream.linear.gather [hbm4b:s13+s28], $0x1400, $0x38;
	[tilespmem:$0x1E400] =	vst v63  }
0x36: {  	_ =	swait.ge [sflag:s18], $0x1400  }
0x37: {  	[sflag:s18] =	ssyncset.done $0x0  }
0x38: {  	[sflag:s18] =	ssyncadd.s32 $0xFFFFEC00  }
0x39: {  	[tilespmem:s19], [sflag:$0x5] =	stream.linear.gather [hbm4b:s14+s28], $0x1400, $0x38;
	[tilespmem:$0x1E400] =	vst v63  }
0x3a: {  	_ =	swait.ge [sflag:s18], $0x1400  }
0x3b: {  	[sflag:s18] =	ssyncset.done $0x0  }
0x3c: {  	s28 =	simm.s32 $0x0;
	[sflag:s18] =	ssyncadd.s32 $0xFFFFEC00  }
0x3d: {  	[tilespmem:s21], [sflag:$0x1] =	stream.indirect.gather [hbm4b:s2+s20], $0x80, s28, s20, $0xb8;
	[tilespmem:$0x1E400] =	vst v63  }
0x3e: {  	s28 =	simm.s32 $0x80  }
0x3f: {  	[tilespmem:s22], [sflag:$0x2] =	stream.indirect.gather [hbm4b:s2+s20], $0x80, s28, s20, $0xb8;
	[tilespmem:$0x1E400] =	vst v63  }
0x40: {  	_ =	swait.ge [sflag:s23], $0x4000  }
0x41: {  	[sflag:s23] =	ssyncset.done $0x0  }
0x42: {  	s28 =	simm.s32 $0x1400;
	[sflag:s23] =	ssyncadd.s32 $0xFFFFC000  }
0x43: {  	[spmem:s3] =	stream.indirect.scatter.add.f32 [tilespmem:s21], [sflag:$0x3], $0x80, s28, s20, $0xb8;
	[tilespmem:$0x1E400] =	vst v63  }
0x44: {  	_ =	swait.ge [sflag:s24], $0x4000  }
0x45: {  	[sflag:s24] =	ssyncset.done $0x0  }
0x46: {  	s28 =	simm.s32 $0x1480;
	[sflag:s24] =	ssyncadd.s32 $0xFFFFC000  }
0x47: {  	[spmem:s3] =	stream.indirect.scatter.add.f32 [tilespmem:s22], [sflag:$0x4], $0x80, s28, s20, $0xb8;
	[tilespmem:$0x1E400] =	vst v63  }
0x48: {  	_ =	swait.ge [sflag:s25], $0x4000  }
0x49: {  	[sflag:s25] =	ssyncset.done $0x0  }
0x4a: {  	[sflag:s25] =	ssyncadd.s32 $0xFFFFC000  }
0x4b: {  	_ =	swait.ge [sflag:s26], $0x4000  }
0x4c: {  	s29 =	simm.s32 $0x800;
	s28 =	simm.s32 $0x400;
	[sflag:s26] =	ssyncset.done $0x0  }
.LBB2_10:
0x4d: {  	s30 =	sshra.s32 s28, $0x2  }
0x4e: {  	[sflag:s26] =	ssyncadd.s32 $0xFFFFC000;
	s28 =	smov.u32 s29;
	s31 =	sadd.s32 $0x400, s29  }
0x4f: {  	[tilespmem:s21], [sflag:$0x1] =	stream.indirect.gather [hbm4b:s2+s20], $0x80, s30, s20, $0xb8;
	[tilespmem:$0x1E400] =	vst v63  }
0x50: {  	p1 =	sne.s32 s29, $0x4C00;
	s29 =	sadd.s32 $0x80, s30  }
0x51: {  	[tilespmem:s22], [sflag:$0x2] =	stream.indirect.gather [hbm4b:s2+s20], $0x80, s29, s20, $0xb8;
	[tilespmem:$0x1E400] =	vst v63  }
0x52: {  	_ =	swait.ge [sflag:s23], $0x4000  }
0x53: {  	[sflag:s23] =	ssyncset.done $0x0  }
0x54: {  	s29 =	sadd.s32 $0x1400, s30;
	[sflag:s23] =	ssyncadd.s32 $0xFFFFC000  }
0x55: {  	[spmem:s3] =	stream.indirect.scatter.add.f32 [tilespmem:s21], [sflag:$0x3], $0x80, s29, s20, $0xb8;
	[tilespmem:$0x1E400] =	vst v63  }
0x56: {  	_ =	swait.ge [sflag:s24], $0x4000  }
0x57: {  	[sflag:s24] =	ssyncset.done $0x0  }
0x58: {  	s29 =	sadd.s32 $0x1480, s30;
	[sflag:s24] =	ssyncadd.s32 $0xFFFFC000  }
0x59: {  	[spmem:s3] =	stream.indirect.scatter.add.f32 [tilespmem:s22], [sflag:$0x4], $0x80, s29, s20, $0xb8;
	[tilespmem:$0x1E400] =	vst v63  }
.Ltmp3:
0x5a: {  	_ =	swait.ge [sflag:s25], $0x4000;
	(pc) =	sbr.rel @p1 .LBB2_10-.Ltmp3, $4  }
0x5b: {  	[sflag:s25] =	ssyncset.done $0x0  }
0x5c: {  	[sflag:s25] =	ssyncadd.s32 $0xFFFFC000  }
0x5d: {  	_ =	swait.ge [sflag:s26], $0x4000  }
0x5e: {  	s29 =	smov.u32 s31;
	[sflag:s26] =	ssyncset.done $0x0  }
.Ltmp4:
0x5f: {  	_ = 	snop;
	(pc) =	sbr.rel .LBB2_11-.Ltmp4, $1  }
0x60: {  	_ =	sdelay $0x3  }
.LBB2_2:
0x61: {  	[tilespmem:s28], [sflag:$0x5] =	stream.linear.gather [hbm4b:s7+s28], $0x1400, $0x38;
	[tilespmem:$0x1E400] =	vst v63  }
0x62: {  	_ =	swait.ge [sflag:s18], $0x1400  }
0x63: {  	[sflag:s18] =	ssyncset.done $0x0  }
0x64: {  	[sflag:s18] =	ssyncadd.s32 $0xFFFFEC00  }
0x65: {  	[tilespmem:s19], [sflag:$0x5] =	stream.linear.gather [hbm4b:s8+s28], $0x1400, $0x38;
	[tilespmem:$0x1E400] =	vst v63  }
0x66: {  	_ =	swait.ge [sflag:s18], $0x1400  }
0x67: {  	[sflag:s18] =	ssyncset.done $0x0  }
0x68: {  	s28 =	simm.s32 $0x0;
	[sflag:s18] =	ssyncadd.s32 $0xFFFFEC00  }
0x69: {  	[tilespmem:s21], [sflag:$0x1] =	stream.indirect.gather [hbm4b:s2+s20], $0x80, s28, s20, $0xb8;
	[tilespmem:$0x1E400] =	vst v63  }
0x6a: {  	s28 =	simm.s32 $0x80  }
0x6b: {  	[tilespmem:s22], [sflag:$0x2] =	stream.indirect.gather [hbm4b:s2+s20], $0x80, s28, s20, $0xb8;
	[tilespmem:$0x1E400] =	vst v63  }
0x6c: {  	_ =	swait.ge [sflag:s23], $0x4000  }
0x6d: {  	[sflag:s23] =	ssyncset.done $0x0  }
0x6e: {  	s28 =	simm.s32 $0x1400;
	[sflag:s23] =	ssyncadd.s32 $0xFFFFC000  }
0x6f: {  	[spmem:s3] =	stream.indirect.scatter.add.f32 [tilespmem:s21], [sflag:$0x3], $0x80, s28, s20, $0xb8;
	[tilespmem:$0x1E400] =	vst v63  }
0x70: {  	_ =	swait.ge [sflag:s24], $0x4000  }
0x71: {  	[sflag:s24] =	ssyncset.done $0x0  }
0x72: {  	s28 =	simm.s32 $0x1480;
	[sflag:s24] =	ssyncadd.s32 $0xFFFFC000  }
0x73: {  	[spmem:s3] =	stream.indirect.scatter.add.f32 [tilespmem:s22], [sflag:$0x4], $0x80, s28, s20, $0xb8;
	[tilespmem:$0x1E400] =	vst v63  }
0x74: {  	_ =	swait.ge [sflag:s25], $0x4000  }
0x75: {  	[sflag:s25] =	ssyncset.done $0x0  }
0x76: {  	[sflag:s25] =	ssyncadd.s32 $0xFFFFC000  }
0x77: {  	_ =	swait.ge [sflag:s26], $0x4000  }
0x78: {  	s29 =	simm.s32 $0x800;
	s28 =	simm.s32 $0x400;
	[sflag:s26] =	ssyncset.done $0x0  }
.LBB2_3:
0x79: {  	s30 =	sshra.s32 s28, $0x2  }
0x7a: {  	[sflag:s26] =	ssyncadd.s32 $0xFFFFC000;
	s28 =	smov.u32 s29;
	s31 =	sadd.s32 $0x400, s29  }
0x7b: {  	[tilespmem:s21], [sflag:$0x1] =	stream.indirect.gather [hbm4b:s2+s20], $0x80, s30, s20, $0xb8;
	[tilespmem:$0x1E400] =	vst v63  }
0x7c: {  	p1 =	sne.s32 s29, $0x4C00;
	s29 =	sadd.s32 $0x80, s30  }
0x7d: {  	[tilespmem:s22], [sflag:$0x2] =	stream.indirect.gather [hbm4b:s2+s20], $0x80, s29, s20, $0xb8;
	[tilespmem:$0x1E400] =	vst v63  }
0x7e: {  	_ =	swait.ge [sflag:s23], $0x4000  }
0x7f: {  	[sflag:s23] =	ssyncset.done $0x0  }
0x80: {  	s29 =	sadd.s32 $0x1400, s30;
	[sflag:s23] =	ssyncadd.s32 $0xFFFFC000  }
0x81: {  	[spmem:s3] =	stream.indirect.scatter.add.f32 [tilespmem:s21], [sflag:$0x3], $0x80, s29, s20, $0xb8;
	[tilespmem:$0x1E400] =	vst v63  }
0x82: {  	_ =	swait.ge [sflag:s24], $0x4000  }
0x83: {  	[sflag:s24] =	ssyncset.done $0x0  }
0x84: {  	s29 =	sadd.s32 $0x1480, s30;
	[sflag:s24] =	ssyncadd.s32 $0xFFFFC000  }
0x85: {  	[spmem:s3] =	stream.indirect.scatter.add.f32 [tilespmem:s22], [sflag:$0x4], $0x80, s29, s20, $0xb8;
	[tilespmem:$0x1E400] =	vst v63  }
.Ltmp5:
0x86: {  	_ =	swait.ge [sflag:s25], $0x4000;
	(pc) =	sbr.rel @p1 .LBB2_3-.Ltmp5, $4  }
0x87: {  	[sflag:s25] =	ssyncset.done $0x0  }
0x88: {  	[sflag:s25] =	ssyncadd.s32 $0xFFFFC000  }
0x89: {  	_ =	swait.ge [sflag:s26], $0x4000  }
0x8a: {  	s29 =	smov.u32 s31;
	[sflag:s26] =	ssyncset.done $0x0  }
0x8b: {  	s28 =	sshra.s32 s28, $0x2;
	[sflag:s26] =	ssyncadd.s32 $0xFFFFC000  }
0x8c: {  	[tilespmem:s21], [sflag:$0x1] =	stream.indirect.gather [hbm4b:s2+s20], $0x80, s28, s20, $0xb8;
	[tilespmem:$0x1E400] =	vst v63  }
0x8d: {  	s29 =	sadd.s32 $0x80, s28  }
0x8e: {  	[tilespmem:s22], [sflag:$0x2] =	stream.indirect.gather [hbm4b:s2+s20], $0x80, s29, s20, $0xb8;
	[tilespmem:$0x1E400] =	vst v63  }
0x8f: {  	_ =	swait.ge [sflag:s23], $0x4000  }
0x90: {  	[sflag:s23] =	ssyncset.done $0x0  }
0x91: {  	s29 =	sadd.s32 $0x1400, s28;
	[sflag:s23] =	ssyncadd.s32 $0xFFFFC000  }
0x92: {  	[spmem:s3] =	stream.indirect.scatter.add.f32 [tilespmem:s21], [sflag:$0x3], $0x80, s29, s20, $0xb8;
	[tilespmem:$0x1E400] =	vst v63  }
0x93: {  	_ =	swait.ge [sflag:s24], $0x4000  }
0x94: {  	[sflag:s24] =	ssyncset.done $0x0  }
0x95: {  	s28 =	sadd.s32 $0x1480, s28;
	[sflag:s24] =	ssyncadd.s32 $0xFFFFC000  }
0x96: {  	[spmem:s3] =	stream.indirect.scatter.add.f32 [tilespmem:s22], [sflag:$0x4], $0x80, s28, s20, $0xb8;
	[tilespmem:$0x1E400] =	vst v63  }
0x97: {  	_ =	swait.ge [sflag:s25], $0x4000  }
0x98: {  	[sflag:s25] =	ssyncset.done $0x0  }
0x99: {  	[sflag:s25] =	ssyncadd.s32 $0xFFFFC000  }
0x9a: {  	_ =	swait.ge [sflag:s26], $0x4000  }
0x9b: {  	[sflag:s26] =	ssyncset.done $0x0  }
0x9c: {  	s28 =	simm.s32 $0x0;
	[sflag:s26] =	ssyncadd.s32 $0xFFFFC000  }
0x9d: {  	[tilespmem:s28], [sflag:$0x5] =	stream.linear.gather [hbm4b:s9+s28], $0x1400, $0x38;
	[tilespmem:$0x1E400] =	vst v63  }
0x9e: {  	_ =	swait.ge [sflag:s18], $0x1400  }
0x9f: {  	[sflag:s18] =	ssyncset.done $0x0  }
0xa0: {  	[sflag:s18] =	ssyncadd.s32 $0xFFFFEC00  }
0xa1: {  	[tilespmem:s19], [sflag:$0x5] =	stream.linear.gather [hbm4b:s10+s28], $0x1400, $0x38;
	[tilespmem:$0x1E400] =	vst v63  }
0xa2: {  	_ =	swait.ge [sflag:s18], $0x1400  }
0xa3: {  	[sflag:s18] =	ssyncset.done $0x0  }
0xa4: {  	s28 =	simm.s32 $0x0;
	[sflag:s18] =	ssyncadd.s32 $0xFFFFEC00  }
0xa5: {  	[tilespmem:s21], [sflag:$0x1] =	stream.indirect.gather [hbm4b:s2+s20], $0x80, s28, s20, $0xb8;
	[tilespmem:$0x1E400] =	vst v63  }
0xa6: {  	s28 =	simm.s32 $0x80  }
0xa7: {  	[tilespmem:s22], [sflag:$0x2] =	stream.indirect.gather [hbm4b:s2+s20], $0x80, s28, s20, $0xb8;
	[tilespmem:$0x1E400] =	vst v63  }
0xa8: {  	_ =	swait.ge [sflag:s23], $0x4000  }
0xa9: {  	[sflag:s23] =	ssyncset.done $0x0  }
0xaa: {  	s28 =	simm.s32 $0x1400;
	[sflag:s23] =	ssyncadd.s32 $0xFFFFC000  }
0xab: {  	[spmem:s3] =	stream.indirect.scatter.add.f32 [tilespmem:s21], [sflag:$0x3], $0x80, s28, s20, $0xb8;
	[tilespmem:$0x1E400] =	vst v63  }
0xac: {  	_ =	swait.ge [sflag:s24], $0x4000  }
0xad: {  	[sflag:s24] =	ssyncset.done $0x0  }
0xae: {  	s28 =	simm.s32 $0x1480;
	[sflag:s24] =	ssyncadd.s32 $0xFFFFC000  }
0xaf: {  	[spmem:s3] =	stream.indirect.scatter.add.f32 [tilespmem:s22], [sflag:$0x4], $0x80, s28, s20, $0xb8;
	[tilespmem:$0x1E400] =	vst v63  }
0xb0: {  	_ =	swait.ge [sflag:s25], $0x4000  }
0xb1: {  	[sflag:s25] =	ssyncset.done $0x0  }
0xb2: {  	[sflag:s25] =	ssyncadd.s32 $0xFFFFC000  }
0xb3: {  	_ =	swait.ge [sflag:s26], $0x4000  }
0xb4: {  	s29 =	simm.s32 $0x800;
	s28 =	simm.s32 $0x400;
	[sflag:s26] =	ssyncset.done $0x0  }
.LBB2_5:
0xb5: {  	s30 =	sshra.s32 s28, $0x2  }
0xb6: {  	[sflag:s26] =	ssyncadd.s32 $0xFFFFC000;
	s28 =	smov.u32 s29;
	s31 =	sadd.s32 $0x400, s29  }
0xb7: {  	[tilespmem:s21], [sflag:$0x1] =	stream.indirect.gather [hbm4b:s2+s20], $0x80, s30, s20, $0xb8;
	[tilespmem:$0x1E400] =	vst v63  }
0xb8: {  	p1 =	sne.s32 s29, $0x4C00;
	s29 =	sadd.s32 $0x80, s30  }
0xb9: {  	[tilespmem:s22], [sflag:$0x2] =	stream.indirect.gather [hbm4b:s2+s20], $0x80, s29, s20, $0xb8;
	[tilespmem:$0x1E400] =	vst v63  }
0xba: {  	_ =	swait.ge [sflag:s23], $0x4000  }
0xbb: {  	[sflag:s23] =	ssyncset.done $0x0  }
0xbc: {  	s29 =	sadd.s32 $0x1400, s30;
	[sflag:s23] =	ssyncadd.s32 $0xFFFFC000  }
0xbd: {  	[spmem:s3] =	stream.indirect.scatter.add.f32 [tilespmem:s21], [sflag:$0x3], $0x80, s29, s20, $0xb8;
	[tilespmem:$0x1E400] =	vst v63  }
0xbe: {  	_ =	swait.ge [sflag:s24], $0x4000  }
0xbf: {  	[sflag:s24] =	ssyncset.done $0x0  }
0xc0: {  	s29 =	sadd.s32 $0x1480, s30;
	[sflag:s24] =	ssyncadd.s32 $0xFFFFC000  }
0xc1: {  	[spmem:s3] =	stream.indirect.scatter.add.f32 [tilespmem:s22], [sflag:$0x4], $0x80, s29, s20, $0xb8;
	[tilespmem:$0x1E400] =	vst v63  }
.Ltmp6:
0xc2: {  	_ =	swait.ge [sflag:s25], $0x4000;
	(pc) =	sbr.rel @p1 .LBB2_5-.Ltmp6, $4  }
0xc3: {  	[sflag:s25] =	ssyncset.done $0x0  }
0xc4: {  	[sflag:s25] =	ssyncadd.s32 $0xFFFFC000  }
0xc5: {  	_ =	swait.ge [sflag:s26], $0x4000  }
0xc6: {  	s29 =	smov.u32 s31;
	[sflag:s26] =	ssyncset.done $0x0  }
0xc7: {  	s28 =	sshra.s32 s28, $0x2;
	[sflag:s26] =	ssyncadd.s32 $0xFFFFC000  }
0xc8: {  	[tilespmem:s21], [sflag:$0x1] =	stream.indirect.gather [hbm4b:s2+s20], $0x80, s28, s20, $0xb8;
	[tilespmem:$0x1E400] =	vst v63  }
0xc9: {  	s29 =	sadd.s32 $0x80, s28  }
0xca: {  	[tilespmem:s22], [sflag:$0x2] =	stream.indirect.gather [hbm4b:s2+s20], $0x80, s29, s20, $0xb8;
	[tilespmem:$0x1E400] =	vst v63  }
0xcb: {  	_ =	swait.ge [sflag:s23], $0x4000  }
0xcc: {  	[sflag:s23] =	ssyncset.done $0x0  }
0xcd: {  	s29 =	sadd.s32 $0x1400, s28;
	[sflag:s23] =	ssyncadd.s32 $0xFFFFC000  }
0xce: {  	[spmem:s3] =	stream.indirect.scatter.add.f32 [tilespmem:s21], [sflag:$0x3], $0x80, s29, s20, $0xb8;
	[tilespmem:$0x1E400] =	vst v63  }
0xcf: {  	_ =	swait.ge [sflag:s24], $0x4000  }
0xd0: {  	[sflag:s24] =	ssyncset.done $0x0  }
0xd1: {  	s28 =	sadd.s32 $0x1480, s28;
	[sflag:s24] =	ssyncadd.s32 $0xFFFFC000  }
0xd2: {  	[spmem:s3] =	stream.indirect.scatter.add.f32 [tilespmem:s22], [sflag:$0x4], $0x80, s28, s20, $0xb8;
	[tilespmem:$0x1E400] =	vst v63  }
0xd3: {  	_ =	swait.ge [sflag:s25], $0x4000  }
0xd4: {  	[sflag:s25] =	ssyncset.done $0x0  }
0xd5: {  	[sflag:s25] =	ssyncadd.s32 $0xFFFFC000  }
0xd6: {  	_ =	swait.ge [sflag:s26], $0x4000  }
0xd7: {  	[sflag:s26] =	ssyncset.done $0x0  }
0xd8: {  	s28 =	simm.s32 $0x0;
	[sflag:s26] =	ssyncadd.s32 $0xFFFFC000  }
0xd9: {  	[tilespmem:s28], [sflag:$0x5] =	stream.linear.gather [hbm4b:s11+s28], $0x1400, $0x38;
	[tilespmem:$0x1E400] =	vst v63  }
0xda: {  	_ =	swait.ge [sflag:s18], $0x1400  }
0xdb: {  	[sflag:s18] =	ssyncset.done $0x0  }
0xdc: {  	[sflag:s18] =	ssyncadd.s32 $0xFFFFEC00  }
0xdd: {  	[tilespmem:s19], [sflag:$0x5] =	stream.linear.gather [hbm4b:s12+s28], $0x1400, $0x38;
	[tilespmem:$0x1E400] =	vst v63  }
0xde: {  	_ =	swait.ge [sflag:s18], $0x1400  }
0xdf: {  	[sflag:s18] =	ssyncset.done $0x0  }
0xe0: {  	s28 =	simm.s32 $0x0;
	[sflag:s18] =	ssyncadd.s32 $0xFFFFEC00  }
0xe1: {  	[tilespmem:s21], [sflag:$0x1] =	stream.indirect.gather [hbm4b:s2+s20], $0x80, s28, s20, $0xb8;
	[tilespmem:$0x1E400] =	vst v63  }
0xe2: {  	s28 =	simm.s32 $0x80  }
0xe3: {  	[tilespmem:s22], [sflag:$0x2] =	stream.indirect.gather [hbm4b:s2+s20], $0x80, s28, s20, $0xb8;
	[tilespmem:$0x1E400] =	vst v63  }
0xe4: {  	_ =	swait.ge [sflag:s23], $0x4000  }
0xe5: {  	[sflag:s23] =	ssyncset.done $0x0  }
0xe6: {  	s28 =	simm.s32 $0x1400;
	[sflag:s23] =	ssyncadd.s32 $0xFFFFC000  }
0xe7: {  	[spmem:s3] =	stream.indirect.scatter.add.f32 [tilespmem:s21], [sflag:$0x3], $0x80, s28, s20, $0xb8;
	[tilespmem:$0x1E400] =	vst v63  }
0xe8: {  	_ =	swait.ge [sflag:s24], $0x4000  }
0xe9: {  	[sflag:s24] =	ssyncset.done $0x0  }
0xea: {  	s28 =	simm.s32 $0x1480;
	[sflag:s24] =	ssyncadd.s32 $0xFFFFC000  }
0xeb: {  	[spmem:s3] =	stream.indirect.scatter.add.f32 [tilespmem:s22], [sflag:$0x4], $0x80, s28, s20, $0xb8;
	[tilespmem:$0x1E400] =	vst v63  }
0xec: {  	_ =	swait.ge [sflag:s25], $0x4000  }
0xed: {  	[sflag:s25] =	ssyncset.done $0x0  }
0xee: {  	[sflag:s25] =	ssyncadd.s32 $0xFFFFC000  }
0xef: {  	_ =	swait.ge [sflag:s26], $0x4000  }
0xf0: {  	s29 =	simm.s32 $0x800;
	s28 =	simm.s32 $0x400;
	[sflag:s26] =	ssyncset.done $0x0  }
.LBB2_7:
0xf1: {  	s30 =	sshra.s32 s28, $0x2  }
0xf2: {  	[sflag:s26] =	ssyncadd.s32 $0xFFFFC000;
	s28 =	smov.u32 s29;
	s31 =	sadd.s32 $0x400, s29  }
0xf3: {  	[tilespmem:s21], [sflag:$0x1] =	stream.indirect.gather [hbm4b:s2+s20], $0x80, s30, s20, $0xb8;
	[tilespmem:$0x1E400] =	vst v63  }
0xf4: {  	p1 =	seq.s32 s29, $0x4C00;
	s29 =	sadd.s32 $0x80, s30  }
0xf5: {  	[tilespmem:s22], [sflag:$0x2] =	stream.indirect.gather [hbm4b:s2+s20], $0x80, s29, s20, $0xb8;
	[tilespmem:$0x1E400] =	vst v63  }
0xf6: {  	_ =	swait.ge [sflag:s23], $0x4000  }
0xf7: {  	[sflag:s23] =	ssyncset.done $0x0  }
0xf8: {  	s29 =	sadd.s32 $0x1400, s30;
	[sflag:s23] =	ssyncadd.s32 $0xFFFFC000  }
0xf9: {  	[spmem:s3] =	stream.indirect.scatter.add.f32 [tilespmem:s21], [sflag:$0x3], $0x80, s29, s20, $0xb8;
	[tilespmem:$0x1E400] =	vst v63  }
0xfa: {  	_ =	swait.ge [sflag:s24], $0x4000  }
0xfb: {  	[sflag:s24] =	ssyncset.done $0x0  }
0xfc: {  	s29 =	sadd.s32 $0x1480, s30;
	[sflag:s24] =	ssyncadd.s32 $0xFFFFC000  }
0xfd: {  	[spmem:s3] =	stream.indirect.scatter.add.f32 [tilespmem:s22], [sflag:$0x4], $0x80, s29, s20, $0xb8;
	[tilespmem:$0x1E400] =	vst v63  }
.Ltmp7:
0xfe: {  	_ =	swait.ge [sflag:s25], $0x4000;
	(pc) =	sbr.rel @!p1 .LBB2_7-.Ltmp7, $4  }
0xff: {  	[sflag:s25] =	ssyncset.done $0x0  }
0x100: {  	[sflag:s25] =	ssyncadd.s32 $0xFFFFC000  }
0x101: {  	_ =	swait.ge [sflag:s26], $0x4000  }
0x102: {  	s29 =	smov.u32 s31;
	[sflag:s26] =	ssyncset.done $0x0  }
0x103: {  	s28 =	sshra.s32 s28, $0x2;
	[sflag:s26] =	ssyncadd.s32 $0xFFFFC000  }
0x104: {  	[tilespmem:s21], [sflag:$0x1] =	stream.indirect.gather [hbm4b:s2+s20], $0x80, s28, s20, $0xb8;
	[tilespmem:$0x1E400] =	vst v63  }
0x105: {  	s29 =	sadd.s32 $0x80, s28  }
0x106: {  	[tilespmem:s22], [sflag:$0x2] =	stream.indirect.gather [hbm4b:s2+s20], $0x80, s29, s20, $0xb8;
	[tilespmem:$0x1E400] =	vst v63  }
0x107: {  	_ =	swait.ge [sflag:s23], $0x4000  }
0x108: {  	[sflag:s23] =	ssyncset.done $0x0  }
0x109: {  	s31 =	sadd.s32 $0x1400, s28;
	[sflag:s23] =	ssyncadd.s32 $0xFFFFC000  }
0x10a: {  	[spmem:s3] =	stream.indirect.scatter.add.f32 [tilespmem:s21], [sflag:$0x3], $0x80, s31, s20, $0xb8;
	[tilespmem:$0x1E400] =	vst v63  }
0x10b: {  	_ =	swait.ge [sflag:s24], $0x4000  }
0x10c: {  	[sflag:s24] =	ssyncset.done $0x0  }
0x10d: {  	s28 =	sadd.s32 $0x1480, s28;
	[sflag:s24] =	ssyncadd.s32 $0xFFFFC000  }
0x10e: {  	[spmem:s3] =	stream.indirect.scatter.add.f32 [tilespmem:s22], [sflag:$0x4], $0x80, s28, s20, $0xb8;
	[tilespmem:$0x1E400] =	vst v63  }
0x10f: {  	_ =	swait.ge [sflag:s25], $0x4000  }
.Ltmp8:
0x110: {  	[sflag:s25] =	ssyncset.done $0x0;
	(pc) =	sbr.rel .LBB2_12-.Ltmp8, $4  }
0x111: {  	[sflag:s25] =	ssyncadd.s32 $0xFFFFC000  }
0x112: {  	_ =	swait.ge [sflag:s26], $0x4000  }
0x113: {  	[sflag:s26] =	ssyncset.done $0x0  }
0x114: {  	[sflag:s26] =	ssyncadd.s32 $0xFFFFC000  }
.LBB2_13:
0x115: {  	_ =	sfence.sel $0x180000  }
0x116: {  	[bflag:$0x0] =	sbarrier.arrive $0xFFFF  }
0x117: {  	p0 =	sne.s32 s1, $0x0;
	_ =	strace $0x90000047  }
0x118: {  	s0 =	sadd.s32 @!p0 $0x100000, s0;
	[bflag:$0x2] =	sbarrier.arrive $0xFFFF  }
0x119: {  	[sflag:s0] =	ssyncadd.tile.s32 @!p0 $0x1;
	_ =	shalt  }
.Lfunc_end2:
_tile_overlayer_lowered:
.L_overlay_start_2:
0x11a: {  	(tag) =	ssettag $0x2  }
0x11b: {  	s0 =	rddreg [dreg:$0x0];
	s2 =	stileid.u32  }
0x11c: {  	s1 =	rddreg [dreg:$0x1];
	p0 =	sne.s32 s2, $0x0  }
0x11d: {  	s3 =	rddreg [dreg:$0x2];
	[bflag:$0x3] =	sbarrier.arrive $0xFFFF;
	s2 =	simm.s32 @!p0 $0x1C05  }
0x11e: {  	[timem:s3], [sflag:s2] =	dma.local @!p0 [hbm:s0], s1  }
0x11f: {  	s0 =	simm.s32 @!p0 $0x5  }
0x120: {  	_ =	swait.ge @!p0 [sflag:s0], s1  }
0x121: {  	s1 =	ssub.s32 @!p0 $0x0, s1;
	[sflag:s0] =	ssyncset.done @!p0 $0x0  }
0x122: {  	[sflag:s0] =	ssyncadd.s32 @!p0 s1  }
0x123: {  	[bflag:$0x3] =	sbarrier.arrive $0xFFFF  }
0x124: {  	_ =	shalt  }

// kernel: kernel.15.cloned.1.call-start
scs
__scs_entry_jumppad:
0x0: {  	(pc) =	sbr.rel $0x88, $3  }
0x1: {  	(tag) =	ssettag $0x0;
	lr =	simm.s32 $0x1  }
0x2: {  	[smem:$0x3F94] =	sst lr;
	_ =	strace $0xD0000000  }
0x3: {  	_ = 	snop  }
0x4: {  	_ = 	snop  }
0x5: {  	_ = 	snop  }
0x6: {  	_ = 	snop  }
0x7: {  	_ = 	snop  }
__scs_overlays_trampoline_lowered:
0x8: {  	[smem:$0x3FA3] =	sst s0  }
0x9: {  	[smem:$0x3FA4] =	sst s1  }
0xa: {  	[smem:$0x3FA5] =	sst s2  }
0xb: {  	[smem:$0x3FA6] =	sst s3  }
0xc: {  	[smem:$0x3FA7] =	sst s4  }
0xd: {  	[smem:$0x3FA8] =	sst s5  }
0xe: {  	[smem:$0x3FA9] =	sst s6  }
0xf: {  	[smem:$0x3FAA] =	sst s7  }
0x10: {  	[smem:$0x3FAB] =	sst s8  }
0x11: {  	[smem:$0x3FAC] =	sst s9;
	s0 =	simm.s32 @!p0 $0x0  }
0x12: {  	s1 =	sld [smem:$0x3F92];
	s0 =	simm.s32 @p0 $0x1  }
0x13: {  	[smem:$0x3FAD] =	sst s0;
	s0 =	simm.s32 @!p1 $0x0  }
0x14: {  	s2 =	sld [smem:$0x3F91];
	s0 =	simm.s32 @p1 $0x1  }
0x15: {  	[smem:$0x3FAE] =	sst s0;
	s0 =	simm.s32 @!p2 $0x0  }
0x16: {  	s3 =	sld [smem:$0x3FDB];
	s0 =	simm.s32 @p2 $0x1  }
0x17: {  	s4 =	simm.s32 $0x1BF5;
	[smem:$0x3FB0] =	sst s0  }
0x18: {  	s0 =	sld [smem:$0x3F93];
	_ =	swait.ge [sflag:s4], $0x0  }
0x19: {  	s7 =	sld [smem:$0x3F94]  }
0x1a: {  	s8 =	sadd.s32 $0xFFFFE003, lr  }
0x1b: {  	s9 =	sadd.s32 $0xFFFFFEF7, lr;
	s5 =	simm.s32 $0xFFFFFFFF;
	p2 =	slt.u32 s8, $0xFFFFF086  }
0x1c: {  	p1 =	slt.u32 s9, $0xF7A;
	s5 =	simm.s32 @!p2 $0x0  }
0x1d: {  	s5 =	simm.s32 @p1 $0x1;
	p0 =	seq.s32 s7, s2  }
0x1e: {  	s7 =	smul.u32 @!p0 $0xF7A, s2;
	p2 =	seq.s32 @!p0 s5, $0x0  }
0x1f: {  	s9 =	smul.u32 $0xF7A, s1;
	s8 =	simm.s32 @!p0 $0x1BF5;
	p2 =	por !p2, p0  }
0x20: {  	[sflag:s8] =	ssyncset.s32 @!p0 $0xFFFFF086;
	s6 =	sadd.s32 @!p0 s3, s7;
	s7 =	simm.s32 @!p0 $0x108  }
0x21: {  	s3 =	sadd.s32 s3, s9;
	s6 =	sadd.s32 @!p0 $0x88, s6;
	s7 =	simm.s32 @p2 $0x1082  }
0x22: {  	[simem:s7], [sflag:s8] =	dma.local @!p0 [hbm:s6], $0xF7A  }
0x23: {  	s9 =	sor.u32 $0xD0000000, s2;
	s6 =	simm.s32 $0x108;
	_ =	swait.ge @!p0 [sflag:s8], $0x0  }
0x24: {  	s3 =	sadd.s32 $0x88, s3;
	s6 =	simm.s32 @!p1 $0x1082;
	[sflag:s4] =	ssyncset.s32 $0xFFFFF086  }
0x25: {  	[simem:s6], [sflag:s4] =	dma.local [hbm:s3], $0xF7A  }
0x26: {  	[smem:$0x3F94] =	sst s1;
	(tag) =	ssettag s2;
	_ =	strace s9  }
0x27: {  	s1 =	sld [smem:$0x3FA4]  }
0x28: {  	s2 =	sld [smem:$0x3FA5]  }
0x29: {  	s4 =	sld [smem:$0x3FA7]  }
0x2a: {  	p0 =	seq.s32 s5, $0x0;
	s5 =	sld [smem:$0x3FA8]  }
0x2b: {  	s6 =	sld [smem:$0x3FA9]  }
0x2c: {  	s7 =	sld [smem:$0x3FAA]  }
0x2d: {  	s3 =	simm.s32 $0x108;
	s8 =	sld [smem:$0x3FAB]  }
0x2e: {  	s3 =	simm.s32 @!p0 $0x1082;
	s9 =	sld [smem:$0x3FAC]  }
0x2f: {  	lr =	sadd.s32 s0, s3;
	s0 =	sld [smem:$0x3FA3]  }
0x30: {  	s3 =	sld [smem:$0x3FA6]  }
0x31: {  	[smem:$0x3FAF] =	sst s10  }
0x32: {  	s10 =	sld [smem:$0x3FAD];
	_ =	sdelay $0x3  }
0x33: {  	p0 =	seq.s32 s10, $0x1;
	s10 =	sld [smem:$0x3FAF];
	_ =	sdelay $0x3  }
0x34: {  	[smem:$0x3FAF] =	sst s10  }
0x35: {  	s10 =	sld [smem:$0x3FAE];
	_ =	sdelay $0x3  }
0x36: {  	p1 =	seq.s32 s10, $0x1;
	s10 =	sld [smem:$0x3FAF];
	_ =	sdelay $0x3  }
0x37: {  	[smem:$0x3FAF] =	sst s10  }
0x38: {  	s10 =	sld [smem:$0x3FB0]  }
0x39: {  	_ = 	snop;
	(pc) =	sbr.ind lr, $3  }
0x3a: {  	_ = 	snop  }
0x3b: {  	_ = 	snop  }
0x3c: {  	p2 =	seq.s32 s10, $0x1;
	s10 =	sld [smem:$0x3FAF]  }
0x3d: {  	_ =	shalt  }
0x3e: {  	_ =	shalt  }
0x3f: {  	_ =	shalt  }
0x40: {  	_ =	shalt  }
0x41: {  	_ =	shalt  }
0x42: {  	_ =	shalt  }
0x43: {  	_ =	shalt  }
0x44: {  	_ =	shalt  }
0x45: {  	_ =	shalt  }
0x46: {  	_ =	shalt  }
0x47: {  	_ =	shalt  }
0x48: {  	_ =	shalt  }
0x49: {  	_ =	shalt  }
0x4a: {  	_ =	shalt  }
0x4b: {  	_ =	shalt  }
0x4c: {  	_ =	shalt  }
0x4d: {  	_ =	shalt  }
0x4e: {  	_ =	shalt  }
0x4f: {  	_ =	shalt  }
0x50: {  	_ =	shalt  }
0x51: {  	_ =	shalt  }
0x52: {  	_ =	shalt  }
0x53: {  	_ =	shalt  }
0x54: {  	_ =	shalt  }
0x55: {  	_ =	shalt  }
0x56: {  	_ =	shalt  }
0x57: {  	_ =	shalt  }
0x58: {  	_ =	shalt  }
0x59: {  	_ =	shalt  }
0x5a: {  	_ =	shalt  }
0x5b: {  	_ =	shalt  }
0x5c: {  	_ =	shalt  }
0x5d: {  	_ =	shalt  }
0x5e: {  	_ =	shalt  }
0x5f: {  	_ =	shalt  }
0x60: {  	_ =	shalt  }
0x61: {  	_ =	shalt  }
0x62: {  	_ =	shalt  }
0x63: {  	_ =	shalt  }
0x64: {  	_ =	shalt  }
0x65: {  	_ =	shalt  }
0x66: {  	_ =	shalt  }
0x67: {  	_ =	shalt  }
0x68: {  	_ =	shalt  }
0x69: {  	_ =	shalt  }
0x6a: {  	_ =	shalt  }
0x6b: {  	_ =	shalt  }
0x6c: {  	_ =	shalt  }
0x6d: {  	_ =	shalt  }
0x6e: {  	_ =	shalt  }
0x6f: {  	_ =	shalt  }
0x70: {  	_ =	shalt  }
0x71: {  	_ =	shalt  }
0x72: {  	_ =	shalt  }
0x73: {  	_ =	shalt  }
0x74: {  	_ =	shalt  }
0x75: {  	_ =	shalt  }
0x76: {  	_ =	shalt  }
0x77: {  	_ =	shalt  }
0x78: {  	_ =	shalt  }
0x79: {  	_ =	shalt  }
0x7a: {  	_ =	shalt  }
0x7b: {  	_ =	shalt  }
0x7c: {  	_ =	shalt  }
0x7d: {  	_ =	shalt  }
0x7e: {  	_ =	shalt  }
0x7f: {  	_ =	shalt  }
0x80: {  	_ =	shalt  }
0x81: {  	_ =	shalt  }
0x82: {  	_ =	shalt  }
0x83: {  	_ =	shalt  }
0x84: {  	_ =	shalt  }
0x85: {  	_ =	shalt  }
0x86: {  	_ =	shalt  }
0x87: {  	_ =	shalt  }
.Lfunc_end0:
.L_simem_size_0:
called_computation.2_lowered:
.L_overlay_start_0:
0x88: {  	s2 =	sld [smem:$0x3FD9]  }
0x89: {  	s3 =	sld [smem:$0x3FFE];
	_ =	sdelay $0x1  }
0x8a: {  	s1 =	srdreg.scid  }
0x8b: {  	s0 =	sand.u32 $0x1, s1  }
0x8c: {  	s16 =	sshll.u32 s0, $0xA;
	s2 =	sadd.s32 s3, s2  }
0x8d: {  	s2 =	sadd.s32 s2, s16  }
0x8e: {  	[smem:$0x3FBB] =	sst s2  }
0x8f: {  	_ = 	snop  }
0x90: {  	(tm) =	ssettm $0x1  }
0x91: {  	s17 =	sld [smem:$0x3FFB];
	_ =	sdelay $0x3  }
0x92: {  	_ =	strace s17  }
0x93: {  	s2 =	sld [smem:$0x3FFC];
	_ =	sdelay $0x3  }
0x94: {  	_ =	strace s2  }
0x95: {  	s2 =	sld [smem:$0x3FFD];
	_ =	sdelay $0x3  }
0x96: {  	_ =	strace s2  }
0x97: {  	_ =	strace $0x8FFFFFFF  }
0x98: {  	s18 =	sld [smem:$0x3FDB];
	_ =	sdelay $0x1  }
0x99: {  	s19 =	simm.s32 $_scs_section_size  }
0x9a: {  	s4 =	simm.s32 $_size__tile_overlayer_lowered;
	s5 =	simm.s32 $_tile_overlayer_lowered  }
0x9b: {  	s22 =	simm.s32 $0x1BFF;
	s21 =	sshll.u32 s5, $0x1;
	s2 =	sadd.s32 s19, s18  }
0x9c: {  	s6 =	simm.s32 $0x0;
	s20 =	sshll.u32 s4, $0x1;
	s4 =	sadd.s32 s21, s2  }
0x9d: {  	[timem:s6], [sflag:s22] =	dma.local [hbm:s4], s20  }
0x9e: {  	_ =	swait.ge [sflag:s22], s20  }
0x9f: {  	s3 =	ssub.s32 $0x0, s20;
	[sflag:s22] =	ssyncset.done $0x0  }
0xa0: {  	[sflag:s22] =	ssyncadd.s32 s3;
	_ =	sdelay $0x1  }
0xa1: {  	s23 =	simm.s32 $0x1B8B  }
0xa2: {  	_ =	swait.ge [sflag:s23], $0x1  }
0xa3: {  	[sflag:s23] =	ssyncset.done $0x0  }
0xa4: {  	s25 =	simm.s32 $0x1B8E;
	s24 =	sld [smem:$0x3FFE];
	[sflag:s23] =	ssyncadd.s32 $0xFFFFFFFF  }
0xa5: {  	s26 =	simm.s32 $execute0_lowered;
	[smem:$0x3FD2] =	sst s25  }
0xa6: {  	s4 =	sshll.u32 s26, $0x1;
	_ =	strace $0x8000004C;
	[dreg:$0x1] =	wrdreg $0xFFFFFFFF  }
0xa7: {  	s28 =	simm.s32 $_size_execute0_lowered;
	s2 =	sadd.s32 s2, s4;
	[dreg:$0x0] =	wrdreg $0x0  }
0xa8: {  	s4 =	sshll.u32 s28, $0x1;
	[dreg:$0x2] =	wrdreg s2  }
0xa9: {  	[dreg:$0x3] =	wrdreg s4  }
0xaa: {  	[dreg:$0x4] =	wrdreg $0xC0  }
0xab: {  	_ =	task [dreg:s6], $0x5FFFF  }
0xac: {  	[dreg:$0x1] =	wrdreg $0xFFFFFFFF  }
0xad: {  	[dreg:$0x0] =	wrdreg $0x60  }
0xae: {  	[dreg:$0x2] =	wrdreg s24  }
0xaf: {  	[dreg:$0x3] =	wrdreg $0xA8000  }
0xb0: {  	[dreg:$0x4] =	wrdreg $0x9  }
0xb1: {  	_ =	task.clear_ibuf [dreg:s6], $0x5FFFF;
	_ =	strace $0x9000004C  }
0xb2: {  	s29 =	simm.s32 $0x9;
	_ =	strace $0x8000004E  }
0xb3: {  	_ =	swait.ge [sflag:s29], $0x1  }
0xb4: {  	[sflag:s29] =	ssyncadd.s32 $0xFFFFFFFF  }
0xb5: {  	_ =	strace $0x9000004E  }
0xb6: {  	_ =	sfence  }
0xb7: {  	s30 =	sld [smem:$0x0];
	_ =	sdelay $0x2  }
0xb8: {  	s31 =	sshll.u32 s1, $0xD;
	s1 =	sshrl.u32 s1, $0x2  }
0xb9: {  	s3 =	sand.u32 $0x4000, s31;
	s1 =	sadd.s32 s1, s30  }
0xba: {  	s0 =	sor.u32 s3, s0;
	s1 =	sshll.u32 s1, $0x11  }
0xbb: {  	s0 =	sor.u32 s1, s0  }
0xbc: {  	s0 =	sadd.s32 $0x8F2B, s0  }
0xbd: {  	[sflag:s0] =	ssyncadd.remote.s32 $0x1  }
0xbe: {  	_ =	sfence.sel $0xFFFF  }
0xbf: {  	[dreg:$0x0] =	wrdreg $0xFFFFFFFF;
	(pc) =	sbr.abs _section_cstart, $3  }
0xc0: {  	[dreg:$0x1] =	wrdreg $0xFFFFFFFF  }
0xc1: {  	_ =	task.clear_ibuf [dreg:s6], $0x2FFFF;
	_ =	strace $0x9FFFFFFF  }
0xc2: {  	(tm) =	ssettm $0x7FFFFFFF  }
0xc3: {  	_ =	shalt  }
tec
execute0_lowered:
.L_overlay_start_1:
0x0: {  	(tag) =	ssettag $0x1  }
0x1: {  	s5 =	rddreg [dreg:$0x0]  }
0x2: {  	s2 =	rddreg [dreg:$0x1]  }
0x3: {  	s0 =	rddreg [dreg:$0x2];
	s1 =	stileid.u32;
	s3 =	simm.s32 $0x0  }
0x4: {  	s4 =	srdreg.scid;
	s19 =	simm.s32 $0x1400;
	s20 =	simm.s32 $0x80  }
0x5: {  	s21 =	simm.s32 $0x2800;
	s22 =	simm.s32 $0x6800;
	s23 =	simm.s32 $0x1  }
0x6: {  	s24 =	simm.s32 $0x2;
	s6 =	smul.u32 $0x280, s1;
	[smem:$0x7FF] =	sst s3  }
0x7: {  	s7 =	smul.u32 $0x13C00, s1;
	s8 =	sand.u32 $0x1, s4;
	s4 =	sadd.s32 $0x3F200, s5  }
0x8: {  	s11 =	sadd.s32 $0xB200, s5;
	s12 =	sadd.s32 $0x3A00, s5;
	s26 =	smul.u32 $0x4F000, s1  }
0x9: {  	s15 =	smul.u32 $0x3C00, s1;
	s28 =	sshll.u32 s1, $0x6;
	_ =	strace $0x8000004D  }
0xa: {  	s9 =	smul.u32 $0x13C000, s8;
	s10 =	ssub.s32 $0x2, s8;
	p0 =	seq.s32 s8, $0x1  }
0xb: {  	s14 =	sadd.s32 s6, s5;
	s25 =	sshrl.u32 s7, $0x3;
	s13 =	sshrl.u32 s10, $0x1  }
0xc: {  	s29 =	sshrl.u32 s15, $0x3;
	s7 =	sadd.s32 s7, s9;
	s6 =	sadd.s32 s25, s5  }
0xd: {  	s9 =	sshrl.u32 s26, $0x2;
	s17 =	ssub.s32 s10, s13;
	s8 =	sadd.s32 s12, s29  }
0xe: {  	s30 =	sadd.s32 $0x280, s29;
	s31 =	sadd.s32 $0x500, s29;
	s13 =	sadd.s32 $0x15200, s14  }
0xf: {  	s14 =	sadd.s32 $0x12A00, s14;
	s25 =	simm.s32 $0x3;
	s26 =	simm.s32 $0x4  }
.Ltmp0:
0x10: {  	s7 =	sshrl.u32 s7, $0x3;
	s18 =	sadd.s32 s9, s2;
	(pc) =	sbr.rel .LBB2_1-.Ltmp0, $4  }
0x11: {  	s9 =	sadd.s32 s11, s30;
	s10 =	sadd.s32 s12, s30;
	s12 =	sadd.s32 s12, s31  }
0x12: {  	s16 =	sadd.s32 s7, s5;
	s5 =	sadd.s32 $0x17A00, s6;
	s6 =	sor.u32 $0x1C05, s28  }
0x13: {  	s7 =	sadd.s32 s11, s29;
	s11 =	sadd.s32 s11, s31;
	s15 =	sadd.s32 $0xDDA00, s16  }
0x14: {  	s16 =	smax.u32 s17, $0x1;
	s17 =	sshrl.u32 s18, $0x3;
	s18 =	simm.s32 $0x5  }
.LBB2_11:
0x15: {  	s28 =	sshra.s32 s28, $0x2;
	[sflag:s26] =	ssyncadd.s32 $0xFFFFC000  }
0x16: {  	[tilespmem:s21], [sflag:$0x1] =	stream.indirect.gather [hbm4b:s4+s20], $0x80, s28, s20, $0xb8;
	[tilespmem:$0x1E400] =	vst v63  }
0x17: {  	s29 =	sadd.s32 $0x80, s28  }
0x18: {  	[tilespmem:s22], [sflag:$0x2] =	stream.indirect.gather [hbm4b:s4+s20], $0x80, s29, s20, $0xb8;
	[tilespmem:$0x1E400] =	vst v63  }
0x19: {  	_ =	swait.ge [sflag:s23], $0x4000  }
0x1a: {  	[sflag:s23] =	ssyncset.done $0x0  }
0x1b: {  	s31 =	sadd.s32 $0x1400, s28;
	[sflag:s23] =	ssyncadd.s32 $0xFFFFC000  }
0x1c: {  	[spmem:s2] =	stream.indirect.scatter.add.f32 [tilespmem:s21], [sflag:$0x3], $0x80, s31, s20, $0xb8;
	[tilespmem:$0x1E400] =	vst v63  }
0x1d: {  	_ =	swait.ge [sflag:s24], $0x4000  }
0x1e: {  	[sflag:s24] =	ssyncset.done $0x0  }
0x1f: {  	s28 =	sadd.s32 $0x1480, s28;
	[sflag:s24] =	ssyncadd.s32 $0xFFFFC000  }
0x20: {  	[spmem:s2] =	stream.indirect.scatter.add.f32 [tilespmem:s22], [sflag:$0x4], $0x80, s28, s20, $0xb8;
	[tilespmem:$0x1E400] =	vst v63  }
0x21: {  	_ =	swait.ge [sflag:s25], $0x4000  }
0x22: {  	[sflag:s25] =	ssyncset.done $0x0  }
0x23: {  	[sflag:s25] =	ssyncadd.s32 $0xFFFFC000  }
0x24: {  	_ =	swait.ge [sflag:s26], $0x4000  }
0x25: {  	[sflag:s26] =	ssyncset.done $0x0  }
0x26: {  	[sflag:s26] =	ssyncadd.s32 $0xFFFFC000  }
.LBB2_12:
0x27: {  	s3 =	sadd.s32 $0x1, s3  }
0x28: {  	p1 =	sne.s32 s3, s16  }
.Ltmp1:
0x29: {  	[bflag:$0x0] =	sbarrier.arrive $0xFFFF;
	(pc) =	sbr.rel @!p1 .LBB2_13-.Ltmp1, $4  }
0x2a: {  	[hbm:s15], [sflag:s6] =	dma.local [spmem:s17], $0x2780  }
0x2b: {  	_ =	swait.ge [sflag:s18], $0x2780  }
0x2c: {  	[sflag:s18] =	ssyncset.done $0x0  }
0x2d: {  	[sflag:s18] =	ssyncadd.s32 $0xFFFFD880  }
.LBB2_1:
0x2e: {  	[spmem:s17], [sflag:s6] =	dma.local [hbm:s5], $0x2780  }
.Ltmp2:
0x2f: {  	_ =	swait.ge [sflag:s18], $0x2780;
	(pc) =	sbr.rel @!p0 .LBB2_2-.Ltmp2, $4  }
0x30: {  	[sflag:s18] =	ssyncset.done $0x0  }
0x31: {  	[sflag:s18] =	ssyncadd.s32 $0xFFFFD880  }
0x32: {  	[bflag:$0x0] =	sbarrier.arrive $0xFFFF  }
0x33: {  	s28 =	simm.s32 $0x0  }
0x34: {  	[tilespmem:s28], [sflag:$0x5] =	stream.linear.gather [hbm4b:s13+s28], $0x1400, $0x38;
	[tilespmem:$0x1E400] =	vst v63  }
0x35: {  	_ =	swait.ge [sflag:s18], $0x1400  }
0x36: {  	[sflag:s18] =	ssyncset.done $0x0  }
0x37: {  	[sflag:s18] =	ssyncadd.s32 $0xFFFFEC00  }
0x38: {  	[tilespmem:s19], [sflag:$0x5] =	stream.linear.gather [hbm4b:s14+s28], $0x1400, $0x38;
	[tilespmem:$0x1E400] =	vst v63  }
0x39: {  	_ =	swait.ge [sflag:s18], $0x1400  }
0x3a: {  	[sflag:s18] =	ssyncset.done $0x0  }
0x3b: {  	s28 =	simm.s32 $0x0;
	[sflag:s18] =	ssyncadd.s32 $0xFFFFEC00  }
0x3c: {  	[tilespmem:s21], [sflag:$0x1] =	stream.indirect.gather [hbm4b:s4+s20], $0x80, s28, s20, $0xb8;
	[tilespmem:$0x1E400] =	vst v63  }
0x3d: {  	s28 =	simm.s32 $0x80  }
0x3e: {  	[tilespmem:s22], [sflag:$0x2] =	stream.indirect.gather [hbm4b:s4+s20], $0x80, s28, s20, $0xb8;
	[tilespmem:$0x1E400] =	vst v63  }
0x3f: {  	_ =	swait.ge [sflag:s23], $0x4000  }
0x40: {  	[sflag:s23] =	ssyncset.done $0x0  }
0x41: {  	s28 =	simm.s32 $0x1400;
	[sflag:s23] =	ssyncadd.s32 $0xFFFFC000  }
0x42: {  	[spmem:s2] =	stream.indirect.scatter.add.f32 [tilespmem:s21], [sflag:$0x3], $0x80, s28, s20, $0xb8;
	[tilespmem:$0x1E400] =	vst v63  }
0x43: {  	_ =	swait.ge [sflag:s24], $0x4000  }
0x44: {  	[sflag:s24] =	ssyncset.done $0x0  }
0x45: {  	s28 =	simm.s32 $0x1480;
	[sflag:s24] =	ssyncadd.s32 $0xFFFFC000  }
0x46: {  	[spmem:s2] =	stream.indirect.scatter.add.f32 [tilespmem:s22], [sflag:$0x4], $0x80, s28, s20, $0xb8;
	[tilespmem:$0x1E400] =	vst v63  }
0x47: {  	_ =	swait.ge [sflag:s25], $0x4000  }
0x48: {  	[sflag:s25] =	ssyncset.done $0x0  }
0x49: {  	[sflag:s25] =	ssyncadd.s32 $0xFFFFC000  }
0x4a: {  	_ =	swait.ge [sflag:s26], $0x4000  }
0x4b: {  	s29 =	simm.s32 $0x800;
	s28 =	simm.s32 $0x400;
	[sflag:s26] =	ssyncset.done $0x0  }
.LBB2_10:
0x4c: {  	s30 =	sshra.s32 s28, $0x2  }
0x4d: {  	[sflag:s26] =	ssyncadd.s32 $0xFFFFC000;
	s28 =	smov.u32 s29;
	s31 =	sadd.s32 $0x400, s29  }
0x4e: {  	[tilespmem:s21], [sflag:$0x1] =	stream.indirect.gather [hbm4b:s4+s20], $0x80, s30, s20, $0xb8;
	[tilespmem:$0x1E400] =	vst v63  }
0x4f: {  	p1 =	sne.s32 s29, $0x4C00;
	s29 =	sadd.s32 $0x80, s30  }
0x50: {  	[tilespmem:s22], [sflag:$0x2] =	stream.indirect.gather [hbm4b:s4+s20], $0x80, s29, s20, $0xb8;
	[tilespmem:$0x1E400] =	vst v63  }
0x51: {  	_ =	swait.ge [sflag:s23], $0x4000  }
0x52: {  	[sflag:s23] =	ssyncset.done $0x0  }
0x53: {  	s29 =	sadd.s32 $0x1400, s30;
	[sflag:s23] =	ssyncadd.s32 $0xFFFFC000  }
0x54: {  	[spmem:s2] =	stream.indirect.scatter.add.f32 [tilespmem:s21], [sflag:$0x3], $0x80, s29, s20, $0xb8;
	[tilespmem:$0x1E400] =	vst v63  }
0x55: {  	_ =	swait.ge [sflag:s24], $0x4000  }
0x56: {  	[sflag:s24] =	ssyncset.done $0x0  }
0x57: {  	s29 =	sadd.s32 $0x1480, s30;
	[sflag:s24] =	ssyncadd.s32 $0xFFFFC000  }
0x58: {  	[spmem:s2] =	stream.indirect.scatter.add.f32 [tilespmem:s22], [sflag:$0x4], $0x80, s29, s20, $0xb8;
	[tilespmem:$0x1E400] =	vst v63  }
.Ltmp3:
0x59: {  	_ =	swait.ge [sflag:s25], $0x4000;
	(pc) =	sbr.rel @p1 .LBB2_10-.Ltmp3, $4  }
0x5a: {  	[sflag:s25] =	ssyncset.done $0x0  }
0x5b: {  	[sflag:s25] =	ssyncadd.s32 $0xFFFFC000  }
0x5c: {  	_ =	swait.ge [sflag:s26], $0x4000  }
0x5d: {  	s29 =	smov.u32 s31;
	[sflag:s26] =	ssyncset.done $0x0  }
.Ltmp4:
0x5e: {  	_ = 	snop;
	(pc) =	sbr.rel .LBB2_11-.Ltmp4, $1  }
0x5f: {  	_ =	sdelay $0x3  }
.LBB2_2:
0x60: {  	[tilespmem:s28], [sflag:$0x5] =	stream.linear.gather [hbm4b:s7+s28], $0x1400, $0x38;
	[tilespmem:$0x1E400] =	vst v63  }
0x61: {  	_ =	swait.ge [sflag:s18], $0x1400  }
0x62: {  	[sflag:s18] =	ssyncset.done $0x0  }
0x63: {  	[sflag:s18] =	ssyncadd.s32 $0xFFFFEC00  }
0x64: {  	[tilespmem:s19], [sflag:$0x5] =	stream.linear.gather [hbm4b:s8+s28], $0x1400, $0x38;
	[tilespmem:$0x1E400] =	vst v63  }
0x65: {  	_ =	swait.ge [sflag:s18], $0x1400  }
0x66: {  	[sflag:s18] =	ssyncset.done $0x0  }
0x67: {  	s28 =	simm.s32 $0x0;
	[sflag:s18] =	ssyncadd.s32 $0xFFFFEC00  }
0x68: {  	[tilespmem:s21], [sflag:$0x1] =	stream.indirect.gather [hbm4b:s4+s20], $0x80, s28, s20, $0xb8;
	[tilespmem:$0x1E400] =	vst v63  }
0x69: {  	s28 =	simm.s32 $0x80  }
0x6a: {  	[tilespmem:s22], [sflag:$0x2] =	stream.indirect.gather [hbm4b:s4+s20], $0x80, s28, s20, $0xb8;
	[tilespmem:$0x1E400] =	vst v63  }
0x6b: {  	_ =	swait.ge [sflag:s23], $0x4000  }
0x6c: {  	[sflag:s23] =	ssyncset.done $0x0  }
0x6d: {  	s28 =	simm.s32 $0x1400;
	[sflag:s23] =	ssyncadd.s32 $0xFFFFC000  }
0x6e: {  	[spmem:s2] =	stream.indirect.scatter.add.f32 [tilespmem:s21], [sflag:$0x3], $0x80, s28, s20, $0xb8;
	[tilespmem:$0x1E400] =	vst v63  }
0x6f: {  	_ =	swait.ge [sflag:s24], $0x4000  }
0x70: {  	[sflag:s24] =	ssyncset.done $0x0  }
0x71: {  	s28 =	simm.s32 $0x1480;
	[sflag:s24] =	ssyncadd.s32 $0xFFFFC000  }
0x72: {  	[spmem:s2] =	stream.indirect.scatter.add.f32 [tilespmem:s22], [sflag:$0x4], $0x80, s28, s20, $0xb8;
	[tilespmem:$0x1E400] =	vst v63  }
0x73: {  	_ =	swait.ge [sflag:s25], $0x4000  }
0x74: {  	[sflag:s25] =	ssyncset.done $0x0  }
0x75: {  	[sflag:s25] =	ssyncadd.s32 $0xFFFFC000  }
0x76: {  	_ =	swait.ge [sflag:s26], $0x4000  }
0x77: {  	s29 =	simm.s32 $0x800;
	s28 =	simm.s32 $0x400;
	[sflag:s26] =	ssyncset.done $0x0  }
.LBB2_3:
0x78: {  	s30 =	sshra.s32 s28, $0x2  }
0x79: {  	[sflag:s26] =	ssyncadd.s32 $0xFFFFC000;
	s28 =	smov.u32 s29;
	s31 =	sadd.s32 $0x400, s29  }
0x7a: {  	[tilespmem:s21], [sflag:$0x1] =	stream.indirect.gather [hbm4b:s4+s20], $0x80, s30, s20, $0xb8;
	[tilespmem:$0x1E400] =	vst v63  }
0x7b: {  	p1 =	sne.s32 s29, $0x4C00;
	s29 =	sadd.s32 $0x80, s30  }
0x7c: {  	[tilespmem:s22], [sflag:$0x2] =	stream.indirect.gather [hbm4b:s4+s20], $0x80, s29, s20, $0xb8;
	[tilespmem:$0x1E400] =	vst v63  }
0x7d: {  	_ =	swait.ge [sflag:s23], $0x4000  }
0x7e: {  	[sflag:s23] =	ssyncset.done $0x0  }
0x7f: {  	s29 =	sadd.s32 $0x1400, s30;
	[sflag:s23] =	ssyncadd.s32 $0xFFFFC000  }
0x80: {  	[spmem:s2] =	stream.indirect.scatter.add.f32 [tilespmem:s21], [sflag:$0x3], $0x80, s29, s20, $0xb8;
	[tilespmem:$0x1E400] =	vst v63  }
0x81: {  	_ =	swait.ge [sflag:s24], $0x4000  }
0x82: {  	[sflag:s24] =	ssyncset.done $0x0  }
0x83: {  	s29 =	sadd.s32 $0x1480, s30;
	[sflag:s24] =	ssyncadd.s32 $0xFFFFC000  }
0x84: {  	[spmem:s2] =	stream.indirect.scatter.add.f32 [tilespmem:s22], [sflag:$0x4], $0x80, s29, s20, $0xb8;
	[tilespmem:$0x1E400] =	vst v63  }
.Ltmp5:
0x85: {  	_ =	swait.ge [sflag:s25], $0x4000;
	(pc) =	sbr.rel @p1 .LBB2_3-.Ltmp5, $4  }
0x86: {  	[sflag:s25] =	ssyncset.done $0x0  }
0x87: {  	[sflag:s25] =	ssyncadd.s32 $0xFFFFC000  }
0x88: {  	_ =	swait.ge [sflag:s26], $0x4000  }
0x89: {  	s29 =	smov.u32 s31;
	[sflag:s26] =	ssyncset.done $0x0  }
0x8a: {  	s28 =	sshra.s32 s28, $0x2;
	[sflag:s26] =	ssyncadd.s32 $0xFFFFC000  }
0x8b: {  	[tilespmem:s21], [sflag:$0x1] =	stream.indirect.gather [hbm4b:s4+s20], $0x80, s28, s20, $0xb8;
	[tilespmem:$0x1E400] =	vst v63  }
0x8c: {  	s29 =	sadd.s32 $0x80, s28  }
0x8d: {  	[tilespmem:s22], [sflag:$0x2] =	stream.indirect.gather [hbm4b:s4+s20], $0x80, s29, s20, $0xb8;
	[tilespmem:$0x1E400] =	vst v63  }
0x8e: {  	_ =	swait.ge [sflag:s23], $0x4000  }
0x8f: {  	[sflag:s23] =	ssyncset.done $0x0  }
0x90: {  	s29 =	sadd.s32 $0x1400, s28;
	[sflag:s23] =	ssyncadd.s32 $0xFFFFC000  }
0x91: {  	[spmem:s2] =	stream.indirect.scatter.add.f32 [tilespmem:s21], [sflag:$0x3], $0x80, s29, s20, $0xb8;
	[tilespmem:$0x1E400] =	vst v63  }
0x92: {  	_ =	swait.ge [sflag:s24], $0x4000  }
0x93: {  	[sflag:s24] =	ssyncset.done $0x0  }
0x94: {  	s28 =	sadd.s32 $0x1480, s28;
	[sflag:s24] =	ssyncadd.s32 $0xFFFFC000  }
0x95: {  	[spmem:s2] =	stream.indirect.scatter.add.f32 [tilespmem:s22], [sflag:$0x4], $0x80, s28, s20, $0xb8;
	[tilespmem:$0x1E400] =	vst v63  }
0x96: {  	_ =	swait.ge [sflag:s25], $0x4000  }
0x97: {  	[sflag:s25] =	ssyncset.done $0x0  }
0x98: {  	[sflag:s25] =	ssyncadd.s32 $0xFFFFC000  }
0x99: {  	_ =	swait.ge [sflag:s26], $0x4000  }
0x9a: {  	[sflag:s26] =	ssyncset.done $0x0  }
0x9b: {  	s28 =	simm.s32 $0x0;
	[sflag:s26] =	ssyncadd.s32 $0xFFFFC000  }
0x9c: {  	[tilespmem:s28], [sflag:$0x5] =	stream.linear.gather [hbm4b:s9+s28], $0x1400, $0x38;
	[tilespmem:$0x1E400] =	vst v63  }
0x9d: {  	_ =	swait.ge [sflag:s18], $0x1400  }
0x9e: {  	[sflag:s18] =	ssyncset.done $0x0  }
0x9f: {  	[sflag:s18] =	ssyncadd.s32 $0xFFFFEC00  }
0xa0: {  	[tilespmem:s19], [sflag:$0x5] =	stream.linear.gather [hbm4b:s10+s28], $0x1400, $0x38;
	[tilespmem:$0x1E400] =	vst v63  }
0xa1: {  	_ =	swait.ge [sflag:s18], $0x1400  }
0xa2: {  	[sflag:s18] =	ssyncset.done $0x0  }
0xa3: {  	s28 =	simm.s32 $0x0;
	[sflag:s18] =	ssyncadd.s32 $0xFFFFEC00  }
0xa4: {  	[tilespmem:s21], [sflag:$0x1] =	stream.indirect.gather [hbm4b:s4+s20], $0x80, s28, s20, $0xb8;
	[tilespmem:$0x1E400] =	vst v63  }
0xa5: {  	s28 =	simm.s32 $0x80  }
0xa6: {  	[tilespmem:s22], [sflag:$0x2] =	stream.indirect.gather [hbm4b:s4+s20], $0x80, s28, s20, $0xb8;
	[tilespmem:$0x1E400] =	vst v63  }
0xa7: {  	_ =	swait.ge [sflag:s23], $0x4000  }
0xa8: {  	[sflag:s23] =	ssyncset.done $0x0  }
0xa9: {  	s28 =	simm.s32 $0x1400;
	[sflag:s23] =	ssyncadd.s32 $0xFFFFC000  }
0xaa: {  	[spmem:s2] =	stream.indirect.scatter.add.f32 [tilespmem:s21], [sflag:$0x3], $0x80, s28, s20, $0xb8;
	[tilespmem:$0x1E400] =	vst v63  }
0xab: {  	_ =	swait.ge [sflag:s24], $0x4000  }
0xac: {  	[sflag:s24] =	ssyncset.done $0x0  }
0xad: {  	s28 =	simm.s32 $0x1480;
	[sflag:s24] =	ssyncadd.s32 $0xFFFFC000  }
0xae: {  	[spmem:s2] =	stream.indirect.scatter.add.f32 [tilespmem:s22], [sflag:$0x4], $0x80, s28, s20, $0xb8;
	[tilespmem:$0x1E400] =	vst v63  }
0xaf: {  	_ =	swait.ge [sflag:s25], $0x4000  }
0xb0: {  	[sflag:s25] =	ssyncset.done $0x0  }
0xb1: {  	[sflag:s25] =	ssyncadd.s32 $0xFFFFC000  }
0xb2: {  	_ =	swait.ge [sflag:s26], $0x4000  }
0xb3: {  	s29 =	simm.s32 $0x800;
	s28 =	simm.s32 $0x400;
	[sflag:s26] =	ssyncset.done $0x0  }
.LBB2_5:
0xb4: {  	s30 =	sshra.s32 s28, $0x2  }
0xb5: {  	[sflag:s26] =	ssyncadd.s32 $0xFFFFC000;
	s28 =	smov.u32 s29;
	s31 =	sadd.s32 $0x400, s29  }
0xb6: {  	[tilespmem:s21], [sflag:$0x1] =	stream.indirect.gather [hbm4b:s4+s20], $0x80, s30, s20, $0xb8;
	[tilespmem:$0x1E400] =	vst v63  }
0xb7: {  	p1 =	sne.s32 s29, $0x4C00;
	s29 =	sadd.s32 $0x80, s30  }
0xb8: {  	[tilespmem:s22], [sflag:$0x2] =	stream.indirect.gather [hbm4b:s4+s20], $0x80, s29, s20, $0xb8;
	[tilespmem:$0x1E400] =	vst v63  }
0xb9: {  	_ =	swait.ge [sflag:s23], $0x4000  }
0xba: {  	[sflag:s23] =	ssyncset.done $0x0  }
0xbb: {  	s29 =	sadd.s32 $0x1400, s30;
	[sflag:s23] =	ssyncadd.s32 $0xFFFFC000  }
0xbc: {  	[spmem:s2] =	stream.indirect.scatter.add.f32 [tilespmem:s21], [sflag:$0x3], $0x80, s29, s20, $0xb8;
	[tilespmem:$0x1E400] =	vst v63  }
0xbd: {  	_ =	swait.ge [sflag:s24], $0x4000  }
0xbe: {  	[sflag:s24] =	ssyncset.done $0x0  }
0xbf: {  	s29 =	sadd.s32 $0x1480, s30;
	[sflag:s24] =	ssyncadd.s32 $0xFFFFC000  }
0xc0: {  	[spmem:s2] =	stream.indirect.scatter.add.f32 [tilespmem:s22], [sflag:$0x4], $0x80, s29, s20, $0xb8;
	[tilespmem:$0x1E400] =	vst v63  }
.Ltmp6:
0xc1: {  	_ =	swait.ge [sflag:s25], $0x4000;
	(pc) =	sbr.rel @p1 .LBB2_5-.Ltmp6, $4  }
0xc2: {  	[sflag:s25] =	ssyncset.done $0x0  }
0xc3: {  	[sflag:s25] =	ssyncadd.s32 $0xFFFFC000  }
0xc4: {  	_ =	swait.ge [sflag:s26], $0x4000  }
0xc5: {  	s29 =	smov.u32 s31;
	[sflag:s26] =	ssyncset.done $0x0  }
0xc6: {  	s28 =	sshra.s32 s28, $0x2;
	[sflag:s26] =	ssyncadd.s32 $0xFFFFC000  }
0xc7: {  	[tilespmem:s21], [sflag:$0x1] =	stream.indirect.gather [hbm4b:s4+s20], $0x80, s28, s20, $0xb8;
	[tilespmem:$0x1E400] =	vst v63  }
0xc8: {  	s29 =	sadd.s32 $0x80, s28  }
0xc9: {  	[tilespmem:s22], [sflag:$0x2] =	stream.indirect.gather [hbm4b:s4+s20], $0x80, s29, s20, $0xb8;
	[tilespmem:$0x1E400] =	vst v63  }
0xca: {  	_ =	swait.ge [sflag:s23], $0x4000  }
0xcb: {  	[sflag:s23] =	ssyncset.done $0x0  }
0xcc: {  	s29 =	sadd.s32 $0x1400, s28;
	[sflag:s23] =	ssyncadd.s32 $0xFFFFC000  }
0xcd: {  	[spmem:s2] =	stream.indirect.scatter.add.f32 [tilespmem:s21], [sflag:$0x3], $0x80, s29, s20, $0xb8;
	[tilespmem:$0x1E400] =	vst v63  }
0xce: {  	_ =	swait.ge [sflag:s24], $0x4000  }
0xcf: {  	[sflag:s24] =	ssyncset.done $0x0  }
0xd0: {  	s28 =	sadd.s32 $0x1480, s28;
	[sflag:s24] =	ssyncadd.s32 $0xFFFFC000  }
0xd1: {  	[spmem:s2] =	stream.indirect.scatter.add.f32 [tilespmem:s22], [sflag:$0x4], $0x80, s28, s20, $0xb8;
	[tilespmem:$0x1E400] =	vst v63  }
0xd2: {  	_ =	swait.ge [sflag:s25], $0x4000  }
0xd3: {  	[sflag:s25] =	ssyncset.done $0x0  }
0xd4: {  	[sflag:s25] =	ssyncadd.s32 $0xFFFFC000  }
0xd5: {  	_ =	swait.ge [sflag:s26], $0x4000  }
0xd6: {  	[sflag:s26] =	ssyncset.done $0x0  }
0xd7: {  	s28 =	simm.s32 $0x0;
	[sflag:s26] =	ssyncadd.s32 $0xFFFFC000  }
0xd8: {  	[tilespmem:s28], [sflag:$0x5] =	stream.linear.gather [hbm4b:s11+s28], $0x1400, $0x38;
	[tilespmem:$0x1E400] =	vst v63  }
0xd9: {  	_ =	swait.ge [sflag:s18], $0x1400  }
0xda: {  	[sflag:s18] =	ssyncset.done $0x0  }
0xdb: {  	[sflag:s18] =	ssyncadd.s32 $0xFFFFEC00  }
0xdc: {  	[tilespmem:s19], [sflag:$0x5] =	stream.linear.gather [hbm4b:s12+s28], $0x1400, $0x38;
	[tilespmem:$0x1E400] =	vst v63  }
0xdd: {  	_ =	swait.ge [sflag:s18], $0x1400  }
0xde: {  	[sflag:s18] =	ssyncset.done $0x0  }
0xdf: {  	s28 =	simm.s32 $0x0;
	[sflag:s18] =	ssyncadd.s32 $0xFFFFEC00  }
0xe0: {  	[tilespmem:s21], [sflag:$0x1] =	stream.indirect.gather [hbm4b:s4+s20], $0x80, s28, s20, $0xb8;
	[tilespmem:$0x1E400] =	vst v63  }
0xe1: {  	s28 =	simm.s32 $0x80  }
0xe2: {  	[tilespmem:s22], [sflag:$0x2] =	stream.indirect.gather [hbm4b:s4+s20], $0x80, s28, s20, $0xb8;
	[tilespmem:$0x1E400] =	vst v63  }
0xe3: {  	_ =	swait.ge [sflag:s23], $0x4000  }
0xe4: {  	[sflag:s23] =	ssyncset.done $0x0  }
0xe5: {  	s28 =	simm.s32 $0x1400;
	[sflag:s23] =	ssyncadd.s32 $0xFFFFC000  }
0xe6: {  	[spmem:s2] =	stream.indirect.scatter.add.f32 [tilespmem:s21], [sflag:$0x3], $0x80, s28, s20, $0xb8;
	[tilespmem:$0x1E400] =	vst v63  }
0xe7: {  	_ =	swait.ge [sflag:s24], $0x4000  }
0xe8: {  	[sflag:s24] =	ssyncset.done $0x0  }
0xe9: {  	s28 =	simm.s32 $0x1480;
	[sflag:s24] =	ssyncadd.s32 $0xFFFFC000  }
0xea: {  	[spmem:s2] =	stream.indirect.scatter.add.f32 [tilespmem:s22], [sflag:$0x4], $0x80, s28, s20, $0xb8;
	[tilespmem:$0x1E400] =	vst v63  }
0xeb: {  	_ =	swait.ge [sflag:s25], $0x4000  }
0xec: {  	[sflag:s25] =	ssyncset.done $0x0  }
0xed: {  	[sflag:s25] =	ssyncadd.s32 $0xFFFFC000  }
0xee: {  	_ =	swait.ge [sflag:s26], $0x4000  }
0xef: {  	s29 =	simm.s32 $0x800;
	s28 =	simm.s32 $0x400;
	[sflag:s26] =	ssyncset.done $0x0  }
.LBB2_7:
0xf0: {  	s30 =	sshra.s32 s28, $0x2  }
0xf1: {  	[sflag:s26] =	ssyncadd.s32 $0xFFFFC000;
	s28 =	smov.u32 s29;
	s31 =	sadd.s32 $0x400, s29  }
0xf2: {  	[tilespmem:s21], [sflag:$0x1] =	stream.indirect.gather [hbm4b:s4+s20], $0x80, s30, s20, $0xb8;
	[tilespmem:$0x1E400] =	vst v63  }
0xf3: {  	p1 =	seq.s32 s29, $0x4C00;
	s29 =	sadd.s32 $0x80, s30  }
0xf4: {  	[tilespmem:s22], [sflag:$0x2] =	stream.indirect.gather [hbm4b:s4+s20], $0x80, s29, s20, $0xb8;
	[tilespmem:$0x1E400] =	vst v63  }
0xf5: {  	_ =	swait.ge [sflag:s23], $0x4000  }
0xf6: {  	[sflag:s23] =	ssyncset.done $0x0  }
0xf7: {  	s29 =	sadd.s32 $0x1400, s30;
	[sflag:s23] =	ssyncadd.s32 $0xFFFFC000  }
0xf8: {  	[spmem:s2] =	stream.indirect.scatter.add.f32 [tilespmem:s21], [sflag:$0x3], $0x80, s29, s20, $0xb8;
	[tilespmem:$0x1E400] =	vst v63  }
0xf9: {  	_ =	swait.ge [sflag:s24], $0x4000  }
0xfa: {  	[sflag:s24] =	ssyncset.done $0x0  }
0xfb: {  	s29 =	sadd.s32 $0x1480, s30;
	[sflag:s24] =	ssyncadd.s32 $0xFFFFC000  }
0xfc: {  	[spmem:s2] =	stream.indirect.scatter.add.f32 [tilespmem:s22], [sflag:$0x4], $0x80, s29, s20, $0xb8;
	[tilespmem:$0x1E400] =	vst v63  }
.Ltmp7:
0xfd: {  	_ =	swait.ge [sflag:s25], $0x4000;
	(pc) =	sbr.rel @!p1 .LBB2_7-.Ltmp7, $4  }
0xfe: {  	[sflag:s25] =	ssyncset.done $0x0  }
0xff: {  	[sflag:s25] =	ssyncadd.s32 $0xFFFFC000  }
0x100: {  	_ =	swait.ge [sflag:s26], $0x4000  }
0x101: {  	s29 =	smov.u32 s31;
	[sflag:s26] =	ssyncset.done $0x0  }
0x102: {  	s28 =	sshra.s32 s28, $0x2;
	[sflag:s26] =	ssyncadd.s32 $0xFFFFC000  }
0x103: {  	[tilespmem:s21], [sflag:$0x1] =	stream.indirect.gather [hbm4b:s4+s20], $0x80, s28, s20, $0xb8;
	[tilespmem:$0x1E400] =	vst v63  }
0x104: {  	s29 =	sadd.s32 $0x80, s28  }
0x105: {  	[tilespmem:s22], [sflag:$0x2] =	stream.indirect.gather [hbm4b:s4+s20], $0x80, s29, s20, $0xb8;
	[tilespmem:$0x1E400] =	vst v63  }
0x106: {  	_ =	swait.ge [sflag:s23], $0x4000  }
0x107: {  	[sflag:s23] =	ssyncset.done $0x0  }
0x108: {  	s31 =	sadd.s32 $0x1400, s28;
	[sflag:s23] =	ssyncadd.s32 $0xFFFFC000  }
0x109: {  	[spmem:s2] =	stream.indirect.scatter.add.f32 [tilespmem:s21], [sflag:$0x3], $0x80, s31, s20, $0xb8;
	[tilespmem:$0x1E400] =	vst v63  }
0x10a: {  	_ =	swait.ge [sflag:s24], $0x4000  }
0x10b: {  	[sflag:s24] =	ssyncset.done $0x0  }
0x10c: {  	s28 =	sadd.s32 $0x1480, s28;
	[sflag:s24] =	ssyncadd.s32 $0xFFFFC000  }
0x10d: {  	[spmem:s2] =	stream.indirect.scatter.add.f32 [tilespmem:s22], [sflag:$0x4], $0x80, s28, s20, $0xb8;
	[tilespmem:$0x1E400] =	vst v63  }
0x10e: {  	_ =	swait.ge [sflag:s25], $0x4000  }
.Ltmp8:
0x10f: {  	[sflag:s25] =	ssyncset.done $0x0;
	(pc) =	sbr.rel .LBB2_12-.Ltmp8, $4  }
0x110: {  	[sflag:s25] =	ssyncadd.s32 $0xFFFFC000  }
0x111: {  	_ =	swait.ge [sflag:s26], $0x4000  }
0x112: {  	[sflag:s26] =	ssyncset.done $0x0  }
0x113: {  	[sflag:s26] =	ssyncadd.s32 $0xFFFFC000  }
.LBB2_13:
0x114: {  	_ =	sfence.sel $0x180000  }
0x115: {  	[bflag:$0x0] =	sbarrier.arrive $0xFFFF  }
0x116: {  	p0 =	sne.s32 s1, $0x0;
	_ =	strace $0x9000004D  }
0x117: {  	s0 =	sadd.s32 @!p0 $0x100000, s0;
	[bflag:$0x2] =	sbarrier.arrive $0xFFFF  }
0x118: {  	[sflag:s0] =	ssyncadd.tile.s32 @!p0 $0x1;
	_ =	shalt  }
.Lfunc_end2:
_tile_overlayer_lowered:
.L_overlay_start_2:
0x119: {  	(tag) =	ssettag $0x2  }
0x11a: {  	s0 =	rddreg [dreg:$0x0];
	s2 =	stileid.u32  }
0x11b: {  	s1 =	rddreg [dreg:$0x1];
	p0 =	sne.s32 s2, $0x0  }
0x11c: {  	s3 =	rddreg [dreg:$0x2];
	[bflag:$0x3] =	sbarrier.arrive $0xFFFF;
	s2 =	simm.s32 @!p0 $0x1C05  }
0x11d: {  	[timem:s3], [sflag:s2] =	dma.local @!p0 [hbm:s0], s1  }
0x11e: {  	s0 =	simm.s32 @!p0 $0x5  }
0x11f: {  	_ =	swait.ge @!p0 [sflag:s0], s1  }
0x120: {  	s1 =	ssub.s32 @!p0 $0x0, s1;
	[sflag:s0] =	ssyncset.done @!p0 $0x0  }
0x121: {  	[sflag:s0] =	ssyncadd.s32 @!p0 s1  }
0x122: {  	[bflag:$0x3] =	sbarrier.arrive $0xFFFF  }
0x123: {  	_ =	shalt  }

// kernel: kernel.18.cloned.1.call-start
scs
__scs_entry_jumppad:
0x0: {  	(pc) =	sbr.rel $0x88, $3  }
0x1: {  	(tag) =	ssettag $0x0;
	lr =	simm.s32 $0x1  }
0x2: {  	[smem:$0x3F94] =	sst lr;
	_ =	strace $0xD0000000  }
0x3: {  	_ = 	snop  }
0x4: {  	_ = 	snop  }
0x5: {  	_ = 	snop  }
0x6: {  	_ = 	snop  }
0x7: {  	_ = 	snop  }
__scs_overlays_trampoline_lowered:
0x8: {  	[smem:$0x3FA3] =	sst s0  }
0x9: {  	[smem:$0x3FA4] =	sst s1  }
0xa: {  	[smem:$0x3FA5] =	sst s2  }
0xb: {  	[smem:$0x3FA6] =	sst s3  }
0xc: {  	[smem:$0x3FA7] =	sst s4  }
0xd: {  	[smem:$0x3FA8] =	sst s5  }
0xe: {  	[smem:$0x3FA9] =	sst s6  }
0xf: {  	[smem:$0x3FAA] =	sst s7  }
0x10: {  	[smem:$0x3FAB] =	sst s8  }
0x11: {  	[smem:$0x3FAC] =	sst s9;
	s0 =	simm.s32 @!p0 $0x0  }
0x12: {  	s1 =	sld [smem:$0x3F92];
	s0 =	simm.s32 @p0 $0x1  }
0x13: {  	[smem:$0x3FAD] =	sst s0;
	s0 =	simm.s32 @!p1 $0x0  }
0x14: {  	s2 =	sld [smem:$0x3F91];
	s0 =	simm.s32 @p1 $0x1  }
0x15: {  	[smem:$0x3FAE] =	sst s0;
	s0 =	simm.s32 @!p2 $0x0  }
0x16: {  	s3 =	sld [smem:$0x3FDB];
	s0 =	simm.s32 @p2 $0x1  }
0x17: {  	s4 =	simm.s32 $0x1BF5;
	[smem:$0x3FB0] =	sst s0  }
0x18: {  	s0 =	sld [smem:$0x3F93];
	_ =	swait.ge [sflag:s4], $0x0  }
0x19: {  	s7 =	sld [smem:$0x3F94]  }
0x1a: {  	s8 =	sadd.s32 $0xFFFFE003, lr  }
0x1b: {  	s9 =	sadd.s32 $0xFFFFFEF7, lr;
	s5 =	simm.s32 $0xFFFFFFFF;
	p2 =	slt.u32 s8, $0xFFFFF086  }
0x1c: {  	p1 =	slt.u32 s9, $0xF7A;
	s5 =	simm.s32 @!p2 $0x0  }
0x1d: {  	s5 =	simm.s32 @p1 $0x1;
	p0 =	seq.s32 s7, s2  }
0x1e: {  	s7 =	smul.u32 @!p0 $0xF7A, s2;
	p2 =	seq.s32 @!p0 s5, $0x0  }
0x1f: {  	s9 =	smul.u32 $0xF7A, s1;
	s8 =	simm.s32 @!p0 $0x1BF5;
	p2 =	por !p2, p0  }
0x20: {  	[sflag:s8] =	ssyncset.s32 @!p0 $0xFFFFF086;
	s6 =	sadd.s32 @!p0 s3, s7;
	s7 =	simm.s32 @!p0 $0x108  }
0x21: {  	s3 =	sadd.s32 s3, s9;
	s6 =	sadd.s32 @!p0 $0x88, s6;
	s7 =	simm.s32 @p2 $0x1082  }
0x22: {  	[simem:s7], [sflag:s8] =	dma.local @!p0 [hbm:s6], $0xF7A  }
0x23: {  	s9 =	sor.u32 $0xD0000000, s2;
	s6 =	simm.s32 $0x108;
	_ =	swait.ge @!p0 [sflag:s8], $0x0  }
0x24: {  	s3 =	sadd.s32 $0x88, s3;
	s6 =	simm.s32 @!p1 $0x1082;
	[sflag:s4] =	ssyncset.s32 $0xFFFFF086  }
0x25: {  	[simem:s6], [sflag:s4] =	dma.local [hbm:s3], $0xF7A  }
0x26: {  	[smem:$0x3F94] =	sst s1;
	(tag) =	ssettag s2;
	_ =	strace s9  }
0x27: {  	s1 =	sld [smem:$0x3FA4]  }
0x28: {  	s2 =	sld [smem:$0x3FA5]  }
0x29: {  	s4 =	sld [smem:$0x3FA7]  }
0x2a: {  	p0 =	seq.s32 s5, $0x0;
	s5 =	sld [smem:$0x3FA8]  }
0x2b: {  	s6 =	sld [smem:$0x3FA9]  }
0x2c: {  	s7 =	sld [smem:$0x3FAA]  }
0x2d: {  	s3 =	simm.s32 $0x108;
	s8 =	sld [smem:$0x3FAB]  }
0x2e: {  	s3 =	simm.s32 @!p0 $0x1082;
	s9 =	sld [smem:$0x3FAC]  }
0x2f: {  	lr =	sadd.s32 s0, s3;
	s0 =	sld [smem:$0x3FA3]  }
0x30: {  	s3 =	sld [smem:$0x3FA6]  }
0x31: {  	[smem:$0x3FAF] =	sst s10  }
0x32: {  	s10 =	sld [smem:$0x3FAD];
	_ =	sdelay $0x3  }
0x33: {  	p0 =	seq.s32 s10, $0x1;
	s10 =	sld [smem:$0x3FAF];
	_ =	sdelay $0x3  }
0x34: {  	[smem:$0x3FAF] =	sst s10  }
0x35: {  	s10 =	sld [smem:$0x3FAE];
	_ =	sdelay $0x3  }
0x36: {  	p1 =	seq.s32 s10, $0x1;
	s10 =	sld [smem:$0x3FAF];
	_ =	sdelay $0x3  }
0x37: {  	[smem:$0x3FAF] =	sst s10  }
0x38: {  	s10 =	sld [smem:$0x3FB0]  }
0x39: {  	_ = 	snop;
	(pc) =	sbr.ind lr, $3  }
0x3a: {  	_ = 	snop  }
0x3b: {  	_ = 	snop  }
0x3c: {  	p2 =	seq.s32 s10, $0x1;
	s10 =	sld [smem:$0x3FAF]  }
0x3d: {  	_ =	shalt  }
0x3e: {  	_ =	shalt  }
0x3f: {  	_ =	shalt  }
0x40: {  	_ =	shalt  }
0x41: {  	_ =	shalt  }
0x42: {  	_ =	shalt  }
0x43: {  	_ =	shalt  }
0x44: {  	_ =	shalt  }
0x45: {  	_ =	shalt  }
0x46: {  	_ =	shalt  }
0x47: {  	_ =	shalt  }
0x48: {  	_ =	shalt  }
0x49: {  	_ =	shalt  }
0x4a: {  	_ =	shalt  }
0x4b: {  	_ =	shalt  }
0x4c: {  	_ =	shalt  }
0x4d: {  	_ =	shalt  }
0x4e: {  	_ =	shalt  }
0x4f: {  	_ =	shalt  }
0x50: {  	_ =	shalt  }
0x51: {  	_ =	shalt  }
0x52: {  	_ =	shalt  }
0x53: {  	_ =	shalt  }
0x54: {  	_ =	shalt  }
0x55: {  	_ =	shalt  }
0x56: {  	_ =	shalt  }
0x57: {  	_ =	shalt  }
0x58: {  	_ =	shalt  }
0x59: {  	_ =	shalt  }
0x5a: {  	_ =	shalt  }
0x5b: {  	_ =	shalt  }
0x5c: {  	_ =	shalt  }
0x5d: {  	_ =	shalt  }
0x5e: {  	_ =	shalt  }
0x5f: {  	_ =	shalt  }
0x60: {  	_ =	shalt  }
0x61: {  	_ =	shalt  }
0x62: {  	_ =	shalt  }
0x63: {  	_ =	shalt  }
0x64: {  	_ =	shalt  }
0x65: {  	_ =	shalt  }
0x66: {  	_ =	shalt  }
0x67: {  	_ =	shalt  }
0x68: {  	_ =	shalt  }
0x69: {  	_ =	shalt  }
0x6a: {  	_ =	shalt  }
0x6b: {  	_ =	shalt  }
0x6c: {  	_ =	shalt  }
0x6d: {  	_ =	shalt  }
0x6e: {  	_ =	shalt  }
0x6f: {  	_ =	shalt  }
0x70: {  	_ =	shalt  }
0x71: {  	_ =	shalt  }
0x72: {  	_ =	shalt  }
0x73: {  	_ =	shalt  }
0x74: {  	_ =	shalt  }
0x75: {  	_ =	shalt  }
0x76: {  	_ =	shalt  }
0x77: {  	_ =	shalt  }
0x78: {  	_ =	shalt  }
0x79: {  	_ =	shalt  }
0x7a: {  	_ =	shalt  }
0x7b: {  	_ =	shalt  }
0x7c: {  	_ =	shalt  }
0x7d: {  	_ =	shalt  }
0x7e: {  	_ =	shalt  }
0x7f: {  	_ =	shalt  }
0x80: {  	_ =	shalt  }
0x81: {  	_ =	shalt  }
0x82: {  	_ =	shalt  }
0x83: {  	_ =	shalt  }
0x84: {  	_ =	shalt  }
0x85: {  	_ =	shalt  }
0x86: {  	_ =	shalt  }
0x87: {  	_ =	shalt  }
.Lfunc_end0:
.L_simem_size_0:
called_computation.3_lowered:
.L_overlay_start_0:
0x88: {  	s2 =	sld [smem:$0x3FD9]  }
0x89: {  	s3 =	sld [smem:$0x3FFE];
	_ =	sdelay $0x1  }
0x8a: {  	s1 =	srdreg.scid  }
0x8b: {  	s0 =	sand.u32 $0x1, s1  }
0x8c: {  	s16 =	sshll.u32 s0, $0xA;
	s2 =	sadd.s32 s3, s2  }
0x8d: {  	s2 =	sadd.s32 s2, s16  }
0x8e: {  	[smem:$0x3FBB] =	sst s2  }
0x8f: {  	_ = 	snop  }
0x90: {  	(tm) =	ssettm $0x1  }
0x91: {  	s17 =	sld [smem:$0x3FFB];
	_ =	sdelay $0x3  }
0x92: {  	_ =	strace s17  }
0x93: {  	s2 =	sld [smem:$0x3FFC];
	_ =	sdelay $0x3  }
0x94: {  	_ =	strace s2  }
0x95: {  	s2 =	sld [smem:$0x3FFD];
	_ =	sdelay $0x3  }
0x96: {  	_ =	strace s2  }
0x97: {  	_ =	strace $0x8FFFFFFF  }
0x98: {  	s18 =	sld [smem:$0x3FDB];
	_ =	sdelay $0x1  }
0x99: {  	s19 =	simm.s32 $_scs_section_size  }
0x9a: {  	s4 =	simm.s32 $_size__tile_overlayer_lowered;
	s5 =	simm.s32 $_tile_overlayer_lowered  }
0x9b: {  	s22 =	simm.s32 $0x1BFF;
	s21 =	sshll.u32 s5, $0x1;
	s2 =	sadd.s32 s19, s18  }
0x9c: {  	s6 =	simm.s32 $0x0;
	s20 =	sshll.u32 s4, $0x1;
	s4 =	sadd.s32 s21, s2  }
0x9d: {  	[timem:s6], [sflag:s22] =	dma.local [hbm:s4], s20  }
0x9e: {  	_ =	swait.ge [sflag:s22], s20  }
0x9f: {  	s3 =	ssub.s32 $0x0, s20;
	[sflag:s22] =	ssyncset.done $0x0  }
0xa0: {  	[sflag:s22] =	ssyncadd.s32 s3;
	_ =	sdelay $0x1  }
0xa1: {  	s23 =	simm.s32 $0x1B8B  }
0xa2: {  	_ =	swait.ge [sflag:s23], $0x1  }
0xa3: {  	[sflag:s23] =	ssyncset.done $0x0  }
0xa4: {  	s25 =	simm.s32 $0x1B8E;
	s24 =	sld [smem:$0x3FFE];
	[sflag:s23] =	ssyncadd.s32 $0xFFFFFFFF  }
0xa5: {  	s26 =	simm.s32 $execute0_lowered;
	[smem:$0x3FD2] =	sst s25  }
0xa6: {  	s4 =	sshll.u32 s26, $0x1;
	_ =	strace $0x8000004F;
	[dreg:$0x1] =	wrdreg $0xFFFFFFFF  }
0xa7: {  	s28 =	simm.s32 $_size_execute0_lowered;
	s2 =	sadd.s32 s2, s4;
	[dreg:$0x0] =	wrdreg $0x0  }
0xa8: {  	s4 =	sshll.u32 s28, $0x1;
	[dreg:$0x2] =	wrdreg s2  }
0xa9: {  	[dreg:$0x3] =	wrdreg s4  }
0xaa: {  	[dreg:$0x4] =	wrdreg $0xC0  }
0xab: {  	_ =	task [dreg:s6], $0x5FFFF  }
0xac: {  	[dreg:$0x1] =	wrdreg $0xFFFFFFFF  }
0xad: {  	[dreg:$0x0] =	wrdreg $0x60  }
0xae: {  	[dreg:$0x2] =	wrdreg s24  }
0xaf: {  	[dreg:$0x3] =	wrdreg $0xA8000  }
0xb0: {  	[dreg:$0x4] =	wrdreg $0x9  }
0xb1: {  	_ =	task.clear_ibuf [dreg:s6], $0x5FFFF;
	_ =	strace $0x9000004F  }
0xb2: {  	s29 =	simm.s32 $0x9;
	_ =	strace $0x80000051  }
0xb3: {  	_ =	swait.ge [sflag:s29], $0x1  }
0xb4: {  	[sflag:s29] =	ssyncadd.s32 $0xFFFFFFFF  }
0xb5: {  	_ =	strace $0x90000051  }
0xb6: {  	_ =	sfence  }
0xb7: {  	s30 =	sld [smem:$0x0];
	_ =	sdelay $0x2  }
0xb8: {  	s31 =	sshll.u32 s1, $0xD;
	s1 =	sshrl.u32 s1, $0x2  }
0xb9: {  	s3 =	sand.u32 $0x4000, s31;
	s1 =	sadd.s32 s1, s30  }
0xba: {  	s0 =	sor.u32 s3, s0;
	s1 =	sshll.u32 s1, $0x11  }
0xbb: {  	s0 =	sor.u32 s1, s0  }
0xbc: {  	s0 =	sadd.s32 $0x8F2B, s0  }
0xbd: {  	[sflag:s0] =	ssyncadd.remote.s32 $0x1  }
0xbe: {  	_ =	sfence.sel $0xFFFF  }
0xbf: {  	[dreg:$0x0] =	wrdreg $0xFFFFFFFF;
	(pc) =	sbr.abs _section_cstart, $3  }
0xc0: {  	[dreg:$0x1] =	wrdreg $0xFFFFFFFF  }
0xc1: {  	_ =	task.clear_ibuf [dreg:s6], $0x2FFFF;
	_ =	strace $0x9FFFFFFF  }
0xc2: {  	(tm) =	ssettm $0x7FFFFFFF  }
0xc3: {  	_ =	shalt  }
tec
execute0_lowered:
.L_overlay_start_1:
0x0: {  	(tag) =	ssettag $0x1  }
0x1: {  	s5 =	rddreg [dreg:$0x0]  }
0x2: {  	s2 =	rddreg [dreg:$0x1]  }
0x3: {  	s0 =	rddreg [dreg:$0x2];
	s1 =	stileid.u32;
	s3 =	simm.s32 $0x0  }
0x4: {  	s4 =	srdreg.scid;
	s19 =	simm.s32 $0x1400;
	s20 =	simm.s32 $0x80  }
0x5: {  	s21 =	simm.s32 $0x2800;
	s22 =	simm.s32 $0x6800;
	s23 =	simm.s32 $0x1  }
0x6: {  	s24 =	simm.s32 $0x2;
	s6 =	smul.u32 $0x280, s1;
	[smem:$0x7FF] =	sst s3  }
0x7: {  	s7 =	smul.u32 $0x13C00, s1;
	s8 =	sand.u32 $0x1, s4;
	s4 =	sadd.s32 $0x3F200, s5  }
0x8: {  	s11 =	sadd.s32 $0xB200, s5;
	s12 =	sadd.s32 $0x3A00, s5;
	s26 =	smul.u32 $0x4F000, s1  }
0x9: {  	s15 =	smul.u32 $0x3C00, s1;
	s28 =	sshll.u32 s1, $0x6;
	_ =	strace $0x80000050  }
0xa: {  	s9 =	smul.u32 $0x13C000, s8;
	s10 =	ssub.s32 $0x2, s8;
	p0 =	seq.s32 s8, $0x1  }
0xb: {  	s14 =	sadd.s32 s6, s5;
	s25 =	sshrl.u32 s7, $0x3;
	s13 =	sshrl.u32 s10, $0x1  }
0xc: {  	s29 =	sshrl.u32 s15, $0x3;
	s7 =	sadd.s32 s7, s9;
	s6 =	sadd.s32 s25, s5  }
0xd: {  	s9 =	sshrl.u32 s26, $0x2;
	s17 =	ssub.s32 s10, s13;
	s8 =	sadd.s32 s12, s29  }
0xe: {  	s30 =	sadd.s32 $0x280, s29;
	s31 =	sadd.s32 $0x500, s29;
	s13 =	sadd.s32 $0x15200, s14  }
0xf: {  	s14 =	sadd.s32 $0x12A00, s14;
	s25 =	simm.s32 $0x3;
	s26 =	simm.s32 $0x4  }
.Ltmp0:
0x10: {  	s7 =	sshrl.u32 s7, $0x3;
	s18 =	sadd.s32 s9, s2;
	(pc) =	sbr.rel .LBB2_1-.Ltmp0, $4  }
0x11: {  	s9 =	sadd.s32 s11, s30;
	s10 =	sadd.s32 s12, s30;
	s12 =	sadd.s32 s12, s31  }
0x12: {  	s16 =	sadd.s32 s7, s5;
	s5 =	sadd.s32 $0x17A00, s6;
	s6 =	sor.u32 $0x1C05, s28  }
0x13: {  	s7 =	sadd.s32 s11, s29;
	s11 =	sadd.s32 s11, s31;
	s15 =	sadd.s32 $0xDDA00, s16  }
0x14: {  	s16 =	smax.u32 s17, $0x1;
	s17 =	sshrl.u32 s18, $0x3;
	s18 =	simm.s32 $0x5  }
.LBB2_11:
0x15: {  	s28 =	sshra.s32 s28, $0x2;
	[sflag:s26] =	ssyncadd.s32 $0xFFFFC000  }
0x16: {  	[tilespmem:s21], [sflag:$0x1] =	stream.indirect.gather [hbm4b:s4+s20], $0x80, s28, s20, $0xb8;
	[tilespmem:$0x1E400] =	vst v63  }
0x17: {  	s29 =	sadd.s32 $0x80, s28  }
0x18: {  	[tilespmem:s22], [sflag:$0x2] =	stream.indirect.gather [hbm4b:s4+s20], $0x80, s29, s20, $0xb8;
	[tilespmem:$0x1E400] =	vst v63  }
0x19: {  	_ =	swait.ge [sflag:s23], $0x4000  }
0x1a: {  	[sflag:s23] =	ssyncset.done $0x0  }
0x1b: {  	s31 =	sadd.s32 $0x1400, s28;
	[sflag:s23] =	ssyncadd.s32 $0xFFFFC000  }
0x1c: {  	[spmem:s2] =	stream.indirect.scatter.add.f32 [tilespmem:s21], [sflag:$0x3], $0x80, s31, s20, $0xb8;
	[tilespmem:$0x1E400] =	vst v63  }
0x1d: {  	_ =	swait.ge [sflag:s24], $0x4000  }
0x1e: {  	[sflag:s24] =	ssyncset.done $0x0  }
0x1f: {  	s28 =	sadd.s32 $0x1480, s28;
	[sflag:s24] =	ssyncadd.s32 $0xFFFFC000  }
0x20: {  	[spmem:s2] =	stream.indirect.scatter.add.f32 [tilespmem:s22], [sflag:$0x4], $0x80, s28, s20, $0xb8;
	[tilespmem:$0x1E400] =	vst v63  }
0x21: {  	_ =	swait.ge [sflag:s25], $0x4000  }
0x22: {  	[sflag:s25] =	ssyncset.done $0x0  }
0x23: {  	[sflag:s25] =	ssyncadd.s32 $0xFFFFC000  }
0x24: {  	_ =	swait.ge [sflag:s26], $0x4000  }
0x25: {  	[sflag:s26] =	ssyncset.done $0x0  }
0x26: {  	[sflag:s26] =	ssyncadd.s32 $0xFFFFC000  }
.LBB2_12:
0x27: {  	s3 =	sadd.s32 $0x1, s3  }
0x28: {  	p1 =	sne.s32 s3, s16  }
.Ltmp1:
0x29: {  	[bflag:$0x0] =	sbarrier.arrive $0xFFFF;
	(pc) =	sbr.rel @!p1 .LBB2_13-.Ltmp1, $4  }
0x2a: {  	[hbm:s15], [sflag:s6] =	dma.local [spmem:s17], $0x2780  }
0x2b: {  	_ =	swait.ge [sflag:s18], $0x2780  }
0x2c: {  	[sflag:s18] =	ssyncset.done $0x0  }
0x2d: {  	[sflag:s18] =	ssyncadd.s32 $0xFFFFD880  }
.LBB2_1:
0x2e: {  	[spmem:s17], [sflag:s6] =	dma.local [hbm:s5], $0x2780  }
.Ltmp2:
0x2f: {  	_ =	swait.ge [sflag:s18], $0x2780;
	(pc) =	sbr.rel @!p0 .LBB2_2-.Ltmp2, $4  }
0x30: {  	[sflag:s18] =	ssyncset.done $0x0  }
0x31: {  	[sflag:s18] =	ssyncadd.s32 $0xFFFFD880  }
0x32: {  	[bflag:$0x0] =	sbarrier.arrive $0xFFFF  }
0x33: {  	s28 =	simm.s32 $0x0  }
0x34: {  	[tilespmem:s28], [sflag:$0x5] =	stream.linear.gather [hbm4b:s13+s28], $0x1400, $0x38;
	[tilespmem:$0x1E400] =	vst v63  }
0x35: {  	_ =	swait.ge [sflag:s18], $0x1400  }
0x36: {  	[sflag:s18] =	ssyncset.done $0x0  }
0x37: {  	[sflag:s18] =	ssyncadd.s32 $0xFFFFEC00  }
0x38: {  	[tilespmem:s19], [sflag:$0x5] =	stream.linear.gather [hbm4b:s14+s28], $0x1400, $0x38;
	[tilespmem:$0x1E400] =	vst v63  }
0x39: {  	_ =	swait.ge [sflag:s18], $0x1400  }
0x3a: {  	[sflag:s18] =	ssyncset.done $0x0  }
0x3b: {  	s28 =	simm.s32 $0x0;
	[sflag:s18] =	ssyncadd.s32 $0xFFFFEC00  }
0x3c: {  	[tilespmem:s21], [sflag:$0x1] =	stream.indirect.gather [hbm4b:s4+s20], $0x80, s28, s20, $0xb8;
	[tilespmem:$0x1E400] =	vst v63  }
0x3d: {  	s28 =	simm.s32 $0x80  }
0x3e: {  	[tilespmem:s22], [sflag:$0x2] =	stream.indirect.gather [hbm4b:s4+s20], $0x80, s28, s20, $0xb8;
	[tilespmem:$0x1E400] =	vst v63  }
0x3f: {  	_ =	swait.ge [sflag:s23], $0x4000  }
0x40: {  	[sflag:s23] =	ssyncset.done $0x0  }
0x41: {  	s28 =	simm.s32 $0x1400;
	[sflag:s23] =	ssyncadd.s32 $0xFFFFC000  }
0x42: {  	[spmem:s2] =	stream.indirect.scatter.add.f32 [tilespmem:s21], [sflag:$0x3], $0x80, s28, s20, $0xb8;
	[tilespmem:$0x1E400] =	vst v63  }
0x43: {  	_ =	swait.ge [sflag:s24], $0x4000  }
0x44: {  	[sflag:s24] =	ssyncset.done $0x0  }
0x45: {  	s28 =	simm.s32 $0x1480;
	[sflag:s24] =	ssyncadd.s32 $0xFFFFC000  }
0x46: {  	[spmem:s2] =	stream.indirect.scatter.add.f32 [tilespmem:s22], [sflag:$0x4], $0x80, s28, s20, $0xb8;
	[tilespmem:$0x1E400] =	vst v63  }
0x47: {  	_ =	swait.ge [sflag:s25], $0x4000  }
0x48: {  	[sflag:s25] =	ssyncset.done $0x0  }
0x49: {  	[sflag:s25] =	ssyncadd.s32 $0xFFFFC000  }
0x4a: {  	_ =	swait.ge [sflag:s26], $0x4000  }
0x4b: {  	s29 =	simm.s32 $0x800;
	s28 =	simm.s32 $0x400;
	[sflag:s26] =	ssyncset.done $0x0  }
.LBB2_10:
0x4c: {  	s30 =	sshra.s32 s28, $0x2  }
0x4d: {  	[sflag:s26] =	ssyncadd.s32 $0xFFFFC000;
	s28 =	smov.u32 s29;
	s31 =	sadd.s32 $0x400, s29  }
0x4e: {  	[tilespmem:s21], [sflag:$0x1] =	stream.indirect.gather [hbm4b:s4+s20], $0x80, s30, s20, $0xb8;
	[tilespmem:$0x1E400] =	vst v63  }
0x4f: {  	p1 =	sne.s32 s29, $0x4C00;
	s29 =	sadd.s32 $0x80, s30  }
0x50: {  	[tilespmem:s22], [sflag:$0x2] =	stream.indirect.gather [hbm4b:s4+s20], $0x80, s29, s20, $0xb8;
	[tilespmem:$0x1E400] =	vst v63  }
0x51: {  	_ =	swait.ge [sflag:s23], $0x4000  }
0x52: {  	[sflag:s23] =	ssyncset.done $0x0  }
0x53: {  	s29 =	sadd.s32 $0x1400, s30;
	[sflag:s23] =	ssyncadd.s32 $0xFFFFC000  }
0x54: {  	[spmem:s2] =	stream.indirect.scatter.add.f32 [tilespmem:s21], [sflag:$0x3], $0x80, s29, s20, $0xb8;
	[tilespmem:$0x1E400] =	vst v63  }
0x55: {  	_ =	swait.ge [sflag:s24], $0x4000  }
0x56: {  	[sflag:s24] =	ssyncset.done $0x0  }
0x57: {  	s29 =	sadd.s32 $0x1480, s30;
	[sflag:s24] =	ssyncadd.s32 $0xFFFFC000  }
0x58: {  	[spmem:s2] =	stream.indirect.scatter.add.f32 [tilespmem:s22], [sflag:$0x4], $0x80, s29, s20, $0xb8;
	[tilespmem:$0x1E400] =	vst v63  }
.Ltmp3:
0x59: {  	_ =	swait.ge [sflag:s25], $0x4000;
	(pc) =	sbr.rel @p1 .LBB2_10-.Ltmp3, $4  }
0x5a: {  	[sflag:s25] =	ssyncset.done $0x0  }
0x5b: {  	[sflag:s25] =	ssyncadd.s32 $0xFFFFC000  }
0x5c: {  	_ =	swait.ge [sflag:s26], $0x4000  }
0x5d: {  	s29 =	smov.u32 s31;
	[sflag:s26] =	ssyncset.done $0x0  }
.Ltmp4:
0x5e: {  	_ = 	snop;
	(pc) =	sbr.rel .LBB2_11-.Ltmp4, $1  }
0x5f: {  	_ =	sdelay $0x3  }
.LBB2_2:
0x60: {  	[tilespmem:s28], [sflag:$0x5] =	stream.linear.gather [hbm4b:s7+s28], $0x1400, $0x38;
	[tilespmem:$0x1E400] =	vst v63  }
0x61: {  	_ =	swait.ge [sflag:s18], $0x1400  }
0x62: {  	[sflag:s18] =	ssyncset.done $0x0  }
0x63: {  	[sflag:s18] =	ssyncadd.s32 $0xFFFFEC00  }
0x64: {  	[tilespmem:s19], [sflag:$0x5] =	stream.linear.gather [hbm4b:s8+s28], $0x1400, $0x38;
	[tilespmem:$0x1E400] =	vst v63  }
0x65: {  	_ =	swait.ge [sflag:s18], $0x1400  }
0x66: {  	[sflag:s18] =	ssyncset.done $0x0  }
0x67: {  	s28 =	simm.s32 $0x0;
	[sflag:s18] =	ssyncadd.s32 $0xFFFFEC00  }
0x68: {  	[tilespmem:s21], [sflag:$0x1] =	stream.indirect.gather [hbm4b:s4+s20], $0x80, s28, s20, $0xb8;
	[tilespmem:$0x1E400] =	vst v63  }
0x69: {  	s28 =	simm.s32 $0x80  }
0x6a: {  	[tilespmem:s22], [sflag:$0x2] =	stream.indirect.gather [hbm4b:s4+s20], $0x80, s28, s20, $0xb8;
	[tilespmem:$0x1E400] =	vst v63  }
0x6b: {  	_ =	swait.ge [sflag:s23], $0x4000  }
0x6c: {  	[sflag:s23] =	ssyncset.done $0x0  }
0x6d: {  	s28 =	simm.s32 $0x1400;
	[sflag:s23] =	ssyncadd.s32 $0xFFFFC000  }
0x6e: {  	[spmem:s2] =	stream.indirect.scatter.add.f32 [tilespmem:s21], [sflag:$0x3], $0x80, s28, s20, $0xb8;
	[tilespmem:$0x1E400] =	vst v63  }
0x6f: {  	_ =	swait.ge [sflag:s24], $0x4000  }
0x70: {  	[sflag:s24] =	ssyncset.done $0x0  }
0x71: {  	s28 =	simm.s32 $0x1480;
	[sflag:s24] =	ssyncadd.s32 $0xFFFFC000  }
0x72: {  	[spmem:s2] =	stream.indirect.scatter.add.f32 [tilespmem:s22], [sflag:$0x4], $0x80, s28, s20, $0xb8;
	[tilespmem:$0x1E400] =	vst v63  }
0x73: {  	_ =	swait.ge [sflag:s25], $0x4000  }
0x74: {  	[sflag:s25] =	ssyncset.done $0x0  }
0x75: {  	[sflag:s25] =	ssyncadd.s32 $0xFFFFC000  }
0x76: {  	_ =	swait.ge [sflag:s26], $0x4000  }
0x77: {  	s29 =	simm.s32 $0x800;
	s28 =	simm.s32 $0x400;
	[sflag:s26] =	ssyncset.done $0x0  }
.LBB2_3:
0x78: {  	s30 =	sshra.s32 s28, $0x2  }
0x79: {  	[sflag:s26] =	ssyncadd.s32 $0xFFFFC000;
	s28 =	smov.u32 s29;
	s31 =	sadd.s32 $0x400, s29  }
0x7a: {  	[tilespmem:s21], [sflag:$0x1] =	stream.indirect.gather [hbm4b:s4+s20], $0x80, s30, s20, $0xb8;
	[tilespmem:$0x1E400] =	vst v63  }
0x7b: {  	p1 =	sne.s32 s29, $0x4C00;
	s29 =	sadd.s32 $0x80, s30  }
0x7c: {  	[tilespmem:s22], [sflag:$0x2] =	stream.indirect.gather [hbm4b:s4+s20], $0x80, s29, s20, $0xb8;
	[tilespmem:$0x1E400] =	vst v63  }
0x7d: {  	_ =	swait.ge [sflag:s23], $0x4000  }
0x7e: {  	[sflag:s23] =	ssyncset.done $0x0  }
0x7f: {  	s29 =	sadd.s32 $0x1400, s30;
	[sflag:s23] =	ssyncadd.s32 $0xFFFFC000  }
0x80: {  	[spmem:s2] =	stream.indirect.scatter.add.f32 [tilespmem:s21], [sflag:$0x3], $0x80, s29, s20, $0xb8;
	[tilespmem:$0x1E400] =	vst v63  }
0x81: {  	_ =	swait.ge [sflag:s24], $0x4000  }
0x82: {  	[sflag:s24] =	ssyncset.done $0x0  }
0x83: {  	s29 =	sadd.s32 $0x1480, s30;
	[sflag:s24] =	ssyncadd.s32 $0xFFFFC000  }
0x84: {  	[spmem:s2] =	stream.indirect.scatter.add.f32 [tilespmem:s22], [sflag:$0x4], $0x80, s29, s20, $0xb8;
	[tilespmem:$0x1E400] =	vst v63  }
.Ltmp5:
0x85: {  	_ =	swait.ge [sflag:s25], $0x4000;
	(pc) =	sbr.rel @p1 .LBB2_3-.Ltmp5, $4  }
0x86: {  	[sflag:s25] =	ssyncset.done $0x0  }
0x87: {  	[sflag:s25] =	ssyncadd.s32 $0xFFFFC000  }
0x88: {  	_ =	swait.ge [sflag:s26], $0x4000  }
0x89: {  	s29 =	smov.u32 s31;
	[sflag:s26] =	ssyncset.done $0x0  }
0x8a: {  	s28 =	sshra.s32 s28, $0x2;
	[sflag:s26] =	ssyncadd.s32 $0xFFFFC000  }
0x8b: {  	[tilespmem:s21], [sflag:$0x1] =	stream.indirect.gather [hbm4b:s4+s20], $0x80, s28, s20, $0xb8;
	[tilespmem:$0x1E400] =	vst v63  }
0x8c: {  	s29 =	sadd.s32 $0x80, s28  }
0x8d: {  	[tilespmem:s22], [sflag:$0x2] =	stream.indirect.gather [hbm4b:s4+s20], $0x80, s29, s20, $0xb8;
	[tilespmem:$0x1E400] =	vst v63  }
0x8e: {  	_ =	swait.ge [sflag:s23], $0x4000  }
0x8f: {  	[sflag:s23] =	ssyncset.done $0x0  }
0x90: {  	s29 =	sadd.s32 $0x1400, s28;
	[sflag:s23] =	ssyncadd.s32 $0xFFFFC000  }
0x91: {  	[spmem:s2] =	stream.indirect.scatter.add.f32 [tilespmem:s21], [sflag:$0x3], $0x80, s29, s20, $0xb8;
	[tilespmem:$0x1E400] =	vst v63  }
0x92: {  	_ =	swait.ge [sflag:s24], $0x4000  }
0x93: {  	[sflag:s24] =	ssyncset.done $0x0  }
0x94: {  	s28 =	sadd.s32 $0x1480, s28;
	[sflag:s24] =	ssyncadd.s32 $0xFFFFC000  }
0x95: {  	[spmem:s2] =	stream.indirect.scatter.add.f32 [tilespmem:s22], [sflag:$0x4], $0x80, s28, s20, $0xb8;
	[tilespmem:$0x1E400] =	vst v63  }
0x96: {  	_ =	swait.ge [sflag:s25], $0x4000  }
0x97: {  	[sflag:s25] =	ssyncset.done $0x0  }
0x98: {  	[sflag:s25] =	ssyncadd.s32 $0xFFFFC000  }
0x99: {  	_ =	swait.ge [sflag:s26], $0x4000  }
0x9a: {  	[sflag:s26] =	ssyncset.done $0x0  }
0x9b: {  	s28 =	simm.s32 $0x0;
	[sflag:s26] =	ssyncadd.s32 $0xFFFFC000  }
0x9c: {  	[tilespmem:s28], [sflag:$0x5] =	stream.linear.gather [hbm4b:s9+s28], $0x1400, $0x38;
	[tilespmem:$0x1E400] =	vst v63  }
0x9d: {  	_ =	swait.ge [sflag:s18], $0x1400  }
0x9e: {  	[sflag:s18] =	ssyncset.done $0x0  }
0x9f: {  	[sflag:s18] =	ssyncadd.s32 $0xFFFFEC00  }
0xa0: {  	[tilespmem:s19], [sflag:$0x5] =	stream.linear.gather [hbm4b:s10+s28], $0x1400, $0x38;
	[tilespmem:$0x1E400] =	vst v63  }
0xa1: {  	_ =	swait.ge [sflag:s18], $0x1400  }
0xa2: {  	[sflag:s18] =	ssyncset.done $0x0  }
0xa3: {  	s28 =	simm.s32 $0x0;
	[sflag:s18] =	ssyncadd.s32 $0xFFFFEC00  }
0xa4: {  	[tilespmem:s21], [sflag:$0x1] =	stream.indirect.gather [hbm4b:s4+s20], $0x80, s28, s20, $0xb8;
	[tilespmem:$0x1E400] =	vst v63  }
0xa5: {  	s28 =	simm.s32 $0x80  }
0xa6: {  	[tilespmem:s22], [sflag:$0x2] =	stream.indirect.gather [hbm4b:s4+s20], $0x80, s28, s20, $0xb8;
	[tilespmem:$0x1E400] =	vst v63  }
0xa7: {  	_ =	swait.ge [sflag:s23], $0x4000  }
0xa8: {  	[sflag:s23] =	ssyncset.done $0x0  }
0xa9: {  	s28 =	simm.s32 $0x1400;
	[sflag:s23] =	ssyncadd.s32 $0xFFFFC000  }
0xaa: {  	[spmem:s2] =	stream.indirect.scatter.add.f32 [tilespmem:s21], [sflag:$0x3], $0x80, s28, s20, $0xb8;
	[tilespmem:$0x1E400] =	vst v63  }
0xab: {  	_ =	swait.ge [sflag:s24], $0x4000  }
0xac: {  	[sflag:s24] =	ssyncset.done $0x0  }
0xad: {  	s28 =	simm.s32 $0x1480;
	[sflag:s24] =	ssyncadd.s32 $0xFFFFC000  }
0xae: {  	[spmem:s2] =	stream.indirect.scatter.add.f32 [tilespmem:s22], [sflag:$0x4], $0x80, s28, s20, $0xb8;
	[tilespmem:$0x1E400] =	vst v63  }
0xaf: {  	_ =	swait.ge [sflag:s25], $0x4000  }
0xb0: {  	[sflag:s25] =	ssyncset.done $0x0  }
0xb1: {  	[sflag:s25] =	ssyncadd.s32 $0xFFFFC000  }
0xb2: {  	_ =	swait.ge [sflag:s26], $0x4000  }
0xb3: {  	s29 =	simm.s32 $0x800;
	s28 =	simm.s32 $0x400;
	[sflag:s26] =	ssyncset.done $0x0  }
.LBB2_5:
0xb4: {  	s30 =	sshra.s32 s28, $0x2  }
0xb5: {  	[sflag:s26] =	ssyncadd.s32 $0xFFFFC000;
	s28 =	smov.u32 s29;
	s31 =	sadd.s32 $0x400, s29  }
0xb6: {  	[tilespmem:s21], [sflag:$0x1] =	stream.indirect.gather [hbm4b:s4+s20], $0x80, s30, s20, $0xb8;
	[tilespmem:$0x1E400] =	vst v63  }
0xb7: {  	p1 =	sne.s32 s29, $0x4C00;
	s29 =	sadd.s32 $0x80, s30  }
0xb8: {  	[tilespmem:s22], [sflag:$0x2] =	stream.indirect.gather [hbm4b:s4+s20], $0x80, s29, s20, $0xb8;
	[tilespmem:$0x1E400] =	vst v63  }
0xb9: {  	_ =	swait.ge [sflag:s23], $0x4000  }
0xba: {  	[sflag:s23] =	ssyncset.done $0x0  }
0xbb: {  	s29 =	sadd.s32 $0x1400, s30;
	[sflag:s23] =	ssyncadd.s32 $0xFFFFC000  }
0xbc: {  	[spmem:s2] =	stream.indirect.scatter.add.f32 [tilespmem:s21], [sflag:$0x3], $0x80, s29, s20, $0xb8;
	[tilespmem:$0x1E400] =	vst v63  }
0xbd: {  	_ =	swait.ge [sflag:s24], $0x4000  }
0xbe: {  	[sflag:s24] =	ssyncset.done $0x0  }
0xbf: {  	s29 =	sadd.s32 $0x1480, s30;
	[sflag:s24] =	ssyncadd.s32 $0xFFFFC000  }
0xc0: {  	[spmem:s2] =	stream.indirect.scatter.add.f32 [tilespmem:s22], [sflag:$0x4], $0x80, s29, s20, $0xb8;
	[tilespmem:$0x1E400] =	vst v63  }
.Ltmp6:
0xc1: {  	_ =	swait.ge [sflag:s25], $0x4000;
	(pc) =	sbr.rel @p1 .LBB2_5-.Ltmp6, $4  }
0xc2: {  	[sflag:s25] =	ssyncset.done $0x0  }
0xc3: {  	[sflag:s25] =	ssyncadd.s32 $0xFFFFC000  }
0xc4: {  	_ =	swait.ge [sflag:s26], $0x4000  }
0xc5: {  	s29 =	smov.u32 s31;
	[sflag:s26] =	ssyncset.done $0x0  }
0xc6: {  	s28 =	sshra.s32 s28, $0x2;
	[sflag:s26] =	ssyncadd.s32 $0xFFFFC000  }
0xc7: {  	[tilespmem:s21], [sflag:$0x1] =	stream.indirect.gather [hbm4b:s4+s20], $0x80, s28, s20, $0xb8;
	[tilespmem:$0x1E400] =	vst v63  }
0xc8: {  	s29 =	sadd.s32 $0x80, s28  }
0xc9: {  	[tilespmem:s22], [sflag:$0x2] =	stream.indirect.gather [hbm4b:s4+s20], $0x80, s29, s20, $0xb8;
	[tilespmem:$0x1E400] =	vst v63  }
0xca: {  	_ =	swait.ge [sflag:s23], $0x4000  }
0xcb: {  	[sflag:s23] =	ssyncset.done $0x0  }
0xcc: {  	s29 =	sadd.s32 $0x1400, s28;
	[sflag:s23] =	ssyncadd.s32 $0xFFFFC000  }
0xcd: {  	[spmem:s2] =	stream.indirect.scatter.add.f32 [tilespmem:s21], [sflag:$0x3], $0x80, s29, s20, $0xb8;
	[tilespmem:$0x1E400] =	vst v63  }
0xce: {  	_ =	swait.ge [sflag:s24], $0x4000  }
0xcf: {  	[sflag:s24] =	ssyncset.done $0x0  }
0xd0: {  	s28 =	sadd.s32 $0x1480, s28;
	[sflag:s24] =	ssyncadd.s32 $0xFFFFC000  }
0xd1: {  	[spmem:s2] =	stream.indirect.scatter.add.f32 [tilespmem:s22], [sflag:$0x4], $0x80, s28, s20, $0xb8;
	[tilespmem:$0x1E400] =	vst v63  }
0xd2: {  	_ =	swait.ge [sflag:s25], $0x4000  }
0xd3: {  	[sflag:s25] =	ssyncset.done $0x0  }
0xd4: {  	[sflag:s25] =	ssyncadd.s32 $0xFFFFC000  }
0xd5: {  	_ =	swait.ge [sflag:s26], $0x4000  }
0xd6: {  	[sflag:s26] =	ssyncset.done $0x0  }
0xd7: {  	s28 =	simm.s32 $0x0;
	[sflag:s26] =	ssyncadd.s32 $0xFFFFC000  }
0xd8: {  	[tilespmem:s28], [sflag:$0x5] =	stream.linear.gather [hbm4b:s11+s28], $0x1400, $0x38;
	[tilespmem:$0x1E400] =	vst v63  }
0xd9: {  	_ =	swait.ge [sflag:s18], $0x1400  }
0xda: {  	[sflag:s18] =	ssyncset.done $0x0  }
0xdb: {  	[sflag:s18] =	ssyncadd.s32 $0xFFFFEC00  }
0xdc: {  	[tilespmem:s19], [sflag:$0x5] =	stream.linear.gather [hbm4b:s12+s28], $0x1400, $0x38;
	[tilespmem:$0x1E400] =	vst v63  }
0xdd: {  	_ =	swait.ge [sflag:s18], $0x1400  }
0xde: {  	[sflag:s18] =	ssyncset.done $0x0  }
0xdf: {  	s28 =	simm.s32 $0x0;
	[sflag:s18] =	ssyncadd.s32 $0xFFFFEC00  }
0xe0: {  	[tilespmem:s21], [sflag:$0x1] =	stream.indirect.gather [hbm4b:s4+s20], $0x80, s28, s20, $0xb8;
	[tilespmem:$0x1E400] =	vst v63  }
0xe1: {  	s28 =	simm.s32 $0x80  }
0xe2: {  	[tilespmem:s22], [sflag:$0x2] =	stream.indirect.gather [hbm4b:s4+s20], $0x80, s28, s20, $0xb8;
	[tilespmem:$0x1E400] =	vst v63  }
0xe3: {  	_ =	swait.ge [sflag:s23], $0x4000  }
0xe4: {  	[sflag:s23] =	ssyncset.done $0x0  }
0xe5: {  	s28 =	simm.s32 $0x1400;
	[sflag:s23] =	ssyncadd.s32 $0xFFFFC000  }
0xe6: {  	[spmem:s2] =	stream.indirect.scatter.add.f32 [tilespmem:s21], [sflag:$0x3], $0x80, s28, s20, $0xb8;
	[tilespmem:$0x1E400] =	vst v63  }
0xe7: {  	_ =	swait.ge [sflag:s24], $0x4000  }
0xe8: {  	[sflag:s24] =	ssyncset.done $0x0  }
0xe9: {  	s28 =	simm.s32 $0x1480;
	[sflag:s24] =	ssyncadd.s32 $0xFFFFC000  }
0xea: {  	[spmem:s2] =	stream.indirect.scatter.add.f32 [tilespmem:s22], [sflag:$0x4], $0x80, s28, s20, $0xb8;
	[tilespmem:$0x1E400] =	vst v63  }
0xeb: {  	_ =	swait.ge [sflag:s25], $0x4000  }
0xec: {  	[sflag:s25] =	ssyncset.done $0x0  }
0xed: {  	[sflag:s25] =	ssyncadd.s32 $0xFFFFC000  }
0xee: {  	_ =	swait.ge [sflag:s26], $0x4000  }
0xef: {  	s29 =	simm.s32 $0x800;
	s28 =	simm.s32 $0x400;
	[sflag:s26] =	ssyncset.done $0x0  }
.LBB2_7:
0xf0: {  	s30 =	sshra.s32 s28, $0x2  }
0xf1: {  	[sflag:s26] =	ssyncadd.s32 $0xFFFFC000;
	s28 =	smov.u32 s29;
	s31 =	sadd.s32 $0x400, s29  }
0xf2: {  	[tilespmem:s21], [sflag:$0x1] =	stream.indirect.gather [hbm4b:s4+s20], $0x80, s30, s20, $0xb8;
	[tilespmem:$0x1E400] =	vst v63  }
0xf3: {  	p1 =	seq.s32 s29, $0x4C00;
	s29 =	sadd.s32 $0x80, s30  }
0xf4: {  	[tilespmem:s22], [sflag:$0x2] =	stream.indirect.gather [hbm4b:s4+s20], $0x80, s29, s20, $0xb8;
	[tilespmem:$0x1E400] =	vst v63  }
0xf5: {  	_ =	swait.ge [sflag:s23], $0x4000  }
0xf6: {  	[sflag:s23] =	ssyncset.done $0x0  }
0xf7: {  	s29 =	sadd.s32 $0x1400, s30;
	[sflag:s23] =	ssyncadd.s32 $0xFFFFC000  }
0xf8: {  	[spmem:s2] =	stream.indirect.scatter.add.f32 [tilespmem:s21], [sflag:$0x3], $0x80, s29, s20, $0xb8;
	[tilespmem:$0x1E400] =	vst v63  }
0xf9: {  	_ =	swait.ge [sflag:s24], $0x4000  }
0xfa: {  	[sflag:s24] =	ssyncset.done $0x0  }
0xfb: {  	s29 =	sadd.s32 $0x1480, s30;
	[sflag:s24] =	ssyncadd.s32 $0xFFFFC000  }
0xfc: {  	[spmem:s2] =	stream.indirect.scatter.add.f32 [tilespmem:s22], [sflag:$0x4], $0x80, s29, s20, $0xb8;
	[tilespmem:$0x1E400] =	vst v63  }
.Ltmp7:
0xfd: {  	_ =	swait.ge [sflag:s25], $0x4000;
	(pc) =	sbr.rel @!p1 .LBB2_7-.Ltmp7, $4  }
0xfe: {  	[sflag:s25] =	ssyncset.done $0x0  }
0xff: {  	[sflag:s25] =	ssyncadd.s32 $0xFFFFC000  }
0x100: {  	_ =	swait.ge [sflag:s26], $0x4000  }
0x101: {  	s29 =	smov.u32 s31;
	[sflag:s26] =	ssyncset.done $0x0  }
0x102: {  	s28 =	sshra.s32 s28, $0x2;
	[sflag:s26] =	ssyncadd.s32 $0xFFFFC000  }
0x103: {  	[tilespmem:s21], [sflag:$0x1] =	stream.indirect.gather [hbm4b:s4+s20], $0x80, s28, s20, $0xb8;
	[tilespmem:$0x1E400] =	vst v63  }
0x104: {  	s29 =	sadd.s32 $0x80, s28  }
0x105: {  	[tilespmem:s22], [sflag:$0x2] =	stream.indirect.gather [hbm4b:s4+s20], $0x80, s29, s20, $0xb8;
	[tilespmem:$0x1E400] =	vst v63  }
0x106: {  	_ =	swait.ge [sflag:s23], $0x4000  }
0x107: {  	[sflag:s23] =	ssyncset.done $0x0  }
0x108: {  	s31 =	sadd.s32 $0x1400, s28;
	[sflag:s23] =	ssyncadd.s32 $0xFFFFC000  }
0x109: {  	[spmem:s2] =	stream.indirect.scatter.add.f32 [tilespmem:s21], [sflag:$0x3], $0x80, s31, s20, $0xb8;
	[tilespmem:$0x1E400] =	vst v63  }
0x10a: {  	_ =	swait.ge [sflag:s24], $0x4000  }
0x10b: {  	[sflag:s24] =	ssyncset.done $0x0  }
0x10c: {  	s28 =	sadd.s32 $0x1480, s28;
	[sflag:s24] =	ssyncadd.s32 $0xFFFFC000  }
0x10d: {  	[spmem:s2] =	stream.indirect.scatter.add.f32 [tilespmem:s22], [sflag:$0x4], $0x80, s28, s20, $0xb8;
	[tilespmem:$0x1E400] =	vst v63  }
0x10e: {  	_ =	swait.ge [sflag:s25], $0x4000  }
.Ltmp8:
0x10f: {  	[sflag:s25] =	ssyncset.done $0x0;
	(pc) =	sbr.rel .LBB2_12-.Ltmp8, $4  }
0x110: {  	[sflag:s25] =	ssyncadd.s32 $0xFFFFC000  }
0x111: {  	_ =	swait.ge [sflag:s26], $0x4000  }
0x112: {  	[sflag:s26] =	ssyncset.done $0x0  }
0x113: {  	[sflag:s26] =	ssyncadd.s32 $0xFFFFC000  }
.LBB2_13:
0x114: {  	_ =	sfence.sel $0x180000  }
0x115: {  	[bflag:$0x0] =	sbarrier.arrive $0xFFFF  }
0x116: {  	p0 =	sne.s32 s1, $0x0;
	_ =	strace $0x90000050  }
0x117: {  	s0 =	sadd.s32 @!p0 $0x100000, s0;
	[bflag:$0x2] =	sbarrier.arrive $0xFFFF  }
0x118: {  	[sflag:s0] =	ssyncadd.tile.s32 @!p0 $0x1;
	_ =	shalt  }
.Lfunc_end2:
_tile_overlayer_lowered:
.L_overlay_start_2:
0x119: {  	(tag) =	ssettag $0x2  }
0x11a: {  	s0 =	rddreg [dreg:$0x0];
	s2 =	stileid.u32  }
0x11b: {  	s1 =	rddreg [dreg:$0x1];
	p0 =	sne.s32 s2, $0x0  }
0x11c: {  	s3 =	rddreg [dreg:$0x2];
	[bflag:$0x3] =	sbarrier.arrive $0xFFFF;
	s2 =	simm.s32 @!p0 $0x1C05  }
0x11d: {  	[timem:s3], [sflag:s2] =	dma.local @!p0 [hbm:s0], s1  }
0x11e: {  	s0 =	simm.s32 @!p0 $0x5  }
0x11f: {  	_ =	swait.ge @!p0 [sflag:s0], s1  }
0x120: {  	s1 =	ssub.s32 @!p0 $0x0, s1;
	[sflag:s0] =	ssyncset.done @!p0 $0x0  }
0x121: {  	[sflag:s0] =	ssyncadd.s32 @!p0 s1  }
0x122: {  	[bflag:$0x3] =	sbarrier.arrive $0xFFFF  }
0x123: {  	_ =	shalt  }

// kernel: kernel.9.cloned.1.call-start
scs
__scs_entry_jumppad:
0x0: {  	(pc) =	sbr.rel $0x88, $3  }
0x1: {  	(tag) =	ssettag $0x0;
	lr =	simm.s32 $0x1  }
0x2: {  	[smem:$0x3F94] =	sst lr;
	_ =	strace $0xD0000000  }
0x3: {  	_ = 	snop  }
0x4: {  	_ = 	snop  }
0x5: {  	_ = 	snop  }
0x6: {  	_ = 	snop  }
0x7: {  	_ = 	snop  }
__scs_overlays_trampoline_lowered:
0x8: {  	[smem:$0x3FA3] =	sst s0  }
0x9: {  	[smem:$0x3FA4] =	sst s1  }
0xa: {  	[smem:$0x3FA5] =	sst s2  }
0xb: {  	[smem:$0x3FA6] =	sst s3  }
0xc: {  	[smem:$0x3FA7] =	sst s4  }
0xd: {  	[smem:$0x3FA8] =	sst s5  }
0xe: {  	[smem:$0x3FA9] =	sst s6  }
0xf: {  	[smem:$0x3FAA] =	sst s7  }
0x10: {  	[smem:$0x3FAB] =	sst s8  }
0x11: {  	[smem:$0x3FAC] =	sst s9;
	s0 =	simm.s32 @!p0 $0x0  }
0x12: {  	s1 =	sld [smem:$0x3F92];
	s0 =	simm.s32 @p0 $0x1  }
0x13: {  	[smem:$0x3FAD] =	sst s0;
	s0 =	simm.s32 @!p1 $0x0  }
0x14: {  	s2 =	sld [smem:$0x3F91];
	s0 =	simm.s32 @p1 $0x1  }
0x15: {  	[smem:$0x3FAE] =	sst s0;
	s0 =	simm.s32 @!p2 $0x0  }
0x16: {  	s3 =	sld [smem:$0x3FDB];
	s0 =	simm.s32 @p2 $0x1  }
0x17: {  	s4 =	simm.s32 $0x1BF5;
	[smem:$0x3FB0] =	sst s0  }
0x18: {  	s0 =	sld [smem:$0x3F93];
	_ =	swait.ge [sflag:s4], $0x0  }
0x19: {  	s7 =	sld [smem:$0x3F94]  }
0x1a: {  	s8 =	sadd.s32 $0xFFFFE003, lr  }
0x1b: {  	s9 =	sadd.s32 $0xFFFFFEF7, lr;
	s5 =	simm.s32 $0xFFFFFFFF;
	p2 =	slt.u32 s8, $0xFFFFF086  }
0x1c: {  	p1 =	slt.u32 s9, $0xF7A;
	s5 =	simm.s32 @!p2 $0x0  }
0x1d: {  	s5 =	simm.s32 @p1 $0x1;
	p0 =	seq.s32 s7, s2  }
0x1e: {  	s7 =	smul.u32 @!p0 $0xF7A, s2;
	p2 =	seq.s32 @!p0 s5, $0x0  }
0x1f: {  	s9 =	smul.u32 $0xF7A, s1;
	s8 =	simm.s32 @!p0 $0x1BF5;
	p2 =	por !p2, p0  }
0x20: {  	[sflag:s8] =	ssyncset.s32 @!p0 $0xFFFFF086;
	s6 =	sadd.s32 @!p0 s3, s7;
	s7 =	simm.s32 @!p0 $0x108  }
0x21: {  	s3 =	sadd.s32 s3, s9;
	s6 =	sadd.s32 @!p0 $0x88, s6;
	s7 =	simm.s32 @p2 $0x1082  }
0x22: {  	[simem:s7], [sflag:s8] =	dma.local @!p0 [hbm:s6], $0xF7A  }
0x23: {  	s9 =	sor.u32 $0xD0000000, s2;
	s6 =	simm.s32 $0x108;
	_ =	swait.ge @!p0 [sflag:s8], $0x0  }
0x24: {  	s3 =	sadd.s32 $0x88, s3;
	s6 =	simm.s32 @!p1 $0x1082;
	[sflag:s4] =	ssyncset.s32 $0xFFFFF086  }
0x25: {  	[simem:s6], [sflag:s4] =	dma.local [hbm:s3], $0xF7A  }
0x26: {  	[smem:$0x3F94] =	sst s1;
	(tag) =	ssettag s2;
	_ =	strace s9  }
0x27: {  	s1 =	sld [smem:$0x3FA4]  }
0x28: {  	s2 =	sld [smem:$0x3FA5]  }
0x29: {  	s4 =	sld [smem:$0x3FA7]  }
0x2a: {  	p0 =	seq.s32 s5, $0x0;
	s5 =	sld [smem:$0x3FA8]  }
0x2b: {  	s6 =	sld [smem:$0x3FA9]  }
0x2c: {  	s7 =	sld [smem:$0x3FAA]  }
0x2d: {  	s3 =	simm.s32 $0x108;
	s8 =	sld [smem:$0x3FAB]  }
0x2e: {  	s3 =	simm.s32 @!p0 $0x1082;
	s9 =	sld [smem:$0x3FAC]  }
0x2f: {  	lr =	sadd.s32 s0, s3;
	s0 =	sld [smem:$0x3FA3]  }
0x30: {  	s3 =	sld [smem:$0x3FA6]  }
0x31: {  	[smem:$0x3FAF] =	sst s10  }
0x32: {  	s10 =	sld [smem:$0x3FAD];
	_ =	sdelay $0x3  }
0x33: {  	p0 =	seq.s32 s10, $0x1;
	s10 =	sld [smem:$0x3FAF];
	_ =	sdelay $0x3  }
0x34: {  	[smem:$0x3FAF] =	sst s10  }
0x35: {  	s10 =	sld [smem:$0x3FAE];
	_ =	sdelay $0x3  }
0x36: {  	p1 =	seq.s32 s10, $0x1;
	s10 =	sld [smem:$0x3FAF];
	_ =	sdelay $0x3  }
0x37: {  	[smem:$0x3FAF] =	sst s10  }
0x38: {  	s10 =	sld [smem:$0x3FB0]  }
0x39: {  	_ = 	snop;
	(pc) =	sbr.ind lr, $3  }
0x3a: {  	_ = 	snop  }
0x3b: {  	_ = 	snop  }
0x3c: {  	p2 =	seq.s32 s10, $0x1;
	s10 =	sld [smem:$0x3FAF]  }
0x3d: {  	_ =	shalt  }
0x3e: {  	_ =	shalt  }
0x3f: {  	_ =	shalt  }
0x40: {  	_ =	shalt  }
0x41: {  	_ =	shalt  }
0x42: {  	_ =	shalt  }
0x43: {  	_ =	shalt  }
0x44: {  	_ =	shalt  }
0x45: {  	_ =	shalt  }
0x46: {  	_ =	shalt  }
0x47: {  	_ =	shalt  }
0x48: {  	_ =	shalt  }
0x49: {  	_ =	shalt  }
0x4a: {  	_ =	shalt  }
0x4b: {  	_ =	shalt  }
0x4c: {  	_ =	shalt  }
0x4d: {  	_ =	shalt  }
0x4e: {  	_ =	shalt  }
0x4f: {  	_ =	shalt  }
0x50: {  	_ =	shalt  }
0x51: {  	_ =	shalt  }
0x52: {  	_ =	shalt  }
0x53: {  	_ =	shalt  }
0x54: {  	_ =	shalt  }
0x55: {  	_ =	shalt  }
0x56: {  	_ =	shalt  }
0x57: {  	_ =	shalt  }
0x58: {  	_ =	shalt  }
0x59: {  	_ =	shalt  }
0x5a: {  	_ =	shalt  }
0x5b: {  	_ =	shalt  }
0x5c: {  	_ =	shalt  }
0x5d: {  	_ =	shalt  }
0x5e: {  	_ =	shalt  }
0x5f: {  	_ =	shalt  }
0x60: {  	_ =	shalt  }
0x61: {  	_ =	shalt  }
0x62: {  	_ =	shalt  }
0x63: {  	_ =	shalt  }
0x64: {  	_ =	shalt  }
0x65: {  	_ =	shalt  }
0x66: {  	_ =	shalt  }
0x67: {  	_ =	shalt  }
0x68: {  	_ =	shalt  }
0x69: {  	_ =	shalt  }
0x6a: {  	_ =	shalt  }
0x6b: {  	_ =	shalt  }
0x6c: {  	_ =	shalt  }
0x6d: {  	_ =	shalt  }
0x6e: {  	_ =	shalt  }
0x6f: {  	_ =	shalt  }
0x70: {  	_ =	shalt  }
0x71: {  	_ =	shalt  }
0x72: {  	_ =	shalt  }
0x73: {  	_ =	shalt  }
0x74: {  	_ =	shalt  }
0x75: {  	_ =	shalt  }
0x76: {  	_ =	shalt  }
0x77: {  	_ =	shalt  }
0x78: {  	_ =	shalt  }
0x79: {  	_ =	shalt  }
0x7a: {  	_ =	shalt  }
0x7b: {  	_ =	shalt  }
0x7c: {  	_ =	shalt  }
0x7d: {  	_ =	shalt  }
0x7e: {  	_ =	shalt  }
0x7f: {  	_ =	shalt  }
0x80: {  	_ =	shalt  }
0x81: {  	_ =	shalt  }
0x82: {  	_ =	shalt  }
0x83: {  	_ =	shalt  }
0x84: {  	_ =	shalt  }
0x85: {  	_ =	shalt  }
0x86: {  	_ =	shalt  }
0x87: {  	_ =	shalt  }
.Lfunc_end0:
.L_simem_size_0:
called_computation_lowered:
.L_overlay_start_0:
0x88: {  	s2 =	sld [smem:$0x3FD9]  }
0x89: {  	s3 =	sld [smem:$0x3FFE];
	_ =	sdelay $0x1  }
0x8a: {  	s1 =	srdreg.scid  }
0x8b: {  	s0 =	sand.u32 $0x1, s1  }
0x8c: {  	s17 =	sshll.u32 s0, $0xA;
	s2 =	sadd.s32 s3, s2  }
0x8d: {  	s2 =	sadd.s32 s2, s17  }
0x8e: {  	[smem:$0x3FBB] =	sst s2  }
0x8f: {  	_ = 	snop  }
0x90: {  	s18 =	sld [smem:$0x3FD0];
	(tm) =	ssettm $0x1  }
0x91: {  	s19 =	sld [smem:$0x3FFB];
	_ =	sdelay $0x3  }
0x92: {  	_ =	strace s19  }
0x93: {  	s2 =	sld [smem:$0x3FFC];
	_ =	sdelay $0x3  }
0x94: {  	_ =	strace s2  }
0x95: {  	s2 =	sld [smem:$0x3FFD];
	_ =	sdelay $0x3  }
0x96: {  	_ =	strace s2  }
0x97: {  	_ =	strace $0x8FFFFFFF  }
0x98: {  	s20 =	sld [smem:$0x3FDB];
	_ =	sdelay $0x1  }
0x99: {  	s4 =	simm.s32 $_scs_section_size  }
0x9a: {  	s5 =	simm.s32 $_size__tile_overlayer_lowered;
	s6 =	simm.s32 $_tile_overlayer_lowered  }
0x9b: {  	s7 =	simm.s32 $0x1BFF;
	s21 =	sshll.u32 s6, $0x1;
	s4 =	sadd.s32 s4, s20  }
0x9c: {  	s22 =	simm.s32 $0x0;
	s5 =	sshll.u32 s5, $0x1;
	s6 =	sadd.s32 s21, s4  }
0x9d: {  	[timem:s22], [sflag:s7] =	dma.local [hbm:s6], s5  }
0x9e: {  	_ =	swait.ge [sflag:s7], s5  }
0x9f: {  	s5 =	ssub.s32 $0x0, s5;
	[sflag:s7] =	ssyncset.done $0x0  }
0xa0: {  	[sflag:s7] =	ssyncadd.s32 s5;
	_ =	sdelay $0x1  }
0xa1: {  	s23 =	simm.s32 $0x1B8B  }
0xa2: {  	_ =	swait.ge [sflag:s23], $0x1  }
0xa3: {  	[sflag:s23] =	ssyncset.done $0x0  }
0xa4: {  	[sflag:s23] =	ssyncadd.s32 $0xFFFFFFFF  }
0xa5: {  	s5 =	sld [smem:$0x0]  }
0xa6: {  	s6 =	sand.u32 $0xFFFFFFFE, s1  }
0xa7: {  	p0 =	sne.s32 s1, s6  }
0xa8: {  	s6 =	sshll.u32 @p0 s6, $0xE  }
0xa9: {  	s6 =	sadd.s32 @p0 $0x11B8D, s6;
	s7 =	sshll.u32 @p0 s5, $0x11  }
0xaa: {  	s6 =	sor.u32 @p0 s7, s6  }
0xab: {  	[sflag:s6] =	ssyncadd.remote.s32 @p0 $0x1;
	_ =	sdelay $0x1  }
0xac: {  	s6 =	simm.s32 @p0 $0x1B8D  }
0xad: {  	_ =	swait.eq @p0 [sflag:s6], $0x1  }
0xae: {  	[sflag:s6] =	ssyncadd.s32 @p0 $0xFFFFFFFF  }
0xaf: {  	s7 =	sshll.u32 @!p0 s1, $0xE  }
0xb0: {  	s7 =	sor.u32 @!p0 $0x4000, s7;
	s6 =	simm.s32 @!p0 $0x1B8D  }
0xb1: {  	s5 =	sshll.u32 @!p0 s5, $0x11;
	s7 =	sadd.s32 @!p0 $0x11B8D, s7;
	_ =	swait.eq @!p0 [sflag:s6], $0x1  }
0xb2: {  	s5 =	sor.u32 @!p0 s5, s7;
	[sflag:s6] =	ssyncadd.s32 @!p0 $0xFFFFFFFF  }
0xb3: {  	s25 =	simm.s32 $0x1B8E;
	s24 =	sld [smem:$0x3FFE];
	[sflag:s5] =	ssyncadd.remote.s32 @!p0 $0x1  }
0xb4: {  	s26 =	simm.s32 $execute0_lowered;
	[smem:$0x3FD2] =	sst s25  }
0xb5: {  	s6 =	sshll.u32 s26, $0x1;
	_ =	strace $0x80000049;
	[dreg:$0x1] =	wrdreg $0xFFFFFFFF  }
0xb6: {  	s28 =	simm.s32 $_size_execute0_lowered;
	s4 =	sadd.s32 s4, s6;
	[dreg:$0x0] =	wrdreg $0x0  }
0xb7: {  	s6 =	sshll.u32 s28, $0x1;
	[dreg:$0x2] =	wrdreg s4  }
0xb8: {  	[dreg:$0x3] =	wrdreg s6  }
0xb9: {  	[dreg:$0x4] =	wrdreg $0xC0  }
0xba: {  	_ =	task [dreg:s22], $0x5FFFF  }
0xbb: {  	[dreg:$0x1] =	wrdreg $0xFFFFFFFF  }
0xbc: {  	[dreg:$0x0] =	wrdreg $0x60  }
0xbd: {  	[dreg:$0x2] =	wrdreg s24  }
0xbe: {  	[dreg:$0x3] =	wrdreg s18  }
0xbf: {  	[dreg:$0x4] =	wrdreg $0x68000  }
0xc0: {  	[dreg:$0x5] =	wrdreg $0x9  }
0xc1: {  	_ =	task.clear_ibuf [dreg:s22], $0x6FFFF;
	_ =	strace $0x90000049  }
0xc2: {  	s29 =	simm.s32 $0x9;
	_ =	strace $0x8000004B  }
0xc3: {  	_ =	swait.ge [sflag:s29], $0x1  }
0xc4: {  	[sflag:s29] =	ssyncadd.s32 $0xFFFFFFFF  }
0xc5: {  	_ =	strace $0x9000004B  }
0xc6: {  	_ =	sfence  }
0xc7: {  	s30 =	sld [smem:$0x0];
	_ =	sdelay $0x2  }
0xc8: {  	s31 =	sshll.u32 s1, $0xD;
	s1 =	sshrl.u32 s1, $0x2  }
0xc9: {  	s4 =	sand.u32 $0x4000, s31;
	s1 =	sadd.s32 s1, s30  }
0xca: {  	s0 =	sor.u32 s4, s0;
	s1 =	sshll.u32 s1, $0x11  }
0xcb: {  	s0 =	sor.u32 s1, s0  }
0xcc: {  	s0 =	sadd.s32 $0x8F2B, s0  }
0xcd: {  	[sflag:s0] =	ssyncadd.remote.s32 $0x1  }
0xce: {  	_ =	sfence.sel $0xFFFF  }
0xcf: {  	[dreg:$0x0] =	wrdreg $0xFFFFFFFF;
	(pc) =	sbr.abs _section_cstart, $3  }
0xd0: {  	[dreg:$0x1] =	wrdreg $0xFFFFFFFF  }
0xd1: {  	_ =	task.clear_ibuf [dreg:s22], $0x2FFFF;
	_ =	strace $0x9FFFFFFF  }
0xd2: {  	(tm) =	ssettm $0x7FFFFFFF  }
0xd3: {  	_ =	shalt  }
tec
execute0_lowered:
.L_overlay_start_1:
0x0: {  	(tag) =	ssettag $0x1  }
0x1: {  	s5 =	rddreg [dreg:$0x0]  }
0x2: {  	s6 =	rddreg [dreg:$0x1]  }
0x3: {  	s2 =	rddreg [dreg:$0x2]  }
0x4: {  	s0 =	rddreg [dreg:$0x3]  }
0x5: {  	s1 =	stileid.u32;
	s4 =	srdreg.scid;
	s3 =	simm.s32 $0x0  }
0x6: {  	s12 =	simm.s32 $0x2800;
	s13 =	simm.s32 $0x80;
	s14 =	simm.s32 $0x1  }
0x7: {  	s15 =	simm.s32 $0x2;
	s16 =	simm.s32 $0x3;
	s7 =	smul.u32 $0x13C00, s1  }
0x8: {  	s17 =	simm.s32 $0x4;
	s18 =	simm.s32 $0x0;
	s11 =	smul.u32 $0x2800, s1  }
0x9: {  	s8 =	sand.u32 $0x1, s4;
	[smem:$0x7FF] =	sst s3;
	s28 =	smul.u32 $0x4F000, s1  }
0xa: {  	s31 =	sshll.u32 s1, $0x6;
	s4 =	smul.u32 $0x13C000, s8;
	_ =	strace $0x8000004A  }
0xb: {  	s9 =	smul.u32 $0x28000, s8;
	s8 =	ssub.s32 $0x2, s8;
	s10 =	sshrl.u32 s7, $0x3  }
0xc: {  	s29 =	sshrl.u32 s8, $0x1;
	s30 =	sshrl.u32 s28, $0x2;
	s7 =	sadd.s32 s7, s4  }
0xd: {  	s4 =	sadd.s32 $0x8E200, s5;
	s10 =	sadd.s32 s10, s5;
	s9 =	sadd.s32 s11, s9  }
0xe: {  	s8 =	ssub.s32 s8, s29;
	s11 =	sadd.s32 s30, s2;
	s7 =	sshrl.u32 s7, $0x3  }
0xf: {  	s9 =	sshrl.u32 s9, $0x3;
	s8 =	smax.u32 s8, $0x1;
	s11 =	sshrl.u32 s11, $0x3  }
0x10: {  	s7 =	sadd.s32 s7, s5;
	s5 =	sadd.s32 s6, s9;
	s6 =	sadd.s32 $0x17A00, s10  }
0x11: {  	s9 =	simm.s32 $0x5;
	s10 =	sor.u32 $0x1C05, s31;
	s7 =	sadd.s32 $0x8EA00, s7  }
.LBB2_1:
0x12: {  	[tilespmem:s3], [sflag:$0x5] =	stream.linear.gather [hbm4b:s5+s3], $0x2800, $0x38;
	[tilespmem:$0x1A400] =	vst v63  }
0x13: {  	_ =	swait.ge [sflag:s9], $0x2800  }
0x14: {  	[sflag:s9] =	ssyncset.done $0x0  }
0x15: {  	[sflag:s9] =	ssyncadd.s32 $0xFFFFD800  }
0x16: {  	[spmem:s11], [sflag:s10] =	dma.local [hbm:s6], $0x2780  }
0x17: {  	_ =	swait.ge [sflag:s9], $0x2780  }
0x18: {  	[sflag:s9] =	ssyncset.done $0x0  }
0x19: {  	[sflag:s9] =	ssyncadd.s32 $0xFFFFD880  }
0x1a: {  	[tilespmem:s12], [sflag:$0x5] =	stream.linear.gather [hbm4b:s4+s3], $0x4000, $0x38;
	[tilespmem:$0x1A400] =	vst v63  }
0x1b: {  	_ =	swait.ge [sflag:s9], $0x4000  }
0x1c: {  	[sflag:s9] =	ssyncset.done $0x0  }
0x1d: {  	[sflag:s9] =	ssyncadd.s32 $0xFFFFC000  }
0x1e: {  	s19 =	simm.s32 $0x0;
	[bflag:$0x0] =	sbarrier.arrive $0xFFFF  }
0x1f: {  	[spmem:s2] =	stream.indirect.scatter.add.f32 [tilespmem:s12], [sflag:$0x1], $0x80, s19, s13, $0xb8;
	[tilespmem:$0x1A400] =	vst v63  }
0x20: {  	s29 =	simm.s32 $0x80  }
0x21: {  	[spmem:s2] =	stream.indirect.scatter.add.f32 [tilespmem:s12], [sflag:$0x2], $0x80, s29, s13, $0xb8;
	[tilespmem:$0x1A400] =	vst v63  }
0x22: {  	s30 =	simm.s32 $0x100  }
0x23: {  	[spmem:s2] =	stream.indirect.scatter.add.f32 [tilespmem:s12], [sflag:$0x3], $0x80, s30, s13, $0xb8;
	[tilespmem:$0x1A400] =	vst v63  }
0x24: {  	s31 =	simm.s32 $0x180  }
0x25: {  	[spmem:s2] =	stream.indirect.scatter.add.f32 [tilespmem:s12], [sflag:$0x4], $0x80, s31, s13, $0xb8;
	[tilespmem:$0x1A400] =	vst v63  }
0x26: {  	_ =	swait.ge [sflag:s14], $0x4000  }
0x27: {  	[sflag:s14] =	ssyncset.done $0x0  }
0x28: {  	[sflag:s14] =	ssyncadd.s32 $0xFFFFC000  }
0x29: {  	_ =	swait.ge [sflag:s15], $0x4000  }
0x2a: {  	[sflag:s15] =	ssyncset.done $0x0  }
0x2b: {  	[sflag:s15] =	ssyncadd.s32 $0xFFFFC000  }
0x2c: {  	_ =	swait.ge [sflag:s16], $0x4000  }
0x2d: {  	[sflag:s16] =	ssyncset.done $0x0  }
0x2e: {  	[sflag:s16] =	ssyncadd.s32 $0xFFFFC000  }
0x2f: {  	_ =	swait.ge [sflag:s17], $0x4000  }
0x30: {  	s20 =	simm.s32 $0x1000;
	s19 =	simm.s32 $0x800;
	[sflag:s17] =	ssyncset.done $0x0  }
.LBB2_2:
0x31: {  	s21 =	sshra.s32 s19, $0x2  }
0x32: {  	[sflag:s17] =	ssyncadd.s32 $0xFFFFC000;
	s19 =	smov.u32 s20;
	s22 =	sadd.s32 $0x800, s20  }
0x33: {  	[spmem:s2] =	stream.indirect.scatter.add.f32 [tilespmem:s12], [sflag:$0x1], $0x80, s21, s13, $0xb8;
	[tilespmem:$0x1A400] =	vst v63  }
0x34: {  	p0 =	sne.s32 s20, $0x9800;
	s20 =	sadd.s32 $0x80, s21  }
0x35: {  	[spmem:s2] =	stream.indirect.scatter.add.f32 [tilespmem:s12], [sflag:$0x2], $0x80, s20, s13, $0xb8;
	[tilespmem:$0x1A400] =	vst v63  }
0x36: {  	s20 =	sadd.s32 $0x100, s21  }
0x37: {  	[spmem:s2] =	stream.indirect.scatter.add.f32 [tilespmem:s12], [sflag:$0x3], $0x80, s20, s13, $0xb8;
	[tilespmem:$0x1A400] =	vst v63  }
0x38: {  	s20 =	sadd.s32 $0x180, s21  }
0x39: {  	[spmem:s2] =	stream.indirect.scatter.add.f32 [tilespmem:s12], [sflag:$0x4], $0x80, s20, s13, $0xb8;
	[tilespmem:$0x1A400] =	vst v63  }
0x3a: {  	_ =	swait.ge [sflag:s14], $0x4000  }
0x3b: {  	[sflag:s14] =	ssyncset.done $0x0  }
0x3c: {  	[sflag:s14] =	ssyncadd.s32 $0xFFFFC000  }
0x3d: {  	_ =	swait.ge [sflag:s15], $0x4000  }
0x3e: {  	[sflag:s15] =	ssyncset.done $0x0  }
0x3f: {  	[sflag:s15] =	ssyncadd.s32 $0xFFFFC000  }
.Ltmp0:
0x40: {  	_ =	swait.ge [sflag:s16], $0x4000;
	(pc) =	sbr.rel @p0 .LBB2_2-.Ltmp0, $4  }
0x41: {  	[sflag:s16] =	ssyncset.done $0x0  }
0x42: {  	[sflag:s16] =	ssyncadd.s32 $0xFFFFC000  }
0x43: {  	_ =	swait.ge [sflag:s17], $0x4000  }
0x44: {  	s20 =	smov.u32 s22;
	[sflag:s17] =	ssyncset.done $0x0  }
0x45: {  	s19 =	sshra.s32 s19, $0x2;
	[sflag:s17] =	ssyncadd.s32 $0xFFFFC000  }
0x46: {  	[spmem:s2] =	stream.indirect.scatter.add.f32 [tilespmem:s12], [sflag:$0x1], $0x80, s19, s13, $0xb8;
	[tilespmem:$0x1A400] =	vst v63  }
0x47: {  	s20 =	sadd.s32 $0x80, s19  }
0x48: {  	[spmem:s2] =	stream.indirect.scatter.add.f32 [tilespmem:s12], [sflag:$0x2], $0x80, s20, s13, $0xb8;
	[tilespmem:$0x1A400] =	vst v63  }
0x49: {  	s31 =	sadd.s32 $0x100, s19  }
0x4a: {  	[spmem:s2] =	stream.indirect.scatter.add.f32 [tilespmem:s12], [sflag:$0x3], $0x80, s31, s13, $0xb8;
	[tilespmem:$0x1A400] =	vst v63  }
0x4b: {  	s19 =	sadd.s32 $0x180, s19  }
0x4c: {  	[spmem:s2] =	stream.indirect.scatter.add.f32 [tilespmem:s12], [sflag:$0x4], $0x80, s19, s13, $0xb8;
	[tilespmem:$0x1A400] =	vst v63  }
0x4d: {  	_ =	swait.ge [sflag:s14], $0x4000  }
0x4e: {  	[sflag:s14] =	ssyncset.done $0x0  }
0x4f: {  	[sflag:s14] =	ssyncadd.s32 $0xFFFFC000  }
0x50: {  	_ =	swait.ge [sflag:s15], $0x4000  }
0x51: {  	[sflag:s15] =	ssyncset.done $0x0  }
0x52: {  	[sflag:s15] =	ssyncadd.s32 $0xFFFFC000  }
0x53: {  	_ =	swait.ge [sflag:s16], $0x4000  }
0x54: {  	[sflag:s16] =	ssyncset.done $0x0  }
0x55: {  	[sflag:s16] =	ssyncadd.s32 $0xFFFFC000  }
0x56: {  	_ =	swait.ge [sflag:s17], $0x4000  }
0x57: {  	s18 =	sadd.s32 $0x1, s18;
	[sflag:s17] =	ssyncset.done $0x0  }
0x58: {  	p0 =	sne.s32 s18, s8;
	[sflag:s17] =	ssyncadd.s32 $0xFFFFC000  }
.Ltmp1:
0x59: {  	[bflag:$0x0] =	sbarrier.arrive $0xFFFF;
	(pc) =	sbr.rel @p0 .LBB2_1-.Ltmp1, $4  }
0x5a: {  	[hbm:s7], [sflag:s10] =	dma.local [spmem:s11], $0x2780  }
0x5b: {  	_ =	swait.ge [sflag:s9], $0x2780  }
0x5c: {  	[sflag:s9] =	ssyncset.done $0x0  }
0x5d: {  	[sflag:s9] =	ssyncadd.s32 $0xFFFFD880  }
0x5e: {  	_ =	sfence.sel $0x180000  }
0x5f: {  	[bflag:$0x0] =	sbarrier.arrive $0xFFFF  }
0x60: {  	p0 =	sne.s32 s1, $0x0;
	_ =	strace $0x9000004A  }
0x61: {  	s0 =	sadd.s32 @!p0 $0x100000, s0;
	[bflag:$0x2] =	sbarrier.arrive $0xFFFF  }
0x62: {  	[sflag:s0] =	ssyncadd.tile.s32 @!p0 $0x1;
	_ =	shalt  }
.Lfunc_end2:
_tile_overlayer_lowered:
.L_overlay_start_2:
0x63: {  	(tag) =	ssettag $0x2  }
0x64: {  	s0 =	rddreg [dreg:$0x0];
	s2 =	stileid.u32  }
0x65: {  	s1 =	rddreg [dreg:$0x1];
	p0 =	sne.s32 s2, $0x0  }
0x66: {  	s3 =	rddreg [dreg:$0x2];
	[bflag:$0x3] =	sbarrier.arrive $0xFFFF;
	s2 =	simm.s32 @!p0 $0x1C05  }
0x67: {  	[timem:s3], [sflag:s2] =	dma.local @!p0 [hbm:s0], s1  }
0x68: {  	s0 =	simm.s32 @!p0 $0x5  }
0x69: {  	_ =	swait.ge @!p0 [sflag:s0], s1  }
0x6a: {  	s1 =	ssub.s32 @!p0 $0x0, s1;
	[sflag:s0] =	ssyncset.done @!p0 $0x0  }
0x6b: {  	[sflag:s0] =	ssyncadd.s32 @!p0 s1  }
0x6c: {  	[bflag:$0x3] =	sbarrier.arrive $0xFFFF  }
0x6d: {  	_ =	shalt  }

</sc_bundles>
